<compile_context>
chip_gen: v7x
topology: tpu7x:2x2x1
jax: 0.10.2.dev20260603
libtpu: 0.0.44.dev20260713+nightly
codegen_flags: <defaults>
</compile_context>

<pallas_src>
import jax
import jax.numpy as jnp
from jax import lax
from jax.experimental import pallas as pl
from jax.experimental.pallas import tpu as pltpu
from jax.experimental.pallas import tpu_sc as plsc

_K = 2048
_N = 32768
_B = 128
_L = 16
_NV = _N // _L
_NC = 2
_NS = 16
_NW = _NC * _NS
_RPW = _B // _NW


def _body(x_hbm, out_hbm, xa_v, xb_v, y_v, hist_v, s_v, sem_in, sem_out):
    cid = lax.axis_index("c")
    sid = lax.axis_index("s")
    wid = sid * _NC + cid
    ones16 = jnp.ones((_L,), jnp.int32)
    zero16 = jnp.zeros((_L,), jnp.int32)
    absmask = jnp.int32(0x7FFFFFFF)
    bufs = (xa_v, xb_v)

    @plsc.parallel_loop(0, 2048 // _L, unroll=8)
    def _(t):
        hist_v[pl.ds(t * _L, _L)] = zero16

    in_cp = pltpu.async_copy(x_hbm.at[wid * _RPW], bufs[0], sem_in)
    out_cp = None

    for r in range(_RPW):
        row = wid * _RPW + r
        x_v = bufs[r % 2]
        in_cp.wait()
        if r + 1 < _RPW:
            in_cp = pltpu.async_copy(
                x_hbm.at[row + 1], bufs[(r + 1) % 2], sem_in)

        def u_of(j, x_v=x_v):
            x = x_v[pl.ds(j * _L, _L)]
            return x, lax.bitcast_convert_type(x, jnp.int32) & absmask

        def suffix_pick(nbuckets, rk):
            nch = nbuckets // _L

            @plsc.parallel_loop(
                0, nch, unroll=4, carry=(jnp.int32(0), zero16))
            def carry_out(jj, carry, nch=nch):
                c = nch - 1 - jj
                csum, cnt = carry
                tot = hist_v[pl.ds(c * _L, _L)]
                hist_v[pl.ds(c * _L, _L)] = zero16
                s = plsc.cumsum(lax.rev(tot, dimensions=(0,)))
                s_desc = s + csum
                cnt = cnt + plsc.all_reduce_population_count(s_desc >= rk)
                s_v[pl.ds(c * _L, _L)] = lax.rev(s_desc, dimensions=(0,))
                return csum + jnp.sum(tot), cnt

            _, cntv = carry_out
            b = jnp.max(cntv) - 1
            s_v[pl.ds(nbuckets, _L)] = zero16
            above = jnp.max(plsc.load_gather(s_v, [zero16 + (b + 1)]))
            return b, above

        @plsc.parallel_loop(0, _NV, unroll=8)
        def _(j):
            _, u = u_of(j)
            plsc.addupdate_scatter(hist_v, [u >> 20], ones16)

        b1, above1 = suffix_pick(2048, jnp.int32(_K))
        rk = jnp.int32(_K) - above1
        pref = b1 << 20

        @plsc.parallel_loop(0, _NV, unroll=8)
        def _(j, b1=b1):
            _, u = u_of(j)
            m = (u >> 20) == b1
            plsc.addupdate_scatter(
                hist_v, [(u >> 10) & jnp.int32(1023)], ones16, mask=m)

        b2, above2 = suffix_pick(1024, rk)
        rk = rk - above2
        pref = pref | (b2 << 10)

        @plsc.parallel_loop(0, _NV, unroll=8)
        def _(j, pref=pref):
            _, u = u_of(j)
            m = (u >> 10) == (pref >> 10)
            plsc.addupdate_scatter(
                hist_v, [u & jnp.int32(1023)], ones16, mask=m)

        b3, _ = suffix_pick(1024, rk)
        thr = pref | b3
        if out_cp is not None:
            out_cp.wait()

        @plsc.parallel_loop(0, _NV, unroll=8)
        def _(j, thr=thr):
            x, u = u_of(j)
            y_v[pl.ds(j * _L, _L)] = jnp.where(u >= thr, x, jnp.float32(0.0))

        out_cp = pltpu.async_copy(y_v, out_hbm.at[row], sem_out)

    out_cp.wait()


def kernel(X):
    mesh = plsc.VectorSubcoreMesh(
        core_axis_name="c", subcore_axis_name="s",
        num_cores=_NC, num_subcores=_NS)
    return pl.kernel(
        _body,
        out_type=jax.ShapeDtypeStruct((_B, _N), jnp.float32),
        mesh=mesh,
        scratch_types=[
            pltpu.VMEM((_N,), jnp.float32),
            pltpu.VMEM((_N,), jnp.float32),
            pltpu.VMEM((_N,), jnp.float32),
            pltpu.VMEM((2048,), jnp.int32),
            pltpu.VMEM((2048 + _L,), jnp.int32),
            pltpu.SemaphoreType.DMA,
            pltpu.SemaphoreType.DMA,
        ],
        compiler_params=pltpu.CompilerParams(needs_layout_passes=False),
    )(X)

# --- scband reference (transcript-rebuilt; emitter-appended) ---
"""Pipeline reference for scband-top-ksparsifier-58394375357262 (READ-ONLY COPY).

The authoritative reference and input builder live on the scoring server;
editing this copy changes nothing except your own understanding.
"""

import jax, jax.numpy as jnp
import numpy as np

NUM_INPUTS = 32768
K = 2048
BATCH = 128


def setup_inputs(seed: int = 0) -> dict:
    key = jax.random.key(seed)
    X = jax.random.normal(key, (BATCH, NUM_INPUTS), dtype=jnp.float32)
    return {"X": X}


def reference(X):
    # k is an integer (ceil(k) == k), so the fractional-scale branch is skipped.
    k_int = K
    X_abs = jnp.abs(X)
    # topk over abs values, sorted=True semantics match lax.top_k (descending sorted)
    _, indices = jax.lax.top_k(X_abs, k_int)  # [B, k]
    # gather the ORIGINAL (signed) values at the top-|.| indices
    values = jnp.take_along_axis(X, indices, axis=1)  # [B, k]
    # scatter-overwrite into zeros along dim=1
    rows = jnp.arange(X.shape[0])[:, None]
    out = jnp.zeros_like(X).at[rows, indices].set(values)
    return out.reshape(X.shape[0], X.shape[1])

if __name__ == "__main__":
    import jax
    _d = setup_inputs()
    print(jax.jit(kernel)(*tuple(_d.values())))

</pallas_src>

<mosaic_0001>
#map = affine_map<(d0, d1) -> (0, 0)>
module attributes {stable_mosaic.version = 14 : i64} {
  func.func @_body(%arg0: i32, %arg1: i32, %arg2: memref<128x32768xf32, #tpu.memory_space<hbm>>, %arg3: memref<128x32768xf32, #tpu.memory_space<hbm>>, %arg4: memref<32768xf32, #tpu.memory_space<vmem>>, %arg5: memref<32768xf32, #tpu.memory_space<vmem>>, %arg6: memref<32768xf32, #tpu.memory_space<vmem>>, %arg7: memref<2048xi32, #tpu.memory_space<vmem>>, %arg8: memref<2064xi32, #tpu.memory_space<vmem>>, %arg9: memref<!tpu.dma_semaphore, #tpu.memory_space<semaphore_mem>>, %arg10: memref<!tpu.dma_semaphore, #tpu.memory_space<semaphore_mem>>) attributes {dimension_semantics = [#tpu.dimension_semantics<core_parallel>, #tpu.dimension_semantics<subcore_parallel>], iteration_bounds = array<i64: 2, 16>, scalar_prefetch = 0 : i64, scratch_operands = 7 : i64, tpu.core_type = #tpu.core_type<sc_vector_subcore>, window_params = [{transform_indices = #map}, {transform_indices = #map}]} {
    %mul3A = arith.constant 2 : i32
    %mul3A_0 = arith.muli %arg1, %mul3A : i32
    %add3A = arith.addi %mul3A_0, %arg0 : i32
    %broadcast_in_dim3A = arith.constant 1 : i32
    %broadcast_in_dim3A_1 = vector.broadcast %broadcast_in_dim3A : i32 to vector<16xi32>
    %broadcast_in_dim3A_2 = arith.constant 0 : i32
    %broadcast_in_dim3A_3 = vector.broadcast %broadcast_in_dim3A_2 : i32 to vector<16xi32>
    %parallel_loop3A = arith.constant 0 : i32
    %parallel_loop3A_4 = arith.constant 128 : i32
    %parallel_loop3A_5 = arith.constant 1 : i32
    scf.for %parallel_loop3A_582 = %parallel_loop3A to %parallel_loop3A_4 step %parallel_loop3A_5  : i32 {
      %parallel_loop3A_583 = arith.constant 16 : i32
      %parallel_loop3A_584 = arith.muli %parallel_loop3A_582, %parallel_loop3A_583 : i32
      %parallel_loop3A_585 = arith.index_cast %parallel_loop3A_584 : i32 to index
      %parallel_loop3A_586 = tpu.vector_load %arg7[%parallel_loop3A_585] {strides = array<i32>} : memref<2048xi32, #tpu.memory_space<vmem>>, vector<16xi32>,
      tpu.vector_store %arg7[%parallel_loop3A_585], %broadcast_in_dim3A_3 {strides = array<i32>} : memref<2048xi32, #tpu.memory_space<vmem>>, vector<16xi32>,
    } {sc.loop_unroll_factor = 8 : i64, sc.parallel_access}
    %mul3A_6 = arith.constant 4 : i32
    %mul3A_7 = arith.muli %add3A, %mul3A_6 : i32
    %dma_start3A = arith.constant 0 : i32
    %dma_start3A_8 = tpu.memref_slice %arg2[%mul3A_7, %dma_start3A] : memref<128x32768xf32, #tpu.memory_space<hbm>> -> memref<1x32768xf32, #tpu.memory_space<hbm>>
    %dma_start3A_9 = tpu.memref_squeeze %dma_start3A_8 : memref<1x32768xf32, #tpu.memory_space<hbm>> -> memref<32768xf32, #tpu.memory_space<hbm>>
    %dma_start3A_10 = arith.constant 0 : i32
    %dma_start3A_11 = tpu.memref_slice %arg2[%mul3A_7, %dma_start3A_10] : memref<128x32768xf32, #tpu.memory_space<hbm>> -> memref<1x32768xf32, #tpu.memory_space<hbm>>
    %dma_start3A_12 = tpu.memref_squeeze %dma_start3A_11 : memref<1x32768xf32, #tpu.memory_space<hbm>> -> memref<32768xf32, #tpu.memory_space<hbm>>
    tpu.enqueue_dma source(%dma_start3A_12 : memref<32768xf32, #tpu.memory_space<hbm>>) target(%arg4 : memref<32768xf32, #tpu.memory_space<vmem>>) target_semaphore(%arg9 : memref<!tpu.dma_semaphore, #tpu.memory_space<semaphore_mem>>)
    %mul3A_13 = arith.constant 4 : i32
    %mul3A_14 = arith.muli %add3A, %mul3A_13 : i32
    %add3A_15 = arith.constant 0 : i32
    %add3A_16 = arith.addi %mul3A_14, %add3A_15 : i32
    %dma_wait3A = arith.constant 0 : i32
    %dma_wait3A_17 = tpu.memref_slice %arg2[%mul3A_7, %dma_wait3A] : memref<128x32768xf32, #tpu.memory_space<hbm>> -> memref<1x32768xf32, #tpu.memory_space<hbm>>
    %dma_wait3A_18 = tpu.memref_squeeze %dma_wait3A_17 : memref<1x32768xf32, #tpu.memory_space<hbm>> -> memref<32768xf32, #tpu.memory_space<hbm>>
    %dma_wait3A_19 = arith.constant 0 : i32
    %dma_wait3A_20 = tpu.memref_slice %arg2[%mul3A_7, %dma_wait3A_19] : memref<128x32768xf32, #tpu.memory_space<hbm>> -> memref<1x32768xf32, #tpu.memory_space<hbm>>
    %dma_wait3A_21 = tpu.memref_squeeze %dma_wait3A_20 : memref<1x32768xf32, #tpu.memory_space<hbm>> -> memref<32768xf32, #tpu.memory_space<hbm>>
    tpu.wait_dma2 semaphore(%arg9 : memref<!tpu.dma_semaphore, #tpu.memory_space<semaphore_mem>>) src(%dma_wait3A_21 : memref<32768xf32, #tpu.memory_space<hbm>>) dst(%arg4 : memref<32768xf32, #tpu.memory_space<vmem>>)
    %add3A_22 = arith.constant 1 : i32
    %add3A_23 = arith.addi %add3A_16, %add3A_22 : i32
    %dma_start3A_24 = arith.constant 0 : i32
    %dma_start3A_25 = tpu.memref_slice %arg2[%add3A_23, %dma_start3A_24] : memref<128x32768xf32, #tpu.memory_space<hbm>> -> memref<1x32768xf32, #tpu.memory_space<hbm>>
    %dma_start3A_26 = tpu.memref_squeeze %dma_start3A_25 : memref<1x32768xf32, #tpu.memory_space<hbm>> -> memref<32768xf32, #tpu.memory_space<hbm>>
    %dma_start3A_27 = arith.constant 0 : i32
    %dma_start3A_28 = tpu.memref_slice %arg2[%add3A_23, %dma_start3A_27] : memref<128x32768xf32, #tpu.memory_space<hbm>> -> memref<1x32768xf32, #tpu.memory_space<hbm>>
    %dma_start3A_29 = tpu.memref_squeeze %dma_start3A_28 : memref<1x32768xf32, #tpu.memory_space<hbm>> -> memref<32768xf32, #tpu.memory_space<hbm>>
    tpu.enqueue_dma source(%dma_start3A_29 : memref<32768xf32, #tpu.memory_space<hbm>>) target(%arg5 : memref<32768xf32, #tpu.memory_space<vmem>>) target_semaphore(%arg9 : memref<!tpu.dma_semaphore, #tpu.memory_space<semaphore_mem>>)
    %parallel_loop3A_30 = arith.constant 0 : i32
    %parallel_loop3A_31 = arith.constant 2048 : i32
    %parallel_loop3A_32 = arith.constant 1 : i32
    %parallel_loop3A_33 = arith.constant 2147483647 : i32
    scf.for %parallel_loop3A_582 = %parallel_loop3A_30 to %parallel_loop3A_31 step %parallel_loop3A_32  : i32 {
      %parallel_loop3A_583 = arith.constant 16 : i32
      %parallel_loop3A_584 = arith.muli %parallel_loop3A_582, %parallel_loop3A_583 : i32
      %parallel_loop3A_585 = arith.index_cast %parallel_loop3A_584 : i32 to index
      %parallel_loop3A_586 = tpu.vector_load %arg4[%parallel_loop3A_585] {strides = array<i32>} : memref<32768xf32, #tpu.memory_space<vmem>>, vector<16xf32>,
      %parallel_loop3A_587 = tpu.bitcast %parallel_loop3A_586 : vector<16xf32> -> vector<16xi32>
      %parallel_loop3A_588 = vector.broadcast %parallel_loop3A_33 : i32 to vector<16xi32>
      %parallel_loop3A_589 = arith.andi %parallel_loop3A_587, %parallel_loop3A_588 : vector<16xi32>
      %parallel_loop3A_590 = arith.constant 20 : i32
      %parallel_loop3A_591 = vector.broadcast %parallel_loop3A_590 : i32 to vector<16xi32>
      %parallel_loop3A_592 = arith.shrsi %parallel_loop3A_589, %parallel_loop3A_591 : vector<16xi32>
      tpu.vector_store_idx %arg7[%parallel_loop3A_592], %broadcast_in_dim3A_1 {add = true} : memref<2048xi32, #tpu.memory_space<vmem>>[vector<16xi32>], vector<16xi32>,
    } {sc.loop_unroll_factor = 8 : i64, sc.parallel_access}
    %parallel_loop3A_34 = arith.constant 0 : i32
    %parallel_loop3A_35 = arith.constant 128 : i32
    %parallel_loop3A_36 = arith.constant 1 : i32
    %parallel_loop3A_37 = arith.constant 2048 : i32
    %parallel_loop3A_38 = arith.constant 0 : i32
    %parallel_loop3A_39:2 = scf.for %parallel_loop3A_582 = %parallel_loop3A_34 to %parallel_loop3A_35 step %parallel_loop3A_36 iter_args(%parallel_loop3A_583 = %parallel_loop3A_38, %parallel_loop3A_584 = %broadcast_in_dim3A_3) -> (i32, vector<16xi32>)  : i32 {
      %parallel_loop3A_585 = arith.constant 127 : i32
      %parallel_loop3A_586 = arith.subi %parallel_loop3A_585, %parallel_loop3A_582 : i32
      %parallel_loop3A_587 = arith.constant 16 : i32
      %parallel_loop3A_588 = arith.muli %parallel_loop3A_586, %parallel_loop3A_587 : i32
      %parallel_loop3A_589 = arith.index_cast %parallel_loop3A_588 : i32 to index
      %parallel_loop3A_590 = tpu.vector_load %arg7[%parallel_loop3A_589] {strides = array<i32>} : memref<2048xi32, #tpu.memory_space<vmem>>, vector<16xi32>,
      %parallel_loop3A_591 = arith.constant 16 : i32
      %parallel_loop3A_592 = arith.muli %parallel_loop3A_586, %parallel_loop3A_591 : i32
      %parallel_loop3A_593 = arith.index_cast %parallel_loop3A_592 : i32 to index
      %parallel_loop3A_594 = tpu.vector_load %arg7[%parallel_loop3A_593] {strides = array<i32>} : memref<2048xi32, #tpu.memory_space<vmem>>, vector<16xi32>,
      tpu.vector_store %arg7[%parallel_loop3A_593], %broadcast_in_dim3A_3 {strides = array<i32>} : memref<2048xi32, #tpu.memory_space<vmem>>, vector<16xi32>,
      %parallel_loop3A_595 = arith.constant 15 : i32
      %parallel_loop3A_596 = vector.broadcast %parallel_loop3A_595 : i32 to vector<16xi32>
      %parallel_loop3A_597 = tpu.iota {dimensions = array<i32: 0>} : vector<16xi32>
      %parallel_loop3A_598 = arith.subi %parallel_loop3A_596, %parallel_loop3A_597 : vector<16xi32>
      %parallel_loop3A_599 = tpu.dynamic_gather %parallel_loop3A_590[%parallel_loop3A_598] in [0] : vector<16xi32>, vector<16xi32> -> vector<16xi32>
      %parallel_loop3A_600 = arith.constant true
      %parallel_loop3A_601 = vector.broadcast %parallel_loop3A_600 : i1 to vector<16xi1>
      %parallel_loop3A_602 = tpu.scan <sum>, %parallel_loop3A_599 masked %parallel_loop3A_601 : vector<16xi32>, vector<16xi1> -> vector<16xi32>
      %parallel_loop3A_603 = vector.broadcast %parallel_loop3A_583 : i32 to vector<16xi32>
      %parallel_loop3A_604 = arith.addi %parallel_loop3A_602, %parallel_loop3A_603 : vector<16xi32>
      %parallel_loop3A_605 = vector.broadcast %parallel_loop3A_37 : i32 to vector<16xi32>
      %parallel_loop3A_606 = arith.cmpi sge, %parallel_loop3A_604, %parallel_loop3A_605 : vector<16xi32>
      %parallel_loop3A_607 = tpu.all_reduce %parallel_loop3A_606 {dim = 0 : i64, kind = #tpu.reduction_kind<sum>} : vector<16xi1> -> vector<16xi32>
      %parallel_loop3A_608 = arith.addi %parallel_loop3A_584, %parallel_loop3A_607 : vector<16xi32>
      %parallel_loop3A_609 = arith.constant 15 : i32
      %parallel_loop3A_610 = vector.broadcast %parallel_loop3A_609 : i32 to vector<16xi32>
      %parallel_loop3A_611 = tpu.iota {dimensions = array<i32: 0>} : vector<16xi32>
      %parallel_loop3A_612 = arith.subi %parallel_loop3A_610, %parallel_loop3A_611 : vector<16xi32>
      %parallel_loop3A_613 = tpu.dynamic_gather %parallel_loop3A_604[%parallel_loop3A_612] in [0] : vector<16xi32>, vector<16xi32> -> vector<16xi32>
      %parallel_loop3A_614 = arith.constant 16 : i32
      %parallel_loop3A_615 = arith.muli %parallel_loop3A_586, %parallel_loop3A_614 : i32
      %parallel_loop3A_616 = arith.index_cast %parallel_loop3A_615 : i32 to index
      %parallel_loop3A_617 = tpu.vector_load %arg8[%parallel_loop3A_616] {strides = array<i32>} : memref<2064xi32, #tpu.memory_space<vmem>>, vector<16xi32>,
      tpu.vector_store %arg8[%parallel_loop3A_616], %parallel_loop3A_613 {strides = array<i32>} : memref<2064xi32, #tpu.memory_space<vmem>>, vector<16xi32>,
      %parallel_loop3A_618 = arith.constant true
      %parallel_loop3A_619 = vector.broadcast %parallel_loop3A_618 : i1 to vector<16xi1>
      %parallel_loop3A_620 = tpu.scan <sum>, %parallel_loop3A_590 masked %parallel_loop3A_619 : vector<16xi32>, vector<16xi1> -> vector<16xi32>
      %parallel_loop3A_621 = vector.extract %parallel_loop3A_620[15] : i32 from vector<16xi32>
      %parallel_loop3A_622 = arith.addi %parallel_loop3A_583, %parallel_loop3A_621 : i32
      scf.yield %parallel_loop3A_622, %parallel_loop3A_608 : i32, vector<16xi32>
    } {sc.loop_unroll_factor = 4 : i64, sc.parallel_access}
    %reduce_max3A = arith.constant true
    %reduce_max3A_40 = vector.broadcast %reduce_max3A : i1 to vector<16xi1>
    %reduce_max3A_41 = arith.constant -2147483648 : i32
    %reduce_max3A_42 = vector.broadcast %reduce_max3A_41 : i32 to vector<16xi32>
    %reduce_max3A_43 = arith.xori %parallel_loop3A_39#1, %reduce_max3A_42 : vector<16xi32>
    %reduce_max3A_44 = tpu.scan <max>, %reduce_max3A_43 masked %reduce_max3A_40 : vector<16xi32>, vector<16xi1> -> vector<16xi32>
    %reduce_max3A_45 = arith.xori %reduce_max3A_44, %reduce_max3A_42 : vector<16xi32>
    %reduce_max3A_46 = vector.extract %reduce_max3A_45[15] : i32 from vector<16xi32>
    %sub3A = arith.constant 1 : i32
    %sub3A_47 = arith.subi %reduce_max3A_46, %sub3A : i32
    %swap3A = arith.constant 2048 : index
    %swap3A_48 = tpu.vector_load %arg8[%swap3A] {strides = array<i32>} : memref<2064xi32, #tpu.memory_space<vmem>>, vector<16xi32>,
    tpu.vector_store %arg8[%swap3A], %broadcast_in_dim3A_3 {strides = array<i32>} : memref<2064xi32, #tpu.memory_space<vmem>>, vector<16xi32>,
    %add3A_49 = arith.constant 1 : i32
    %add3A_50 = arith.addi %sub3A_47, %add3A_49 : i32
    %add3A_51 = vector.broadcast %add3A_50 : i32 to vector<16xi32>
    %add3A_52 = arith.addi %broadcast_in_dim3A_3, %add3A_51 : vector<16xi32>
    %gather3A = tpu.vector_load_idx %arg8[%add3A_52] : memref<2064xi32, #tpu.memory_space<vmem>>[vector<16xi32>], vector<16xi32>,
    %reduce_max3A_53 = arith.constant true
    %reduce_max3A_54 = vector.broadcast %reduce_max3A_53 : i1 to vector<16xi1>
    %reduce_max3A_55 = arith.constant -2147483648 : i32
    %reduce_max3A_56 = vector.broadcast %reduce_max3A_55 : i32 to vector<16xi32>
    %reduce_max3A_57 = arith.xori %gather3A, %reduce_max3A_56 : vector<16xi32>
    %reduce_max3A_58 = tpu.scan <max>, %reduce_max3A_57 masked %reduce_max3A_54 : vector<16xi32>, vector<16xi1> -> vector<16xi32>
    %reduce_max3A_59 = arith.xori %reduce_max3A_58, %reduce_max3A_56 : vector<16xi32>
    %reduce_max3A_60 = vector.extract %reduce_max3A_59[15] : i32 from vector<16xi32>
    %sub3A_61 = arith.constant 2048 : i32
    %sub3A_62 = arith.subi %sub3A_61, %reduce_max3A_60 : i32
    %shift_left3A = arith.constant 20 : i32
    %shift_left3A_63 = arith.shli %sub3A_47, %shift_left3A : i32
    %parallel_loop3A_64 = arith.constant 0 : i32
    %parallel_loop3A_65 = arith.constant 2048 : i32
    %parallel_loop3A_66 = arith.constant 1 : i32
    %parallel_loop3A_67 = arith.constant 2147483647 : i32
    scf.for %parallel_loop3A_582 = %parallel_loop3A_64 to %parallel_loop3A_65 step %parallel_loop3A_66  : i32 {
      %parallel_loop3A_583 = arith.constant 16 : i32
      %parallel_loop3A_584 = arith.muli %parallel_loop3A_582, %parallel_loop3A_583 : i32
      %parallel_loop3A_585 = arith.index_cast %parallel_loop3A_584 : i32 to index
      %parallel_loop3A_586 = tpu.vector_load %arg4[%parallel_loop3A_585] {strides = array<i32>} : memref<32768xf32, #tpu.memory_space<vmem>>, vector<16xf32>,
      %parallel_loop3A_587 = tpu.bitcast %parallel_loop3A_586 : vector<16xf32> -> vector<16xi32>
      %parallel_loop3A_588 = vector.broadcast %parallel_loop3A_67 : i32 to vector<16xi32>
      %parallel_loop3A_589 = arith.andi %parallel_loop3A_587, %parallel_loop3A_588 : vector<16xi32>
      %parallel_loop3A_590 = arith.constant 20 : i32
      %parallel_loop3A_591 = vector.broadcast %parallel_loop3A_590 : i32 to vector<16xi32>
      %parallel_loop3A_592 = arith.shrsi %parallel_loop3A_589, %parallel_loop3A_591 : vector<16xi32>
      %parallel_loop3A_593 = vector.broadcast %sub3A_47 : i32 to vector<16xi32>
      %parallel_loop3A_594 = arith.cmpi eq, %parallel_loop3A_592, %parallel_loop3A_593 : vector<16xi32>
      %parallel_loop3A_595 = arith.constant 10 : i32
      %parallel_loop3A_596 = vector.broadcast %parallel_loop3A_595 : i32 to vector<16xi32>
      %parallel_loop3A_597 = arith.shrsi %parallel_loop3A_589, %parallel_loop3A_596 : vector<16xi32>
      %parallel_loop3A_598 = arith.constant 1023 : i32
      %parallel_loop3A_599 = vector.broadcast %parallel_loop3A_598 : i32 to vector<16xi32>
      %parallel_loop3A_600 = arith.andi %parallel_loop3A_597, %parallel_loop3A_599 : vector<16xi32>
      tpu.vector_store_idx %arg7[%parallel_loop3A_600], %broadcast_in_dim3A_1 masked %parallel_loop3A_594 {add = true} : memref<2048xi32, #tpu.memory_space<vmem>>[vector<16xi32>], vector<16xi32>, vector<16xi1>
    } {sc.loop_unroll_factor = 8 : i64, sc.parallel_access}
    %parallel_loop3A_68 = arith.constant 0 : i32
    %parallel_loop3A_69 = arith.constant 64 : i32
    %parallel_loop3A_70 = arith.constant 1 : i32
    %parallel_loop3A_71 = arith.constant 0 : i32
    %parallel_loop3A_72:2 = scf.for %parallel_loop3A_582 = %parallel_loop3A_68 to %parallel_loop3A_69 step %parallel_loop3A_70 iter_args(%parallel_loop3A_583 = %parallel_loop3A_71, %parallel_loop3A_584 = %broadcast_in_dim3A_3) -> (i32, vector<16xi32>)  : i32 {
      %parallel_loop3A_585 = arith.constant 63 : i32
      %parallel_loop3A_586 = arith.subi %parallel_loop3A_585, %parallel_loop3A_582 : i32
      %parallel_loop3A_587 = arith.constant 16 : i32
      %parallel_loop3A_588 = arith.muli %parallel_loop3A_586, %parallel_loop3A_587 : i32
      %parallel_loop3A_589 = arith.index_cast %parallel_loop3A_588 : i32 to index
      %parallel_loop3A_590 = tpu.vector_load %arg7[%parallel_loop3A_589] {strides = array<i32>} : memref<2048xi32, #tpu.memory_space<vmem>>, vector<16xi32>,
      %parallel_loop3A_591 = arith.constant 16 : i32
      %parallel_loop3A_592 = arith.muli %parallel_loop3A_586, %parallel_loop3A_591 : i32
      %parallel_loop3A_593 = arith.index_cast %parallel_loop3A_592 : i32 to index
      %parallel_loop3A_594 = tpu.vector_load %arg7[%parallel_loop3A_593] {strides = array<i32>} : memref<2048xi32, #tpu.memory_space<vmem>>, vector<16xi32>,
      tpu.vector_store %arg7[%parallel_loop3A_593], %broadcast_in_dim3A_3 {strides = array<i32>} : memref<2048xi32, #tpu.memory_space<vmem>>, vector<16xi32>,
      %parallel_loop3A_595 = arith.constant 15 : i32
      %parallel_loop3A_596 = vector.broadcast %parallel_loop3A_595 : i32 to vector<16xi32>
      %parallel_loop3A_597 = tpu.iota {dimensions = array<i32: 0>} : vector<16xi32>
      %parallel_loop3A_598 = arith.subi %parallel_loop3A_596, %parallel_loop3A_597 : vector<16xi32>
      %parallel_loop3A_599 = tpu.dynamic_gather %parallel_loop3A_590[%parallel_loop3A_598] in [0] : vector<16xi32>, vector<16xi32> -> vector<16xi32>
      %parallel_loop3A_600 = arith.constant true
      %parallel_loop3A_601 = vector.broadcast %parallel_loop3A_600 : i1 to vector<16xi1>
      %parallel_loop3A_602 = tpu.scan <sum>, %parallel_loop3A_599 masked %parallel_loop3A_601 : vector<16xi32>, vector<16xi1> -> vector<16xi32>
      %parallel_loop3A_603 = vector.broadcast %parallel_loop3A_583 : i32 to vector<16xi32>
      %parallel_loop3A_604 = arith.addi %parallel_loop3A_602, %parallel_loop3A_603 : vector<16xi32>
      %parallel_loop3A_605 = vector.broadcast %sub3A_62 : i32 to vector<16xi32>
      %parallel_loop3A_606 = arith.cmpi sge, %parallel_loop3A_604, %parallel_loop3A_605 : vector<16xi32>
      %parallel_loop3A_607 = tpu.all_reduce %parallel_loop3A_606 {dim = 0 : i64, kind = #tpu.reduction_kind<sum>} : vector<16xi1> -> vector<16xi32>
      %parallel_loop3A_608 = arith.addi %parallel_loop3A_584, %parallel_loop3A_607 : vector<16xi32>
      %parallel_loop3A_609 = arith.constant 15 : i32
      %parallel_loop3A_610 = vector.broadcast %parallel_loop3A_609 : i32 to vector<16xi32>
      %parallel_loop3A_611 = tpu.iota {dimensions = array<i32: 0>} : vector<16xi32>
      %parallel_loop3A_612 = arith.subi %parallel_loop3A_610, %parallel_loop3A_611 : vector<16xi32>
      %parallel_loop3A_613 = tpu.dynamic_gather %parallel_loop3A_604[%parallel_loop3A_612] in [0] : vector<16xi32>, vector<16xi32> -> vector<16xi32>
      %parallel_loop3A_614 = arith.constant 16 : i32
      %parallel_loop3A_615 = arith.muli %parallel_loop3A_586, %parallel_loop3A_614 : i32
      %parallel_loop3A_616 = arith.index_cast %parallel_loop3A_615 : i32 to index
      %parallel_loop3A_617 = tpu.vector_load %arg8[%parallel_loop3A_616] {strides = array<i32>} : memref<2064xi32, #tpu.memory_space<vmem>>, vector<16xi32>,
      tpu.vector_store %arg8[%parallel_loop3A_616], %parallel_loop3A_613 {strides = array<i32>} : memref<2064xi32, #tpu.memory_space<vmem>>, vector<16xi32>,
      %parallel_loop3A_618 = arith.constant true
      %parallel_loop3A_619 = vector.broadcast %parallel_loop3A_618 : i1 to vector<16xi1>
      %parallel_loop3A_620 = tpu.scan <sum>, %parallel_loop3A_590 masked %parallel_loop3A_619 : vector<16xi32>, vector<16xi1> -> vector<16xi32>
      %parallel_loop3A_621 = vector.extract %parallel_loop3A_620[15] : i32 from vector<16xi32>
      %parallel_loop3A_622 = arith.addi %parallel_loop3A_583, %parallel_loop3A_621 : i32
      scf.yield %parallel_loop3A_622, %parallel_loop3A_608 : i32, vector<16xi32>
    } {sc.loop_unroll_factor = 4 : i64, sc.parallel_access}
    %reduce_max3A_73 = arith.constant true
    %reduce_max3A_74 = vector.broadcast %reduce_max3A_73 : i1 to vector<16xi1>
    %reduce_max3A_75 = arith.constant -2147483648 : i32
    %reduce_max3A_76 = vector.broadcast %reduce_max3A_75 : i32 to vector<16xi32>
    %reduce_max3A_77 = arith.xori %parallel_loop3A_72#1, %reduce_max3A_76 : vector<16xi32>
    %reduce_max3A_78 = tpu.scan <max>, %reduce_max3A_77 masked %reduce_max3A_74 : vector<16xi32>, vector<16xi1> -> vector<16xi32>
    %reduce_max3A_79 = arith.xori %reduce_max3A_78, %reduce_max3A_76 : vector<16xi32>
    %reduce_max3A_80 = vector.extract %reduce_max3A_79[15] : i32 from vector<16xi32>
    %sub3A_81 = arith.constant 1 : i32
    %sub3A_82 = arith.subi %reduce_max3A_80, %sub3A_81 : i32
    %swap3A_83 = arith.constant 1024 : index
    %swap3A_84 = tpu.vector_load %arg8[%swap3A_83] {strides = array<i32>} : memref<2064xi32, #tpu.memory_space<vmem>>, vector<16xi32>,
    tpu.vector_store %arg8[%swap3A_83], %broadcast_in_dim3A_3 {strides = array<i32>} : memref<2064xi32, #tpu.memory_space<vmem>>, vector<16xi32>,
    %add3A_85 = arith.constant 1 : i32
    %add3A_86 = arith.addi %sub3A_82, %add3A_85 : i32
    %add3A_87 = vector.broadcast %add3A_86 : i32 to vector<16xi32>
    %add3A_88 = arith.addi %broadcast_in_dim3A_3, %add3A_87 : vector<16xi32>
    %gather3A_89 = tpu.vector_load_idx %arg8[%add3A_88] : memref<2064xi32, #tpu.memory_space<vmem>>[vector<16xi32>], vector<16xi32>,
    %reduce_max3A_90 = arith.constant true
    %reduce_max3A_91 = vector.broadcast %reduce_max3A_90 : i1 to vector<16xi1>
    %reduce_max3A_92 = arith.constant -2147483648 : i32
    %reduce_max3A_93 = vector.broadcast %reduce_max3A_92 : i32 to vector<16xi32>
    %reduce_max3A_94 = arith.xori %gather3A_89, %reduce_max3A_93 : vector<16xi32>
    %reduce_max3A_95 = tpu.scan <max>, %reduce_max3A_94 masked %reduce_max3A_91 : vector<16xi32>, vector<16xi1> -> vector<16xi32>
    %reduce_max3A_96 = arith.xori %reduce_max3A_95, %reduce_max3A_93 : vector<16xi32>
    %reduce_max3A_97 = vector.extract %reduce_max3A_96[15] : i32 from vector<16xi32>
    %sub3A_98 = arith.subi %sub3A_62, %reduce_max3A_97 : i32
    %shift_left3A_99 = arith.constant 10 : i32
    %shift_left3A_100 = arith.shli %sub3A_82, %shift_left3A_99 : i32
    %or3A = arith.ori %shift_left3A_63, %shift_left3A_100 : i32
    %parallel_loop3A_101 = arith.constant 0 : i32
    %parallel_loop3A_102 = arith.constant 2048 : i32
    %parallel_loop3A_103 = arith.constant 1 : i32
    %parallel_loop3A_104 = arith.constant 2147483647 : i32
    scf.for %parallel_loop3A_582 = %parallel_loop3A_101 to %parallel_loop3A_102 step %parallel_loop3A_103  : i32 {
      %parallel_loop3A_583 = arith.constant 16 : i32
      %parallel_loop3A_584 = arith.muli %parallel_loop3A_582, %parallel_loop3A_583 : i32
      %parallel_loop3A_585 = arith.index_cast %parallel_loop3A_584 : i32 to index
      %parallel_loop3A_586 = tpu.vector_load %arg4[%parallel_loop3A_585] {strides = array<i32>} : memref<32768xf32, #tpu.memory_space<vmem>>, vector<16xf32>,
      %parallel_loop3A_587 = tpu.bitcast %parallel_loop3A_586 : vector<16xf32> -> vector<16xi32>
      %parallel_loop3A_588 = vector.broadcast %parallel_loop3A_104 : i32 to vector<16xi32>
      %parallel_loop3A_589 = arith.andi %parallel_loop3A_587, %parallel_loop3A_588 : vector<16xi32>
      %parallel_loop3A_590 = arith.constant 10 : i32
      %parallel_loop3A_591 = vector.broadcast %parallel_loop3A_590 : i32 to vector<16xi32>
      %parallel_loop3A_592 = arith.shrsi %parallel_loop3A_589, %parallel_loop3A_591 : vector<16xi32>
      %parallel_loop3A_593 = arith.constant 10 : i32
      %parallel_loop3A_594 = arith.shrsi %or3A, %parallel_loop3A_593 : i32
      %parallel_loop3A_595 = vector.broadcast %parallel_loop3A_594 : i32 to vector<16xi32>
      %parallel_loop3A_596 = arith.cmpi eq, %parallel_loop3A_592, %parallel_loop3A_595 : vector<16xi32>
      %parallel_loop3A_597 = arith.constant 1023 : i32
      %parallel_loop3A_598 = vector.broadcast %parallel_loop3A_597 : i32 to vector<16xi32>
      %parallel_loop3A_599 = arith.andi %parallel_loop3A_589, %parallel_loop3A_598 : vector<16xi32>
      tpu.vector_store_idx %arg7[%parallel_loop3A_599], %broadcast_in_dim3A_1 masked %parallel_loop3A_596 {add = true} : memref<2048xi32, #tpu.memory_space<vmem>>[vector<16xi32>], vector<16xi32>, vector<16xi1>
    } {sc.loop_unroll_factor = 8 : i64, sc.parallel_access}
    %parallel_loop3A_105 = arith.constant 0 : i32
    %parallel_loop3A_106 = arith.constant 64 : i32
    %parallel_loop3A_107 = arith.constant 1 : i32
    %parallel_loop3A_108 = arith.constant 0 : i32
    %parallel_loop3A_109:2 = scf.for %parallel_loop3A_582 = %parallel_loop3A_105 to %parallel_loop3A_106 step %parallel_loop3A_107 iter_args(%parallel_loop3A_583 = %parallel_loop3A_108, %parallel_loop3A_584 = %broadcast_in_dim3A_3) -> (i32, vector<16xi32>)  : i32 {
      %parallel_loop3A_585 = arith.constant 63 : i32
      %parallel_loop3A_586 = arith.subi %parallel_loop3A_585, %parallel_loop3A_582 : i32
      %parallel_loop3A_587 = arith.constant 16 : i32
      %parallel_loop3A_588 = arith.muli %parallel_loop3A_586, %parallel_loop3A_587 : i32
      %parallel_loop3A_589 = arith.index_cast %parallel_loop3A_588 : i32 to index
      %parallel_loop3A_590 = tpu.vector_load %arg7[%parallel_loop3A_589] {strides = array<i32>} : memref<2048xi32, #tpu.memory_space<vmem>>, vector<16xi32>,
      %parallel_loop3A_591 = arith.constant 16 : i32
      %parallel_loop3A_592 = arith.muli %parallel_loop3A_586, %parallel_loop3A_591 : i32
      %parallel_loop3A_593 = arith.index_cast %parallel_loop3A_592 : i32 to index
      %parallel_loop3A_594 = tpu.vector_load %arg7[%parallel_loop3A_593] {strides = array<i32>} : memref<2048xi32, #tpu.memory_space<vmem>>, vector<16xi32>,
      tpu.vector_store %arg7[%parallel_loop3A_593], %broadcast_in_dim3A_3 {strides = array<i32>} : memref<2048xi32, #tpu.memory_space<vmem>>, vector<16xi32>,
      %parallel_loop3A_595 = arith.constant 15 : i32
      %parallel_loop3A_596 = vector.broadcast %parallel_loop3A_595 : i32 to vector<16xi32>
      %parallel_loop3A_597 = tpu.iota {dimensions = array<i32: 0>} : vector<16xi32>
      %parallel_loop3A_598 = arith.subi %parallel_loop3A_596, %parallel_loop3A_597 : vector<16xi32>
      %parallel_loop3A_599 = tpu.dynamic_gather %parallel_loop3A_590[%parallel_loop3A_598] in [0] : vector<16xi32>, vector<16xi32> -> vector<16xi32>
      %parallel_loop3A_600 = arith.constant true
      %parallel_loop3A_601 = vector.broadcast %parallel_loop3A_600 : i1 to vector<16xi1>
      %parallel_loop3A_602 = tpu.scan <sum>, %parallel_loop3A_599 masked %parallel_loop3A_601 : vector<16xi32>, vector<16xi1> -> vector<16xi32>
      %parallel_loop3A_603 = vector.broadcast %parallel_loop3A_583 : i32 to vector<16xi32>
      %parallel_loop3A_604 = arith.addi %parallel_loop3A_602, %parallel_loop3A_603 : vector<16xi32>
      %parallel_loop3A_605 = vector.broadcast %sub3A_98 : i32 to vector<16xi32>
      %parallel_loop3A_606 = arith.cmpi sge, %parallel_loop3A_604, %parallel_loop3A_605 : vector<16xi32>
      %parallel_loop3A_607 = tpu.all_reduce %parallel_loop3A_606 {dim = 0 : i64, kind = #tpu.reduction_kind<sum>} : vector<16xi1> -> vector<16xi32>
      %parallel_loop3A_608 = arith.addi %parallel_loop3A_584, %parallel_loop3A_607 : vector<16xi32>
      %parallel_loop3A_609 = arith.constant 15 : i32
      %parallel_loop3A_610 = vector.broadcast %parallel_loop3A_609 : i32 to vector<16xi32>
      %parallel_loop3A_611 = tpu.iota {dimensions = array<i32: 0>} : vector<16xi32>
      %parallel_loop3A_612 = arith.subi %parallel_loop3A_610, %parallel_loop3A_611 : vector<16xi32>
      %parallel_loop3A_613 = tpu.dynamic_gather %parallel_loop3A_604[%parallel_loop3A_612] in [0] : vector<16xi32>, vector<16xi32> -> vector<16xi32>
      %parallel_loop3A_614 = arith.constant 16 : i32
      %parallel_loop3A_615 = arith.muli %parallel_loop3A_586, %parallel_loop3A_614 : i32
      %parallel_loop3A_616 = arith.index_cast %parallel_loop3A_615 : i32 to index
      %parallel_loop3A_617 = tpu.vector_load %arg8[%parallel_loop3A_616] {strides = array<i32>} : memref<2064xi32, #tpu.memory_space<vmem>>, vector<16xi32>,
      tpu.vector_store %arg8[%parallel_loop3A_616], %parallel_loop3A_613 {strides = array<i32>} : memref<2064xi32, #tpu.memory_space<vmem>>, vector<16xi32>,
      %parallel_loop3A_618 = arith.constant true
      %parallel_loop3A_619 = vector.broadcast %parallel_loop3A_618 : i1 to vector<16xi1>
      %parallel_loop3A_620 = tpu.scan <sum>, %parallel_loop3A_590 masked %parallel_loop3A_619 : vector<16xi32>, vector<16xi1> -> vector<16xi32>
      %parallel_loop3A_621 = vector.extract %parallel_loop3A_620[15] : i32 from vector<16xi32>
      %parallel_loop3A_622 = arith.addi %parallel_loop3A_583, %parallel_loop3A_621 : i32
      scf.yield %parallel_loop3A_622, %parallel_loop3A_608 : i32, vector<16xi32>
    } {sc.loop_unroll_factor = 4 : i64, sc.parallel_access}
    %reduce_max3A_110 = arith.constant true
    %reduce_max3A_111 = vector.broadcast %reduce_max3A_110 : i1 to vector<16xi1>
    %reduce_max3A_112 = arith.constant -2147483648 : i32
    %reduce_max3A_113 = vector.broadcast %reduce_max3A_112 : i32 to vector<16xi32>
    %reduce_max3A_114 = arith.xori %parallel_loop3A_109#1, %reduce_max3A_113 : vector<16xi32>
    %reduce_max3A_115 = tpu.scan <max>, %reduce_max3A_114 masked %reduce_max3A_111 : vector<16xi32>, vector<16xi1> -> vector<16xi32>
    %reduce_max3A_116 = arith.xori %reduce_max3A_115, %reduce_max3A_113 : vector<16xi32>
    %reduce_max3A_117 = vector.extract %reduce_max3A_116[15] : i32 from vector<16xi32>
    %sub3A_118 = arith.constant 1 : i32
    %sub3A_119 = arith.subi %reduce_max3A_117, %sub3A_118 : i32
    %swap3A_120 = arith.constant 1024 : index
    %swap3A_121 = tpu.vector_load %arg8[%swap3A_120] {strides = array<i32>} : memref<2064xi32, #tpu.memory_space<vmem>>, vector<16xi32>,
    tpu.vector_store %arg8[%swap3A_120], %broadcast_in_dim3A_3 {strides = array<i32>} : memref<2064xi32, #tpu.memory_space<vmem>>, vector<16xi32>,
    %add3A_122 = arith.constant 1 : i32
    %add3A_123 = arith.addi %sub3A_119, %add3A_122 : i32
    %add3A_124 = vector.broadcast %add3A_123 : i32 to vector<16xi32>
    %add3A_125 = arith.addi %broadcast_in_dim3A_3, %add3A_124 : vector<16xi32>
    %gather3A_126 = tpu.vector_load_idx %arg8[%add3A_125] : memref<2064xi32, #tpu.memory_space<vmem>>[vector<16xi32>], vector<16xi32>,
    %reduce_max3A_127 = arith.constant true
    %reduce_max3A_128 = vector.broadcast %reduce_max3A_127 : i1 to vector<16xi1>
    %reduce_max3A_129 = arith.constant -2147483648 : i32
    %reduce_max3A_130 = vector.broadcast %reduce_max3A_129 : i32 to vector<16xi32>
    %reduce_max3A_131 = arith.xori %gather3A_126, %reduce_max3A_130 : vector<16xi32>
    %reduce_max3A_132 = tpu.scan <max>, %reduce_max3A_131 masked %reduce_max3A_128 : vector<16xi32>, vector<16xi1> -> vector<16xi32>
    %reduce_max3A_133 = arith.xori %reduce_max3A_132, %reduce_max3A_130 : vector<16xi32>
    %reduce_max3A_134 = vector.extract %reduce_max3A_133[15] : i32 from vector<16xi32>
    %or3A_135 = arith.ori %or3A, %sub3A_119 : i32
    %parallel_loop3A_136 = arith.constant 0 : i32
    %parallel_loop3A_137 = arith.constant 2048 : i32
    %parallel_loop3A_138 = arith.constant 1 : i32
    %parallel_loop3A_139 = arith.constant 2147483647 : i32
    scf.for %parallel_loop3A_582 = %parallel_loop3A_136 to %parallel_loop3A_137 step %parallel_loop3A_138  : i32 {
      %parallel_loop3A_583 = arith.constant 16 : i32
      %parallel_loop3A_584 = arith.muli %parallel_loop3A_582, %parallel_loop3A_583 : i32
      %parallel_loop3A_585 = arith.index_cast %parallel_loop3A_584 : i32 to index
      %parallel_loop3A_586 = tpu.vector_load %arg4[%parallel_loop3A_585] {strides = array<i32>} : memref<32768xf32, #tpu.memory_space<vmem>>, vector<16xf32>,
      %parallel_loop3A_587 = tpu.bitcast %parallel_loop3A_586 : vector<16xf32> -> vector<16xi32>
      %parallel_loop3A_588 = vector.broadcast %parallel_loop3A_139 : i32 to vector<16xi32>
      %parallel_loop3A_589 = arith.andi %parallel_loop3A_587, %parallel_loop3A_588 : vector<16xi32>
      %parallel_loop3A_590 = vector.broadcast %or3A_135 : i32 to vector<16xi32>
      %parallel_loop3A_591 = arith.cmpi sge, %parallel_loop3A_589, %parallel_loop3A_590 : vector<16xi32>
      %parallel_loop3A_592 = arith.constant 0.000000e+00 : f32
      %parallel_loop3A_593 = vector.broadcast %parallel_loop3A_592 : f32 to vector<16xf32>
      %parallel_loop3A_594 = arith.select %parallel_loop3A_591, %parallel_loop3A_586, %parallel_loop3A_593 : vector<16xi1>, vector<16xf32>
      %parallel_loop3A_595 = arith.constant 16 : i32
      %parallel_loop3A_596 = arith.muli %parallel_loop3A_582, %parallel_loop3A_595 : i32
      %parallel_loop3A_597 = arith.index_cast %parallel_loop3A_596 : i32 to index
      %parallel_loop3A_598 = tpu.vector_load %arg6[%parallel_loop3A_597] {strides = array<i32>} : memref<32768xf32, #tpu.memory_space<vmem>>, vector<16xf32>,
      tpu.vector_store %arg6[%parallel_loop3A_597], %parallel_loop3A_594 {strides = array<i32>} : memref<32768xf32, #tpu.memory_space<vmem>>, vector<16xf32>,
    } {sc.loop_unroll_factor = 8 : i64, sc.parallel_access}
    %dma_start3A_140 = arith.constant 0 : i32
    %dma_start3A_141 = tpu.memref_slice %arg3[%add3A_16, %dma_start3A_140] : memref<128x32768xf32, #tpu.memory_space<hbm>> -> memref<1x32768xf32, #tpu.memory_space<hbm>>
    %dma_start3A_142 = tpu.memref_squeeze %dma_start3A_141 : memref<1x32768xf32, #tpu.memory_space<hbm>> -> memref<32768xf32, #tpu.memory_space<hbm>>
    %dma_start3A_143 = arith.constant 0 : i32
    %dma_start3A_144 = tpu.memref_slice %arg3[%add3A_16, %dma_start3A_143] : memref<128x32768xf32, #tpu.memory_space<hbm>> -> memref<1x32768xf32, #tpu.memory_space<hbm>>
    %dma_start3A_145 = tpu.memref_squeeze %dma_start3A_144 : memref<1x32768xf32, #tpu.memory_space<hbm>> -> memref<32768xf32, #tpu.memory_space<hbm>>
    tpu.enqueue_dma source(%arg6 : memref<32768xf32, #tpu.memory_space<vmem>>) target(%dma_start3A_145 : memref<32768xf32, #tpu.memory_space<hbm>>) target_semaphore(%arg10 : memref<!tpu.dma_semaphore, #tpu.memory_space<semaphore_mem>>)
    %mul3A_146 = arith.constant 4 : i32
    %mul3A_147 = arith.muli %add3A, %mul3A_146 : i32
    %add3A_148 = arith.constant 1 : i32
    %add3A_149 = arith.addi %mul3A_147, %add3A_148 : i32
    %dma_wait3A_150 = arith.constant 0 : i32
    %dma_wait3A_151 = tpu.memref_slice %arg2[%add3A_23, %dma_wait3A_150] : memref<128x32768xf32, #tpu.memory_space<hbm>> -> memref<1x32768xf32, #tpu.memory_space<hbm>>
    %dma_wait3A_152 = tpu.memref_squeeze %dma_wait3A_151 : memref<1x32768xf32, #tpu.memory_space<hbm>> -> memref<32768xf32, #tpu.memory_space<hbm>>
    %dma_wait3A_153 = arith.constant 0 : i32
    %dma_wait3A_154 = tpu.memref_slice %arg2[%add3A_23, %dma_wait3A_153] : memref<128x32768xf32, #tpu.memory_space<hbm>> -> memref<1x32768xf32, #tpu.memory_space<hbm>>
    %dma_wait3A_155 = tpu.memref_squeeze %dma_wait3A_154 : memref<1x32768xf32, #tpu.memory_space<hbm>> -> memref<32768xf32, #tpu.memory_space<hbm>>
    tpu.wait_dma2 semaphore(%arg9 : memref<!tpu.dma_semaphore, #tpu.memory_space<semaphore_mem>>) src(%dma_wait3A_155 : memref<32768xf32, #tpu.memory_space<hbm>>) dst(%arg5 : memref<32768xf32, #tpu.memory_space<vmem>>)
    %add3A_156 = arith.constant 1 : i32
    %add3A_157 = arith.addi %add3A_149, %add3A_156 : i32
    %dma_start3A_158 = arith.constant 0 : i32
    %dma_start3A_159 = tpu.memref_slice %arg2[%add3A_157, %dma_start3A_158] : memref<128x32768xf32, #tpu.memory_space<hbm>> -> memref<1x32768xf32, #tpu.memory_space<hbm>>
    %dma_start3A_160 = tpu.memref_squeeze %dma_start3A_159 : memref<1x32768xf32, #tpu.memory_space<hbm>> -> memref<32768xf32, #tpu.memory_space<hbm>>
    %dma_start3A_161 = arith.constant 0 : i32
    %dma_start3A_162 = tpu.memref_slice %arg2[%add3A_157, %dma_start3A_161] : memref<128x32768xf32, #tpu.memory_space<hbm>> -> memref<1x32768xf32, #tpu.memory_space<hbm>>
    %dma_start3A_163 = tpu.memref_squeeze %dma_start3A_162 : memref<1x32768xf32, #tpu.memory_space<hbm>> -> memref<32768xf32, #tpu.memory_space<hbm>>
    tpu.enqueue_dma source(%dma_start3A_163 : memref<32768xf32, #tpu.memory_space<hbm>>) target(%arg4 : memref<32768xf32, #tpu.memory_space<vmem>>) target_semaphore(%arg9 : memref<!tpu.dma_semaphore, #tpu.memory_space<semaphore_mem>>)
    %parallel_loop3A_164 = arith.constant 0 : i32
    %parallel_loop3A_165 = arith.constant 2048 : i32
    %parallel_loop3A_166 = arith.constant 1 : i32
    %parallel_loop3A_167 = arith.constant 2147483647 : i32
    scf.for %parallel_loop3A_582 = %parallel_loop3A_164 to %parallel_loop3A_165 step %parallel_loop3A_166  : i32 {
      %parallel_loop3A_583 = arith.constant 16 : i32
      %parallel_loop3A_584 = arith.muli %parallel_loop3A_582, %parallel_loop3A_583 : i32
      %parallel_loop3A_585 = arith.index_cast %parallel_loop3A_584 : i32 to index
      %parallel_loop3A_586 = tpu.vector_load %arg5[%parallel_loop3A_585] {strides = array<i32>} : memref<32768xf32, #tpu.memory_space<vmem>>, vector<16xf32>,
      %parallel_loop3A_587 = tpu.bitcast %parallel_loop3A_586 : vector<16xf32> -> vector<16xi32>
      %parallel_loop3A_588 = vector.broadcast %parallel_loop3A_167 : i32 to vector<16xi32>
      %parallel_loop3A_589 = arith.andi %parallel_loop3A_587, %parallel_loop3A_588 : vector<16xi32>
      %parallel_loop3A_590 = arith.constant 20 : i32
      %parallel_loop3A_591 = vector.broadcast %parallel_loop3A_590 : i32 to vector<16xi32>
      %parallel_loop3A_592 = arith.shrsi %parallel_loop3A_589, %parallel_loop3A_591 : vector<16xi32>
      tpu.vector_store_idx %arg7[%parallel_loop3A_592], %broadcast_in_dim3A_1 {add = true} : memref<2048xi32, #tpu.memory_space<vmem>>[vector<16xi32>], vector<16xi32>,
    } {sc.loop_unroll_factor = 8 : i64, sc.parallel_access}
    %parallel_loop3A_168 = arith.constant 0 : i32
    %parallel_loop3A_169 = arith.constant 128 : i32
    %parallel_loop3A_170 = arith.constant 1 : i32
    %parallel_loop3A_171 = arith.constant 2048 : i32
    %parallel_loop3A_172 = arith.constant 0 : i32
    %parallel_loop3A_173:2 = scf.for %parallel_loop3A_582 = %parallel_loop3A_168 to %parallel_loop3A_169 step %parallel_loop3A_170 iter_args(%parallel_loop3A_583 = %parallel_loop3A_172, %parallel_loop3A_584 = %broadcast_in_dim3A_3) -> (i32, vector<16xi32>)  : i32 {
      %parallel_loop3A_585 = arith.constant 127 : i32
      %parallel_loop3A_586 = arith.subi %parallel_loop3A_585, %parallel_loop3A_582 : i32
      %parallel_loop3A_587 = arith.constant 16 : i32
      %parallel_loop3A_588 = arith.muli %parallel_loop3A_586, %parallel_loop3A_587 : i32
      %parallel_loop3A_589 = arith.index_cast %parallel_loop3A_588 : i32 to index
      %parallel_loop3A_590 = tpu.vector_load %arg7[%parallel_loop3A_589] {strides = array<i32>} : memref<2048xi32, #tpu.memory_space<vmem>>, vector<16xi32>,
      %parallel_loop3A_591 = arith.constant 16 : i32
      %parallel_loop3A_592 = arith.muli %parallel_loop3A_586, %parallel_loop3A_591 : i32
      %parallel_loop3A_593 = arith.index_cast %parallel_loop3A_592 : i32 to index
      %parallel_loop3A_594 = tpu.vector_load %arg7[%parallel_loop3A_593] {strides = array<i32>} : memref<2048xi32, #tpu.memory_space<vmem>>, vector<16xi32>,
      tpu.vector_store %arg7[%parallel_loop3A_593], %broadcast_in_dim3A_3 {strides = array<i32>} : memref<2048xi32, #tpu.memory_space<vmem>>, vector<16xi32>,
      %parallel_loop3A_595 = arith.constant 15 : i32
      %parallel_loop3A_596 = vector.broadcast %parallel_loop3A_595 : i32 to vector<16xi32>
      %parallel_loop3A_597 = tpu.iota {dimensions = array<i32: 0>} : vector<16xi32>
      %parallel_loop3A_598 = arith.subi %parallel_loop3A_596, %parallel_loop3A_597 : vector<16xi32>
      %parallel_loop3A_599 = tpu.dynamic_gather %parallel_loop3A_590[%parallel_loop3A_598] in [0] : vector<16xi32>, vector<16xi32> -> vector<16xi32>
      %parallel_loop3A_600 = arith.constant true
      %parallel_loop3A_601 = vector.broadcast %parallel_loop3A_600 : i1 to vector<16xi1>
      %parallel_loop3A_602 = tpu.scan <sum>, %parallel_loop3A_599 masked %parallel_loop3A_601 : vector<16xi32>, vector<16xi1> -> vector<16xi32>
      %parallel_loop3A_603 = vector.broadcast %parallel_loop3A_583 : i32 to vector<16xi32>
      %parallel_loop3A_604 = arith.addi %parallel_loop3A_602, %parallel_loop3A_603 : vector<16xi32>
      %parallel_loop3A_605 = vector.broadcast %parallel_loop3A_171 : i32 to vector<16xi32>
      %parallel_loop3A_606 = arith.cmpi sge, %parallel_loop3A_604, %parallel_loop3A_605 : vector<16xi32>
      %parallel_loop3A_607 = tpu.all_reduce %parallel_loop3A_606 {dim = 0 : i64, kind = #tpu.reduction_kind<sum>} : vector<16xi1> -> vector<16xi32>
      %parallel_loop3A_608 = arith.addi %parallel_loop3A_584, %parallel_loop3A_607 : vector<16xi32>
      %parallel_loop3A_609 = arith.constant 15 : i32
      %parallel_loop3A_610 = vector.broadcast %parallel_loop3A_609 : i32 to vector<16xi32>
      %parallel_loop3A_611 = tpu.iota {dimensions = array<i32: 0>} : vector<16xi32>
      %parallel_loop3A_612 = arith.subi %parallel_loop3A_610, %parallel_loop3A_611 : vector<16xi32>
      %parallel_loop3A_613 = tpu.dynamic_gather %parallel_loop3A_604[%parallel_loop3A_612] in [0] : vector<16xi32>, vector<16xi32> -> vector<16xi32>
      %parallel_loop3A_614 = arith.constant 16 : i32
      %parallel_loop3A_615 = arith.muli %parallel_loop3A_586, %parallel_loop3A_614 : i32
      %parallel_loop3A_616 = arith.index_cast %parallel_loop3A_615 : i32 to index
      %parallel_loop3A_617 = tpu.vector_load %arg8[%parallel_loop3A_616] {strides = array<i32>} : memref<2064xi32, #tpu.memory_space<vmem>>, vector<16xi32>,
      tpu.vector_store %arg8[%parallel_loop3A_616], %parallel_loop3A_613 {strides = array<i32>} : memref<2064xi32, #tpu.memory_space<vmem>>, vector<16xi32>,
      %parallel_loop3A_618 = arith.constant true
      %parallel_loop3A_619 = vector.broadcast %parallel_loop3A_618 : i1 to vector<16xi1>
      %parallel_loop3A_620 = tpu.scan <sum>, %parallel_loop3A_590 masked %parallel_loop3A_619 : vector<16xi32>, vector<16xi1> -> vector<16xi32>
      %parallel_loop3A_621 = vector.extract %parallel_loop3A_620[15] : i32 from vector<16xi32>
      %parallel_loop3A_622 = arith.addi %parallel_loop3A_583, %parallel_loop3A_621 : i32
      scf.yield %parallel_loop3A_622, %parallel_loop3A_608 : i32, vector<16xi32>
    } {sc.loop_unroll_factor = 4 : i64, sc.parallel_access}
    %reduce_max3A_174 = arith.constant true
    %reduce_max3A_175 = vector.broadcast %reduce_max3A_174 : i1 to vector<16xi1>
    %reduce_max3A_176 = arith.constant -2147483648 : i32
    %reduce_max3A_177 = vector.broadcast %reduce_max3A_176 : i32 to vector<16xi32>
    %reduce_max3A_178 = arith.xori %parallel_loop3A_173#1, %reduce_max3A_177 : vector<16xi32>
    %reduce_max3A_179 = tpu.scan <max>, %reduce_max3A_178 masked %reduce_max3A_175 : vector<16xi32>, vector<16xi1> -> vector<16xi32>
    %reduce_max3A_180 = arith.xori %reduce_max3A_179, %reduce_max3A_177 : vector<16xi32>
    %reduce_max3A_181 = vector.extract %reduce_max3A_180[15] : i32 from vector<16xi32>
    %sub3A_182 = arith.constant 1 : i32
    %sub3A_183 = arith.subi %reduce_max3A_181, %sub3A_182 : i32
    %swap3A_184 = arith.constant 2048 : index
    %swap3A_185 = tpu.vector_load %arg8[%swap3A_184] {strides = array<i32>} : memref<2064xi32, #tpu.memory_space<vmem>>, vector<16xi32>,
    tpu.vector_store %arg8[%swap3A_184], %broadcast_in_dim3A_3 {strides = array<i32>} : memref<2064xi32, #tpu.memory_space<vmem>>, vector<16xi32>,
    %add3A_186 = arith.constant 1 : i32
    %add3A_187 = arith.addi %sub3A_183, %add3A_186 : i32
    %add3A_188 = vector.broadcast %add3A_187 : i32 to vector<16xi32>
    %add3A_189 = arith.addi %broadcast_in_dim3A_3, %add3A_188 : vector<16xi32>
    %gather3A_190 = tpu.vector_load_idx %arg8[%add3A_189] : memref<2064xi32, #tpu.memory_space<vmem>>[vector<16xi32>], vector<16xi32>,
    %reduce_max3A_191 = arith.constant true
    %reduce_max3A_192 = vector.broadcast %reduce_max3A_191 : i1 to vector<16xi1>
    %reduce_max3A_193 = arith.constant -2147483648 : i32
    %reduce_max3A_194 = vector.broadcast %reduce_max3A_193 : i32 to vector<16xi32>
    %reduce_max3A_195 = arith.xori %gather3A_190, %reduce_max3A_194 : vector<16xi32>
    %reduce_max3A_196 = tpu.scan <max>, %reduce_max3A_195 masked %reduce_max3A_192 : vector<16xi32>, vector<16xi1> -> vector<16xi32>
    %reduce_max3A_197 = arith.xori %reduce_max3A_196, %reduce_max3A_194 : vector<16xi32>
    %reduce_max3A_198 = vector.extract %reduce_max3A_197[15] : i32 from vector<16xi32>
    %sub3A_199 = arith.constant 2048 : i32
    %sub3A_200 = arith.subi %sub3A_199, %reduce_max3A_198 : i32
    %shift_left3A_201 = arith.constant 20 : i32
    %shift_left3A_202 = arith.shli %sub3A_183, %shift_left3A_201 : i32
    %parallel_loop3A_203 = arith.constant 0 : i32
    %parallel_loop3A_204 = arith.constant 2048 : i32
    %parallel_loop3A_205 = arith.constant 1 : i32
    %parallel_loop3A_206 = arith.constant 2147483647 : i32
    scf.for %parallel_loop3A_582 = %parallel_loop3A_203 to %parallel_loop3A_204 step %parallel_loop3A_205  : i32 {
      %parallel_loop3A_583 = arith.constant 16 : i32
      %parallel_loop3A_584 = arith.muli %parallel_loop3A_582, %parallel_loop3A_583 : i32
      %parallel_loop3A_585 = arith.index_cast %parallel_loop3A_584 : i32 to index
      %parallel_loop3A_586 = tpu.vector_load %arg5[%parallel_loop3A_585] {strides = array<i32>} : memref<32768xf32, #tpu.memory_space<vmem>>, vector<16xf32>,
      %parallel_loop3A_587 = tpu.bitcast %parallel_loop3A_586 : vector<16xf32> -> vector<16xi32>
      %parallel_loop3A_588 = vector.broadcast %parallel_loop3A_206 : i32 to vector<16xi32>
      %parallel_loop3A_589 = arith.andi %parallel_loop3A_587, %parallel_loop3A_588 : vector<16xi32>
      %parallel_loop3A_590 = arith.constant 20 : i32
      %parallel_loop3A_591 = vector.broadcast %parallel_loop3A_590 : i32 to vector<16xi32>
      %parallel_loop3A_592 = arith.shrsi %parallel_loop3A_589, %parallel_loop3A_591 : vector<16xi32>
      %parallel_loop3A_593 = vector.broadcast %sub3A_183 : i32 to vector<16xi32>
      %parallel_loop3A_594 = arith.cmpi eq, %parallel_loop3A_592, %parallel_loop3A_593 : vector<16xi32>
      %parallel_loop3A_595 = arith.constant 10 : i32
      %parallel_loop3A_596 = vector.broadcast %parallel_loop3A_595 : i32 to vector<16xi32>
      %parallel_loop3A_597 = arith.shrsi %parallel_loop3A_589, %parallel_loop3A_596 : vector<16xi32>
      %parallel_loop3A_598 = arith.constant 1023 : i32
      %parallel_loop3A_599 = vector.broadcast %parallel_loop3A_598 : i32 to vector<16xi32>
      %parallel_loop3A_600 = arith.andi %parallel_loop3A_597, %parallel_loop3A_599 : vector<16xi32>
      tpu.vector_store_idx %arg7[%parallel_loop3A_600], %broadcast_in_dim3A_1 masked %parallel_loop3A_594 {add = true} : memref<2048xi32, #tpu.memory_space<vmem>>[vector<16xi32>], vector<16xi32>, vector<16xi1>
    } {sc.loop_unroll_factor = 8 : i64, sc.parallel_access}
    %parallel_loop3A_207 = arith.constant 0 : i32
    %parallel_loop3A_208 = arith.constant 64 : i32
    %parallel_loop3A_209 = arith.constant 1 : i32
    %parallel_loop3A_210 = arith.constant 0 : i32
    %parallel_loop3A_211:2 = scf.for %parallel_loop3A_582 = %parallel_loop3A_207 to %parallel_loop3A_208 step %parallel_loop3A_209 iter_args(%parallel_loop3A_583 = %parallel_loop3A_210, %parallel_loop3A_584 = %broadcast_in_dim3A_3) -> (i32, vector<16xi32>)  : i32 {
      %parallel_loop3A_585 = arith.constant 63 : i32
      %parallel_loop3A_586 = arith.subi %parallel_loop3A_585, %parallel_loop3A_582 : i32
      %parallel_loop3A_587 = arith.constant 16 : i32
      %parallel_loop3A_588 = arith.muli %parallel_loop3A_586, %parallel_loop3A_587 : i32
      %parallel_loop3A_589 = arith.index_cast %parallel_loop3A_588 : i32 to index
      %parallel_loop3A_590 = tpu.vector_load %arg7[%parallel_loop3A_589] {strides = array<i32>} : memref<2048xi32, #tpu.memory_space<vmem>>, vector<16xi32>,
      %parallel_loop3A_591 = arith.constant 16 : i32
      %parallel_loop3A_592 = arith.muli %parallel_loop3A_586, %parallel_loop3A_591 : i32
      %parallel_loop3A_593 = arith.index_cast %parallel_loop3A_592 : i32 to index
      %parallel_loop3A_594 = tpu.vector_load %arg7[%parallel_loop3A_593] {strides = array<i32>} : memref<2048xi32, #tpu.memory_space<vmem>>, vector<16xi32>,
      tpu.vector_store %arg7[%parallel_loop3A_593], %broadcast_in_dim3A_3 {strides = array<i32>} : memref<2048xi32, #tpu.memory_space<vmem>>, vector<16xi32>,
      %parallel_loop3A_595 = arith.constant 15 : i32
      %parallel_loop3A_596 = vector.broadcast %parallel_loop3A_595 : i32 to vector<16xi32>
      %parallel_loop3A_597 = tpu.iota {dimensions = array<i32: 0>} : vector<16xi32>
      %parallel_loop3A_598 = arith.subi %parallel_loop3A_596, %parallel_loop3A_597 : vector<16xi32>
      %parallel_loop3A_599 = tpu.dynamic_gather %parallel_loop3A_590[%parallel_loop3A_598] in [0] : vector<16xi32>, vector<16xi32> -> vector<16xi32>
      %parallel_loop3A_600 = arith.constant true
      %parallel_loop3A_601 = vector.broadcast %parallel_loop3A_600 : i1 to vector<16xi1>
      %parallel_loop3A_602 = tpu.scan <sum>, %parallel_loop3A_599 masked %parallel_loop3A_601 : vector<16xi32>, vector<16xi1> -> vector<16xi32>
      %parallel_loop3A_603 = vector.broadcast %parallel_loop3A_583 : i32 to vector<16xi32>
      %parallel_loop3A_604 = arith.addi %parallel_loop3A_602, %parallel_loop3A_603 : vector<16xi32>
      %parallel_loop3A_605 = vector.broadcast %sub3A_200 : i32 to vector<16xi32>
      %parallel_loop3A_606 = arith.cmpi sge, %parallel_loop3A_604, %parallel_loop3A_605 : vector<16xi32>
      %parallel_loop3A_607 = tpu.all_reduce %parallel_loop3A_606 {dim = 0 : i64, kind = #tpu.reduction_kind<sum>} : vector<16xi1> -> vector<16xi32>
      %parallel_loop3A_608 = arith.addi %parallel_loop3A_584, %parallel_loop3A_607 : vector<16xi32>
      %parallel_loop3A_609 = arith.constant 15 : i32
      %parallel_loop3A_610 = vector.broadcast %parallel_loop3A_609 : i32 to vector<16xi32>
      %parallel_loop3A_611 = tpu.iota {dimensions = array<i32: 0>} : vector<16xi32>
      %parallel_loop3A_612 = arith.subi %parallel_loop3A_610, %parallel_loop3A_611 : vector<16xi32>
      %parallel_loop3A_613 = tpu.dynamic_gather %parallel_loop3A_604[%parallel_loop3A_612] in [0] : vector<16xi32>, vector<16xi32> -> vector<16xi32>
      %parallel_loop3A_614 = arith.constant 16 : i32
      %parallel_loop3A_615 = arith.muli %parallel_loop3A_586, %parallel_loop3A_614 : i32
      %parallel_loop3A_616 = arith.index_cast %parallel_loop3A_615 : i32 to index
      %parallel_loop3A_617 = tpu.vector_load %arg8[%parallel_loop3A_616] {strides = array<i32>} : memref<2064xi32, #tpu.memory_space<vmem>>, vector<16xi32>,
      tpu.vector_store %arg8[%parallel_loop3A_616], %parallel_loop3A_613 {strides = array<i32>} : memref<2064xi32, #tpu.memory_space<vmem>>, vector<16xi32>,
      %parallel_loop3A_618 = arith.constant true
      %parallel_loop3A_619 = vector.broadcast %parallel_loop3A_618 : i1 to vector<16xi1>
      %parallel_loop3A_620 = tpu.scan <sum>, %parallel_loop3A_590 masked %parallel_loop3A_619 : vector<16xi32>, vector<16xi1> -> vector<16xi32>
      %parallel_loop3A_621 = vector.extract %parallel_loop3A_620[15] : i32 from vector<16xi32>
      %parallel_loop3A_622 = arith.addi %parallel_loop3A_583, %parallel_loop3A_621 : i32
      scf.yield %parallel_loop3A_622, %parallel_loop3A_608 : i32, vector<16xi32>
    } {sc.loop_unroll_factor = 4 : i64, sc.parallel_access}
    %reduce_max3A_212 = arith.constant true
    %reduce_max3A_213 = vector.broadcast %reduce_max3A_212 : i1 to vector<16xi1>
    %reduce_max3A_214 = arith.constant -2147483648 : i32
    %reduce_max3A_215 = vector.broadcast %reduce_max3A_214 : i32 to vector<16xi32>
    %reduce_max3A_216 = arith.xori %parallel_loop3A_211#1, %reduce_max3A_215 : vector<16xi32>
    %reduce_max3A_217 = tpu.scan <max>, %reduce_max3A_216 masked %reduce_max3A_213 : vector<16xi32>, vector<16xi1> -> vector<16xi32>
    %reduce_max3A_218 = arith.xori %reduce_max3A_217, %reduce_max3A_215 : vector<16xi32>
    %reduce_max3A_219 = vector.extract %reduce_max3A_218[15] : i32 from vector<16xi32>
    %sub3A_220 = arith.constant 1 : i32
    %sub3A_221 = arith.subi %reduce_max3A_219, %sub3A_220 : i32
    %swap3A_222 = arith.constant 1024 : index
    %swap3A_223 = tpu.vector_load %arg8[%swap3A_222] {strides = array<i32>} : memref<2064xi32, #tpu.memory_space<vmem>>, vector<16xi32>,
    tpu.vector_store %arg8[%swap3A_222], %broadcast_in_dim3A_3 {strides = array<i32>} : memref<2064xi32, #tpu.memory_space<vmem>>, vector<16xi32>,
    %add3A_224 = arith.constant 1 : i32
    %add3A_225 = arith.addi %sub3A_221, %add3A_224 : i32
    %add3A_226 = vector.broadcast %add3A_225 : i32 to vector<16xi32>
    %add3A_227 = arith.addi %broadcast_in_dim3A_3, %add3A_226 : vector<16xi32>
    %gather3A_228 = tpu.vector_load_idx %arg8[%add3A_227] : memref<2064xi32, #tpu.memory_space<vmem>>[vector<16xi32>], vector<16xi32>,
    %reduce_max3A_229 = arith.constant true
    %reduce_max3A_230 = vector.broadcast %reduce_max3A_229 : i1 to vector<16xi1>
    %reduce_max3A_231 = arith.constant -2147483648 : i32
    %reduce_max3A_232 = vector.broadcast %reduce_max3A_231 : i32 to vector<16xi32>
    %reduce_max3A_233 = arith.xori %gather3A_228, %reduce_max3A_232 : vector<16xi32>
    %reduce_max3A_234 = tpu.scan <max>, %reduce_max3A_233 masked %reduce_max3A_230 : vector<16xi32>, vector<16xi1> -> vector<16xi32>
    %reduce_max3A_235 = arith.xori %reduce_max3A_234, %reduce_max3A_232 : vector<16xi32>
    %reduce_max3A_236 = vector.extract %reduce_max3A_235[15] : i32 from vector<16xi32>
    %sub3A_237 = arith.subi %sub3A_200, %reduce_max3A_236 : i32
    %shift_left3A_238 = arith.constant 10 : i32
    %shift_left3A_239 = arith.shli %sub3A_221, %shift_left3A_238 : i32
    %or3A_240 = arith.ori %shift_left3A_202, %shift_left3A_239 : i32
    %parallel_loop3A_241 = arith.constant 0 : i32
    %parallel_loop3A_242 = arith.constant 2048 : i32
    %parallel_loop3A_243 = arith.constant 1 : i32
    %parallel_loop3A_244 = arith.constant 2147483647 : i32
    scf.for %parallel_loop3A_582 = %parallel_loop3A_241 to %parallel_loop3A_242 step %parallel_loop3A_243  : i32 {
      %parallel_loop3A_583 = arith.constant 16 : i32
      %parallel_loop3A_584 = arith.muli %parallel_loop3A_582, %parallel_loop3A_583 : i32
      %parallel_loop3A_585 = arith.index_cast %parallel_loop3A_584 : i32 to index
      %parallel_loop3A_586 = tpu.vector_load %arg5[%parallel_loop3A_585] {strides = array<i32>} : memref<32768xf32, #tpu.memory_space<vmem>>, vector<16xf32>,
      %parallel_loop3A_587 = tpu.bitcast %parallel_loop3A_586 : vector<16xf32> -> vector<16xi32>
      %parallel_loop3A_588 = vector.broadcast %parallel_loop3A_244 : i32 to vector<16xi32>
      %parallel_loop3A_589 = arith.andi %parallel_loop3A_587, %parallel_loop3A_588 : vector<16xi32>
      %parallel_loop3A_590 = arith.constant 10 : i32
      %parallel_loop3A_591 = vector.broadcast %parallel_loop3A_590 : i32 to vector<16xi32>
      %parallel_loop3A_592 = arith.shrsi %parallel_loop3A_589, %parallel_loop3A_591 : vector<16xi32>
      %parallel_loop3A_593 = arith.constant 10 : i32
      %parallel_loop3A_594 = arith.shrsi %or3A_240, %parallel_loop3A_593 : i32
      %parallel_loop3A_595 = vector.broadcast %parallel_loop3A_594 : i32 to vector<16xi32>
      %parallel_loop3A_596 = arith.cmpi eq, %parallel_loop3A_592, %parallel_loop3A_595 : vector<16xi32>
      %parallel_loop3A_597 = arith.constant 1023 : i32
      %parallel_loop3A_598 = vector.broadcast %parallel_loop3A_597 : i32 to vector<16xi32>
      %parallel_loop3A_599 = arith.andi %parallel_loop3A_589, %parallel_loop3A_598 : vector<16xi32>
      tpu.vector_store_idx %arg7[%parallel_loop3A_599], %broadcast_in_dim3A_1 masked %parallel_loop3A_596 {add = true} : memref<2048xi32, #tpu.memory_space<vmem>>[vector<16xi32>], vector<16xi32>, vector<16xi1>
    } {sc.loop_unroll_factor = 8 : i64, sc.parallel_access}
    %parallel_loop3A_245 = arith.constant 0 : i32
    %parallel_loop3A_246 = arith.constant 64 : i32
    %parallel_loop3A_247 = arith.constant 1 : i32
    %parallel_loop3A_248 = arith.constant 0 : i32
    %parallel_loop3A_249:2 = scf.for %parallel_loop3A_582 = %parallel_loop3A_245 to %parallel_loop3A_246 step %parallel_loop3A_247 iter_args(%parallel_loop3A_583 = %parallel_loop3A_248, %parallel_loop3A_584 = %broadcast_in_dim3A_3) -> (i32, vector<16xi32>)  : i32 {
      %parallel_loop3A_585 = arith.constant 63 : i32
      %parallel_loop3A_586 = arith.subi %parallel_loop3A_585, %parallel_loop3A_582 : i32
      %parallel_loop3A_587 = arith.constant 16 : i32
      %parallel_loop3A_588 = arith.muli %parallel_loop3A_586, %parallel_loop3A_587 : i32
      %parallel_loop3A_589 = arith.index_cast %parallel_loop3A_588 : i32 to index
      %parallel_loop3A_590 = tpu.vector_load %arg7[%parallel_loop3A_589] {strides = array<i32>} : memref<2048xi32, #tpu.memory_space<vmem>>, vector<16xi32>,
      %parallel_loop3A_591 = arith.constant 16 : i32
      %parallel_loop3A_592 = arith.muli %parallel_loop3A_586, %parallel_loop3A_591 : i32
      %parallel_loop3A_593 = arith.index_cast %parallel_loop3A_592 : i32 to index
      %parallel_loop3A_594 = tpu.vector_load %arg7[%parallel_loop3A_593] {strides = array<i32>} : memref<2048xi32, #tpu.memory_space<vmem>>, vector<16xi32>,
      tpu.vector_store %arg7[%parallel_loop3A_593], %broadcast_in_dim3A_3 {strides = array<i32>} : memref<2048xi32, #tpu.memory_space<vmem>>, vector<16xi32>,
      %parallel_loop3A_595 = arith.constant 15 : i32
      %parallel_loop3A_596 = vector.broadcast %parallel_loop3A_595 : i32 to vector<16xi32>
      %parallel_loop3A_597 = tpu.iota {dimensions = array<i32: 0>} : vector<16xi32>
      %parallel_loop3A_598 = arith.subi %parallel_loop3A_596, %parallel_loop3A_597 : vector<16xi32>
      %parallel_loop3A_599 = tpu.dynamic_gather %parallel_loop3A_590[%parallel_loop3A_598] in [0] : vector<16xi32>, vector<16xi32> -> vector<16xi32>
      %parallel_loop3A_600 = arith.constant true
      %parallel_loop3A_601 = vector.broadcast %parallel_loop3A_600 : i1 to vector<16xi1>
      %parallel_loop3A_602 = tpu.scan <sum>, %parallel_loop3A_599 masked %parallel_loop3A_601 : vector<16xi32>, vector<16xi1> -> vector<16xi32>
      %parallel_loop3A_603 = vector.broadcast %parallel_loop3A_583 : i32 to vector<16xi32>
      %parallel_loop3A_604 = arith.addi %parallel_loop3A_602, %parallel_loop3A_603 : vector<16xi32>
      %parallel_loop3A_605 = vector.broadcast %sub3A_237 : i32 to vector<16xi32>
      %parallel_loop3A_606 = arith.cmpi sge, %parallel_loop3A_604, %parallel_loop3A_605 : vector<16xi32>
      %parallel_loop3A_607 = tpu.all_reduce %parallel_loop3A_606 {dim = 0 : i64, kind = #tpu.reduction_kind<sum>} : vector<16xi1> -> vector<16xi32>
      %parallel_loop3A_608 = arith.addi %parallel_loop3A_584, %parallel_loop3A_607 : vector<16xi32>
      %parallel_loop3A_609 = arith.constant 15 : i32
      %parallel_loop3A_610 = vector.broadcast %parallel_loop3A_609 : i32 to vector<16xi32>
      %parallel_loop3A_611 = tpu.iota {dimensions = array<i32: 0>} : vector<16xi32>
      %parallel_loop3A_612 = arith.subi %parallel_loop3A_610, %parallel_loop3A_611 : vector<16xi32>
      %parallel_loop3A_613 = tpu.dynamic_gather %parallel_loop3A_604[%parallel_loop3A_612] in [0] : vector<16xi32>, vector<16xi32> -> vector<16xi32>
      %parallel_loop3A_614 = arith.constant 16 : i32
      %parallel_loop3A_615 = arith.muli %parallel_loop3A_586, %parallel_loop3A_614 : i32
      %parallel_loop3A_616 = arith.index_cast %parallel_loop3A_615 : i32 to index
      %parallel_loop3A_617 = tpu.vector_load %arg8[%parallel_loop3A_616] {strides = array<i32>} : memref<2064xi32, #tpu.memory_space<vmem>>, vector<16xi32>,
      tpu.vector_store %arg8[%parallel_loop3A_616], %parallel_loop3A_613 {strides = array<i32>} : memref<2064xi32, #tpu.memory_space<vmem>>, vector<16xi32>,
      %parallel_loop3A_618 = arith.constant true
      %parallel_loop3A_619 = vector.broadcast %parallel_loop3A_618 : i1 to vector<16xi1>
      %parallel_loop3A_620 = tpu.scan <sum>, %parallel_loop3A_590 masked %parallel_loop3A_619 : vector<16xi32>, vector<16xi1> -> vector<16xi32>
      %parallel_loop3A_621 = vector.extract %parallel_loop3A_620[15] : i32 from vector<16xi32>
      %parallel_loop3A_622 = arith.addi %parallel_loop3A_583, %parallel_loop3A_621 : i32
      scf.yield %parallel_loop3A_622, %parallel_loop3A_608 : i32, vector<16xi32>
    } {sc.loop_unroll_factor = 4 : i64, sc.parallel_access}
    %reduce_max3A_250 = arith.constant true
    %reduce_max3A_251 = vector.broadcast %reduce_max3A_250 : i1 to vector<16xi1>
    %reduce_max3A_252 = arith.constant -2147483648 : i32
    %reduce_max3A_253 = vector.broadcast %reduce_max3A_252 : i32 to vector<16xi32>
    %reduce_max3A_254 = arith.xori %parallel_loop3A_249#1, %reduce_max3A_253 : vector<16xi32>
    %reduce_max3A_255 = tpu.scan <max>, %reduce_max3A_254 masked %reduce_max3A_251 : vector<16xi32>, vector<16xi1> -> vector<16xi32>
    %reduce_max3A_256 = arith.xori %reduce_max3A_255, %reduce_max3A_253 : vector<16xi32>
    %reduce_max3A_257 = vector.extract %reduce_max3A_256[15] : i32 from vector<16xi32>
    %sub3A_258 = arith.constant 1 : i32
    %sub3A_259 = arith.subi %reduce_max3A_257, %sub3A_258 : i32
    %swap3A_260 = arith.constant 1024 : index
    %swap3A_261 = tpu.vector_load %arg8[%swap3A_260] {strides = array<i32>} : memref<2064xi32, #tpu.memory_space<vmem>>, vector<16xi32>,
    tpu.vector_store %arg8[%swap3A_260], %broadcast_in_dim3A_3 {strides = array<i32>} : memref<2064xi32, #tpu.memory_space<vmem>>, vector<16xi32>,
    %add3A_262 = arith.constant 1 : i32
    %add3A_263 = arith.addi %sub3A_259, %add3A_262 : i32
    %add3A_264 = vector.broadcast %add3A_263 : i32 to vector<16xi32>
    %add3A_265 = arith.addi %broadcast_in_dim3A_3, %add3A_264 : vector<16xi32>
    %gather3A_266 = tpu.vector_load_idx %arg8[%add3A_265] : memref<2064xi32, #tpu.memory_space<vmem>>[vector<16xi32>], vector<16xi32>,
    %reduce_max3A_267 = arith.constant true
    %reduce_max3A_268 = vector.broadcast %reduce_max3A_267 : i1 to vector<16xi1>
    %reduce_max3A_269 = arith.constant -2147483648 : i32
    %reduce_max3A_270 = vector.broadcast %reduce_max3A_269 : i32 to vector<16xi32>
    %reduce_max3A_271 = arith.xori %gather3A_266, %reduce_max3A_270 : vector<16xi32>
    %reduce_max3A_272 = tpu.scan <max>, %reduce_max3A_271 masked %reduce_max3A_268 : vector<16xi32>, vector<16xi1> -> vector<16xi32>
    %reduce_max3A_273 = arith.xori %reduce_max3A_272, %reduce_max3A_270 : vector<16xi32>
    %reduce_max3A_274 = vector.extract %reduce_max3A_273[15] : i32 from vector<16xi32>
    %or3A_275 = arith.ori %or3A_240, %sub3A_259 : i32
    %dma_wait3A_276 = arith.constant 0 : i32
    %dma_wait3A_277 = tpu.memref_slice %arg3[%add3A_16, %dma_wait3A_276] : memref<128x32768xf32, #tpu.memory_space<hbm>> -> memref<1x32768xf32, #tpu.memory_space<hbm>>
    %dma_wait3A_278 = tpu.memref_squeeze %dma_wait3A_277 : memref<1x32768xf32, #tpu.memory_space<hbm>> -> memref<32768xf32, #tpu.memory_space<hbm>>
    %dma_wait3A_279 = arith.constant 0 : i32
    %dma_wait3A_280 = tpu.memref_slice %arg3[%add3A_16, %dma_wait3A_279] : memref<128x32768xf32, #tpu.memory_space<hbm>> -> memref<1x32768xf32, #tpu.memory_space<hbm>>
    %dma_wait3A_281 = tpu.memref_squeeze %dma_wait3A_280 : memref<1x32768xf32, #tpu.memory_space<hbm>> -> memref<32768xf32, #tpu.memory_space<hbm>>
    tpu.wait_dma2 semaphore(%arg10 : memref<!tpu.dma_semaphore, #tpu.memory_space<semaphore_mem>>) src(%arg6 : memref<32768xf32, #tpu.memory_space<vmem>>) dst(%dma_wait3A_281 : memref<32768xf32, #tpu.memory_space<hbm>>)
    %parallel_loop3A_282 = arith.constant 0 : i32
    %parallel_loop3A_283 = arith.constant 2048 : i32
    %parallel_loop3A_284 = arith.constant 1 : i32
    %parallel_loop3A_285 = arith.constant 2147483647 : i32
    scf.for %parallel_loop3A_582 = %parallel_loop3A_282 to %parallel_loop3A_283 step %parallel_loop3A_284  : i32 {
      %parallel_loop3A_583 = arith.constant 16 : i32
      %parallel_loop3A_584 = arith.muli %parallel_loop3A_582, %parallel_loop3A_583 : i32
      %parallel_loop3A_585 = arith.index_cast %parallel_loop3A_584 : i32 to index
      %parallel_loop3A_586 = tpu.vector_load %arg5[%parallel_loop3A_585] {strides = array<i32>} : memref<32768xf32, #tpu.memory_space<vmem>>, vector<16xf32>,
      %parallel_loop3A_587 = tpu.bitcast %parallel_loop3A_586 : vector<16xf32> -> vector<16xi32>
      %parallel_loop3A_588 = vector.broadcast %parallel_loop3A_285 : i32 to vector<16xi32>
      %parallel_loop3A_589 = arith.andi %parallel_loop3A_587, %parallel_loop3A_588 : vector<16xi32>
      %parallel_loop3A_590 = vector.broadcast %or3A_275 : i32 to vector<16xi32>
      %parallel_loop3A_591 = arith.cmpi sge, %parallel_loop3A_589, %parallel_loop3A_590 : vector<16xi32>
      %parallel_loop3A_592 = arith.constant 0.000000e+00 : f32
      %parallel_loop3A_593 = vector.broadcast %parallel_loop3A_592 : f32 to vector<16xf32>
      %parallel_loop3A_594 = arith.select %parallel_loop3A_591, %parallel_loop3A_586, %parallel_loop3A_593 : vector<16xi1>, vector<16xf32>
      %parallel_loop3A_595 = arith.constant 16 : i32
      %parallel_loop3A_596 = arith.muli %parallel_loop3A_582, %parallel_loop3A_595 : i32
      %parallel_loop3A_597 = arith.index_cast %parallel_loop3A_596 : i32 to index
      %parallel_loop3A_598 = tpu.vector_load %arg6[%parallel_loop3A_597] {strides = array<i32>} : memref<32768xf32, #tpu.memory_space<vmem>>, vector<16xf32>,
      tpu.vector_store %arg6[%parallel_loop3A_597], %parallel_loop3A_594 {strides = array<i32>} : memref<32768xf32, #tpu.memory_space<vmem>>, vector<16xf32>,
    } {sc.loop_unroll_factor = 8 : i64, sc.parallel_access}
    %dma_start3A_286 = arith.constant 0 : i32
    %dma_start3A_287 = tpu.memref_slice %arg3[%add3A_149, %dma_start3A_286] : memref<128x32768xf32, #tpu.memory_space<hbm>> -> memref<1x32768xf32, #tpu.memory_space<hbm>>
    %dma_start3A_288 = tpu.memref_squeeze %dma_start3A_287 : memref<1x32768xf32, #tpu.memory_space<hbm>> -> memref<32768xf32, #tpu.memory_space<hbm>>
    %dma_start3A_289 = arith.constant 0 : i32
    %dma_start3A_290 = tpu.memref_slice %arg3[%add3A_149, %dma_start3A_289] : memref<128x32768xf32, #tpu.memory_space<hbm>> -> memref<1x32768xf32, #tpu.memory_space<hbm>>
    %dma_start3A_291 = tpu.memref_squeeze %dma_start3A_290 : memref<1x32768xf32, #tpu.memory_space<hbm>> -> memref<32768xf32, #tpu.memory_space<hbm>>
    tpu.enqueue_dma source(%arg6 : memref<32768xf32, #tpu.memory_space<vmem>>) target(%dma_start3A_291 : memref<32768xf32, #tpu.memory_space<hbm>>) target_semaphore(%arg10 : memref<!tpu.dma_semaphore, #tpu.memory_space<semaphore_mem>>)
    %mul3A_292 = arith.constant 4 : i32
    %mul3A_293 = arith.muli %add3A, %mul3A_292 : i32
    %add3A_294 = arith.constant 2 : i32
    %add3A_295 = arith.addi %mul3A_293, %add3A_294 : i32
    %dma_wait3A_296 = arith.constant 0 : i32
    %dma_wait3A_297 = tpu.memref_slice %arg2[%add3A_157, %dma_wait3A_296] : memref<128x32768xf32, #tpu.memory_space<hbm>> -> memref<1x32768xf32, #tpu.memory_space<hbm>>
    %dma_wait3A_298 = tpu.memref_squeeze %dma_wait3A_297 : memref<1x32768xf32, #tpu.memory_space<hbm>> -> memref<32768xf32, #tpu.memory_space<hbm>>
    %dma_wait3A_299 = arith.constant 0 : i32
    %dma_wait3A_300 = tpu.memref_slice %arg2[%add3A_157, %dma_wait3A_299] : memref<128x32768xf32, #tpu.memory_space<hbm>> -> memref<1x32768xf32, #tpu.memory_space<hbm>>
    %dma_wait3A_301 = tpu.memref_squeeze %dma_wait3A_300 : memref<1x32768xf32, #tpu.memory_space<hbm>> -> memref<32768xf32, #tpu.memory_space<hbm>>
    tpu.wait_dma2 semaphore(%arg9 : memref<!tpu.dma_semaphore, #tpu.memory_space<semaphore_mem>>) src(%dma_wait3A_301 : memref<32768xf32, #tpu.memory_space<hbm>>) dst(%arg4 : memref<32768xf32, #tpu.memory_space<vmem>>)
    %add3A_302 = arith.constant 1 : i32
    %add3A_303 = arith.addi %add3A_295, %add3A_302 : i32
    %dma_start3A_304 = arith.constant 0 : i32
    %dma_start3A_305 = tpu.memref_slice %arg2[%add3A_303, %dma_start3A_304] : memref<128x32768xf32, #tpu.memory_space<hbm>> -> memref<1x32768xf32, #tpu.memory_space<hbm>>
    %dma_start3A_306 = tpu.memref_squeeze %dma_start3A_305 : memref<1x32768xf32, #tpu.memory_space<hbm>> -> memref<32768xf32, #tpu.memory_space<hbm>>
    %dma_start3A_307 = arith.constant 0 : i32
    %dma_start3A_308 = tpu.memref_slice %arg2[%add3A_303, %dma_start3A_307] : memref<128x32768xf32, #tpu.memory_space<hbm>> -> memref<1x32768xf32, #tpu.memory_space<hbm>>
    %dma_start3A_309 = tpu.memref_squeeze %dma_start3A_308 : memref<1x32768xf32, #tpu.memory_space<hbm>> -> memref<32768xf32, #tpu.memory_space<hbm>>
    tpu.enqueue_dma source(%dma_start3A_309 : memref<32768xf32, #tpu.memory_space<hbm>>) target(%arg5 : memref<32768xf32, #tpu.memory_space<vmem>>) target_semaphore(%arg9 : memref<!tpu.dma_semaphore, #tpu.memory_space<semaphore_mem>>)
    %parallel_loop3A_310 = arith.constant 0 : i32
    %parallel_loop3A_311 = arith.constant 2048 : i32
    %parallel_loop3A_312 = arith.constant 1 : i32
    %parallel_loop3A_313 = arith.constant 2147483647 : i32
    scf.for %parallel_loop3A_582 = %parallel_loop3A_310 to %parallel_loop3A_311 step %parallel_loop3A_312  : i32 {
      %parallel_loop3A_583 = arith.constant 16 : i32
      %parallel_loop3A_584 = arith.muli %parallel_loop3A_582, %parallel_loop3A_583 : i32
      %parallel_loop3A_585 = arith.index_cast %parallel_loop3A_584 : i32 to index
      %parallel_loop3A_586 = tpu.vector_load %arg4[%parallel_loop3A_585] {strides = array<i32>} : memref<32768xf32, #tpu.memory_space<vmem>>, vector<16xf32>,
      %parallel_loop3A_587 = tpu.bitcast %parallel_loop3A_586 : vector<16xf32> -> vector<16xi32>
      %parallel_loop3A_588 = vector.broadcast %parallel_loop3A_313 : i32 to vector<16xi32>
      %parallel_loop3A_589 = arith.andi %parallel_loop3A_587, %parallel_loop3A_588 : vector<16xi32>
      %parallel_loop3A_590 = arith.constant 20 : i32
      %parallel_loop3A_591 = vector.broadcast %parallel_loop3A_590 : i32 to vector<16xi32>
      %parallel_loop3A_592 = arith.shrsi %parallel_loop3A_589, %parallel_loop3A_591 : vector<16xi32>
      tpu.vector_store_idx %arg7[%parallel_loop3A_592], %broadcast_in_dim3A_1 {add = true} : memref<2048xi32, #tpu.memory_space<vmem>>[vector<16xi32>], vector<16xi32>,
    } {sc.loop_unroll_factor = 8 : i64, sc.parallel_access}
    %parallel_loop3A_314 = arith.constant 0 : i32
    %parallel_loop3A_315 = arith.constant 128 : i32
    %parallel_loop3A_316 = arith.constant 1 : i32
    %parallel_loop3A_317 = arith.constant 2048 : i32
    %parallel_loop3A_318 = arith.constant 0 : i32
    %parallel_loop3A_319:2 = scf.for %parallel_loop3A_582 = %parallel_loop3A_314 to %parallel_loop3A_315 step %parallel_loop3A_316 iter_args(%parallel_loop3A_583 = %parallel_loop3A_318, %parallel_loop3A_584 = %broadcast_in_dim3A_3) -> (i32, vector<16xi32>)  : i32 {
      %parallel_loop3A_585 = arith.constant 127 : i32
      %parallel_loop3A_586 = arith.subi %parallel_loop3A_585, %parallel_loop3A_582 : i32
      %parallel_loop3A_587 = arith.constant 16 : i32
      %parallel_loop3A_588 = arith.muli %parallel_loop3A_586, %parallel_loop3A_587 : i32
      %parallel_loop3A_589 = arith.index_cast %parallel_loop3A_588 : i32 to index
      %parallel_loop3A_590 = tpu.vector_load %arg7[%parallel_loop3A_589] {strides = array<i32>} : memref<2048xi32, #tpu.memory_space<vmem>>, vector<16xi32>,
      %parallel_loop3A_591 = arith.constant 16 : i32
      %parallel_loop3A_592 = arith.muli %parallel_loop3A_586, %parallel_loop3A_591 : i32
      %parallel_loop3A_593 = arith.index_cast %parallel_loop3A_592 : i32 to index
      %parallel_loop3A_594 = tpu.vector_load %arg7[%parallel_loop3A_593] {strides = array<i32>} : memref<2048xi32, #tpu.memory_space<vmem>>, vector<16xi32>,
      tpu.vector_store %arg7[%parallel_loop3A_593], %broadcast_in_dim3A_3 {strides = array<i32>} : memref<2048xi32, #tpu.memory_space<vmem>>, vector<16xi32>,
      %parallel_loop3A_595 = arith.constant 15 : i32
      %parallel_loop3A_596 = vector.broadcast %parallel_loop3A_595 : i32 to vector<16xi32>
      %parallel_loop3A_597 = tpu.iota {dimensions = array<i32: 0>} : vector<16xi32>
      %parallel_loop3A_598 = arith.subi %parallel_loop3A_596, %parallel_loop3A_597 : vector<16xi32>
      %parallel_loop3A_599 = tpu.dynamic_gather %parallel_loop3A_590[%parallel_loop3A_598] in [0] : vector<16xi32>, vector<16xi32> -> vector<16xi32>
      %parallel_loop3A_600 = arith.constant true
      %parallel_loop3A_601 = vector.broadcast %parallel_loop3A_600 : i1 to vector<16xi1>
      %parallel_loop3A_602 = tpu.scan <sum>, %parallel_loop3A_599 masked %parallel_loop3A_601 : vector<16xi32>, vector<16xi1> -> vector<16xi32>
      %parallel_loop3A_603 = vector.broadcast %parallel_loop3A_583 : i32 to vector<16xi32>
      %parallel_loop3A_604 = arith.addi %parallel_loop3A_602, %parallel_loop3A_603 : vector<16xi32>
      %parallel_loop3A_605 = vector.broadcast %parallel_loop3A_317 : i32 to vector<16xi32>
      %parallel_loop3A_606 = arith.cmpi sge, %parallel_loop3A_604, %parallel_loop3A_605 : vector<16xi32>
      %parallel_loop3A_607 = tpu.all_reduce %parallel_loop3A_606 {dim = 0 : i64, kind = #tpu.reduction_kind<sum>} : vector<16xi1> -> vector<16xi32>
      %parallel_loop3A_608 = arith.addi %parallel_loop3A_584, %parallel_loop3A_607 : vector<16xi32>
      %parallel_loop3A_609 = arith.constant 15 : i32
      %parallel_loop3A_610 = vector.broadcast %parallel_loop3A_609 : i32 to vector<16xi32>
      %parallel_loop3A_611 = tpu.iota {dimensions = array<i32: 0>} : vector<16xi32>
      %parallel_loop3A_612 = arith.subi %parallel_loop3A_610, %parallel_loop3A_611 : vector<16xi32>
      %parallel_loop3A_613 = tpu.dynamic_gather %parallel_loop3A_604[%parallel_loop3A_612] in [0] : vector<16xi32>, vector<16xi32> -> vector<16xi32>
      %parallel_loop3A_614 = arith.constant 16 : i32
      %parallel_loop3A_615 = arith.muli %parallel_loop3A_586, %parallel_loop3A_614 : i32
      %parallel_loop3A_616 = arith.index_cast %parallel_loop3A_615 : i32 to index
      %parallel_loop3A_617 = tpu.vector_load %arg8[%parallel_loop3A_616] {strides = array<i32>} : memref<2064xi32, #tpu.memory_space<vmem>>, vector<16xi32>,
      tpu.vector_store %arg8[%parallel_loop3A_616], %parallel_loop3A_613 {strides = array<i32>} : memref<2064xi32, #tpu.memory_space<vmem>>, vector<16xi32>,
      %parallel_loop3A_618 = arith.constant true
      %parallel_loop3A_619 = vector.broadcast %parallel_loop3A_618 : i1 to vector<16xi1>
      %parallel_loop3A_620 = tpu.scan <sum>, %parallel_loop3A_590 masked %parallel_loop3A_619 : vector<16xi32>, vector<16xi1> -> vector<16xi32>
      %parallel_loop3A_621 = vector.extract %parallel_loop3A_620[15] : i32 from vector<16xi32>
      %parallel_loop3A_622 = arith.addi %parallel_loop3A_583, %parallel_loop3A_621 : i32
      scf.yield %parallel_loop3A_622, %parallel_loop3A_608 : i32, vector<16xi32>
    } {sc.loop_unroll_factor = 4 : i64, sc.parallel_access}
    %reduce_max3A_320 = arith.constant true
    %reduce_max3A_321 = vector.broadcast %reduce_max3A_320 : i1 to vector<16xi1>
    %reduce_max3A_322 = arith.constant -2147483648 : i32
    %reduce_max3A_323 = vector.broadcast %reduce_max3A_322 : i32 to vector<16xi32>
    %reduce_max3A_324 = arith.xori %parallel_loop3A_319#1, %reduce_max3A_323 : vector<16xi32>
    %reduce_max3A_325 = tpu.scan <max>, %reduce_max3A_324 masked %reduce_max3A_321 : vector<16xi32>, vector<16xi1> -> vector<16xi32>
    %reduce_max3A_326 = arith.xori %reduce_max3A_325, %reduce_max3A_323 : vector<16xi32>
    %reduce_max3A_327 = vector.extract %reduce_max3A_326[15] : i32 from vector<16xi32>
    %sub3A_328 = arith.constant 1 : i32
    %sub3A_329 = arith.subi %reduce_max3A_327, %sub3A_328 : i32
    %swap3A_330 = arith.constant 2048 : index
    %swap3A_331 = tpu.vector_load %arg8[%swap3A_330] {strides = array<i32>} : memref<2064xi32, #tpu.memory_space<vmem>>, vector<16xi32>,
    tpu.vector_store %arg8[%swap3A_330], %broadcast_in_dim3A_3 {strides = array<i32>} : memref<2064xi32, #tpu.memory_space<vmem>>, vector<16xi32>,
    %add3A_332 = arith.constant 1 : i32
    %add3A_333 = arith.addi %sub3A_329, %add3A_332 : i32
    %add3A_334 = vector.broadcast %add3A_333 : i32 to vector<16xi32>
    %add3A_335 = arith.addi %broadcast_in_dim3A_3, %add3A_334 : vector<16xi32>
    %gather3A_336 = tpu.vector_load_idx %arg8[%add3A_335] : memref<2064xi32, #tpu.memory_space<vmem>>[vector<16xi32>], vector<16xi32>,
    %reduce_max3A_337 = arith.constant true
    %reduce_max3A_338 = vector.broadcast %reduce_max3A_337 : i1 to vector<16xi1>
    %reduce_max3A_339 = arith.constant -2147483648 : i32
    %reduce_max3A_340 = vector.broadcast %reduce_max3A_339 : i32 to vector<16xi32>
    %reduce_max3A_341 = arith.xori %gather3A_336, %reduce_max3A_340 : vector<16xi32>
    %reduce_max3A_342 = tpu.scan <max>, %reduce_max3A_341 masked %reduce_max3A_338 : vector<16xi32>, vector<16xi1> -> vector<16xi32>
    %reduce_max3A_343 = arith.xori %reduce_max3A_342, %reduce_max3A_340 : vector<16xi32>
    %reduce_max3A_344 = vector.extract %reduce_max3A_343[15] : i32 from vector<16xi32>
    %sub3A_345 = arith.constant 2048 : i32
    %sub3A_346 = arith.subi %sub3A_345, %reduce_max3A_344 : i32
    %shift_left3A_347 = arith.constant 20 : i32
    %shift_left3A_348 = arith.shli %sub3A_329, %shift_left3A_347 : i32
    %parallel_loop3A_349 = arith.constant 0 : i32
    %parallel_loop3A_350 = arith.constant 2048 : i32
    %parallel_loop3A_351 = arith.constant 1 : i32
    %parallel_loop3A_352 = arith.constant 2147483647 : i32
    scf.for %parallel_loop3A_582 = %parallel_loop3A_349 to %parallel_loop3A_350 step %parallel_loop3A_351  : i32 {
      %parallel_loop3A_583 = arith.constant 16 : i32
      %parallel_loop3A_584 = arith.muli %parallel_loop3A_582, %parallel_loop3A_583 : i32
      %parallel_loop3A_585 = arith.index_cast %parallel_loop3A_584 : i32 to index
      %parallel_loop3A_586 = tpu.vector_load %arg4[%parallel_loop3A_585] {strides = array<i32>} : memref<32768xf32, #tpu.memory_space<vmem>>, vector<16xf32>,
      %parallel_loop3A_587 = tpu.bitcast %parallel_loop3A_586 : vector<16xf32> -> vector<16xi32>
      %parallel_loop3A_588 = vector.broadcast %parallel_loop3A_352 : i32 to vector<16xi32>
      %parallel_loop3A_589 = arith.andi %parallel_loop3A_587, %parallel_loop3A_588 : vector<16xi32>
      %parallel_loop3A_590 = arith.constant 20 : i32
      %parallel_loop3A_591 = vector.broadcast %parallel_loop3A_590 : i32 to vector<16xi32>
      %parallel_loop3A_592 = arith.shrsi %parallel_loop3A_589, %parallel_loop3A_591 : vector<16xi32>
      %parallel_loop3A_593 = vector.broadcast %sub3A_329 : i32 to vector<16xi32>
      %parallel_loop3A_594 = arith.cmpi eq, %parallel_loop3A_592, %parallel_loop3A_593 : vector<16xi32>
      %parallel_loop3A_595 = arith.constant 10 : i32
      %parallel_loop3A_596 = vector.broadcast %parallel_loop3A_595 : i32 to vector<16xi32>
      %parallel_loop3A_597 = arith.shrsi %parallel_loop3A_589, %parallel_loop3A_596 : vector<16xi32>
      %parallel_loop3A_598 = arith.constant 1023 : i32
      %parallel_loop3A_599 = vector.broadcast %parallel_loop3A_598 : i32 to vector<16xi32>
      %parallel_loop3A_600 = arith.andi %parallel_loop3A_597, %parallel_loop3A_599 : vector<16xi32>
      tpu.vector_store_idx %arg7[%parallel_loop3A_600], %broadcast_in_dim3A_1 masked %parallel_loop3A_594 {add = true} : memref<2048xi32, #tpu.memory_space<vmem>>[vector<16xi32>], vector<16xi32>, vector<16xi1>
    } {sc.loop_unroll_factor = 8 : i64, sc.parallel_access}
    %parallel_loop3A_353 = arith.constant 0 : i32
    %parallel_loop3A_354 = arith.constant 64 : i32
    %parallel_loop3A_355 = arith.constant 1 : i32
    %parallel_loop3A_356 = arith.constant 0 : i32
    %parallel_loop3A_357:2 = scf.for %parallel_loop3A_582 = %parallel_loop3A_353 to %parallel_loop3A_354 step %parallel_loop3A_355 iter_args(%parallel_loop3A_583 = %parallel_loop3A_356, %parallel_loop3A_584 = %broadcast_in_dim3A_3) -> (i32, vector<16xi32>)  : i32 {
      %parallel_loop3A_585 = arith.constant 63 : i32
      %parallel_loop3A_586 = arith.subi %parallel_loop3A_585, %parallel_loop3A_582 : i32
      %parallel_loop3A_587 = arith.constant 16 : i32
      %parallel_loop3A_588 = arith.muli %parallel_loop3A_586, %parallel_loop3A_587 : i32
      %parallel_loop3A_589 = arith.index_cast %parallel_loop3A_588 : i32 to index
      %parallel_loop3A_590 = tpu.vector_load %arg7[%parallel_loop3A_589] {strides = array<i32>} : memref<2048xi32, #tpu.memory_space<vmem>>, vector<16xi32>,
      %parallel_loop3A_591 = arith.constant 16 : i32
      %parallel_loop3A_592 = arith.muli %parallel_loop3A_586, %parallel_loop3A_591 : i32
      %parallel_loop3A_593 = arith.index_cast %parallel_loop3A_592 : i32 to index
      %parallel_loop3A_594 = tpu.vector_load %arg7[%parallel_loop3A_593] {strides = array<i32>} : memref<2048xi32, #tpu.memory_space<vmem>>, vector<16xi32>,
      tpu.vector_store %arg7[%parallel_loop3A_593], %broadcast_in_dim3A_3 {strides = array<i32>} : memref<2048xi32, #tpu.memory_space<vmem>>, vector<16xi32>,
      %parallel_loop3A_595 = arith.constant 15 : i32
      %parallel_loop3A_596 = vector.broadcast %parallel_loop3A_595 : i32 to vector<16xi32>
      %parallel_loop3A_597 = tpu.iota {dimensions = array<i32: 0>} : vector<16xi32>
      %parallel_loop3A_598 = arith.subi %parallel_loop3A_596, %parallel_loop3A_597 : vector<16xi32>
      %parallel_loop3A_599 = tpu.dynamic_gather %parallel_loop3A_590[%parallel_loop3A_598] in [0] : vector<16xi32>, vector<16xi32> -> vector<16xi32>
      %parallel_loop3A_600 = arith.constant true
      %parallel_loop3A_601 = vector.broadcast %parallel_loop3A_600 : i1 to vector<16xi1>
      %parallel_loop3A_602 = tpu.scan <sum>, %parallel_loop3A_599 masked %parallel_loop3A_601 : vector<16xi32>, vector<16xi1> -> vector<16xi32>
      %parallel_loop3A_603 = vector.broadcast %parallel_loop3A_583 : i32 to vector<16xi32>
      %parallel_loop3A_604 = arith.addi %parallel_loop3A_602, %parallel_loop3A_603 : vector<16xi32>
      %parallel_loop3A_605 = vector.broadcast %sub3A_346 : i32 to vector<16xi32>
      %parallel_loop3A_606 = arith.cmpi sge, %parallel_loop3A_604, %parallel_loop3A_605 : vector<16xi32>
      %parallel_loop3A_607 = tpu.all_reduce %parallel_loop3A_606 {dim = 0 : i64, kind = #tpu.reduction_kind<sum>} : vector<16xi1> -> vector<16xi32>
      %parallel_loop3A_608 = arith.addi %parallel_loop3A_584, %parallel_loop3A_607 : vector<16xi32>
      %parallel_loop3A_609 = arith.constant 15 : i32
      %parallel_loop3A_610 = vector.broadcast %parallel_loop3A_609 : i32 to vector<16xi32>
      %parallel_loop3A_611 = tpu.iota {dimensions = array<i32: 0>} : vector<16xi32>
      %parallel_loop3A_612 = arith.subi %parallel_loop3A_610, %parallel_loop3A_611 : vector<16xi32>
      %parallel_loop3A_613 = tpu.dynamic_gather %parallel_loop3A_604[%parallel_loop3A_612] in [0] : vector<16xi32>, vector<16xi32> -> vector<16xi32>
      %parallel_loop3A_614 = arith.constant 16 : i32
      %parallel_loop3A_615 = arith.muli %parallel_loop3A_586, %parallel_loop3A_614 : i32
      %parallel_loop3A_616 = arith.index_cast %parallel_loop3A_615 : i32 to index
      %parallel_loop3A_617 = tpu.vector_load %arg8[%parallel_loop3A_616] {strides = array<i32>} : memref<2064xi32, #tpu.memory_space<vmem>>, vector<16xi32>,
      tpu.vector_store %arg8[%parallel_loop3A_616], %parallel_loop3A_613 {strides = array<i32>} : memref<2064xi32, #tpu.memory_space<vmem>>, vector<16xi32>,
      %parallel_loop3A_618 = arith.constant true
      %parallel_loop3A_619 = vector.broadcast %parallel_loop3A_618 : i1 to vector<16xi1>
      %parallel_loop3A_620 = tpu.scan <sum>, %parallel_loop3A_590 masked %parallel_loop3A_619 : vector<16xi32>, vector<16xi1> -> vector<16xi32>
      %parallel_loop3A_621 = vector.extract %parallel_loop3A_620[15] : i32 from vector<16xi32>
      %parallel_loop3A_622 = arith.addi %parallel_loop3A_583, %parallel_loop3A_621 : i32
      scf.yield %parallel_loop3A_622, %parallel_loop3A_608 : i32, vector<16xi32>
    } {sc.loop_unroll_factor = 4 : i64, sc.parallel_access}
    %reduce_max3A_358 = arith.constant true
    %reduce_max3A_359 = vector.broadcast %reduce_max3A_358 : i1 to vector<16xi1>
    %reduce_max3A_360 = arith.constant -2147483648 : i32
    %reduce_max3A_361 = vector.broadcast %reduce_max3A_360 : i32 to vector<16xi32>
    %reduce_max3A_362 = arith.xori %parallel_loop3A_357#1, %reduce_max3A_361 : vector<16xi32>
    %reduce_max3A_363 = tpu.scan <max>, %reduce_max3A_362 masked %reduce_max3A_359 : vector<16xi32>, vector<16xi1> -> vector<16xi32>
    %reduce_max3A_364 = arith.xori %reduce_max3A_363, %reduce_max3A_361 : vector<16xi32>
    %reduce_max3A_365 = vector.extract %reduce_max3A_364[15] : i32 from vector<16xi32>
    %sub3A_366 = arith.constant 1 : i32
    %sub3A_367 = arith.subi %reduce_max3A_365, %sub3A_366 : i32
    %swap3A_368 = arith.constant 1024 : index
    %swap3A_369 = tpu.vector_load %arg8[%swap3A_368] {strides = array<i32>} : memref<2064xi32, #tpu.memory_space<vmem>>, vector<16xi32>,
    tpu.vector_store %arg8[%swap3A_368], %broadcast_in_dim3A_3 {strides = array<i32>} : memref<2064xi32, #tpu.memory_space<vmem>>, vector<16xi32>,
    %add3A_370 = arith.constant 1 : i32
    %add3A_371 = arith.addi %sub3A_367, %add3A_370 : i32
    %add3A_372 = vector.broadcast %add3A_371 : i32 to vector<16xi32>
    %add3A_373 = arith.addi %broadcast_in_dim3A_3, %add3A_372 : vector<16xi32>
    %gather3A_374 = tpu.vector_load_idx %arg8[%add3A_373] : memref<2064xi32, #tpu.memory_space<vmem>>[vector<16xi32>], vector<16xi32>,
    %reduce_max3A_375 = arith.constant true
    %reduce_max3A_376 = vector.broadcast %reduce_max3A_375 : i1 to vector<16xi1>
    %reduce_max3A_377 = arith.constant -2147483648 : i32
    %reduce_max3A_378 = vector.broadcast %reduce_max3A_377 : i32 to vector<16xi32>
    %reduce_max3A_379 = arith.xori %gather3A_374, %reduce_max3A_378 : vector<16xi32>
    %reduce_max3A_380 = tpu.scan <max>, %reduce_max3A_379 masked %reduce_max3A_376 : vector<16xi32>, vector<16xi1> -> vector<16xi32>
    %reduce_max3A_381 = arith.xori %reduce_max3A_380, %reduce_max3A_378 : vector<16xi32>
    %reduce_max3A_382 = vector.extract %reduce_max3A_381[15] : i32 from vector<16xi32>
    %sub3A_383 = arith.subi %sub3A_346, %reduce_max3A_382 : i32
    %shift_left3A_384 = arith.constant 10 : i32
    %shift_left3A_385 = arith.shli %sub3A_367, %shift_left3A_384 : i32
    %or3A_386 = arith.ori %shift_left3A_348, %shift_left3A_385 : i32
    %parallel_loop3A_387 = arith.constant 0 : i32
    %parallel_loop3A_388 = arith.constant 2048 : i32
    %parallel_loop3A_389 = arith.constant 1 : i32
    %parallel_loop3A_390 = arith.constant 2147483647 : i32
    scf.for %parallel_loop3A_582 = %parallel_loop3A_387 to %parallel_loop3A_388 step %parallel_loop3A_389  : i32 {
      %parallel_loop3A_583 = arith.constant 16 : i32
      %parallel_loop3A_584 = arith.muli %parallel_loop3A_582, %parallel_loop3A_583 : i32
      %parallel_loop3A_585 = arith.index_cast %parallel_loop3A_584 : i32 to index
      %parallel_loop3A_586 = tpu.vector_load %arg4[%parallel_loop3A_585] {strides = array<i32>} : memref<32768xf32, #tpu.memory_space<vmem>>, vector<16xf32>,
      %parallel_loop3A_587 = tpu.bitcast %parallel_loop3A_586 : vector<16xf32> -> vector<16xi32>
      %parallel_loop3A_588 = vector.broadcast %parallel_loop3A_390 : i32 to vector<16xi32>
      %parallel_loop3A_589 = arith.andi %parallel_loop3A_587, %parallel_loop3A_588 : vector<16xi32>
      %parallel_loop3A_590 = arith.constant 10 : i32
      %parallel_loop3A_591 = vector.broadcast %parallel_loop3A_590 : i32 to vector<16xi32>
      %parallel_loop3A_592 = arith.shrsi %parallel_loop3A_589, %parallel_loop3A_591 : vector<16xi32>
      %parallel_loop3A_593 = arith.constant 10 : i32
      %parallel_loop3A_594 = arith.shrsi %or3A_386, %parallel_loop3A_593 : i32
      %parallel_loop3A_595 = vector.broadcast %parallel_loop3A_594 : i32 to vector<16xi32>
      %parallel_loop3A_596 = arith.cmpi eq, %parallel_loop3A_592, %parallel_loop3A_595 : vector<16xi32>
      %parallel_loop3A_597 = arith.constant 1023 : i32
      %parallel_loop3A_598 = vector.broadcast %parallel_loop3A_597 : i32 to vector<16xi32>
      %parallel_loop3A_599 = arith.andi %parallel_loop3A_589, %parallel_loop3A_598 : vector<16xi32>
      tpu.vector_store_idx %arg7[%parallel_loop3A_599], %broadcast_in_dim3A_1 masked %parallel_loop3A_596 {add = true} : memref<2048xi32, #tpu.memory_space<vmem>>[vector<16xi32>], vector<16xi32>, vector<16xi1>
    } {sc.loop_unroll_factor = 8 : i64, sc.parallel_access}
    %parallel_loop3A_391 = arith.constant 0 : i32
    %parallel_loop3A_392 = arith.constant 64 : i32
    %parallel_loop3A_393 = arith.constant 1 : i32
    %parallel_loop3A_394 = arith.constant 0 : i32
    %parallel_loop3A_395:2 = scf.for %parallel_loop3A_582 = %parallel_loop3A_391 to %parallel_loop3A_392 step %parallel_loop3A_393 iter_args(%parallel_loop3A_583 = %parallel_loop3A_394, %parallel_loop3A_584 = %broadcast_in_dim3A_3) -> (i32, vector<16xi32>)  : i32 {
      %parallel_loop3A_585 = arith.constant 63 : i32
      %parallel_loop3A_586 = arith.subi %parallel_loop3A_585, %parallel_loop3A_582 : i32
      %parallel_loop3A_587 = arith.constant 16 : i32
      %parallel_loop3A_588 = arith.muli %parallel_loop3A_586, %parallel_loop3A_587 : i32
      %parallel_loop3A_589 = arith.index_cast %parallel_loop3A_588 : i32 to index
      %parallel_loop3A_590 = tpu.vector_load %arg7[%parallel_loop3A_589] {strides = array<i32>} : memref<2048xi32, #tpu.memory_space<vmem>>, vector<16xi32>,
      %parallel_loop3A_591 = arith.constant 16 : i32
      %parallel_loop3A_592 = arith.muli %parallel_loop3A_586, %parallel_loop3A_591 : i32
      %parallel_loop3A_593 = arith.index_cast %parallel_loop3A_592 : i32 to index
      %parallel_loop3A_594 = tpu.vector_load %arg7[%parallel_loop3A_593] {strides = array<i32>} : memref<2048xi32, #tpu.memory_space<vmem>>, vector<16xi32>,
      tpu.vector_store %arg7[%parallel_loop3A_593], %broadcast_in_dim3A_3 {strides = array<i32>} : memref<2048xi32, #tpu.memory_space<vmem>>, vector<16xi32>,
      %parallel_loop3A_595 = arith.constant 15 : i32
      %parallel_loop3A_596 = vector.broadcast %parallel_loop3A_595 : i32 to vector<16xi32>
      %parallel_loop3A_597 = tpu.iota {dimensions = array<i32: 0>} : vector<16xi32>
      %parallel_loop3A_598 = arith.subi %parallel_loop3A_596, %parallel_loop3A_597 : vector<16xi32>
      %parallel_loop3A_599 = tpu.dynamic_gather %parallel_loop3A_590[%parallel_loop3A_598] in [0] : vector<16xi32>, vector<16xi32> -> vector<16xi32>
      %parallel_loop3A_600 = arith.constant true
      %parallel_loop3A_601 = vector.broadcast %parallel_loop3A_600 : i1 to vector<16xi1>
      %parallel_loop3A_602 = tpu.scan <sum>, %parallel_loop3A_599 masked %parallel_loop3A_601 : vector<16xi32>, vector<16xi1> -> vector<16xi32>
      %parallel_loop3A_603 = vector.broadcast %parallel_loop3A_583 : i32 to vector<16xi32>
      %parallel_loop3A_604 = arith.addi %parallel_loop3A_602, %parallel_loop3A_603 : vector<16xi32>
      %parallel_loop3A_605 = vector.broadcast %sub3A_383 : i32 to vector<16xi32>
      %parallel_loop3A_606 = arith.cmpi sge, %parallel_loop3A_604, %parallel_loop3A_605 : vector<16xi32>
      %parallel_loop3A_607 = tpu.all_reduce %parallel_loop3A_606 {dim = 0 : i64, kind = #tpu.reduction_kind<sum>} : vector<16xi1> -> vector<16xi32>
      %parallel_loop3A_608 = arith.addi %parallel_loop3A_584, %parallel_loop3A_607 : vector<16xi32>
      %parallel_loop3A_609 = arith.constant 15 : i32
      %parallel_loop3A_610 = vector.broadcast %parallel_loop3A_609 : i32 to vector<16xi32>
      %parallel_loop3A_611 = tpu.iota {dimensions = array<i32: 0>} : vector<16xi32>
      %parallel_loop3A_612 = arith.subi %parallel_loop3A_610, %parallel_loop3A_611 : vector<16xi32>
      %parallel_loop3A_613 = tpu.dynamic_gather %parallel_loop3A_604[%parallel_loop3A_612] in [0] : vector<16xi32>, vector<16xi32> -> vector<16xi32>
      %parallel_loop3A_614 = arith.constant 16 : i32
      %parallel_loop3A_615 = arith.muli %parallel_loop3A_586, %parallel_loop3A_614 : i32
      %parallel_loop3A_616 = arith.index_cast %parallel_loop3A_615 : i32 to index
      %parallel_loop3A_617 = tpu.vector_load %arg8[%parallel_loop3A_616] {strides = array<i32>} : memref<2064xi32, #tpu.memory_space<vmem>>, vector<16xi32>,
      tpu.vector_store %arg8[%parallel_loop3A_616], %parallel_loop3A_613 {strides = array<i32>} : memref<2064xi32, #tpu.memory_space<vmem>>, vector<16xi32>,
      %parallel_loop3A_618 = arith.constant true
      %parallel_loop3A_619 = vector.broadcast %parallel_loop3A_618 : i1 to vector<16xi1>
      %parallel_loop3A_620 = tpu.scan <sum>, %parallel_loop3A_590 masked %parallel_loop3A_619 : vector<16xi32>, vector<16xi1> -> vector<16xi32>
      %parallel_loop3A_621 = vector.extract %parallel_loop3A_620[15] : i32 from vector<16xi32>
      %parallel_loop3A_622 = arith.addi %parallel_loop3A_583, %parallel_loop3A_621 : i32
      scf.yield %parallel_loop3A_622, %parallel_loop3A_608 : i32, vector<16xi32>
    } {sc.loop_unroll_factor = 4 : i64, sc.parallel_access}
    %reduce_max3A_396 = arith.constant true
    %reduce_max3A_397 = vector.broadcast %reduce_max3A_396 : i1 to vector<16xi1>
    %reduce_max3A_398 = arith.constant -2147483648 : i32
    %reduce_max3A_399 = vector.broadcast %reduce_max3A_398 : i32 to vector<16xi32>
    %reduce_max3A_400 = arith.xori %parallel_loop3A_395#1, %reduce_max3A_399 : vector<16xi32>
    %reduce_max3A_401 = tpu.scan <max>, %reduce_max3A_400 masked %reduce_max3A_397 : vector<16xi32>, vector<16xi1> -> vector<16xi32>
    %reduce_max3A_402 = arith.xori %reduce_max3A_401, %reduce_max3A_399 : vector<16xi32>
    %reduce_max3A_403 = vector.extract %reduce_max3A_402[15] : i32 from vector<16xi32>
    %sub3A_404 = arith.constant 1 : i32
    %sub3A_405 = arith.subi %reduce_max3A_403, %sub3A_404 : i32
    %swap3A_406 = arith.constant 1024 : index
    %swap3A_407 = tpu.vector_load %arg8[%swap3A_406] {strides = array<i32>} : memref<2064xi32, #tpu.memory_space<vmem>>, vector<16xi32>,
    tpu.vector_store %arg8[%swap3A_406], %broadcast_in_dim3A_3 {strides = array<i32>} : memref<2064xi32, #tpu.memory_space<vmem>>, vector<16xi32>,
    %add3A_408 = arith.constant 1 : i32
    %add3A_409 = arith.addi %sub3A_405, %add3A_408 : i32
    %add3A_410 = vector.broadcast %add3A_409 : i32 to vector<16xi32>
    %add3A_411 = arith.addi %broadcast_in_dim3A_3, %add3A_410 : vector<16xi32>
    %gather3A_412 = tpu.vector_load_idx %arg8[%add3A_411] : memref<2064xi32, #tpu.memory_space<vmem>>[vector<16xi32>], vector<16xi32>,
    %reduce_max3A_413 = arith.constant true
    %reduce_max3A_414 = vector.broadcast %reduce_max3A_413 : i1 to vector<16xi1>
    %reduce_max3A_415 = arith.constant -2147483648 : i32
    %reduce_max3A_416 = vector.broadcast %reduce_max3A_415 : i32 to vector<16xi32>
    %reduce_max3A_417 = arith.xori %gather3A_412, %reduce_max3A_416 : vector<16xi32>
    %reduce_max3A_418 = tpu.scan <max>, %reduce_max3A_417 masked %reduce_max3A_414 : vector<16xi32>, vector<16xi1> -> vector<16xi32>
    %reduce_max3A_419 = arith.xori %reduce_max3A_418, %reduce_max3A_416 : vector<16xi32>
    %reduce_max3A_420 = vector.extract %reduce_max3A_419[15] : i32 from vector<16xi32>
    %or3A_421 = arith.ori %or3A_386, %sub3A_405 : i32
    %dma_wait3A_422 = arith.constant 0 : i32
    %dma_wait3A_423 = tpu.memref_slice %arg3[%add3A_149, %dma_wait3A_422] : memref<128x32768xf32, #tpu.memory_space<hbm>> -> memref<1x32768xf32, #tpu.memory_space<hbm>>
    %dma_wait3A_424 = tpu.memref_squeeze %dma_wait3A_423 : memref<1x32768xf32, #tpu.memory_space<hbm>> -> memref<32768xf32, #tpu.memory_space<hbm>>
    %dma_wait3A_425 = arith.constant 0 : i32
    %dma_wait3A_426 = tpu.memref_slice %arg3[%add3A_149, %dma_wait3A_425] : memref<128x32768xf32, #tpu.memory_space<hbm>> -> memref<1x32768xf32, #tpu.memory_space<hbm>>
    %dma_wait3A_427 = tpu.memref_squeeze %dma_wait3A_426 : memref<1x32768xf32, #tpu.memory_space<hbm>> -> memref<32768xf32, #tpu.memory_space<hbm>>
    tpu.wait_dma2 semaphore(%arg10 : memref<!tpu.dma_semaphore, #tpu.memory_space<semaphore_mem>>) src(%arg6 : memref<32768xf32, #tpu.memory_space<vmem>>) dst(%dma_wait3A_427 : memref<32768xf32, #tpu.memory_space<hbm>>)
    %parallel_loop3A_428 = arith.constant 0 : i32
    %parallel_loop3A_429 = arith.constant 2048 : i32
    %parallel_loop3A_430 = arith.constant 1 : i32
    %parallel_loop3A_431 = arith.constant 2147483647 : i32
    scf.for %parallel_loop3A_582 = %parallel_loop3A_428 to %parallel_loop3A_429 step %parallel_loop3A_430  : i32 {
      %parallel_loop3A_583 = arith.constant 16 : i32
      %parallel_loop3A_584 = arith.muli %parallel_loop3A_582, %parallel_loop3A_583 : i32
      %parallel_loop3A_585 = arith.index_cast %parallel_loop3A_584 : i32 to index
      %parallel_loop3A_586 = tpu.vector_load %arg4[%parallel_loop3A_585] {strides = array<i32>} : memref<32768xf32, #tpu.memory_space<vmem>>, vector<16xf32>,
      %parallel_loop3A_587 = tpu.bitcast %parallel_loop3A_586 : vector<16xf32> -> vector<16xi32>
      %parallel_loop3A_588 = vector.broadcast %parallel_loop3A_431 : i32 to vector<16xi32>
      %parallel_loop3A_589 = arith.andi %parallel_loop3A_587, %parallel_loop3A_588 : vector<16xi32>
      %parallel_loop3A_590 = vector.broadcast %or3A_421 : i32 to vector<16xi32>
      %parallel_loop3A_591 = arith.cmpi sge, %parallel_loop3A_589, %parallel_loop3A_590 : vector<16xi32>
      %parallel_loop3A_592 = arith.constant 0.000000e+00 : f32
      %parallel_loop3A_593 = vector.broadcast %parallel_loop3A_592 : f32 to vector<16xf32>
      %parallel_loop3A_594 = arith.select %parallel_loop3A_591, %parallel_loop3A_586, %parallel_loop3A_593 : vector<16xi1>, vector<16xf32>
      %parallel_loop3A_595 = arith.constant 16 : i32
      %parallel_loop3A_596 = arith.muli %parallel_loop3A_582, %parallel_loop3A_595 : i32
      %parallel_loop3A_597 = arith.index_cast %parallel_loop3A_596 : i32 to index
      %parallel_loop3A_598 = tpu.vector_load %arg6[%parallel_loop3A_597] {strides = array<i32>} : memref<32768xf32, #tpu.memory_space<vmem>>, vector<16xf32>,
      tpu.vector_store %arg6[%parallel_loop3A_597], %parallel_loop3A_594 {strides = array<i32>} : memref<32768xf32, #tpu.memory_space<vmem>>, vector<16xf32>,
    } {sc.loop_unroll_factor = 8 : i64, sc.parallel_access}
    %dma_start3A_432 = arith.constant 0 : i32
    %dma_start3A_433 = tpu.memref_slice %arg3[%add3A_295, %dma_start3A_432] : memref<128x32768xf32, #tpu.memory_space<hbm>> -> memref<1x32768xf32, #tpu.memory_space<hbm>>
    %dma_start3A_434 = tpu.memref_squeeze %dma_start3A_433 : memref<1x32768xf32, #tpu.memory_space<hbm>> -> memref<32768xf32, #tpu.memory_space<hbm>>
    %dma_start3A_435 = arith.constant 0 : i32
    %dma_start3A_436 = tpu.memref_slice %arg3[%add3A_295, %dma_start3A_435] : memref<128x32768xf32, #tpu.memory_space<hbm>> -> memref<1x32768xf32, #tpu.memory_space<hbm>>
    %dma_start3A_437 = tpu.memref_squeeze %dma_start3A_436 : memref<1x32768xf32, #tpu.memory_space<hbm>> -> memref<32768xf32, #tpu.memory_space<hbm>>
    tpu.enqueue_dma source(%arg6 : memref<32768xf32, #tpu.memory_space<vmem>>) target(%dma_start3A_437 : memref<32768xf32, #tpu.memory_space<hbm>>) target_semaphore(%arg10 : memref<!tpu.dma_semaphore, #tpu.memory_space<semaphore_mem>>)
    %mul3A_438 = arith.constant 4 : i32
    %mul3A_439 = arith.muli %add3A, %mul3A_438 : i32
    %add3A_440 = arith.constant 3 : i32
    %add3A_441 = arith.addi %mul3A_439, %add3A_440 : i32
    %dma_wait3A_442 = arith.constant 0 : i32
    %dma_wait3A_443 = tpu.memref_slice %arg2[%add3A_303, %dma_wait3A_442] : memref<128x32768xf32, #tpu.memory_space<hbm>> -> memref<1x32768xf32, #tpu.memory_space<hbm>>
    %dma_wait3A_444 = tpu.memref_squeeze %dma_wait3A_443 : memref<1x32768xf32, #tpu.memory_space<hbm>> -> memref<32768xf32, #tpu.memory_space<hbm>>
    %dma_wait3A_445 = arith.constant 0 : i32
    %dma_wait3A_446 = tpu.memref_slice %arg2[%add3A_303, %dma_wait3A_445] : memref<128x32768xf32, #tpu.memory_space<hbm>> -> memref<1x32768xf32, #tpu.memory_space<hbm>>
    %dma_wait3A_447 = tpu.memref_squeeze %dma_wait3A_446 : memref<1x32768xf32, #tpu.memory_space<hbm>> -> memref<32768xf32, #tpu.memory_space<hbm>>
    tpu.wait_dma2 semaphore(%arg9 : memref<!tpu.dma_semaphore, #tpu.memory_space<semaphore_mem>>) src(%dma_wait3A_447 : memref<32768xf32, #tpu.memory_space<hbm>>) dst(%arg5 : memref<32768xf32, #tpu.memory_space<vmem>>)
    %parallel_loop3A_448 = arith.constant 0 : i32
    %parallel_loop3A_449 = arith.constant 2048 : i32
    %parallel_loop3A_450 = arith.constant 1 : i32
    %parallel_loop3A_451 = arith.constant 2147483647 : i32
    scf.for %parallel_loop3A_582 = %parallel_loop3A_448 to %parallel_loop3A_449 step %parallel_loop3A_450  : i32 {
      %parallel_loop3A_583 = arith.constant 16 : i32
      %parallel_loop3A_584 = arith.muli %parallel_loop3A_582, %parallel_loop3A_583 : i32
      %parallel_loop3A_585 = arith.index_cast %parallel_loop3A_584 : i32 to index
      %parallel_loop3A_586 = tpu.vector_load %arg5[%parallel_loop3A_585] {strides = array<i32>} : memref<32768xf32, #tpu.memory_space<vmem>>, vector<16xf32>,
      %parallel_loop3A_587 = tpu.bitcast %parallel_loop3A_586 : vector<16xf32> -> vector<16xi32>
      %parallel_loop3A_588 = vector.broadcast %parallel_loop3A_451 : i32 to vector<16xi32>
      %parallel_loop3A_589 = arith.andi %parallel_loop3A_587, %parallel_loop3A_588 : vector<16xi32>
      %parallel_loop3A_590 = arith.constant 20 : i32
      %parallel_loop3A_591 = vector.broadcast %parallel_loop3A_590 : i32 to vector<16xi32>
      %parallel_loop3A_592 = arith.shrsi %parallel_loop3A_589, %parallel_loop3A_591 : vector<16xi32>
      tpu.vector_store_idx %arg7[%parallel_loop3A_592], %broadcast_in_dim3A_1 {add = true} : memref<2048xi32, #tpu.memory_space<vmem>>[vector<16xi32>], vector<16xi32>,
    } {sc.loop_unroll_factor = 8 : i64, sc.parallel_access}
    %parallel_loop3A_452 = arith.constant 0 : i32
    %parallel_loop3A_453 = arith.constant 128 : i32
    %parallel_loop3A_454 = arith.constant 1 : i32
    %parallel_loop3A_455 = arith.constant 2048 : i32
    %parallel_loop3A_456 = arith.constant 0 : i32
    %parallel_loop3A_457:2 = scf.for %parallel_loop3A_582 = %parallel_loop3A_452 to %parallel_loop3A_453 step %parallel_loop3A_454 iter_args(%parallel_loop3A_583 = %parallel_loop3A_456, %parallel_loop3A_584 = %broadcast_in_dim3A_3) -> (i32, vector<16xi32>)  : i32 {
      %parallel_loop3A_585 = arith.constant 127 : i32
      %parallel_loop3A_586 = arith.subi %parallel_loop3A_585, %parallel_loop3A_582 : i32
      %parallel_loop3A_587 = arith.constant 16 : i32
      %parallel_loop3A_588 = arith.muli %parallel_loop3A_586, %parallel_loop3A_587 : i32
      %parallel_loop3A_589 = arith.index_cast %parallel_loop3A_588 : i32 to index
      %parallel_loop3A_590 = tpu.vector_load %arg7[%parallel_loop3A_589] {strides = array<i32>} : memref<2048xi32, #tpu.memory_space<vmem>>, vector<16xi32>,
      %parallel_loop3A_591 = arith.constant 16 : i32
      %parallel_loop3A_592 = arith.muli %parallel_loop3A_586, %parallel_loop3A_591 : i32
      %parallel_loop3A_593 = arith.index_cast %parallel_loop3A_592 : i32 to index
      %parallel_loop3A_594 = tpu.vector_load %arg7[%parallel_loop3A_593] {strides = array<i32>} : memref<2048xi32, #tpu.memory_space<vmem>>, vector<16xi32>,
      tpu.vector_store %arg7[%parallel_loop3A_593], %broadcast_in_dim3A_3 {strides = array<i32>} : memref<2048xi32, #tpu.memory_space<vmem>>, vector<16xi32>,
      %parallel_loop3A_595 = arith.constant 15 : i32
      %parallel_loop3A_596 = vector.broadcast %parallel_loop3A_595 : i32 to vector<16xi32>
      %parallel_loop3A_597 = tpu.iota {dimensions = array<i32: 0>} : vector<16xi32>
      %parallel_loop3A_598 = arith.subi %parallel_loop3A_596, %parallel_loop3A_597 : vector<16xi32>
      %parallel_loop3A_599 = tpu.dynamic_gather %parallel_loop3A_590[%parallel_loop3A_598] in [0] : vector<16xi32>, vector<16xi32> -> vector<16xi32>
      %parallel_loop3A_600 = arith.constant true
      %parallel_loop3A_601 = vector.broadcast %parallel_loop3A_600 : i1 to vector<16xi1>
      %parallel_loop3A_602 = tpu.scan <sum>, %parallel_loop3A_599 masked %parallel_loop3A_601 : vector<16xi32>, vector<16xi1> -> vector<16xi32>
      %parallel_loop3A_603 = vector.broadcast %parallel_loop3A_583 : i32 to vector<16xi32>
      %parallel_loop3A_604 = arith.addi %parallel_loop3A_602, %parallel_loop3A_603 : vector<16xi32>
      %parallel_loop3A_605 = vector.broadcast %parallel_loop3A_455 : i32 to vector<16xi32>
      %parallel_loop3A_606 = arith.cmpi sge, %parallel_loop3A_604, %parallel_loop3A_605 : vector<16xi32>
      %parallel_loop3A_607 = tpu.all_reduce %parallel_loop3A_606 {dim = 0 : i64, kind = #tpu.reduction_kind<sum>} : vector<16xi1> -> vector<16xi32>
      %parallel_loop3A_608 = arith.addi %parallel_loop3A_584, %parallel_loop3A_607 : vector<16xi32>
      %parallel_loop3A_609 = arith.constant 15 : i32
      %parallel_loop3A_610 = vector.broadcast %parallel_loop3A_609 : i32 to vector<16xi32>
      %parallel_loop3A_611 = tpu.iota {dimensions = array<i32: 0>} : vector<16xi32>
      %parallel_loop3A_612 = arith.subi %parallel_loop3A_610, %parallel_loop3A_611 : vector<16xi32>
      %parallel_loop3A_613 = tpu.dynamic_gather %parallel_loop3A_604[%parallel_loop3A_612] in [0] : vector<16xi32>, vector<16xi32> -> vector<16xi32>
      %parallel_loop3A_614 = arith.constant 16 : i32
      %parallel_loop3A_615 = arith.muli %parallel_loop3A_586, %parallel_loop3A_614 : i32
      %parallel_loop3A_616 = arith.index_cast %parallel_loop3A_615 : i32 to index
      %parallel_loop3A_617 = tpu.vector_load %arg8[%parallel_loop3A_616] {strides = array<i32>} : memref<2064xi32, #tpu.memory_space<vmem>>, vector<16xi32>,
      tpu.vector_store %arg8[%parallel_loop3A_616], %parallel_loop3A_613 {strides = array<i32>} : memref<2064xi32, #tpu.memory_space<vmem>>, vector<16xi32>,
      %parallel_loop3A_618 = arith.constant true
      %parallel_loop3A_619 = vector.broadcast %parallel_loop3A_618 : i1 to vector<16xi1>
      %parallel_loop3A_620 = tpu.scan <sum>, %parallel_loop3A_590 masked %parallel_loop3A_619 : vector<16xi32>, vector<16xi1> -> vector<16xi32>
      %parallel_loop3A_621 = vector.extract %parallel_loop3A_620[15] : i32 from vector<16xi32>
      %parallel_loop3A_622 = arith.addi %parallel_loop3A_583, %parallel_loop3A_621 : i32
      scf.yield %parallel_loop3A_622, %parallel_loop3A_608 : i32, vector<16xi32>
    } {sc.loop_unroll_factor = 4 : i64, sc.parallel_access}
    %reduce_max3A_458 = arith.constant true
    %reduce_max3A_459 = vector.broadcast %reduce_max3A_458 : i1 to vector<16xi1>
    %reduce_max3A_460 = arith.constant -2147483648 : i32
    %reduce_max3A_461 = vector.broadcast %reduce_max3A_460 : i32 to vector<16xi32>
    %reduce_max3A_462 = arith.xori %parallel_loop3A_457#1, %reduce_max3A_461 : vector<16xi32>
    %reduce_max3A_463 = tpu.scan <max>, %reduce_max3A_462 masked %reduce_max3A_459 : vector<16xi32>, vector<16xi1> -> vector<16xi32>
    %reduce_max3A_464 = arith.xori %reduce_max3A_463, %reduce_max3A_461 : vector<16xi32>
    %reduce_max3A_465 = vector.extract %reduce_max3A_464[15] : i32 from vector<16xi32>
    %sub3A_466 = arith.constant 1 : i32
    %sub3A_467 = arith.subi %reduce_max3A_465, %sub3A_466 : i32
    %swap3A_468 = arith.constant 2048 : index
    %swap3A_469 = tpu.vector_load %arg8[%swap3A_468] {strides = array<i32>} : memref<2064xi32, #tpu.memory_space<vmem>>, vector<16xi32>,
    tpu.vector_store %arg8[%swap3A_468], %broadcast_in_dim3A_3 {strides = array<i32>} : memref<2064xi32, #tpu.memory_space<vmem>>, vector<16xi32>,
    %add3A_470 = arith.constant 1 : i32
    %add3A_471 = arith.addi %sub3A_467, %add3A_470 : i32
    %add3A_472 = vector.broadcast %add3A_471 : i32 to vector<16xi32>
    %add3A_473 = arith.addi %broadcast_in_dim3A_3, %add3A_472 : vector<16xi32>
    %gather3A_474 = tpu.vector_load_idx %arg8[%add3A_473] : memref<2064xi32, #tpu.memory_space<vmem>>[vector<16xi32>], vector<16xi32>,
    %reduce_max3A_475 = arith.constant true
    %reduce_max3A_476 = vector.broadcast %reduce_max3A_475 : i1 to vector<16xi1>
    %reduce_max3A_477 = arith.constant -2147483648 : i32
    %reduce_max3A_478 = vector.broadcast %reduce_max3A_477 : i32 to vector<16xi32>
    %reduce_max3A_479 = arith.xori %gather3A_474, %reduce_max3A_478 : vector<16xi32>
    %reduce_max3A_480 = tpu.scan <max>, %reduce_max3A_479 masked %reduce_max3A_476 : vector<16xi32>, vector<16xi1> -> vector<16xi32>
    %reduce_max3A_481 = arith.xori %reduce_max3A_480, %reduce_max3A_478 : vector<16xi32>
    %reduce_max3A_482 = vector.extract %reduce_max3A_481[15] : i32 from vector<16xi32>
    %sub3A_483 = arith.constant 2048 : i32
    %sub3A_484 = arith.subi %sub3A_483, %reduce_max3A_482 : i32
    %shift_left3A_485 = arith.constant 20 : i32
    %shift_left3A_486 = arith.shli %sub3A_467, %shift_left3A_485 : i32
    %parallel_loop3A_487 = arith.constant 0 : i32
    %parallel_loop3A_488 = arith.constant 2048 : i32
    %parallel_loop3A_489 = arith.constant 1 : i32
    %parallel_loop3A_490 = arith.constant 2147483647 : i32
    scf.for %parallel_loop3A_582 = %parallel_loop3A_487 to %parallel_loop3A_488 step %parallel_loop3A_489  : i32 {
      %parallel_loop3A_583 = arith.constant 16 : i32
      %parallel_loop3A_584 = arith.muli %parallel_loop3A_582, %parallel_loop3A_583 : i32
      %parallel_loop3A_585 = arith.index_cast %parallel_loop3A_584 : i32 to index
      %parallel_loop3A_586 = tpu.vector_load %arg5[%parallel_loop3A_585] {strides = array<i32>} : memref<32768xf32, #tpu.memory_space<vmem>>, vector<16xf32>,
      %parallel_loop3A_587 = tpu.bitcast %parallel_loop3A_586 : vector<16xf32> -> vector<16xi32>
      %parallel_loop3A_588 = vector.broadcast %parallel_loop3A_490 : i32 to vector<16xi32>
      %parallel_loop3A_589 = arith.andi %parallel_loop3A_587, %parallel_loop3A_588 : vector<16xi32>
      %parallel_loop3A_590 = arith.constant 20 : i32
      %parallel_loop3A_591 = vector.broadcast %parallel_loop3A_590 : i32 to vector<16xi32>
      %parallel_loop3A_592 = arith.shrsi %parallel_loop3A_589, %parallel_loop3A_591 : vector<16xi32>
      %parallel_loop3A_593 = vector.broadcast %sub3A_467 : i32 to vector<16xi32>
      %parallel_loop3A_594 = arith.cmpi eq, %parallel_loop3A_592, %parallel_loop3A_593 : vector<16xi32>
      %parallel_loop3A_595 = arith.constant 10 : i32
      %parallel_loop3A_596 = vector.broadcast %parallel_loop3A_595 : i32 to vector<16xi32>
      %parallel_loop3A_597 = arith.shrsi %parallel_loop3A_589, %parallel_loop3A_596 : vector<16xi32>
      %parallel_loop3A_598 = arith.constant 1023 : i32
      %parallel_loop3A_599 = vector.broadcast %parallel_loop3A_598 : i32 to vector<16xi32>
      %parallel_loop3A_600 = arith.andi %parallel_loop3A_597, %parallel_loop3A_599 : vector<16xi32>
      tpu.vector_store_idx %arg7[%parallel_loop3A_600], %broadcast_in_dim3A_1 masked %parallel_loop3A_594 {add = true} : memref<2048xi32, #tpu.memory_space<vmem>>[vector<16xi32>], vector<16xi32>, vector<16xi1>
    } {sc.loop_unroll_factor = 8 : i64, sc.parallel_access}
    %parallel_loop3A_491 = arith.constant 0 : i32
    %parallel_loop3A_492 = arith.constant 64 : i32
    %parallel_loop3A_493 = arith.constant 1 : i32
    %parallel_loop3A_494 = arith.constant 0 : i32
    %parallel_loop3A_495:2 = scf.for %parallel_loop3A_582 = %parallel_loop3A_491 to %parallel_loop3A_492 step %parallel_loop3A_493 iter_args(%parallel_loop3A_583 = %parallel_loop3A_494, %parallel_loop3A_584 = %broadcast_in_dim3A_3) -> (i32, vector<16xi32>)  : i32 {
      %parallel_loop3A_585 = arith.constant 63 : i32
      %parallel_loop3A_586 = arith.subi %parallel_loop3A_585, %parallel_loop3A_582 : i32
      %parallel_loop3A_587 = arith.constant 16 : i32
      %parallel_loop3A_588 = arith.muli %parallel_loop3A_586, %parallel_loop3A_587 : i32
      %parallel_loop3A_589 = arith.index_cast %parallel_loop3A_588 : i32 to index
      %parallel_loop3A_590 = tpu.vector_load %arg7[%parallel_loop3A_589] {strides = array<i32>} : memref<2048xi32, #tpu.memory_space<vmem>>, vector<16xi32>,
      %parallel_loop3A_591 = arith.constant 16 : i32
      %parallel_loop3A_592 = arith.muli %parallel_loop3A_586, %parallel_loop3A_591 : i32
      %parallel_loop3A_593 = arith.index_cast %parallel_loop3A_592 : i32 to index
      %parallel_loop3A_594 = tpu.vector_load %arg7[%parallel_loop3A_593] {strides = array<i32>} : memref<2048xi32, #tpu.memory_space<vmem>>, vector<16xi32>,
      tpu.vector_store %arg7[%parallel_loop3A_593], %broadcast_in_dim3A_3 {strides = array<i32>} : memref<2048xi32, #tpu.memory_space<vmem>>, vector<16xi32>,
      %parallel_loop3A_595 = arith.constant 15 : i32
      %parallel_loop3A_596 = vector.broadcast %parallel_loop3A_595 : i32 to vector<16xi32>
      %parallel_loop3A_597 = tpu.iota {dimensions = array<i32: 0>} : vector<16xi32>
      %parallel_loop3A_598 = arith.subi %parallel_loop3A_596, %parallel_loop3A_597 : vector<16xi32>
      %parallel_loop3A_599 = tpu.dynamic_gather %parallel_loop3A_590[%parallel_loop3A_598] in [0] : vector<16xi32>, vector<16xi32> -> vector<16xi32>
      %parallel_loop3A_600 = arith.constant true
      %parallel_loop3A_601 = vector.broadcast %parallel_loop3A_600 : i1 to vector<16xi1>
      %parallel_loop3A_602 = tpu.scan <sum>, %parallel_loop3A_599 masked %parallel_loop3A_601 : vector<16xi32>, vector<16xi1> -> vector<16xi32>
      %parallel_loop3A_603 = vector.broadcast %parallel_loop3A_583 : i32 to vector<16xi32>
      %parallel_loop3A_604 = arith.addi %parallel_loop3A_602, %parallel_loop3A_603 : vector<16xi32>
      %parallel_loop3A_605 = vector.broadcast %sub3A_484 : i32 to vector<16xi32>
      %parallel_loop3A_606 = arith.cmpi sge, %parallel_loop3A_604, %parallel_loop3A_605 : vector<16xi32>
      %parallel_loop3A_607 = tpu.all_reduce %parallel_loop3A_606 {dim = 0 : i64, kind = #tpu.reduction_kind<sum>} : vector<16xi1> -> vector<16xi32>
      %parallel_loop3A_608 = arith.addi %parallel_loop3A_584, %parallel_loop3A_607 : vector<16xi32>
      %parallel_loop3A_609 = arith.constant 15 : i32
      %parallel_loop3A_610 = vector.broadcast %parallel_loop3A_609 : i32 to vector<16xi32>
      %parallel_loop3A_611 = tpu.iota {dimensions = array<i32: 0>} : vector<16xi32>
      %parallel_loop3A_612 = arith.subi %parallel_loop3A_610, %parallel_loop3A_611 : vector<16xi32>
      %parallel_loop3A_613 = tpu.dynamic_gather %parallel_loop3A_604[%parallel_loop3A_612] in [0] : vector<16xi32>, vector<16xi32> -> vector<16xi32>
      %parallel_loop3A_614 = arith.constant 16 : i32
      %parallel_loop3A_615 = arith.muli %parallel_loop3A_586, %parallel_loop3A_614 : i32
      %parallel_loop3A_616 = arith.index_cast %parallel_loop3A_615 : i32 to index
      %parallel_loop3A_617 = tpu.vector_load %arg8[%parallel_loop3A_616] {strides = array<i32>} : memref<2064xi32, #tpu.memory_space<vmem>>, vector<16xi32>,
      tpu.vector_store %arg8[%parallel_loop3A_616], %parallel_loop3A_613 {strides = array<i32>} : memref<2064xi32, #tpu.memory_space<vmem>>, vector<16xi32>,
      %parallel_loop3A_618 = arith.constant true
      %parallel_loop3A_619 = vector.broadcast %parallel_loop3A_618 : i1 to vector<16xi1>
      %parallel_loop3A_620 = tpu.scan <sum>, %parallel_loop3A_590 masked %parallel_loop3A_619 : vector<16xi32>, vector<16xi1> -> vector<16xi32>
      %parallel_loop3A_621 = vector.extract %parallel_loop3A_620[15] : i32 from vector<16xi32>
      %parallel_loop3A_622 = arith.addi %parallel_loop3A_583, %parallel_loop3A_621 : i32
      scf.yield %parallel_loop3A_622, %parallel_loop3A_608 : i32, vector<16xi32>
    } {sc.loop_unroll_factor = 4 : i64, sc.parallel_access}
    %reduce_max3A_496 = arith.constant true
    %reduce_max3A_497 = vector.broadcast %reduce_max3A_496 : i1 to vector<16xi1>
    %reduce_max3A_498 = arith.constant -2147483648 : i32
    %reduce_max3A_499 = vector.broadcast %reduce_max3A_498 : i32 to vector<16xi32>
    %reduce_max3A_500 = arith.xori %parallel_loop3A_495#1, %reduce_max3A_499 : vector<16xi32>
    %reduce_max3A_501 = tpu.scan <max>, %reduce_max3A_500 masked %reduce_max3A_497 : vector<16xi32>, vector<16xi1> -> vector<16xi32>
    %reduce_max3A_502 = arith.xori %reduce_max3A_501, %reduce_max3A_499 : vector<16xi32>
    %reduce_max3A_503 = vector.extract %reduce_max3A_502[15] : i32 from vector<16xi32>
    %sub3A_504 = arith.constant 1 : i32
    %sub3A_505 = arith.subi %reduce_max3A_503, %sub3A_504 : i32
    %swap3A_506 = arith.constant 1024 : index
    %swap3A_507 = tpu.vector_load %arg8[%swap3A_506] {strides = array<i32>} : memref<2064xi32, #tpu.memory_space<vmem>>, vector<16xi32>,
    tpu.vector_store %arg8[%swap3A_506], %broadcast_in_dim3A_3 {strides = array<i32>} : memref<2064xi32, #tpu.memory_space<vmem>>, vector<16xi32>,
    %add3A_508 = arith.constant 1 : i32
    %add3A_509 = arith.addi %sub3A_505, %add3A_508 : i32
    %add3A_510 = vector.broadcast %add3A_509 : i32 to vector<16xi32>
    %add3A_511 = arith.addi %broadcast_in_dim3A_3, %add3A_510 : vector<16xi32>
    %gather3A_512 = tpu.vector_load_idx %arg8[%add3A_511] : memref<2064xi32, #tpu.memory_space<vmem>>[vector<16xi32>], vector<16xi32>,
    %reduce_max3A_513 = arith.constant true
    %reduce_max3A_514 = vector.broadcast %reduce_max3A_513 : i1 to vector<16xi1>
    %reduce_max3A_515 = arith.constant -2147483648 : i32
    %reduce_max3A_516 = vector.broadcast %reduce_max3A_515 : i32 to vector<16xi32>
    %reduce_max3A_517 = arith.xori %gather3A_512, %reduce_max3A_516 : vector<16xi32>
    %reduce_max3A_518 = tpu.scan <max>, %reduce_max3A_517 masked %reduce_max3A_514 : vector<16xi32>, vector<16xi1> -> vector<16xi32>
    %reduce_max3A_519 = arith.xori %reduce_max3A_518, %reduce_max3A_516 : vector<16xi32>
    %reduce_max3A_520 = vector.extract %reduce_max3A_519[15] : i32 from vector<16xi32>
    %sub3A_521 = arith.subi %sub3A_484, %reduce_max3A_520 : i32
    %shift_left3A_522 = arith.constant 10 : i32
    %shift_left3A_523 = arith.shli %sub3A_505, %shift_left3A_522 : i32
    %or3A_524 = arith.ori %shift_left3A_486, %shift_left3A_523 : i32
    %parallel_loop3A_525 = arith.constant 0 : i32
    %parallel_loop3A_526 = arith.constant 2048 : i32
    %parallel_loop3A_527 = arith.constant 1 : i32
    %parallel_loop3A_528 = arith.constant 2147483647 : i32
    scf.for %parallel_loop3A_582 = %parallel_loop3A_525 to %parallel_loop3A_526 step %parallel_loop3A_527  : i32 {
      %parallel_loop3A_583 = arith.constant 16 : i32
      %parallel_loop3A_584 = arith.muli %parallel_loop3A_582, %parallel_loop3A_583 : i32
      %parallel_loop3A_585 = arith.index_cast %parallel_loop3A_584 : i32 to index
      %parallel_loop3A_586 = tpu.vector_load %arg5[%parallel_loop3A_585] {strides = array<i32>} : memref<32768xf32, #tpu.memory_space<vmem>>, vector<16xf32>,
      %parallel_loop3A_587 = tpu.bitcast %parallel_loop3A_586 : vector<16xf32> -> vector<16xi32>
      %parallel_loop3A_588 = vector.broadcast %parallel_loop3A_528 : i32 to vector<16xi32>
      %parallel_loop3A_589 = arith.andi %parallel_loop3A_587, %parallel_loop3A_588 : vector<16xi32>
      %parallel_loop3A_590 = arith.constant 10 : i32
      %parallel_loop3A_591 = vector.broadcast %parallel_loop3A_590 : i32 to vector<16xi32>
      %parallel_loop3A_592 = arith.shrsi %parallel_loop3A_589, %parallel_loop3A_591 : vector<16xi32>
      %parallel_loop3A_593 = arith.constant 10 : i32
      %parallel_loop3A_594 = arith.shrsi %or3A_524, %parallel_loop3A_593 : i32
      %parallel_loop3A_595 = vector.broadcast %parallel_loop3A_594 : i32 to vector<16xi32>
      %parallel_loop3A_596 = arith.cmpi eq, %parallel_loop3A_592, %parallel_loop3A_595 : vector<16xi32>
      %parallel_loop3A_597 = arith.constant 1023 : i32
      %parallel_loop3A_598 = vector.broadcast %parallel_loop3A_597 : i32 to vector<16xi32>
      %parallel_loop3A_599 = arith.andi %parallel_loop3A_589, %parallel_loop3A_598 : vector<16xi32>
      tpu.vector_store_idx %arg7[%parallel_loop3A_599], %broadcast_in_dim3A_1 masked %parallel_loop3A_596 {add = true} : memref<2048xi32, #tpu.memory_space<vmem>>[vector<16xi32>], vector<16xi32>, vector<16xi1>
    } {sc.loop_unroll_factor = 8 : i64, sc.parallel_access}
    %parallel_loop3A_529 = arith.constant 0 : i32
    %parallel_loop3A_530 = arith.constant 64 : i32
    %parallel_loop3A_531 = arith.constant 1 : i32
    %parallel_loop3A_532 = arith.constant 0 : i32
    %parallel_loop3A_533:2 = scf.for %parallel_loop3A_582 = %parallel_loop3A_529 to %parallel_loop3A_530 step %parallel_loop3A_531 iter_args(%parallel_loop3A_583 = %parallel_loop3A_532, %parallel_loop3A_584 = %broadcast_in_dim3A_3) -> (i32, vector<16xi32>)  : i32 {
      %parallel_loop3A_585 = arith.constant 63 : i32
      %parallel_loop3A_586 = arith.subi %parallel_loop3A_585, %parallel_loop3A_582 : i32
      %parallel_loop3A_587 = arith.constant 16 : i32
      %parallel_loop3A_588 = arith.muli %parallel_loop3A_586, %parallel_loop3A_587 : i32
      %parallel_loop3A_589 = arith.index_cast %parallel_loop3A_588 : i32 to index
      %parallel_loop3A_590 = tpu.vector_load %arg7[%parallel_loop3A_589] {strides = array<i32>} : memref<2048xi32, #tpu.memory_space<vmem>>, vector<16xi32>,
      %parallel_loop3A_591 = arith.constant 16 : i32
      %parallel_loop3A_592 = arith.muli %parallel_loop3A_586, %parallel_loop3A_591 : i32
      %parallel_loop3A_593 = arith.index_cast %parallel_loop3A_592 : i32 to index
      %parallel_loop3A_594 = tpu.vector_load %arg7[%parallel_loop3A_593] {strides = array<i32>} : memref<2048xi32, #tpu.memory_space<vmem>>, vector<16xi32>,
      tpu.vector_store %arg7[%parallel_loop3A_593], %broadcast_in_dim3A_3 {strides = array<i32>} : memref<2048xi32, #tpu.memory_space<vmem>>, vector<16xi32>,
      %parallel_loop3A_595 = arith.constant 15 : i32
      %parallel_loop3A_596 = vector.broadcast %parallel_loop3A_595 : i32 to vector<16xi32>
      %parallel_loop3A_597 = tpu.iota {dimensions = array<i32: 0>} : vector<16xi32>
      %parallel_loop3A_598 = arith.subi %parallel_loop3A_596, %parallel_loop3A_597 : vector<16xi32>
      %parallel_loop3A_599 = tpu.dynamic_gather %parallel_loop3A_590[%parallel_loop3A_598] in [0] : vector<16xi32>, vector<16xi32> -> vector<16xi32>
      %parallel_loop3A_600 = arith.constant true
      %parallel_loop3A_601 = vector.broadcast %parallel_loop3A_600 : i1 to vector<16xi1>
      %parallel_loop3A_602 = tpu.scan <sum>, %parallel_loop3A_599 masked %parallel_loop3A_601 : vector<16xi32>, vector<16xi1> -> vector<16xi32>
      %parallel_loop3A_603 = vector.broadcast %parallel_loop3A_583 : i32 to vector<16xi32>
      %parallel_loop3A_604 = arith.addi %parallel_loop3A_602, %parallel_loop3A_603 : vector<16xi32>
      %parallel_loop3A_605 = vector.broadcast %sub3A_521 : i32 to vector<16xi32>
      %parallel_loop3A_606 = arith.cmpi sge, %parallel_loop3A_604, %parallel_loop3A_605 : vector<16xi32>
      %parallel_loop3A_607 = tpu.all_reduce %parallel_loop3A_606 {dim = 0 : i64, kind = #tpu.reduction_kind<sum>} : vector<16xi1> -> vector<16xi32>
      %parallel_loop3A_608 = arith.addi %parallel_loop3A_584, %parallel_loop3A_607 : vector<16xi32>
      %parallel_loop3A_609 = arith.constant 15 : i32
      %parallel_loop3A_610 = vector.broadcast %parallel_loop3A_609 : i32 to vector<16xi32>
      %parallel_loop3A_611 = tpu.iota {dimensions = array<i32: 0>} : vector<16xi32>
      %parallel_loop3A_612 = arith.subi %parallel_loop3A_610, %parallel_loop3A_611 : vector<16xi32>
      %parallel_loop3A_613 = tpu.dynamic_gather %parallel_loop3A_604[%parallel_loop3A_612] in [0] : vector<16xi32>, vector<16xi32> -> vector<16xi32>
      %parallel_loop3A_614 = arith.constant 16 : i32
      %parallel_loop3A_615 = arith.muli %parallel_loop3A_586, %parallel_loop3A_614 : i32
      %parallel_loop3A_616 = arith.index_cast %parallel_loop3A_615 : i32 to index
      %parallel_loop3A_617 = tpu.vector_load %arg8[%parallel_loop3A_616] {strides = array<i32>} : memref<2064xi32, #tpu.memory_space<vmem>>, vector<16xi32>,
      tpu.vector_store %arg8[%parallel_loop3A_616], %parallel_loop3A_613 {strides = array<i32>} : memref<2064xi32, #tpu.memory_space<vmem>>, vector<16xi32>,
      %parallel_loop3A_618 = arith.constant true
      %parallel_loop3A_619 = vector.broadcast %parallel_loop3A_618 : i1 to vector<16xi1>
      %parallel_loop3A_620 = tpu.scan <sum>, %parallel_loop3A_590 masked %parallel_loop3A_619 : vector<16xi32>, vector<16xi1> -> vector<16xi32>
      %parallel_loop3A_621 = vector.extract %parallel_loop3A_620[15] : i32 from vector<16xi32>
      %parallel_loop3A_622 = arith.addi %parallel_loop3A_583, %parallel_loop3A_621 : i32
      scf.yield %parallel_loop3A_622, %parallel_loop3A_608 : i32, vector<16xi32>
    } {sc.loop_unroll_factor = 4 : i64, sc.parallel_access}
    %reduce_max3A_534 = arith.constant true
    %reduce_max3A_535 = vector.broadcast %reduce_max3A_534 : i1 to vector<16xi1>
    %reduce_max3A_536 = arith.constant -2147483648 : i32
    %reduce_max3A_537 = vector.broadcast %reduce_max3A_536 : i32 to vector<16xi32>
    %reduce_max3A_538 = arith.xori %parallel_loop3A_533#1, %reduce_max3A_537 : vector<16xi32>
    %reduce_max3A_539 = tpu.scan <max>, %reduce_max3A_538 masked %reduce_max3A_535 : vector<16xi32>, vector<16xi1> -> vector<16xi32>
    %reduce_max3A_540 = arith.xori %reduce_max3A_539, %reduce_max3A_537 : vector<16xi32>
    %reduce_max3A_541 = vector.extract %reduce_max3A_540[15] : i32 from vector<16xi32>
    %sub3A_542 = arith.constant 1 : i32
    %sub3A_543 = arith.subi %reduce_max3A_541, %sub3A_542 : i32
    %swap3A_544 = arith.constant 1024 : index
    %swap3A_545 = tpu.vector_load %arg8[%swap3A_544] {strides = array<i32>} : memref<2064xi32, #tpu.memory_space<vmem>>, vector<16xi32>,
    tpu.vector_store %arg8[%swap3A_544], %broadcast_in_dim3A_3 {strides = array<i32>} : memref<2064xi32, #tpu.memory_space<vmem>>, vector<16xi32>,
    %add3A_546 = arith.constant 1 : i32
    %add3A_547 = arith.addi %sub3A_543, %add3A_546 : i32
    %add3A_548 = vector.broadcast %add3A_547 : i32 to vector<16xi32>
    %add3A_549 = arith.addi %broadcast_in_dim3A_3, %add3A_548 : vector<16xi32>
    %gather3A_550 = tpu.vector_load_idx %arg8[%add3A_549] : memref<2064xi32, #tpu.memory_space<vmem>>[vector<16xi32>], vector<16xi32>,
    %reduce_max3A_551 = arith.constant true
    %reduce_max3A_552 = vector.broadcast %reduce_max3A_551 : i1 to vector<16xi1>
    %reduce_max3A_553 = arith.constant -2147483648 : i32
    %reduce_max3A_554 = vector.broadcast %reduce_max3A_553 : i32 to vector<16xi32>
    %reduce_max3A_555 = arith.xori %gather3A_550, %reduce_max3A_554 : vector<16xi32>
    %reduce_max3A_556 = tpu.scan <max>, %reduce_max3A_555 masked %reduce_max3A_552 : vector<16xi32>, vector<16xi1> -> vector<16xi32>
    %reduce_max3A_557 = arith.xori %reduce_max3A_556, %reduce_max3A_554 : vector<16xi32>
    %reduce_max3A_558 = vector.extract %reduce_max3A_557[15] : i32 from vector<16xi32>
    %or3A_559 = arith.ori %or3A_524, %sub3A_543 : i32
    %dma_wait3A_560 = arith.constant 0 : i32
    %dma_wait3A_561 = tpu.memref_slice %arg3[%add3A_295, %dma_wait3A_560] : memref<128x32768xf32, #tpu.memory_space<hbm>> -> memref<1x32768xf32, #tpu.memory_space<hbm>>
    %dma_wait3A_562 = tpu.memref_squeeze %dma_wait3A_561 : memref<1x32768xf32, #tpu.memory_space<hbm>> -> memref<32768xf32, #tpu.memory_space<hbm>>
    %dma_wait3A_563 = arith.constant 0 : i32
    %dma_wait3A_564 = tpu.memref_slice %arg3[%add3A_295, %dma_wait3A_563] : memref<128x32768xf32, #tpu.memory_space<hbm>> -> memref<1x32768xf32, #tpu.memory_space<hbm>>
    %dma_wait3A_565 = tpu.memref_squeeze %dma_wait3A_564 : memref<1x32768xf32, #tpu.memory_space<hbm>> -> memref<32768xf32, #tpu.memory_space<hbm>>
    tpu.wait_dma2 semaphore(%arg10 : memref<!tpu.dma_semaphore, #tpu.memory_space<semaphore_mem>>) src(%arg6 : memref<32768xf32, #tpu.memory_space<vmem>>) dst(%dma_wait3A_565 : memref<32768xf32, #tpu.memory_space<hbm>>)
    %parallel_loop3A_566 = arith.constant 0 : i32
    %parallel_loop3A_567 = arith.constant 2048 : i32
    %parallel_loop3A_568 = arith.constant 1 : i32
    %parallel_loop3A_569 = arith.constant 2147483647 : i32
    scf.for %parallel_loop3A_582 = %parallel_loop3A_566 to %parallel_loop3A_567 step %parallel_loop3A_568  : i32 {
      %parallel_loop3A_583 = arith.constant 16 : i32
      %parallel_loop3A_584 = arith.muli %parallel_loop3A_582, %parallel_loop3A_583 : i32
      %parallel_loop3A_585 = arith.index_cast %parallel_loop3A_584 : i32 to index
      %parallel_loop3A_586 = tpu.vector_load %arg5[%parallel_loop3A_585] {strides = array<i32>} : memref<32768xf32, #tpu.memory_space<vmem>>, vector<16xf32>,
      %parallel_loop3A_587 = tpu.bitcast %parallel_loop3A_586 : vector<16xf32> -> vector<16xi32>
      %parallel_loop3A_588 = vector.broadcast %parallel_loop3A_569 : i32 to vector<16xi32>
      %parallel_loop3A_589 = arith.andi %parallel_loop3A_587, %parallel_loop3A_588 : vector<16xi32>
      %parallel_loop3A_590 = vector.broadcast %or3A_559 : i32 to vector<16xi32>
      %parallel_loop3A_591 = arith.cmpi sge, %parallel_loop3A_589, %parallel_loop3A_590 : vector<16xi32>
      %parallel_loop3A_592 = arith.constant 0.000000e+00 : f32
      %parallel_loop3A_593 = vector.broadcast %parallel_loop3A_592 : f32 to vector<16xf32>
      %parallel_loop3A_594 = arith.select %parallel_loop3A_591, %parallel_loop3A_586, %parallel_loop3A_593 : vector<16xi1>, vector<16xf32>
      %parallel_loop3A_595 = arith.constant 16 : i32
      %parallel_loop3A_596 = arith.muli %parallel_loop3A_582, %parallel_loop3A_595 : i32
      %parallel_loop3A_597 = arith.index_cast %parallel_loop3A_596 : i32 to index
      %parallel_loop3A_598 = tpu.vector_load %arg6[%parallel_loop3A_597] {strides = array<i32>} : memref<32768xf32, #tpu.memory_space<vmem>>, vector<16xf32>,
      tpu.vector_store %arg6[%parallel_loop3A_597], %parallel_loop3A_594 {strides = array<i32>} : memref<32768xf32, #tpu.memory_space<vmem>>, vector<16xf32>,
    } {sc.loop_unroll_factor = 8 : i64, sc.parallel_access}
    %dma_start3A_570 = arith.constant 0 : i32
    %dma_start3A_571 = tpu.memref_slice %arg3[%add3A_441, %dma_start3A_570] : memref<128x32768xf32, #tpu.memory_space<hbm>> -> memref<1x32768xf32, #tpu.memory_space<hbm>>
    %dma_start3A_572 = tpu.memref_squeeze %dma_start3A_571 : memref<1x32768xf32, #tpu.memory_space<hbm>> -> memref<32768xf32, #tpu.memory_space<hbm>>
    %dma_start3A_573 = arith.constant 0 : i32
    %dma_start3A_574 = tpu.memref_slice %arg3[%add3A_441, %dma_start3A_573] : memref<128x32768xf32, #tpu.memory_space<hbm>> -> memref<1x32768xf32, #tpu.memory_space<hbm>>
    %dma_start3A_575 = tpu.memref_squeeze %dma_start3A_574 : memref<1x32768xf32, #tpu.memory_space<hbm>> -> memref<32768xf32, #tpu.memory_space<hbm>>
    tpu.enqueue_dma source(%arg6 : memref<32768xf32, #tpu.memory_space<vmem>>) target(%dma_start3A_575 : memref<32768xf32, #tpu.memory_space<hbm>>) target_semaphore(%arg10 : memref<!tpu.dma_semaphore, #tpu.memory_space<semaphore_mem>>)
    %dma_wait3A_576 = arith.constant 0 : i32
    %dma_wait3A_577 = tpu.memref_slice %arg3[%add3A_441, %dma_wait3A_576] : memref<128x32768xf32, #tpu.memory_space<hbm>> -> memref<1x32768xf32, #tpu.memory_space<hbm>>
    %dma_wait3A_578 = tpu.memref_squeeze %dma_wait3A_577 : memref<1x32768xf32, #tpu.memory_space<hbm>> -> memref<32768xf32, #tpu.memory_space<hbm>>
    %dma_wait3A_579 = arith.constant 0 : i32
    %dma_wait3A_580 = tpu.memref_slice %arg3[%add3A_441, %dma_wait3A_579] : memref<128x32768xf32, #tpu.memory_space<hbm>> -> memref<1x32768xf32, #tpu.memory_space<hbm>>
    %dma_wait3A_581 = tpu.memref_squeeze %dma_wait3A_580 : memref<1x32768xf32, #tpu.memory_space<hbm>> -> memref<32768xf32, #tpu.memory_space<hbm>>
    tpu.wait_dma2 semaphore(%arg10 : memref<!tpu.dma_semaphore, #tpu.memory_space<semaphore_mem>>) src(%arg6 : memref<32768xf32, #tpu.memory_space<vmem>>) dst(%dma_wait3A_581 : memref<32768xf32, #tpu.memory_space<hbm>>)
    return
  }
}

</mosaic_0001>

<sc_bundles>
// kernel: kernel.3.cloned.1.call-start
scs
__scs_entry_jumppad:
0x0: {  	(pc) =	sbr.rel $0x88, $3  }
0x1: {  	(tag) =	ssettag $0x0;
	lr =	simm.s32 $0x1  }
0x2: {  	[smem:$0x3FA0] =	sst lr;
	_ =	strace $0xD0000000  }
0x3: {  	_ = 	snop  }
0x4: {  	_ = 	snop  }
0x5: {  	_ = 	snop  }
0x6: {  	_ = 	snop  }
0x7: {  	_ = 	snop  }
__scs_overlays_trampoline_lowered:
0x8: {  	[smem:$0x3FAF] =	sst s0  }
0x9: {  	[smem:$0x3FB0] =	sst s1  }
0xa: {  	[smem:$0x3FB1] =	sst s2  }
0xb: {  	[smem:$0x3FB2] =	sst s3  }
0xc: {  	[smem:$0x3FB3] =	sst s4  }
0xd: {  	[smem:$0x3FB4] =	sst s5  }
0xe: {  	[smem:$0x3FB5] =	sst s6  }
0xf: {  	[smem:$0x3FB6] =	sst s7  }
0x10: {  	[smem:$0x3FB7] =	sst s8  }
0x11: {  	[smem:$0x3FB8] =	sst s9;
	s0 =	simm.s32 @!p0 $0x0  }
0x12: {  	s1 =	sld [smem:$0x3F9E];
	s0 =	simm.s32 @p0 $0x1  }
0x13: {  	[smem:$0x3FB9] =	sst s0;
	s0 =	simm.s32 @!p1 $0x0  }
0x14: {  	s2 =	sld [smem:$0x3F9D];
	s0 =	simm.s32 @p1 $0x1  }
0x15: {  	[smem:$0x3FBA] =	sst s0;
	s0 =	simm.s32 @!p2 $0x0  }
0x16: {  	s3 =	sld [smem:$0x3FDB];
	s0 =	simm.s32 @p2 $0x1  }
0x17: {  	s4 =	simm.s32 $0x1BF5;
	[smem:$0x3FBC] =	sst s0  }
0x18: {  	s0 =	sld [smem:$0x3F9F];
	_ =	swait.ge [sflag:s4], $0x0  }
0x19: {  	s7 =	sld [smem:$0x3FA0]  }
0x1a: {  	s8 =	sadd.s32 $0xFFFFE003, lr  }
0x1b: {  	s9 =	sadd.s32 $0xFFFFFEF7, lr;
	s5 =	simm.s32 $0xFFFFFFFF;
	p2 =	slt.u32 s8, $0xFFFFF086  }
0x1c: {  	p1 =	slt.u32 s9, $0xF7A;
	s5 =	simm.s32 @!p2 $0x0  }
0x1d: {  	s5 =	simm.s32 @p1 $0x1;
	p0 =	seq.s32 s7, s2  }
0x1e: {  	s7 =	smul.u32 @!p0 $0xF7A, s2;
	p2 =	seq.s32 @!p0 s5, $0x0  }
0x1f: {  	s9 =	smul.u32 $0xF7A, s1;
	s8 =	simm.s32 @!p0 $0x1BF5;
	p2 =	por !p2, p0  }
0x20: {  	[sflag:s8] =	ssyncset.s32 @!p0 $0xFFFFF086;
	s6 =	sadd.s32 @!p0 s3, s7;
	s7 =	simm.s32 @!p0 $0x108  }
0x21: {  	s3 =	sadd.s32 s3, s9;
	s6 =	sadd.s32 @!p0 $0x88, s6;
	s7 =	simm.s32 @p2 $0x1082  }
0x22: {  	[simem:s7], [sflag:s8] =	dma.local @!p0 [hbm:s6], $0xF7A  }
0x23: {  	s9 =	sor.u32 $0xD0000000, s2;
	s6 =	simm.s32 $0x108;
	_ =	swait.ge @!p0 [sflag:s8], $0x0  }
0x24: {  	s3 =	sadd.s32 $0x88, s3;
	s6 =	simm.s32 @!p1 $0x1082;
	[sflag:s4] =	ssyncset.s32 $0xFFFFF086  }
0x25: {  	[simem:s6], [sflag:s4] =	dma.local [hbm:s3], $0xF7A  }
0x26: {  	[smem:$0x3FA0] =	sst s1;
	(tag) =	ssettag s2;
	_ =	strace s9  }
0x27: {  	s1 =	sld [smem:$0x3FB0]  }
0x28: {  	s2 =	sld [smem:$0x3FB1]  }
0x29: {  	s4 =	sld [smem:$0x3FB3]  }
0x2a: {  	p0 =	seq.s32 s5, $0x0;
	s5 =	sld [smem:$0x3FB4]  }
0x2b: {  	s6 =	sld [smem:$0x3FB5]  }
0x2c: {  	s7 =	sld [smem:$0x3FB6]  }
0x2d: {  	s3 =	simm.s32 $0x108;
	s8 =	sld [smem:$0x3FB7]  }
0x2e: {  	s3 =	simm.s32 @!p0 $0x1082;
	s9 =	sld [smem:$0x3FB8]  }
0x2f: {  	lr =	sadd.s32 s0, s3;
	s0 =	sld [smem:$0x3FAF]  }
0x30: {  	s3 =	sld [smem:$0x3FB2]  }
0x31: {  	[smem:$0x3FBB] =	sst s10  }
0x32: {  	s10 =	sld [smem:$0x3FB9];
	_ =	sdelay $0x3  }
0x33: {  	p0 =	seq.s32 s10, $0x1;
	s10 =	sld [smem:$0x3FBB];
	_ =	sdelay $0x3  }
0x34: {  	[smem:$0x3FBB] =	sst s10  }
0x35: {  	s10 =	sld [smem:$0x3FBA];
	_ =	sdelay $0x3  }
0x36: {  	p1 =	seq.s32 s10, $0x1;
	s10 =	sld [smem:$0x3FBB];
	_ =	sdelay $0x3  }
0x37: {  	[smem:$0x3FBB] =	sst s10  }
0x38: {  	s10 =	sld [smem:$0x3FBC]  }
0x39: {  	_ = 	snop;
	(pc) =	sbr.ind lr, $3  }
0x3a: {  	_ = 	snop  }
0x3b: {  	_ = 	snop  }
0x3c: {  	p2 =	seq.s32 s10, $0x1;
	s10 =	sld [smem:$0x3FBB]  }
0x3d: {  	_ =	shalt  }
0x3e: {  	_ =	shalt  }
0x3f: {  	_ =	shalt  }
0x40: {  	_ =	shalt  }
0x41: {  	_ =	shalt  }
0x42: {  	_ =	shalt  }
0x43: {  	_ =	shalt  }
0x44: {  	_ =	shalt  }
0x45: {  	_ =	shalt  }
0x46: {  	_ =	shalt  }
0x47: {  	_ =	shalt  }
0x48: {  	_ =	shalt  }
0x49: {  	_ =	shalt  }
0x4a: {  	_ =	shalt  }
0x4b: {  	_ =	shalt  }
0x4c: {  	_ =	shalt  }
0x4d: {  	_ =	shalt  }
0x4e: {  	_ =	shalt  }
0x4f: {  	_ =	shalt  }
0x50: {  	_ =	shalt  }
0x51: {  	_ =	shalt  }
0x52: {  	_ =	shalt  }
0x53: {  	_ =	shalt  }
0x54: {  	_ =	shalt  }
0x55: {  	_ =	shalt  }
0x56: {  	_ =	shalt  }
0x57: {  	_ =	shalt  }
0x58: {  	_ =	shalt  }
0x59: {  	_ =	shalt  }
0x5a: {  	_ =	shalt  }
0x5b: {  	_ =	shalt  }
0x5c: {  	_ =	shalt  }
0x5d: {  	_ =	shalt  }
0x5e: {  	_ =	shalt  }
0x5f: {  	_ =	shalt  }
0x60: {  	_ =	shalt  }
0x61: {  	_ =	shalt  }
0x62: {  	_ =	shalt  }
0x63: {  	_ =	shalt  }
0x64: {  	_ =	shalt  }
0x65: {  	_ =	shalt  }
0x66: {  	_ =	shalt  }
0x67: {  	_ =	shalt  }
0x68: {  	_ =	shalt  }
0x69: {  	_ =	shalt  }
0x6a: {  	_ =	shalt  }
0x6b: {  	_ =	shalt  }
0x6c: {  	_ =	shalt  }
0x6d: {  	_ =	shalt  }
0x6e: {  	_ =	shalt  }
0x6f: {  	_ =	shalt  }
0x70: {  	_ =	shalt  }
0x71: {  	_ =	shalt  }
0x72: {  	_ =	shalt  }
0x73: {  	_ =	shalt  }
0x74: {  	_ =	shalt  }
0x75: {  	_ =	shalt  }
0x76: {  	_ =	shalt  }
0x77: {  	_ =	shalt  }
0x78: {  	_ =	shalt  }
0x79: {  	_ =	shalt  }
0x7a: {  	_ =	shalt  }
0x7b: {  	_ =	shalt  }
0x7c: {  	_ =	shalt  }
0x7d: {  	_ =	shalt  }
0x7e: {  	_ =	shalt  }
0x7f: {  	_ =	shalt  }
0x80: {  	_ =	shalt  }
0x81: {  	_ =	shalt  }
0x82: {  	_ =	shalt  }
0x83: {  	_ =	shalt  }
0x84: {  	_ =	shalt  }
0x85: {  	_ =	shalt  }
0x86: {  	_ =	shalt  }
0x87: {  	_ =	shalt  }
.Lfunc_end0:
.L_simem_size_0:
called_computation_lowered:
.L_overlay_start_0:
0x88: {  	s2 =	sld [smem:$0x3FD9]  }
0x89: {  	s3 =	sld [smem:$0x3FFE];
	_ =	sdelay $0x1  }
0x8a: {  	s1 =	srdreg.scid  }
0x8b: {  	s0 =	sand.u32 $0x1, s1  }
0x8c: {  	s18 =	sshll.u32 s0, $0xA;
	s2 =	sadd.s32 s3, s2  }
0x8d: {  	s2 =	sadd.s32 s2, s18  }
0x8e: {  	[smem:$0x3FC7] =	sst s2  }
0x8f: {  	_ = 	snop  }
0x90: {  	s2 =	sld [smem:$0x3FC9]  }
0x91: {  	s19 =	sld [smem:$0x3FD0];
	(tm) =	ssettm $0x1  }
0x92: {  	s4 =	sld [smem:$0x3FFB];
	_ =	sdelay $0x3  }
0x93: {  	_ =	strace s4  }
0x94: {  	s4 =	sld [smem:$0x3FFC];
	_ =	sdelay $0x3  }
0x95: {  	_ =	strace s4  }
0x96: {  	s4 =	sld [smem:$0x3FFD];
	_ =	sdelay $0x3  }
0x97: {  	_ =	strace s4  }
0x98: {  	_ =	strace $0x8FFFFFFF  }
0x99: {  	s20 =	sld [smem:$0x3FDB];
	_ =	sdelay $0x1  }
0x9a: {  	s5 =	simm.s32 $_scs_section_size  }
0x9b: {  	s6 =	simm.s32 $_size__tile_overlayer_lowered;
	s7 =	simm.s32 $_tile_overlayer_lowered  }
0x9c: {  	s23 =	simm.s32 $0x1BFF;
	s22 =	sshll.u32 s7, $0x1;
	s4 =	sadd.s32 s5, s20  }
0x9d: {  	s8 =	simm.s32 $0x0;
	s21 =	sshll.u32 s6, $0x1;
	s6 =	sadd.s32 s22, s4  }
0x9e: {  	[timem:s8], [sflag:s23] =	dma.local [hbm:s6], s21  }
0x9f: {  	_ =	swait.ge [sflag:s23], s21  }
0xa0: {  	s5 =	ssub.s32 $0x0, s21;
	[sflag:s23] =	ssyncset.done $0x0  }
0xa1: {  	[sflag:s23] =	ssyncadd.s32 s5;
	_ =	sdelay $0x1  }
0xa2: {  	s24 =	simm.s32 $0x1B8B  }
0xa3: {  	_ =	swait.ge [sflag:s24], $0x1  }
0xa4: {  	[sflag:s24] =	ssyncset.done $0x0  }
0xa5: {  	s25 =	simm.s32 $0x1B8E;
	[sflag:s24] =	ssyncadd.s32 $0xFFFFFFFF  }
0xa6: {  	s26 =	simm.s32 $execute0_lowered;
	[smem:$0x3FD2] =	sst s25  }
0xa7: {  	s5 =	sshll.u32 s26, $0x1;
	_ =	strace $0x80000046;
	[dreg:$0x1] =	wrdreg $0xFFFFFFFF  }
0xa8: {  	s28 =	simm.s32 $_size_execute0_lowered;
	s4 =	sadd.s32 s4, s5;
	[dreg:$0x0] =	wrdreg $0x0  }
0xa9: {  	s5 =	sshll.u32 s28, $0x1;
	[dreg:$0x2] =	wrdreg s4  }
0xaa: {  	[dreg:$0x3] =	wrdreg s5  }
0xab: {  	[dreg:$0x4] =	wrdreg $0xC0  }
0xac: {  	_ =	task [dreg:s8], $0x5FFFF  }
0xad: {  	[dreg:$0x1] =	wrdreg $0xFFFFFFFF  }
0xae: {  	[dreg:$0x0] =	wrdreg $0x60  }
0xaf: {  	[dreg:$0x2] =	wrdreg s2  }
0xb0: {  	[dreg:$0x3] =	wrdreg s19  }
0xb1: {  	[dreg:$0x4] =	wrdreg $0x9  }
0xb2: {  	_ =	task.clear_ibuf [dreg:s8], $0x5FFFF;
	_ =	strace $0x90000046  }
0xb3: {  	s29 =	simm.s32 $0x9;
	_ =	strace $0x80000048  }
0xb4: {  	_ =	swait.ge [sflag:s29], $0x1  }
0xb5: {  	[sflag:s29] =	ssyncadd.s32 $0xFFFFFFFF  }
0xb6: {  	_ =	strace $0x90000048  }
0xb7: {  	_ =	sfence  }
0xb8: {  	s30 =	sld [smem:$0x0];
	_ =	sdelay $0x2  }
0xb9: {  	s31 =	sshll.u32 s1, $0xD;
	s1 =	sshrl.u32 s1, $0x2  }
0xba: {  	s3 =	sand.u32 $0x4000, s31;
	s1 =	sadd.s32 s1, s30  }
0xbb: {  	s0 =	sor.u32 s3, s0;
	s1 =	sshll.u32 s1, $0x11  }
0xbc: {  	s0 =	sor.u32 s1, s0  }
0xbd: {  	s0 =	sadd.s32 $0x8F2B, s0  }
0xbe: {  	[sflag:s0] =	ssyncadd.remote.s32 $0x1  }
0xbf: {  	_ =	sfence.sel $0xFFFF  }
0xc0: {  	[dreg:$0x0] =	wrdreg $0xFFFFFFFF;
	(pc) =	sbr.abs _section_cstart, $3  }
0xc1: {  	[dreg:$0x1] =	wrdreg $0xFFFFFFFF  }
0xc2: {  	_ =	task.clear_ibuf [dreg:s8], $0x2FFFF;
	_ =	strace $0x9FFFFFFF  }
0xc3: {  	(tm) =	ssettm $0x7FFFFFFF  }
tec
execute0_lowered:
.L_overlay_start_1:
0x0: {  	(tag) =	ssettag $0x1  }
0x1: {  	s8 =	rddreg [dreg:$0x0]  }
0x2: {  	s10 =	rddreg [dreg:$0x1]  }
0x3: {  	s2 =	srdreg.scid;
	s1 =	stileid.u32;
	s13 =	simm.s32 $0x400  }
0x4: {  	s14 =	simm.s32 $0x1;
	s15 =	simm.s32 $0x8000;
	s16 =	simm.s32 $0x18000  }
0x5: {  	s17 =	simm.s32 $0x18800;
	s18 =	simm.s32 $0x10000;
	s19 =	simm.s32 $0x2  }
0x6: {  	s20 =	simm.s32 $0x0;
	s3 =	sand.u32 $0x1, s2;
	s2 =	simm.s32 $0x0  }
0x7: {  	s4 =	sshll.u32 s1, $0xF;
	s5 =	sshll.u32 s3, $0x6;
	s3 =	ssub.s32 $0x2, s3  }
0x8: {  	[smem:$0x7FF] =	sst s2;
	s6 =	sor.u32 s5, s4;
	s31 =	sshrl.u32 s3, $0x1  }
0x9: {  	_ =	strace $0x80000047;
	s7 =	sor.u32 $0x10, s6;
	s11 =	ssub.s32 s3, s31  }
0xa: {  	v0 =	vlaneseq.u32;
	s3 =	sadd.s32 s8, s6;
	s5 =	sadd.s32 s10, s6;
	s9 =	sor.u32 $0x20, s6  }
0xb: {  	v2 =	vmul.u32 $0xFFFFFFFF, v0;
	s12 =	sor.u32 $0x30, s6;
	s4 =	sadd.s32 s8, s7;
	s6 =	sadd.s32 s8, s9  }
0xc: {  	s7 =	sadd.s32 s10, s7;
	s8 =	sadd.s32 s8, s12;
	s9 =	sadd.s32 s10, s9  }
0xd: {  	v1 =	vimm.s32 $0x1;
	v0 =	vimm.s32 $0x0;
	v2 =	vadd.s32 $0xF, v2;
	s10 =	sadd.s32 s10, s12;
	s11 =	smax.u32 s11, $0x1;
	s12 =	simm.s32 $0x80  }
.LBB2_1:
0xe: {  	s21 =	simm.s32 $0x18040  }
0xf: {  	[tilespmem:s21+$0xFFFFFFC0] =	vst v0  }
0x10: {  	[tilespmem:s21+$0x30] =	vst v0  }
0x11: {  	[tilespmem:s21+$0x20] =	vst v0  }
0x12: {  	[tilespmem:s21+$0x10] =	vst v0  }
0x13: {  	[tilespmem:s21+$0x0] =	vst v0  }
0x14: {  	[tilespmem:s21+$0xFFFFFFF0] =	vst v0  }
0x15: {  	s22 =	simm.s32 $0x0;
	[tilespmem:s21+$0xFFFFFFE0] =	vst v0  }
.LBB2_2:
0x16: {  	s22 =	sadd.s32 $0x8, s22;
	[tilespmem:s21+$0xFFFFFFD0] =	vst v0;
	s21 =	sadd.s32 $0x80, s21  }
0x17: {  	[tilespmem:s21+$0xFFFFFFC0] =	vst v0;
	p0 =	slt.u32 s22, $0x78  }
0x18: {  	[tilespmem:s21+$0x30] =	vst v0  }
.Ltmp0:
0x19: {  	[tilespmem:s21+$0x20] =	vst v0;
	(pc) =	sbr.rel @p0 .LBB2_2-.Ltmp0, $4  }
0x1a: {  	[tilespmem:s21+$0x10] =	vst v0  }
0x1b: {  	[tilespmem:s21+$0x0] =	vst v0  }
0x1c: {  	[tilespmem:s21+$0xFFFFFFF0] =	vst v0  }
0x1d: {  	[tilespmem:s21+$0xFFFFFFE0] =	vst v0  }
0x1e: {  	[tilespmem:s21+$0xFFFFFFD0] =	vst v0  }
0x1f: {  	[tilespmem:s2], [sflag:$0x1] =	stream.strided.gather [hbm4b:s3+s12], $0x8000, s13, s12, $0x38;
	[tilespmem:$0x19080] =	vst v63  }
0x20: {  	_ =	swait.ge [sflag:s14], $0x8000  }
0x21: {  	[sflag:s14] =	ssyncset.done $0x0  }
0x22: {  	s31 =	simm.s32 $0x40;
	[sflag:s14] =	ssyncadd.s32 $0xFFFF8000  }
0x23: {  	[tilespmem:s15], [sflag:$0x1] =	stream.strided.gather [hbm4b:s4+s12], $0x8000, s13, s12, $0x38;
	[tilespmem:$0x19080] =	vst v63  }
0x24: {  	v3 =	vld [tilespmem:s31+$0x30]  }
0x25: {  	v4 =	vld [tilespmem:s31+$0xFFFFFFD0]  }
0x26: {  	v5 =	vld [tilespmem:s31+$0xFFFFFFE0]  }
0x27: {  	v6 =	vld [tilespmem:s31+$0xFFFFFFF0]  }
0x28: {  	v7 =	vld [tilespmem:s31+$0x0]  }
0x29: {  	v3 =	vshrl.u32 v3, $0x14  }
0x2a: {  	v4 =	vshrl.u32 v4, $0x14;
	v3 =	vand.u32 $0x7FF, v3  }
0x2b: {  	v8 =	vld [tilespmem:s31+$0x10];
	v5 =	vshrl.u32 v5, $0x14;
	v4 =	vand.u32 $0x7FF, v4  }
0x2c: {  	v9 =	vld [tilespmem:s31+$0x20];
	v6 =	vshrl.u32 v6, $0x14;
	v5 =	vand.u32 $0x7FF, v5  }
0x2d: {  	v10 =	vld [tilespmem:s31+$0xFFFFFFC0];
	v7 =	vshrl.u32 v7, $0x14;
	v6 =	vand.u32 $0x7FF, v6  }
0x2e: {  	v7 =	vand.u32 $0x7FF, v7  }
0x2f: {  	[tilespmem:v3+s16+$0x0] =	vst.idx.add.s32.msk $0xffff, v1  }
0x30: {  	[tilespmem:v4+s16+$0x0] =	vst.idx.add.s32.msk $0xffff, v1  }
0x31: {  	[tilespmem:v5+s16+$0x0] =	vst.idx.add.s32.msk $0xffff, v1  }
0x32: {  	s23 =	simm.s32 $0x0;
	v3 =	vshrl.u32 v8, $0x14;
	v5 =	vshrl.u32 v9, $0x14;
	v8 =	vshrl.u32 v10, $0x14;
	[tilespmem:v6+s16+$0x0] =	vst.idx.add.s32.msk $0xffff, v1  }
0x33: {  	s21 =	simm.s32 $0x18FF0;
	s22 =	simm.s32 $0x187F0;
	s24 =	simm.s32 $0xC0;
	[tilespmem:v7+s16+$0x0] =	vst.idx.add.s32.msk $0xffff, v1;
	v4 =	vand.u32 $0x7FF, v3;
	v5 =	vand.u32 $0x7FF, v5;
	v6 =	vand.u32 $0x7FF, v8  }
.LBB2_4:
0x34: {  	v3 =	vld [tilespmem:s24+$0x30];
	s23 =	sadd.s32 $0x8, s23  }
0x35: {  	v7 =	vld [tilespmem:s24+$0xFFFFFFD0];
	p0 =	slt.u32 s23, $0x7F8  }
0x36: {  	v8 =	vld [tilespmem:s24+$0xFFFFFFE0]  }
0x37: {  	v9 =	vld [tilespmem:s24+$0xFFFFFFF0]  }
0x38: {  	v10 =	vld [tilespmem:s24+$0x0]  }
0x39: {  	v11 =	vld [tilespmem:s24+$0x10];
	v3 =	vshrl.u32 v3, $0x14  }
0x3a: {  	v7 =	vshrl.u32 v7, $0x14;
	v12 =	vld [tilespmem:s24+$0x20];
	v3 =	vand.u32 $0x7FF, v3  }
0x3b: {  	v13 =	vld [tilespmem:s24+$0xFFFFFFC0];
	v7 =	vand.u32 $0x7FF, v7;
	v8 =	vshrl.u32 v8, $0x14  }
0x3c: {  	v8 =	vand.u32 $0x7FF, v8;
	v9 =	vshrl.u32 v9, $0x14;
	[tilespmem:v6+s16+$0x0] =	vst.idx.add.s32.msk $0xffff, v1  }
0x3d: {  	v9 =	vand.u32 $0x7FF, v9;
	v6 =	vshrl.u32 v10, $0x14;
	[tilespmem:v4+s16+$0x0] =	vst.idx.add.s32.msk $0xffff, v1  }
0x3e: {  	v10 =	vand.u32 $0x7FF, v6;
	v4 =	vshrl.u32 v11, $0x14;
	[tilespmem:v5+s16+$0x0] =	vst.idx.add.s32.msk $0xffff, v1  }
.Ltmp1:
0x3f: {  	s25 =	simm.s32 $0x0;
	v4 =	vand.u32 $0x7FF, v4;
	v5 =	vshrl.u32 v12, $0x14;
	[tilespmem:v3+s16+$0x0] =	vst.idx.add.s32.msk $0xffff, v1;
	v3 =	vimm.s32 $0x0;
	(pc) =	sbr.rel @p0 .LBB2_4-.Ltmp1, $4  }
0x40: {  	v6 =	vshrl.u32 v13, $0x14;
	[tilespmem:v7+s16+$0x0] =	vst.idx.add.s32.msk $0xffff, v1;
	v5 =	vand.u32 $0x7FF, v5  }
0x41: {  	v6 =	vand.u32 $0x7FF, v6;
	[tilespmem:v8+s16+$0x0] =	vst.idx.add.s32.msk $0xffff, v1  }
0x42: {  	[tilespmem:v9+s16+$0x0] =	vst.idx.add.s32.msk $0xffff, v1  }
0x43: {  	s24 =	sadd.s32 $0x80, s24;
	[tilespmem:v10+s16+$0x0] =	vst.idx.add.s32.msk $0xffff, v1  }
0x44: {  	_ =	sdelay $0x3  }
0x45: {  	[tilespmem:v6+s16+$0x0] =	vst.idx.add.s32.msk $0xffff, v1  }
0x46: {  	[tilespmem:v4+s16+$0x0] =	vst.idx.add.s32.msk $0xffff, v1  }
0x47: {  	[tilespmem:v5+s16+$0x0] =	vst.idx.add.s32.msk $0xffff, v1  }
0x48: {  	v4 =	vld [tilespmem:s22+$0x0]  }
0x49: {  	v5 =	vld [tilespmem:s22+$0xFFFFFFF0];
	_ =	sdelay $0x1  }
0x4a: {  	v6 =	vld [tilespmem:s22+$0xFFFFFFE0];
	_ =	sdelay $0x1  }
0x4b: {  	v7 =	vld [tilespmem:s22+$0xFFFFFFD0];
	(xrf0) =	vadd.scan.msk.s32 $0xffff, v4  }
0x4c: {  	(xrf0) =	vadd.scan.msk.s32 $0xffff, v5;
	_ =	sdelay $0x1  }
0x4d: {  	(xrf0) =	vadd.scan.msk.s32 $0xffff, v6;
	_ =	sdelay $0x1  }
0x4e: {  	(xrf0) =	vadd.scan.msk.s32 $0xffff, v7  }
0x4f: {  	s23 =	simm.s32 $0x187B0;
	v8, _, _ =	vpop (xrf0)  }
0x50: {  	v6 =	vperm.xlane v6, v2;
	v9, _, _ =	vpop (xrf0);
	(v2sf) =	vpush v8, $0xF;
	v8 =	vld [tilespmem:s23+$0x0]  }
0x51: {  	(v2sf) =	vpush v9, $0xF;
	v9 =	vld [tilespmem:s23+$0xFFFFFFF0]  }
0x52: {  	v11 =	vld [tilespmem:s23+$0xFFFFFFE0];
	v4 =	vperm.xlane v4, v2;
	v10, _, _ =	vpop (xrf0)  }
0x53: {  	(xrf0) =	vadd.scan.msk.s32 $0xffff, v6;
	(v2sf) =	vpush v10, $0xF;
	v10 =	vld [tilespmem:s23+$0xFFFFFFD0]  }
0x54: {  	(xrf0) =	vadd.scan.msk.s32 $0xffff, v4;
	v6, _, _ =	vpop (xrf0)  }
0x55: {  	(v2sf) =	vpush v6, $0xF;
	(xrf0) =	vadd.scan.msk.s32 $0xffff, v8  }
0x56: {  	(xrf0) =	vadd.scan.msk.s32 $0xffff, v9  }
0x57: {  	(xrf0) =	vadd.scan.msk.s32 $0xffff, v11  }
0x58: {  	(xrf0) =	vadd.scan.msk.s32 $0xffff, v10  }
0x59: {  	v4 =	vperm.xlane v5, v2;
	v12, _, _ =	vpop (xrf0)  }
0x5a: {  	s24 =	simm.s32 $0x18770;
	v5 =	vperm.xlane v11, v2;
	v6, _, _ =	vpop (xrf0)  }
0x5b: {  	v11 =	vld [tilespmem:s24+$0x0];
	(xrf0) =	vadd.scan.msk.s32 $0xffff, v4;
	v4 =	vperm.xlane v7, v2;
	v7, _, _ =	vpop (xrf0)  }
0x5c: {  	v13 =	vld [tilespmem:s24+$0xFFFFFFF0];
	(xrf0) =	vadd.scan.msk.s32 $0xffff, v5;
	v5 =	vperm.xlane v8, v2;
	v8, _, _ =	vpop (xrf0);
	(v2sf) =	vpush v7, $0xF  }
0x5d: {  	v15 =	vld [tilespmem:s24+$0xFFFFFFE0];
	(xrf0) =	vadd.scan.msk.s32 $0xffff, v4;
	v4 =	vadd.s32 s25, v6;
	v6, _, _ =	vpop (xrf0);
	(v2sf) =	vpush v8, $0xF  }
0x5e: {  	[tilespmem:s22+$0xFFFFFFE0] =	vst v0;
	v17 =	vperm.xlane v9, v2;
	v9 =	vld [tilespmem:s24+$0xFFFFFFD0];
	v8, _, _ =	vpop (xrf0);
	(v2sf) =	vpush v6, $0xF  }
0x5f: {  	[tilespmem:s22+$0xFFFFFFF0] =	vst v0;
	(xrf0) =	vadd.scan.msk.s32 $0xffff, v5;
	s26 =	spop (v2sf);
	(v2sf) =	vpush v8, $0xF  }
0x60: {  	[tilespmem:s22+$0x0] =	vst v0;
	v7 =	vperm.xlane v10, v2;
	(xrf0) =	vadd.scan.msk.s32 $0xffff, v11  }
0x61: {  	vm0 =	vgt.s32 v4, $0x7FF;
	v18 =	vperm.xlane v4, v2;
	v6 =	vperm.xlane v11, v2;
	v5, _, _ =	vpop (xrf0);
	(xrf0) =	vadd.scan.msk.s32 $0xffff, v13;
	s25 =	sadd.s32 $0x0, s26;
	s26 =	spop (v2sf)  }
0x62: {  	v11 =	vperm.xlane v13, v2;
	(xrf0) =	vadd.scan.msk.s32 $0xffff, v15;
	v15 =	vperm.xlane v15, v2;
	v8 =	vadd.s32 s25, v5;
	s25 =	sadd.s32 s25, s26  }
0x63: {  	s30 =	spop (v2sf);
	v5, _, _ =	vpop (xrf0);
	(xrf0) =	vadd.scan.msk.s32 $0xffff, v9;
	vm1 =	vgt.s32 v8, $0x7FF;
	v8 =	vperm.xlane v8, v2;
	v10 =	vadd.s32 s25, v12  }
0x64: {  	[tilespmem:s21+$0x0] =	vst v18;
	s25 =	sadd.s32 s25, s30;
	v14, _, _ =	vpop (xrf0);
	s31 =	spop (v2sf);
	v12 =	vmpcnt.ones.xlane vm1;
	vm1 =	vgt.s32 v10, $0x7FF;
	v10 =	vperm.xlane v10, v2  }
0x65: {  	v4 =	vadd.s32 s25, v14;
	s29 =	sadd.s32 s25, s31;
	v19, _, _ =	vpop (xrf0);
	v14 =	vmpcnt.ones.xlane vm0;
	[tilespmem:s21+$0xFFFFFFF0] =	vst v8;
	v13 =	vmpcnt.ones.xlane vm1  }
0x66: {  	s28 =	simm.s32 $0x18730;
	s26 =	simm.s32 $0x8;
	s25 =	simm.s32 $0x18FF0;
	vm0 =	vgt.s32 v4, $0x7FF;
	v8 =	vperm.xlane v4, v2;
	v16, _, _ =	vpop (xrf0);
	v4 =	vadd.s32 s29, v19;
	(xrf0) =	vadd.scan.msk.s32 $0xffff, v17  }
.LBB2_6:
0x67: {  	v17 =	vld [tilespmem:s28+$0x0];
	s26 =	sadd.s32 $0x4, s26;
	v18 =	vperm.xlane v9, v2;
	v9, _, _ =	vpop (xrf0);
	v3 =	vadd.s32 v3, v14;
	[tilespmem:s21+$0xFFFFFFE0] =	vst v10;
	s25 =	sadd.s32 $0xFFFFFFC0, s25;
	v19 =	vmov v11  }
0x68: {  	v10 =	vld [tilespmem:s28+$0xFFFFFFF0];
	p0 =	slt.u32 s26, $0x7C;
	(v2sf) =	vpush v16, $0xF;
	(xrf0) =	vadd.scan.msk.s32 $0xffff, v15;
	v11, _, _ =	vpop (xrf0);
	v3 =	vadd.s32 v12, v3;
	v12 =	vmpcnt.ones.xlane vm0  }
0x69: {  	v15 =	vld [tilespmem:s28+$0xFFFFFFE0];
	(v2sf) =	vpush v9, $0xF;
	v14, _, _ =	vpop (xrf0);
	(xrf0) =	vadd.scan.msk.s32 $0xffff, v7;
	v3 =	vadd.s32 v13, v3;
	[tilespmem:s22+$0xFFFFFFD0] =	vst v0;
	s22 =	smov.u32 s23;
	s23 =	smov.u32 s24;
	s24 =	smov.u32 s28  }
0x6a: {  	v7 =	vmov v18;
	v9 =	vld [tilespmem:s28+$0xFFFFFFD0];
	(v2sf) =	vpush v11, $0xF;
	v3 =	vadd.s32 v12, v3;
	[tilespmem:s21+$0xFFFFFFD0] =	vst v8;
	s21 =	smov.u32 s25  }
0x6b: {  	(xrf0) =	vadd.scan.msk.s32 $0xffff, v6;
	(v2sf) =	vpush v14, $0xF;
	[tilespmem:s22+$0xFFFFFFE0] =	vst v0;
	s30 =	spop (v2sf)  }
0x6c: {  	v6 =	vperm.xlane v17, v2;
	(xrf0) =	vadd.scan.msk.s32 $0xffff, v17;
	s29 =	sadd.s32 s29, s30;
	[tilespmem:s22+$0xFFFFFFF0] =	vst v0;
	v8, _, _ =	vpop (xrf0);
	s30 =	spop (v2sf)  }
0x6d: {  	vm0 =	vgt.s32 v4, $0x7FF;
	v11 =	vperm.xlane v10, v2;
	(xrf0) =	vadd.scan.msk.s32 $0xffff, v10;
	v8 =	vadd.s32 s29, v8;
	s29 =	sadd.s32 s29, s30;
	s30 =	spop (v2sf)  }
.Ltmp2:
0x6e: {  	(xrf0) =	vadd.scan.msk.s32 $0xffff, v15;
	vm1 =	vgt.s32 v8, $0x7FF;
	v8 =	vperm.xlane v8, v2;
	v10 =	vadd.s32 s29, v5;
	v5, _, _ =	vpop (xrf0);
	s30 =	sadd.s32 s29, s30;
	s29 =	spop (v2sf);
	(pc) =	sbr.rel @p0 .LBB2_6-.Ltmp2, $4  }
0x6f: {  	(xrf0) =	vadd.scan.msk.s32 $0xffff, v9;
	v12 =	vmpcnt.ones.xlane vm1;
	vm1 =	vgt.s32 v10, $0x7FF;
	v10 =	vperm.xlane v10, v2;
	s29 =	sadd.s32 s30, s29;
	v14, _, _ =	vpop (xrf0)  }
0x70: {  	v17 =	vperm.xlane v4, v2;
	[tilespmem:s25+$0xFFFFFFF0] =	vst v8;
	v13 =	vmpcnt.ones.xlane vm1;
	v4 =	vadd.s32 s30, v14  }
0x71: {  	v14 =	vmpcnt.ones.xlane vm0;
	v18, _, _ =	vpop (xrf0);
	[tilespmem:s22+$0x0] =	vst v0;
	vm0 =	vgt.s32 v4, $0x7FF;
	v8 =	vperm.xlane v4, v2  }
0x72: {  	s28 =	sadd.s32 $0xFFFFFFC0, s28;
	v15 =	vperm.xlane v15, v2;
	v16, _, _ =	vpop (xrf0);
	v4 =	vadd.s32 s29, v18;
	(xrf0) =	vadd.scan.msk.s32 $0xffff, v19;
	[tilespmem:s25+$0x0] =	vst v17  }
0x73: {  	v17, _, _ =	vpop (xrf0);
	(v2sf) =	vpush v16, $0xF  }
0x74: {  	(v2sf) =	vpush v17, $0xF;
	v60, _, _ =	vpop (xrf0)  }
0x75: {  	(v2sf) =	vpush v60, $0xF;
	_ =	sdelay $0x1  }
0x76: {  	(xrf0) =	vadd.scan.msk.s32 $0xffff, v15  }
0x77: {  	(xrf0) =	vadd.scan.msk.s32 $0xffff, v7;
	_ =	sdelay $0x1  }
0x78: {  	v3 =	vadd.s32 v3, v14;
	v7, _, _ =	vpop (xrf0);
	(xrf0) =	vadd.scan.msk.s32 $0xffff, v6;
	v6 =	vperm.xlane v9, v2;
	v9 =	vmpcnt.ones.xlane vm0;
	s26 =	spop (v2sf)  }
0x79: {  	v3 =	vadd.s32 v12, v3;
	vm0 =	vgt.s32 v4, $0x7FF;
	s26 =	sadd.s32 s29, s26;
	v12, _, _ =	vpop (xrf0);
	s28 =	spop (v2sf)  }
0x7a: {  	v3 =	vadd.s32 v13, v3;
	v13 =	vmpcnt.ones.xlane vm0;
	(xrf0) =	vadd.scan.msk.s32 $0xffff, v11;
	v11 =	vadd.s32 s26, v12;
	s26 =	sadd.s32 s26, s28  }
0x7b: {  	s31 =	spop (v2sf);
	v12, _, _ =	vpop (xrf0);
	v5 =	vadd.s32 s26, v5  }
0x7c: {  	v3 =	vadd.s32 v9, v3;
	vm1 =	vgt.s32 v11, $0x7FF;
	s26 =	sadd.s32 s26, s31;
	vm0 =	vgt.s32 v5, $0x7FF;
	v9, _, _ =	vpop (xrf0)  }
0x7d: {  	(xrf0) =	vadd.scan.msk.s32 $0xffff, v6;
	s0 =	spop (v2sf);
	v6 =	vmpcnt.ones.xlane vm1;
	v14 =	vmpcnt.ones.xlane vm0;
	v9 =	vadd.s32 s26, v9  }
0x7e: {  	v3 =	vadd.s32 v3, v13;
	s28 =	sadd.s32 s26, s0;
	v13, _, _ =	vpop (xrf0);
	vm0 =	vgt.s32 v9, $0x7FF  }
0x7f: {  	v3 =	vadd.s32 v6, v3;
	v6 =	vadd.s32 s28, v13;
	v13 =	vmpcnt.ones.xlane vm0  }
0x80: {  	s29 =	spop (v2sf)  }
0x81: {  	v3 =	vadd.s32 v14, v3;
	vm0 =	vgt.s32 v6, $0x7FF;
	v14, _, _ =	vpop (xrf0);
	s26 =	sadd.s32 s28, s29;
	s30 =	spop (v2sf)  }
0x82: {  	v15 =	vmpcnt.ones.xlane vm0;
	s31 =	sadd.s32 s26, s30;
	v14 =	vadd.s32 s26, v14;
	s0 =	spop (v2sf)  }
0x83: {  	v3 =	vadd.s32 v13, v3;
	v13, _, _ =	vpop (xrf0);
	v12 =	vadd.s32 s31, v12;
	s26 =	sadd.s32 s31, s0;
	vm1 =	vgt.s32 v14, $0x7FF  }
0x84: {  	v61 =	vmpcnt.ones.xlane vm1;
	vm0 =	vgt.s32 v12, $0x7FF;
	v13 =	vadd.s32 s26, v13  }
0x85: {  	v3 =	vadd.s32 v3, v15;
	v62 =	vmpcnt.ones.xlane vm0;
	vm0 =	vgt.s32 v13, $0x7FF  }
0x86: {  	v3 =	vadd.s32 v61, v3;
	v15 =	vmpcnt.ones.xlane vm0  }
0x87: {  	v3 =	vadd.s32 v62, v3  }
0x88: {  	v3 =	vadd.s32 v15, v3  }
0x89: {  	v3 =	vxor.u32 $0x80000000, v3  }
0x8a: {  	(xrf0) =	vmax.scan.msk.u32 $0xffff, v3;
	_ =	sdelay $0x2  }
0x8b: {  	[tilespmem:s21+$0xFFFFFFE0] =	vst v10  }
0x8c: {  	[tilespmem:s22+$0xFFFFFFD0] =	vst v0  }
0x8d: {  	[tilespmem:s23+$0xFFFFFFE0] =	vst v0  }
0x8e: {  	[tilespmem:s23+$0xFFFFFFF0] =	vst v0;
	(v2sf) =	vpush v7, $0xF;
	v3, _, _ =	vpop (xrf0)  }
0x8f: {  	[tilespmem:s23+$0x0] =	vst v0;
	(v2sf) =	vpush v3, $0xF  }
0x90: {  	[tilespmem:s23+$0xFFFFFFD0] =	vst v0  }
0x91: {  	[tilespmem:s24+$0xFFFFFFE0] =	vst v0  }
0x92: {  	[tilespmem:s24+$0xFFFFFFF0] =	vst v0  }
0x93: {  	[tilespmem:s24+$0x0] =	vst v0  }
0x94: {  	[tilespmem:s24+$0xFFFFFFD0] =	vst v0;
	v4 =	vperm.xlane v4, v2  }
0x95: {  	[tilespmem:s21+$0xFFFFFFD0] =	vst v8;
	s28 =	sadd.s32 $0xFFFFFFC0, s25;
	v3 =	vperm.xlane v11, v2  }
0x96: {  	[tilespmem:s28+$0x0] =	vst v4;
	v4 =	vperm.xlane v9, v2  }
0x97: {  	[tilespmem:s28+$0xFFFFFFF0] =	vst v3;
	v3 =	vperm.xlane v5, v2  }
0x98: {  	[tilespmem:s28+$0xFFFFFFD0] =	vst v4;
	v4 =	vperm.xlane v6, v2  }
0x99: {  	s21 =	sadd.s32 $0xFFFFFFC0, s28;
	[tilespmem:s28+$0xFFFFFFE0] =	vst v3;
	v3 =	vperm.xlane v14, v2  }
0x9a: {  	[tilespmem:s21+$0x0] =	vst v4;
	v5 =	vperm.xlane v13, v2  }
0x9b: {  	[tilespmem:s21+$0xFFFFFFF0] =	vst v3;
	v3 =	vperm.xlane v12, v2  }
0x9c: {  	[tilespmem:s21+$0xFFFFFFD0] =	vst v5  }
0x9d: {  	s29 =	spop (v2sf);
	[tilespmem:s21+$0xFFFFFFE0] =	vst v3  }
0x9e: {  	s31 =	simm.s32 $0x40;
	[tilespmem:$0x19000] =	vst v0;
	s22 =	spop (v2sf)  }
0x9f: {  	v6 =	vld [tilespmem:s31+$0x10];
	s30 =	sxor.u32 $0x80000000, s22  }
0xa0: {  	v8 =	vld [tilespmem:s31+$0x30];
	v4 =	vmov s30  }
0xa1: {  	v9 =	vld [tilespmem:s31+$0xFFFFFFC0]  }
0xa2: {  	v5 =	vld [tilespmem:s31+$0xFFFFFFD0];
	_ =	sdelay $0x1  }
0xa3: {  	v10 =	vld [tilespmem:s31+$0x20];
	v7 =	vshrl.u32 v6, $0x14;
	s21 =	sadd.s32 $0x7FFFFFFF, s22  }
0xa4: {  	v6 =	vshrl.u32 v6, $0xA;
	v11 =	vand.u32 $0x7FF, v7;
	v3 =	vld.idx.msk [tilespmem:v4+s17+$0x0], $0xffff;
	v4 =	vmov s21  }
0xa5: {  	v12 =	vshrl.u32 v9, $0x14;
	v13 =	vshrl.u32 v8, $0xA;
	v7 =	vld [tilespmem:s31+$0xFFFFFFE0];
	vm2 =	veq.s32 v11, v4  }
0xa6: {  	v14 =	vshrl.u32 v5, $0x14;
	v15 =	vand.u32 $0x3FF, v6;
	v6 =	vshrl.u32 v8, $0x14  }
0xa7: {  	v9 =	vshrl.u32 v9, $0xA;
	v8 =	vand.u32 $0x7FF, v12;
	v11 =	vand.u32 $0x7FF, v6  }
0xa8: {  	v12 =	vshrl.u32 v10, $0xA;
	vm0 =	veq.s32 v8, v4;
	vm1 =	veq.s32 v11, v4;
	v11 =	vld [tilespmem:s31+$0xFFFFFFF0]  }
0xa9: {  	v6 =	vand.u32 $0x3FF, v9;
	v8 =	vshrl.u32 v10, $0x14;
	v9 =	vand.u32 $0x3FF, v13  }
0xaa: {  	v13 =	vshrl.u32 v7, $0x14;
	v10 =	vld [tilespmem:s31+$0x0];
	v63 =	vand.u32 $0x7FF, v8;
	v8 =	vand.u32 $0x3FF, v12  }
0xab: {  	s23 =	simm.s32 $0xC0;
	s22 =	simm.s32 $0x0;
	v12 =	vand.u32 $0x7FF, v14;
	v13 =	vand.u32 $0x7FF, v13;
	[tilespmem:v15+s16+$0x0] =	vst.idx.add.s32.msk vm2, v1;
	vm2 =	veq.s32 v63, v4  }
.LBB2_8:
0xac: {  	v14 =	vld [tilespmem:s23+$0x10];
	s22 =	sadd.s32 $0x8, s22;
	v15 =	vshrl.u32 v5, $0xA;
	v5 =	vshrl.u32 v7, $0xA  }
0xad: {  	v16 =	vld [tilespmem:s23+$0x30];
	p0 =	slt.u32 s22, $0x7F8;
	v7 =	vshrl.u32 v11, $0x14;
	v11 =	vshrl.u32 v11, $0xA  }
0xae: {  	vm4 =	veq.s32 v13, v4;
	v7 =	vand.u32 $0x7FF, v7;
	[tilespmem:v9+s16+$0x0] =	vst.idx.add.s32.msk vm1, v1  }
0xaf: {  	v13 =	vand.u32 $0x3FF, v5;
	v9 =	vld [tilespmem:s23+$0xFFFFFFC0];
	v17 =	vshrl.u32 v10, $0x14;
	v10 =	vshrl.u32 v10, $0xA  }
0xb0: {  	vm1 =	veq.s32 v7, v4;
	v5 =	vld [tilespmem:s23+$0xFFFFFFD0];
	v7 =	vand.u32 $0x7FF, v17  }
0xb1: {  	vm5 =	veq.s32 v12, v4;
	v11 =	vand.u32 $0x3FF, v11;
	vm3 =	veq.s32 v7, v4;
	[tilespmem:v8+s16+$0x0] =	vst.idx.add.s32.msk vm2, v1  }
0xb2: {  	[tilespmem:v6+s16+$0x0] =	vst.idx.add.s32.msk vm0, v1;
	v6 =	vand.u32 $0x3FF, v15  }
0xb3: {  	v10 =	vand.u32 $0x3FF, v10;
	v7 =	vshrl.u32 v14, $0x14;
	v8 =	vshrl.u32 v14, $0xA;
	v12 =	vld [tilespmem:s23+$0x20]  }
0xb4: {  	v14 =	vand.u32 $0x7FF, v7;
	[tilespmem:v13+s16+$0x0] =	vst.idx.add.s32.msk vm4, v1  }
0xb5: {  	vm2 =	veq.s32 v14, v4;
	v14 =	vshrl.u32 v16, $0xA;
	v13 =	vshrl.u32 v9, $0x14;
	v7 =	vld [tilespmem:s23+$0xFFFFFFE0]  }
0xb6: {  	v17 =	vand.u32 $0x3FF, v8;
	v8 =	vshrl.u32 v16, $0x14;
	v15 =	vshrl.u32 v5, $0x14;
	[tilespmem:v11+s16+$0x0] =	vst.idx.add.s32.msk vm1, v1  }
.Ltmp3:
0xb7: {  	v8 =	vand.u32 $0x7FF, v8;
	v9 =	vshrl.u32 v9, $0xA;
	v11 =	vand.u32 $0x7FF, v13;
	[tilespmem:v6+s16+$0x0] =	vst.idx.add.s32.msk vm5, v1;
	(pc) =	sbr.rel @p0 .LBB2_8-.Ltmp3, $4  }
0xb8: {  	vm1 =	veq.s32 v8, v4;
	vm0 =	veq.s32 v11, v4;
	v6 =	vand.u32 $0x3FF, v9;
	v11 =	vld [tilespmem:s23+$0xFFFFFFF0]  }
0xb9: {  	v9 =	vand.u32 $0x3FF, v14;
	v8 =	vshrl.u32 v12, $0x14;
	v12 =	vshrl.u32 v12, $0xA;
	[tilespmem:v10+s16+$0x0] =	vst.idx.add.s32.msk vm3, v1  }
0xba: {  	v14 =	vand.u32 $0x7FF, v8;
	v8 =	vand.u32 $0x3FF, v12;
	v13 =	vshrl.u32 v7, $0x14;
	v10 =	vld [tilespmem:s23+$0x0]  }
0xbb: {  	v12 =	vand.u32 $0x7FF, v15;
	s23 =	sadd.s32 $0x80, s23;
	v13 =	vand.u32 $0x7FF, v13;
	[tilespmem:v17+s16+$0x0] =	vst.idx.add.s32.msk vm2, v1;
	vm2 =	veq.s32 v14, v4  }
0xbc: {  	_ = 	snop  }
0xbd: {  	v5 =	vshrl.u32 v5, $0xA;
	v7 =	vshrl.u32 v7, $0xA;
	v14 =	vshrl.u32 v11, $0x14  }
0xbe: {  	vm3 =	veq.s32 v13, v4;
	v11 =	vshrl.u32 v11, $0xA;
	v13 =	vand.u32 $0x7FF, v14  }
0xbf: {  	v7 =	vand.u32 $0x3FF, v7;
	v14 =	vshrl.u32 v10, $0x14;
	vm4 =	veq.s32 v13, v4  }
0xc0: {  	vm5 =	veq.s32 v12, v4;
	v11 =	vand.u32 $0x3FF, v11;
	v13 =	vand.u32 $0x7FF, v14  }
0xc1: {  	[tilespmem:v9+s16+$0x0] =	vst.idx.add.s32.msk vm1, v1;
	v9 =	vshrl.u32 v10, $0xA;
	vm1 =	veq.s32 v13, v4;
	v4 =	vand.u32 $0x3FF, v5  }
0xc2: {  	[tilespmem:v8+s16+$0x0] =	vst.idx.add.s32.msk vm2, v1;
	v5 =	vand.u32 $0x3FF, v9  }
0xc3: {  	[tilespmem:v6+s16+$0x0] =	vst.idx.add.s32.msk vm0, v1  }
0xc4: {  	[tilespmem:v7+s16+$0x0] =	vst.idx.add.s32.msk vm3, v1  }
0xc5: {  	[tilespmem:v11+s16+$0x0] =	vst.idx.add.s32.msk vm4, v1  }
0xc6: {  	[tilespmem:v4+s16+$0x0] =	vst.idx.add.s32.msk vm5, v1  }
0xc7: {  	s23 =	simm.s32 $0x183F0;
	[tilespmem:v5+s16+$0x0] =	vst.idx.add.s32.msk vm1, v1  }
0xc8: {  	v5 =	vld [tilespmem:s23+$0x0]  }
0xc9: {  	v3 =	vxor.u32 $0x80000000, v3;
	v6 =	vld [tilespmem:s23+$0xFFFFFFF0]  }
0xca: {  	(xrf0) =	vmax.scan.msk.u32 $0xffff, v3  }
0xcb: {  	v7 =	vld [tilespmem:s23+$0xFFFFFFE0];
	_ =	sdelay $0x1  }
0xcc: {  	v8 =	vld [tilespmem:s23+$0xFFFFFFD0];
	(xrf0) =	vadd.scan.msk.s32 $0xffff, v5  }
0xcd: {  	(xrf0) =	vadd.scan.msk.s32 $0xffff, v6;
	_ =	sdelay $0x1  }
0xce: {  	v3, _, _ =	vpop (xrf0);
	(xrf0) =	vadd.scan.msk.s32 $0xffff, v7  }
0xcf: {  	(v2sf) =	vpush v3, $0xF  }
0xd0: {  	(xrf0) =	vadd.scan.msk.s32 $0xffff, v8  }
0xd1: {  	s24 =	simm.s32 $0x183B0;
	v9, _, _ =	vpop (xrf0)  }
0xd2: {  	v7 =	vperm.xlane v7, v2;
	v10, _, _ =	vpop (xrf0);
	(v2sf) =	vpush v9, $0xF;
	v9 =	vld [tilespmem:s24+$0x0]  }
0xd3: {  	(v2sf) =	vpush v10, $0xF;
	v10 =	vld [tilespmem:s24+$0xFFFFFFF0]  }
0xd4: {  	v12 =	vld [tilespmem:s24+$0xFFFFFFE0];
	v5 =	vperm.xlane v5, v2;
	v11, _, _ =	vpop (xrf0)  }
0xd5: {  	(xrf0) =	vadd.scan.msk.s32 $0xffff, v7;
	(v2sf) =	vpush v11, $0xF;
	v11 =	vld [tilespmem:s24+$0xFFFFFFD0]  }
0xd6: {  	(xrf0) =	vadd.scan.msk.s32 $0xffff, v5;
	v7, _, _ =	vpop (xrf0)  }
0xd7: {  	(v2sf) =	vpush v7, $0xF;
	(xrf0) =	vadd.scan.msk.s32 $0xffff, v9  }
0xd8: {  	(xrf0) =	vadd.scan.msk.s32 $0xffff, v10  }
0xd9: {  	(xrf0) =	vadd.scan.msk.s32 $0xffff, v12  }
0xda: {  	(xrf0) =	vadd.scan.msk.s32 $0xffff, v11  }
0xdb: {  	v5 =	vperm.xlane v6, v2;
	v13, _, _ =	vpop (xrf0)  }
0xdc: {  	s26 =	simm.s32 $0x18370;
	v6 =	vperm.xlane v12, v2;
	v7, _, _ =	vpop (xrf0)  }
0xdd: {  	v12 =	vld [tilespmem:s26+$0x0];
	(xrf0) =	vadd.scan.msk.s32 $0xffff, v5;
	v5 =	vperm.xlane v8, v2;
	v8, _, _ =	vpop (xrf0)  }
0xde: {  	s28 =	simm.s32 $0x0;
	v14 =	vld [tilespmem:s26+$0xFFFFFFF0];
	s22 =	spop (v2sf);
	(xrf0) =	vadd.scan.msk.s32 $0xffff, v6;
	v6 =	vperm.xlane v9, v2;
	v9, _, _ =	vpop (xrf0);
	(v2sf) =	vpush v8, $0xF  }
0xdf: {  	v16 =	vld [tilespmem:s26+$0xFFFFFFE0];
	(xrf0) =	vadd.scan.msk.s32 $0xffff, v5;
	v5 =	vadd.s32 s28, v7;
	v7, _, _ =	vpop (xrf0);
	(v2sf) =	vpush v9, $0xF  }
0xe0: {  	[tilespmem:s23+$0xFFFFFFE0] =	vst v0;
	s22 =	sxor.u32 $0x80000000, s22;
	v18 =	vperm.xlane v10, v2;
	v10 =	vld [tilespmem:s26+$0xFFFFFFD0];
	v9, _, _ =	vpop (xrf0);
	(v2sf) =	vpush v7, $0xF  }
0xe1: {  	v4 =	vimm.s32 $0x0;
	[tilespmem:s23+$0xFFFFFFF0] =	vst v0;
	s22 =	ssub.s32 $0x800, s22;
	(xrf0) =	vadd.scan.msk.s32 $0xffff, v6;
	s28 =	spop (v2sf);
	(v2sf) =	vpush v9, $0xF  }
0xe2: {  	[tilespmem:s23+$0x0] =	vst v0;
	v3 =	vmov s22;
	v8 =	vperm.xlane v11, v2;
	(xrf0) =	vadd.scan.msk.s32 $0xffff, v12  }
0xe3: {  	vm0 =	vge.s32 v5, v3;
	v19 =	vperm.xlane v5, v2;
	v7 =	vperm.xlane v12, v2;
	v6, _, _ =	vpop (xrf0);
	(xrf0) =	vadd.scan.msk.s32 $0xffff, v14;
	s28 =	sadd.s32 $0x0, s28;
	s29 =	spop (v2sf)  }
0xe4: {  	v12 =	vperm.xlane v14, v2;
	(xrf0) =	vadd.scan.msk.s32 $0xffff, v16;
	v16 =	vperm.xlane v16, v2;
	v9 =	vadd.s32 s28, v6;
	s28 =	sadd.s32 s28, s29  }
0xe5: {  	s25 =	simm.s32 $0x18BF0;
	s29 =	spop (v2sf);
	v6, _, _ =	vpop (xrf0);
	(xrf0) =	vadd.scan.msk.s32 $0xffff, v10;
	vm1 =	vge.s32 v9, v3;
	v9 =	vperm.xlane v9, v2;
	v11 =	vadd.s32 s28, v13  }
0xe6: {  	[tilespmem:s25+$0x0] =	vst v19;
	s28 =	sadd.s32 s28, s29;
	v15, _, _ =	vpop (xrf0);
	s29 =	spop (v2sf);
	v13 =	vmpcnt.ones.xlane vm1;
	vm1 =	vge.s32 v11, v3;
	v11 =	vperm.xlane v11, v2  }
0xe7: {  	v5 =	vadd.s32 s28, v15;
	s31 =	sadd.s32 s28, s29;
	v20, _, _ =	vpop (xrf0);
	v15 =	vmpcnt.ones.xlane vm0;
	[tilespmem:s25+$0xFFFFFFF0] =	vst v9;
	v14 =	vmpcnt.ones.xlane vm1  }
0xe8: {  	s30 =	simm.s32 $0x18330;
	s29 =	simm.s32 $0x8;
	s28 =	simm.s32 $0x18BF0;
	vm0 =	vge.s32 v5, v3;
	v9 =	vperm.xlane v5, v2;
	v17, _, _ =	vpop (xrf0);
	v5 =	vadd.s32 s31, v20;
	(xrf0) =	vadd.scan.msk.s32 $0xffff, v18  }
.LBB2_10:
0xe9: {  	v18 =	vld [tilespmem:s30+$0x0];
	s29 =	sadd.s32 $0x4, s29;
	v19 =	vperm.xlane v10, v2;
	v10, _, _ =	vpop (xrf0);
	v4 =	vadd.s32 v4, v15;
	[tilespmem:s25+$0xFFFFFFE0] =	vst v11;
	s28 =	sadd.s32 $0xFFFFFFC0, s28;
	v20 =	vmov v12  }
0xea: {  	v11 =	vld [tilespmem:s30+$0xFFFFFFF0];
	p0 =	slt.u32 s29, $0x3C;
	(v2sf) =	vpush v17, $0xF;
	(xrf0) =	vadd.scan.msk.s32 $0xffff, v16;
	v12, _, _ =	vpop (xrf0);
	v4 =	vadd.s32 v13, v4;
	v13 =	vmpcnt.ones.xlane vm0  }
0xeb: {  	v16 =	vld [tilespmem:s30+$0xFFFFFFE0];
	(v2sf) =	vpush v10, $0xF;
	v15, _, _ =	vpop (xrf0);
	(xrf0) =	vadd.scan.msk.s32 $0xffff, v8;
	v4 =	vadd.s32 v14, v4;
	[tilespmem:s23+$0xFFFFFFD0] =	vst v0;
	s23 =	smov.u32 s24;
	s24 =	smov.u32 s26;
	s26 =	smov.u32 s30  }
0xec: {  	v8 =	vmov v19;
	v10 =	vld [tilespmem:s30+$0xFFFFFFD0];
	(v2sf) =	vpush v12, $0xF;
	v4 =	vadd.s32 v13, v4;
	[tilespmem:s25+$0xFFFFFFD0] =	vst v9;
	s25 =	smov.u32 s28  }
0xed: {  	(xrf0) =	vadd.scan.msk.s32 $0xffff, v7;
	(v2sf) =	vpush v15, $0xF;
	[tilespmem:s23+$0xFFFFFFE0] =	vst v0;
	s0 =	spop (v2sf)  }
0xee: {  	v7 =	vperm.xlane v18, v2;
	(xrf0) =	vadd.scan.msk.s32 $0xffff, v18;
	s0 =	sadd.s32 s31, s0;
	[tilespmem:s23+$0xFFFFFFF0] =	vst v0;
	v9, _, _ =	vpop (xrf0);
	s31 =	spop (v2sf)  }
0xef: {  	vm0 =	vge.s32 v5, v3;
	v12 =	vperm.xlane v11, v2;
	(xrf0) =	vadd.scan.msk.s32 $0xffff, v11;
	v9 =	vadd.s32 s0, v9;
	s0 =	sadd.s32 s0, s31;
	s31 =	spop (v2sf)  }
.Ltmp4:
0xf0: {  	(xrf0) =	vadd.scan.msk.s32 $0xffff, v16;
	vm1 =	vge.s32 v9, v3;
	v9 =	vperm.xlane v9, v2;
	v11 =	vadd.s32 s0, v6;
	v6, _, _ =	vpop (xrf0);
	s0 =	sadd.s32 s0, s31;
	s31 =	spop (v2sf);
	(pc) =	sbr.rel @p0 .LBB2_10-.Ltmp4, $4  }
0xf1: {  	(xrf0) =	vadd.scan.msk.s32 $0xffff, v10;
	v13 =	vmpcnt.ones.xlane vm1;
	vm1 =	vge.s32 v11, v3;
	v11 =	vperm.xlane v11, v2;
	s31 =	sadd.s32 s0, s31;
	v15, _, _ =	vpop (xrf0)  }
0xf2: {  	v18 =	vperm.xlane v5, v2;
	[tilespmem:s28+$0xFFFFFFF0] =	vst v9;
	v14 =	vmpcnt.ones.xlane vm1;
	v5 =	vadd.s32 s0, v15  }
0xf3: {  	v15 =	vmpcnt.ones.xlane vm0;
	v19, _, _ =	vpop (xrf0);
	[tilespmem:s23+$0x0] =	vst v0;
	vm0 =	vge.s32 v5, v3;
	v9 =	vperm.xlane v5, v2  }
0xf4: {  	s30 =	sadd.s32 $0xFFFFFFC0, s30;
	v16 =	vperm.xlane v16, v2;
	v17, _, _ =	vpop (xrf0);
	v5 =	vadd.s32 s31, v19;
	(xrf0) =	vadd.scan.msk.s32 $0xffff, v20;
	[tilespmem:s28+$0x0] =	vst v18  }
0xf5: {  	v18, _, _ =	vpop (xrf0);
	(v2sf) =	vpush v17, $0xF  }
0xf6: {  	(v2sf) =	vpush v18, $0xF;
	v41, _, _ =	vpop (xrf0)  }
0xf7: {  	(v2sf) =	vpush v41, $0xF;
	_ =	sdelay $0x3  }
0xf8: {  	(xrf0) =	vadd.scan.msk.s32 $0xffff, v16  }
0xf9: {  	(xrf0) =	vadd.scan.msk.s32 $0xffff, v8  }
0xfa: {  	v8, _, _ =	vpop (xrf0);
	(xrf0) =	vadd.scan.msk.s32 $0xffff, v7  }
0xfb: {  	v4 =	vadd.s32 v4, v15;
	v7 =	vperm.xlane v10, v2;
	v10 =	vmpcnt.ones.xlane vm0;
	s0 =	spop (v2sf)  }
0xfc: {  	v4 =	vadd.s32 v13, v4;
	s0 =	sadd.s32 s31, s0;
	v42, _, _ =	vpop (xrf0);
	s29 =	spop (v2sf);
	(xrf0) =	vadd.scan.msk.s32 $0xffff, v12  }
0xfd: {  	v4 =	vadd.s32 v14, v4;
	vm0 =	vge.s32 v5, v3;
	v43 =	vadd.s32 s0, v42;
	s0 =	sadd.s32 s0, s29  }
0xfe: {  	v45 =	vmpcnt.ones.xlane vm0;
	s31 =	spop (v2sf);
	v44, _, _ =	vpop (xrf0);
	vm1 =	vge.s32 v43, v3;
	v6 =	vadd.s32 s0, v6;
	(xrf0) =	vadd.scan.msk.s32 $0xffff, v7  }
0xff: {  	v4 =	vadd.s32 v10, v4;
	s0 =	sadd.s32 s0, s31;
	s30 =	spop (v2sf);
	v7 =	vmpcnt.ones.xlane vm1;
	vm0 =	vge.s32 v6, v3;
	v10, _, _ =	vpop (xrf0)  }
0x100: {  	v4 =	vadd.s32 v4, v45;
	s29 =	sadd.s32 s0, s30;
	v46 =	vmpcnt.ones.xlane vm0;
	v10 =	vadd.s32 s0, v10;
	v47, _, _ =	vpop (xrf0)  }
0x101: {  	vm0 =	vge.s32 v10, v3;
	v4 =	vadd.s32 v7, v4;
	v7 =	vadd.s32 s29, v47;
	s31 =	spop (v2sf)  }
0x102: {  	v48 =	vmpcnt.ones.xlane vm0;
	v49, _, _ =	vpop (xrf0);
	vm0 =	vge.s32 v7, v3;
	s0 =	sadd.s32 s29, s31;
	s30 =	spop (v2sf)  }
0x103: {  	v4 =	vadd.s32 v46, v4;
	v51 =	vmpcnt.ones.xlane vm0;
	s30 =	sadd.s32 s0, s30;
	v15 =	vadd.s32 s0, v49;
	s31 =	spop (v2sf)  }
0x104: {  	v4 =	vadd.s32 v48, v4;
	v50, _, _ =	vpop (xrf0);
	v13 =	vadd.s32 s30, v44;
	s0 =	sadd.s32 s30, s31;
	vm1 =	vge.s32 v15, v3  }
0x105: {  	v52 =	vmpcnt.ones.xlane vm1;
	vm0 =	vge.s32 v13, v3;
	v14 =	vadd.s32 s0, v50  }
0x106: {  	v53 =	vmpcnt.ones.xlane vm0;
	vm0 =	vge.s32 v14, v3;
	v3 =	vadd.s32 v4, v51  }
0x107: {  	v3 =	vadd.s32 v52, v3;
	v4 =	vmpcnt.ones.xlane vm0  }
0x108: {  	v3 =	vadd.s32 v53, v3  }
0x109: {  	v3 =	vadd.s32 v4, v3  }
0x10a: {  	v3 =	vxor.u32 $0x80000000, v3  }
0x10b: {  	[tilespmem:s25+$0xFFFFFFE0] =	vst v11;
	(xrf0) =	vmax.scan.msk.u32 $0xffff, v3  }
0x10c: {  	[tilespmem:s23+$0xFFFFFFD0] =	vst v0  }
0x10d: {  	[tilespmem:s24+$0xFFFFFFE0] =	vst v0  }
0x10e: {  	[tilespmem:s24+$0xFFFFFFF0] =	vst v0  }
0x10f: {  	[tilespmem:s24+$0x0] =	vst v0  }
0x110: {  	[tilespmem:s24+$0xFFFFFFD0] =	vst v0  }
0x111: {  	[tilespmem:s26+$0xFFFFFFE0] =	vst v0;
	(v2sf) =	vpush v8, $0xF;
	v3, _, _ =	vpop (xrf0)  }
0x112: {  	[tilespmem:s26+$0xFFFFFFF0] =	vst v0;
	(v2sf) =	vpush v3, $0xF  }
0x113: {  	[tilespmem:s26+$0x0] =	vst v0  }
0x114: {  	[tilespmem:s26+$0xFFFFFFD0] =	vst v0;
	v4 =	vperm.xlane v5, v2  }
0x115: {  	[tilespmem:s25+$0xFFFFFFD0] =	vst v9;
	s25 =	sadd.s32 $0xFFFFFFC0, s28;
	v3 =	vperm.xlane v43, v2  }
0x116: {  	v5 =	vperm.xlane v14, v2;
	[tilespmem:s25+$0x0] =	vst v4  }
0x117: {  	s0 =	sadd.s32 $0xFFFFFFC0, s25;
	[tilespmem:s25+$0xFFFFFFF0] =	vst v3;
	v3 =	vperm.xlane v6, v2  }
0x118: {  	v4 =	vperm.xlane v10, v2;
	[tilespmem:s0+$0xFFFFFFD0] =	vst v5  }
0x119: {  	[tilespmem:s25+$0xFFFFFFE0] =	vst v3;
	v3 =	vperm.xlane v15, v2  }
0x11a: {  	[tilespmem:s25+$0xFFFFFFD0] =	vst v4;
	v4 =	vperm.xlane v7, v2  }
0x11b: {  	[tilespmem:s0+$0xFFFFFFF0] =	vst v3;
	v3 =	vperm.xlane v13, v2  }
0x11c: {  	[tilespmem:s0+$0x0] =	vst v4  }
0x11d: {  	[tilespmem:s0+$0xFFFFFFE0] =	vst v3  }
0x11e: {  	s31 =	simm.s32 $0x40;
	[tilespmem:$0x18C00] =	vst v0  }
0x11f: {  	v6 =	vld [tilespmem:s31+$0x30]  }
0x120: {  	s28 =	spop (v2sf);
	v5 =	vld [tilespmem:s31+$0xFFFFFFD0]  }
0x121: {  	v7 =	vld [tilespmem:s31+$0xFFFFFFE0];
	s23 =	spop (v2sf)  }
0x122: {  	v9 =	vld [tilespmem:s31+$0xFFFFFFF0];
	s29 =	sxor.u32 $0x80000000, s23  }
0x123: {  	v11 =	vld [tilespmem:s31+$0x0];
	v4 =	vmov s29  }
0x124: {  	v54 =	vld [tilespmem:s31+$0x10];
	s23 =	sshll.u32 s23, $0xA  }
0x125: {  	s21 =	sshll.u32 s21, $0x14;
	v56 =	vld [tilespmem:s31+$0xFFFFFFC0];
	s23 =	sadd.s32 $0xFFFFFC00, s23  }
0x126: {  	v10 =	vshrl.u32 v5, $0xA;
	v55 =	vand.u32 $0x3FF, v5;
	v5 =	vld [tilespmem:s31+$0x20];
	s21 =	sor.u32 s21, s23  }
0x127: {  	v8 =	vshrl.u32 v6, $0xA;
	v57 =	vshrl.u32 v7, $0xA;
	v58 =	vshrl.u32 v9, $0xA;
	s30 =	sshra.s32 s21, $0xA  }
0x128: {  	v6 =	vand.u32 $0x3FF, v6;
	v8 =	vand.u32 $0x1FFFFF, v8;
	v3 =	vld.idx.msk [tilespmem:v4+s17+$0x0], $0xffff;
	v4 =	vmov s30  }
0x129: {  	v59 =	vshrl.u32 v11, $0xA;
	v10 =	vand.u32 $0x1FFFFF, v10;
	vm4 =	veq.s32 v8, v4  }
0x12a: {  	v60 =	vshrl.u32 v54, $0xA;
	v62 =	vshrl.u32 v56, $0xA;
	vm7 =	veq.s32 v10, v4  }
0x12b: {  	v9 =	vand.u32 $0x3FF, v9;
	v63 =	vand.u32 $0x1FFFFF, v62;
	v61 =	vshrl.u32 v5, $0xA  }
0x12c: {  	v8 =	vand.u32 $0x1FFFFF, v57;
	v10 =	vand.u32 $0x1FFFFF, v58;
	vm5 =	veq.s32 v63, v4  }
0x12d: {  	vm0 =	veq.s32 v8, v4;
	v8 =	vand.u32 $0x1FFFFF, v59;
	vm1 =	veq.s32 v10, v4  }
0x12e: {  	v10 =	vand.u32 $0x1FFFFF, v60;
	vm2 =	veq.s32 v8, v4;
	v8 =	vand.u32 $0x1FFFFF, v61  }
0x12f: {  	vm3 =	veq.s32 v10, v4;
	v10 =	vand.u32 $0x3FF, v56;
	vm6 =	veq.s32 v8, v4;
	[tilespmem:v6+s16+$0x0] =	vst.idx.add.s32.msk vm4, v1  }
0x130: {  	s24 =	simm.s32 $0xC0;
	s23 =	simm.s32 $0x0;
	v8 =	vand.u32 $0x3FF, v7;
	v7 =	vand.u32 $0x3FF, v11;
	[tilespmem:v55+s16+$0x0] =	vst.idx.add.s32.msk vm7, v1;
	v6 =	vand.u32 $0x3FF, v54  }
.LBB2_12:
0x131: {  	v11 =	vld [tilespmem:s24+$0x30];
	s23 =	sadd.s32 $0x8, s23;
	v12 =	vand.u32 $0x3FF, v5;
	vm4 =	vmmov vm6  }
0x132: {  	v5 =	vld [tilespmem:s24+$0xFFFFFFD0];
	p0 =	slt.u32 s23, $0x7F8  }
0x133: {  	v13 =	vld [tilespmem:s24+$0xFFFFFFE0]  }
0x134: {  	v14 =	vld [tilespmem:s24+$0xFFFFFFF0]  }
0x135: {  	v15 =	vld [tilespmem:s24+$0x0]  }
0x136: {  	v16 =	vld [tilespmem:s24+$0x10];
	v17 =	vshrl.u32 v11, $0xA  }
0x137: {  	v18 =	vshrl.u32 v5, $0xA;
	v19 =	vand.u32 $0x3FF, v5;
	v5 =	vld [tilespmem:s24+$0x20];
	v17 =	vand.u32 $0x1FFFFF, v17  }
0x138: {  	v20 =	vld [tilespmem:s24+$0xFFFFFFC0];
	v18 =	vand.u32 $0x1FFFFF, v18;
	v21 =	vshrl.u32 v13, $0xA;
	vm7 =	veq.s32 v17, v4  }
0x139: {  	v11 =	vand.u32 $0x3FF, v11;
	v17 =	vand.u32 $0x1FFFFF, v21;
	v21 =	vshrl.u32 v14, $0xA;
	[tilespmem:v10+s16+$0x0] =	vst.idx.add.s32.msk vm5, v1  }
0x13a: {  	vm8 =	veq.s32 v18, v4;
	v10 =	vand.u32 $0x1FFFFF, v21;
	v18 =	vshrl.u32 v15, $0xA;
	[tilespmem:v8+s16+$0x0] =	vst.idx.add.s32.msk vm0, v1  }
0x13b: {  	vm0 =	veq.s32 v17, v4;
	v8 =	vand.u32 $0x1FFFFF, v18;
	v17 =	vshrl.u32 v16, $0xA;
	[tilespmem:v9+s16+$0x0] =	vst.idx.add.s32.msk vm1, v1  }
.Ltmp5:
0x13c: {  	vm1 =	veq.s32 v10, v4;
	v9 =	vand.u32 $0x1FFFFF, v17;
	v10 =	vshrl.u32 v5, $0xA;
	[tilespmem:v7+s16+$0x0] =	vst.idx.add.s32.msk vm2, v1;
	(pc) =	sbr.rel @p0 .LBB2_12-.Ltmp5, $4  }
0x13d: {  	vm2 =	veq.s32 v8, v4;
	v7 =	vshrl.u32 v20, $0xA;
	v8 =	vand.u32 $0x1FFFFF, v10;
	[tilespmem:v6+s16+$0x0] =	vst.idx.add.s32.msk vm3, v1  }
0x13e: {  	vm3 =	veq.s32 v9, v4;
	v6 =	vand.u32 $0x1FFFFF, v7;
	vm6 =	veq.s32 v8, v4;
	[tilespmem:v11+s16+$0x0] =	vst.idx.add.s32.msk vm7, v1  }
0x13f: {  	v10 =	vand.u32 $0x3FF, v20;
	v8 =	vand.u32 $0x3FF, v13;
	vm5 =	veq.s32 v6, v4;
	[tilespmem:v12+s16+$0x0] =	vst.idx.add.s32.msk vm4, v1  }
0x140: {  	s24 =	sadd.s32 $0x80, s24;
	v9 =	vand.u32 $0x3FF, v14;
	v7 =	vand.u32 $0x3FF, v15;
	v6 =	vand.u32 $0x3FF, v16;
	[tilespmem:v19+s16+$0x0] =	vst.idx.add.s32.msk vm8, v1  }
0x141: {  	v3 =	vxor.u32 $0x80000000, v3  }
0x142: {  	(xrf0) =	vmax.scan.msk.u32 $0xffff, v3;
	_ =	sdelay $0x5  }
0x143: {  	v3, _, _ =	vpop (xrf0)  }
0x144: {  	v4 =	vand.u32 $0x3FF, v5;
	[tilespmem:v10+s16+$0x0] =	vst.idx.add.s32.msk vm5, v1;
	(v2sf) =	vpush v3, $0xF  }
0x145: {  	[tilespmem:v8+s16+$0x0] =	vst.idx.add.s32.msk vm0, v1  }
0x146: {  	[tilespmem:v9+s16+$0x0] =	vst.idx.add.s32.msk vm1, v1  }
0x147: {  	[tilespmem:v7+s16+$0x0] =	vst.idx.add.s32.msk vm2, v1  }
0x148: {  	[tilespmem:v6+s16+$0x0] =	vst.idx.add.s32.msk vm3, v1  }
0x149: {  	s23 =	simm.s32 $0x183F0;
	[tilespmem:v4+s16+$0x0] =	vst.idx.add.s32.msk vm6, v1  }
0x14a: {  	v5 =	vld [tilespmem:s23+$0x0]  }
0x14b: {  	v6 =	vld [tilespmem:s23+$0xFFFFFFF0];
	_ =	sdelay $0x1  }
0x14c: {  	v7 =	vld [tilespmem:s23+$0xFFFFFFE0];
	_ =	sdelay $0x1  }
0x14d: {  	v8 =	vld [tilespmem:s23+$0xFFFFFFD0];
	(xrf0) =	vadd.scan.msk.s32 $0xffff, v5  }
0x14e: {  	(xrf0) =	vadd.scan.msk.s32 $0xffff, v6;
	_ =	sdelay $0x1  }
0x14f: {  	(xrf0) =	vadd.scan.msk.s32 $0xffff, v7  }
0x150: {  	s0 =	spop (v2sf)  }
0x151: {  	(xrf0) =	vadd.scan.msk.s32 $0xffff, v8;
	s0 =	sxor.u32 $0x80000000, s0  }
0x152: {  	v9, _, _ =	vpop (xrf0);
	s0 =	ssub.s32 s22, s0;
	s22 =	simm.s32 $0x183B0  }
0x153: {  	v7 =	vperm.xlane v7, v2;
	v10, _, _ =	vpop (xrf0);
	(v2sf) =	vpush v9, $0xF;
	v9 =	vld [tilespmem:s22+$0x0]  }
0x154: {  	(v2sf) =	vpush v10, $0xF;
	v10 =	vld [tilespmem:s22+$0xFFFFFFF0]  }
0x155: {  	v5 =	vperm.xlane v5, v2;
	v11, _, _ =	vpop (xrf0);
	v12 =	vld [tilespmem:s22+$0xFFFFFFE0]  }
0x156: {  	(xrf0) =	vadd.scan.msk.s32 $0xffff, v7;
	(v2sf) =	vpush v11, $0xF;
	v11 =	vld [tilespmem:s22+$0xFFFFFFD0]  }
0x157: {  	(xrf0) =	vadd.scan.msk.s32 $0xffff, v5;
	v7, _, _ =	vpop (xrf0)  }
0x158: {  	(v2sf) =	vpush v7, $0xF;
	(xrf0) =	vadd.scan.msk.s32 $0xffff, v9  }
0x159: {  	(xrf0) =	vadd.scan.msk.s32 $0xffff, v10  }
0x15a: {  	(xrf0) =	vadd.scan.msk.s32 $0xffff, v12  }
0x15b: {  	(xrf0) =	vadd.scan.msk.s32 $0xffff, v11  }
0x15c: {  	v5 =	vperm.xlane v6, v2;
	v13, _, _ =	vpop (xrf0)  }
0x15d: {  	s25 =	simm.s32 $0x18370;
	v7, _, _ =	vpop (xrf0);
	v6 =	vperm.xlane v12, v2  }
0x15e: {  	v12 =	vld [tilespmem:s25+$0x0];
	(xrf0) =	vadd.scan.msk.s32 $0xffff, v5;
	v5 =	vperm.xlane v8, v2;
	v8, _, _ =	vpop (xrf0)  }
0x15f: {  	s26 =	simm.s32 $0x0;
	v14 =	vld [tilespmem:s25+$0xFFFFFFF0];
	(xrf0) =	vadd.scan.msk.s32 $0xffff, v6;
	v6 =	vperm.xlane v9, v2;
	v9, _, _ =	vpop (xrf0);
	(v2sf) =	vpush v8, $0xF  }
0x160: {  	v16 =	vld [tilespmem:s25+$0xFFFFFFE0];
	(xrf0) =	vadd.scan.msk.s32 $0xffff, v5;
	v5 =	vadd.s32 s26, v7;
	v7, _, _ =	vpop (xrf0);
	(v2sf) =	vpush v9, $0xF  }
0x161: {  	vm4 =	vmmov vm6;
	[tilespmem:s23+$0xFFFFFFE0] =	vst v0;
	v18 =	vperm.xlane v10, v2;
	v9 =	vld [tilespmem:s25+$0xFFFFFFD0];
	v10, _, _ =	vpop (xrf0);
	(v2sf) =	vpush v7, $0xF  }
0x162: {  	v4 =	vimm.s32 $0x0;
	[tilespmem:s23+$0xFFFFFFF0] =	vst v0;
	s26 =	spop (v2sf);
	(xrf0) =	vadd.scan.msk.s32 $0xffff, v6;
	(v2sf) =	vpush v10, $0xF  }
0x163: {  	[tilespmem:s23+$0x0] =	vst v0;
	v3 =	vmov s0;
	v8 =	vperm.xlane v11, v2;
	(xrf0) =	vadd.scan.msk.s32 $0xffff, v12  }
0x164: {  	s0 =	sadd.s32 $0x0, s26;
	s31 =	spop (v2sf);
	vm0 =	vge.s32 v5, v3;
	v19 =	vperm.xlane v5, v2;
	v7 =	vperm.xlane v12, v2;
	v6, _, _ =	vpop (xrf0);
	(xrf0) =	vadd.scan.msk.s32 $0xffff, v14  }
0x165: {  	v12 =	vperm.xlane v14, v2;
	v10 =	vadd.s32 s0, v6;
	s0 =	sadd.s32 s0, s31;
	(xrf0) =	vadd.scan.msk.s32 $0xffff, v16;
	v16 =	vperm.xlane v16, v2  }
0x166: {  	s24 =	simm.s32 $0x18BF0;
	s31 =	spop (v2sf);
	v6, _, _ =	vpop (xrf0);
	vm1 =	vge.s32 v10, v3;
	v10 =	vperm.xlane v10, v2;
	v11 =	vadd.s32 s0, v13;
	(xrf0) =	vadd.scan.msk.s32 $0xffff, v9  }
0x167: {  	[tilespmem:s24+$0x0] =	vst v19;
	s0 =	sadd.s32 s0, s31;
	s31 =	spop (v2sf);
	v13 =	vmpcnt.ones.xlane vm1;
	vm1 =	vge.s32 v11, v3;
	v11 =	vperm.xlane v11, v2;
	v15, _, _ =	vpop (xrf0)  }
0x168: {  	s30 =	sadd.s32 s0, s31;
	[tilespmem:s24+$0xFFFFFFF0] =	vst v10;
	v14 =	vmpcnt.ones.xlane vm1;
	v5 =	vadd.s32 s0, v15;
	v20, _, _ =	vpop (xrf0);
	v15 =	vmpcnt.ones.xlane vm0  }
0x169: {  	s28 =	simm.s32 $0x8;
	s29 =	simm.s32 $0x18330;
	s26 =	simm.s32 $0x18BF0;
	vm0 =	vge.s32 v5, v3;
	v10 =	vperm.xlane v5, v2;
	v17, _, _ =	vpop (xrf0);
	v5 =	vadd.s32 s30, v20;
	(xrf0) =	vadd.scan.msk.s32 $0xffff, v18  }
.LBB2_14:
0x16a: {  	v18 =	vld [tilespmem:s29+$0x0];
	s28 =	sadd.s32 $0x4, s28;
	v19 =	vperm.xlane v9, v2;
	v9, _, _ =	vpop (xrf0);
	v4 =	vadd.s32 v4, v15;
	[tilespmem:s24+$0xFFFFFFE0] =	vst v11;
	s26 =	sadd.s32 $0xFFFFFFC0, s26;
	v20 =	vmov v12  }
0x16b: {  	v11 =	vld [tilespmem:s29+$0xFFFFFFF0];
	p0 =	slt.u32 s28, $0x3C;
	(v2sf) =	vpush v17, $0xF;
	(xrf0) =	vadd.scan.msk.s32 $0xffff, v16;
	v12, _, _ =	vpop (xrf0);
	v4 =	vadd.s32 v13, v4;
	v13 =	vmpcnt.ones.xlane vm0  }
0x16c: {  	v16 =	vld [tilespmem:s29+$0xFFFFFFE0];
	(v2sf) =	vpush v9, $0xF;
	v15, _, _ =	vpop (xrf0);
	(xrf0) =	vadd.scan.msk.s32 $0xffff, v8;
	v4 =	vadd.s32 v14, v4;
	[tilespmem:s23+$0xFFFFFFD0] =	vst v0;
	s23 =	smov.u32 s22;
	s22 =	smov.u32 s25;
	s25 =	smov.u32 s29  }
0x16d: {  	v8 =	vmov v19;
	v9 =	vld [tilespmem:s29+$0xFFFFFFD0];
	(v2sf) =	vpush v12, $0xF;
	v4 =	vadd.s32 v13, v4;
	[tilespmem:s24+$0xFFFFFFD0] =	vst v10;
	s24 =	smov.u32 s26  }
0x16e: {  	(xrf0) =	vadd.scan.msk.s32 $0xffff, v7;
	(v2sf) =	vpush v15, $0xF;
	[tilespmem:s23+$0xFFFFFFE0] =	vst v0;
	s0 =	spop (v2sf)  }
0x16f: {  	v7 =	vperm.xlane v18, v2;
	(xrf0) =	vadd.scan.msk.s32 $0xffff, v18;
	s0 =	sadd.s32 s30, s0;
	[tilespmem:s23+$0xFFFFFFF0] =	vst v0;
	v10, _, _ =	vpop (xrf0);
	s30 =	spop (v2sf)  }
0x170: {  	vm0 =	vge.s32 v5, v3;
	v12 =	vperm.xlane v11, v2;
	(xrf0) =	vadd.scan.msk.s32 $0xffff, v11;
	v10 =	vadd.s32 s0, v10;
	s0 =	sadd.s32 s0, s30;
	s30 =	spop (v2sf)  }
.Ltmp6:
0x171: {  	(xrf0) =	vadd.scan.msk.s32 $0xffff, v16;
	vm1 =	vge.s32 v10, v3;
	v10 =	vperm.xlane v10, v2;
	v11 =	vadd.s32 s0, v6;
	v6, _, _ =	vpop (xrf0);
	s0 =	sadd.s32 s0, s30;
	s30 =	spop (v2sf);
	(pc) =	sbr.rel @p0 .LBB2_14-.Ltmp6, $4  }
0x172: {  	(xrf0) =	vadd.scan.msk.s32 $0xffff, v9;
	v13 =	vmpcnt.ones.xlane vm1;
	vm1 =	vge.s32 v11, v3;
	v11 =	vperm.xlane v11, v2;
	s30 =	sadd.s32 s0, s30;
	v15, _, _ =	vpop (xrf0)  }
0x173: {  	v18 =	vperm.xlane v5, v2;
	[tilespmem:s26+$0xFFFFFFF0] =	vst v10;
	v14 =	vmpcnt.ones.xlane vm1;
	v5 =	vadd.s32 s0, v15  }
0x174: {  	v15 =	vmpcnt.ones.xlane vm0;
	v19, _, _ =	vpop (xrf0);
	[tilespmem:s23+$0x0] =	vst v0;
	vm0 =	vge.s32 v5, v3;
	v10 =	vperm.xlane v5, v2  }
0x175: {  	s29 =	sadd.s32 $0xFFFFFFC0, s29;
	v16 =	vperm.xlane v16, v2;
	v17, _, _ =	vpop (xrf0);
	v5 =	vadd.s32 s30, v19;
	(xrf0) =	vadd.scan.msk.s32 $0xffff, v20;
	[tilespmem:s26+$0x0] =	vst v18  }
0x176: {  	v18, _, _ =	vpop (xrf0);
	(v2sf) =	vpush v17, $0xF  }
0x177: {  	(v2sf) =	vpush v18, $0xF;
	v60, _, _ =	vpop (xrf0)  }
0x178: {  	(v2sf) =	vpush v60, $0xF;
	_ =	sdelay $0x1  }
0x179: {  	(xrf0) =	vadd.scan.msk.s32 $0xffff, v16  }
0x17a: {  	(xrf0) =	vadd.scan.msk.s32 $0xffff, v8;
	_ =	sdelay $0x1  }
0x17b: {  	v4 =	vadd.s32 v4, v15;
	v8, _, _ =	vpop (xrf0);
	(xrf0) =	vadd.scan.msk.s32 $0xffff, v7;
	v7 =	vperm.xlane v9, v2;
	v9 =	vmpcnt.ones.xlane vm0;
	s0 =	spop (v2sf)  }
0x17c: {  	v4 =	vadd.s32 v13, v4;
	vm0 =	vge.s32 v5, v3;
	s0 =	sadd.s32 s30, s0;
	v13, _, _ =	vpop (xrf0);
	s28 =	spop (v2sf)  }
0x17d: {  	v4 =	vadd.s32 v14, v4;
	v14 =	vmpcnt.ones.xlane vm0;
	(xrf0) =	vadd.scan.msk.s32 $0xffff, v12;
	v12 =	vadd.s32 s0, v13;
	s0 =	sadd.s32 s0, s28  }
0x17e: {  	s30 =	spop (v2sf);
	v13, _, _ =	vpop (xrf0);
	v6 =	vadd.s32 s0, v6  }
0x17f: {  	v4 =	vadd.s32 v9, v4;
	vm1 =	vge.s32 v12, v3;
	s0 =	sadd.s32 s0, s30;
	vm0 =	vge.s32 v6, v3;
	v9, _, _ =	vpop (xrf0)  }
0x180: {  	(xrf0) =	vadd.scan.msk.s32 $0xffff, v7;
	s31 =	spop (v2sf);
	v7 =	vmpcnt.ones.xlane vm1;
	v15 =	vmpcnt.ones.xlane vm0;
	v9 =	vadd.s32 s0, v9  }
0x181: {  	v4 =	vadd.s32 v4, v14;
	s28 =	sadd.s32 s0, s31;
	v14, _, _ =	vpop (xrf0);
	vm0 =	vge.s32 v9, v3  }
0x182: {  	v4 =	vadd.s32 v7, v4;
	v7 =	vadd.s32 s28, v14;
	v14 =	vmpcnt.ones.xlane vm0  }
0x183: {  	s29 =	spop (v2sf)  }
0x184: {  	v4 =	vadd.s32 v15, v4;
	vm0 =	vge.s32 v7, v3;
	v15, _, _ =	vpop (xrf0);
	s0 =	sadd.s32 s28, s29;
	s29 =	spop (v2sf)  }
0x185: {  	v61 =	vmpcnt.ones.xlane vm0;
	s30 =	sadd.s32 s0, s29;
	v15 =	vadd.s32 s0, v15;
	s31 =	spop (v2sf)  }
0x186: {  	v4 =	vadd.s32 v14, v4;
	v14, _, _ =	vpop (xrf0);
	v13 =	vadd.s32 s30, v13;
	s0 =	sadd.s32 s30, s31;
	vm1 =	vge.s32 v15, v3  }
0x187: {  	v62 =	vmpcnt.ones.xlane vm1;
	vm0 =	vge.s32 v13, v3;
	v14 =	vadd.s32 s0, v14  }
0x188: {  	v63 =	vmpcnt.ones.xlane vm0;
	vm0 =	vge.s32 v14, v3;
	v3 =	vadd.s32 v4, v61  }
0x189: {  	v3 =	vadd.s32 v62, v3;
	v4 =	vmpcnt.ones.xlane vm0  }
0x18a: {  	v3 =	vadd.s32 v63, v3  }
0x18b: {  	v3 =	vadd.s32 v4, v3  }
0x18c: {  	v3 =	vxor.u32 $0x80000000, v3  }
0x18d: {  	[tilespmem:s24+$0xFFFFFFE0] =	vst v11;
	(xrf0) =	vmax.scan.msk.u32 $0xffff, v3  }
0x18e: {  	[tilespmem:s23+$0xFFFFFFD0] =	vst v0  }
0x18f: {  	[tilespmem:s22+$0xFFFFFFE0] =	vst v0  }
0x190: {  	[tilespmem:s22+$0xFFFFFFF0] =	vst v0  }
0x191: {  	[tilespmem:s22+$0x0] =	vst v0  }
0x192: {  	[tilespmem:s22+$0xFFFFFFD0] =	vst v0  }
0x193: {  	[tilespmem:s25+$0xFFFFFFE0] =	vst v0;
	(v2sf) =	vpush v8, $0xF;
	v4 =	vperm.xlane v5, v2;
	v5, _, _ =	vpop (xrf0)  }
0x194: {  	[tilespmem:s25+$0xFFFFFFF0] =	vst v0;
	(v2sf) =	vpush v5, $0xF  }
0x195: {  	[tilespmem:s25+$0x0] =	vst v0  }
0x196: {  	[tilespmem:s25+$0xFFFFFFD0] =	vst v0  }
0x197: {  	[tilespmem:s24+$0xFFFFFFD0] =	vst v10;
	s29 =	sadd.s32 $0xFFFFFFC0, s26;
	v3 =	vperm.xlane v12, v2  }
0x198: {  	[tilespmem:s29+$0x0] =	vst v4;
	v4 =	vperm.xlane v9, v2  }
0x199: {  	[tilespmem:s29+$0xFFFFFFF0] =	vst v3;
	v3 =	vperm.xlane v6, v2  }
0x19a: {  	[tilespmem:s29+$0xFFFFFFD0] =	vst v4;
	v4 =	vperm.xlane v7, v2  }
0x19b: {  	s0 =	sadd.s32 $0xFFFFFFC0, s29;
	[tilespmem:s29+$0xFFFFFFE0] =	vst v3;
	v3 =	vperm.xlane v15, v2  }
0x19c: {  	[tilespmem:s0+$0x0] =	vst v4;
	v4 =	vperm.xlane v14, v2  }
0x19d: {  	[tilespmem:s0+$0xFFFFFFF0] =	vst v3;
	v3 =	vperm.xlane v13, v2  }
0x19e: {  	[tilespmem:s0+$0xFFFFFFD0] =	vst v4  }
0x19f: {  	[tilespmem:s0+$0xFFFFFFE0] =	vst v3  }
0x1a0: {  	s30 =	simm.s32 $0x40;
	[tilespmem:$0x18C00] =	vst v0  }
0x1a1: {  	v11 =	vld [tilespmem:s30+$0x30]  }
0x1a2: {  	s31 =	spop (v2sf);
	v10 =	vld [tilespmem:s30+$0xFFFFFFD0]  }
0x1a3: {  	v9 =	vld [tilespmem:s30+$0xFFFFFFE0];
	s22 =	spop (v2sf)  }
0x1a4: {  	v8 =	vld [tilespmem:s30+$0xFFFFFFF0];
	s22 =	sadd.s32 $0x7FFFFFFF, s22  }
0x1a5: {  	v7 =	vld [tilespmem:s30+$0x0];
	s21 =	sor.u32 s21, s22  }
0x1a6: {  	v5 =	vld [tilespmem:s30+$0x10];
	v6 =	vand.u32 $0x7FFFFFFF, v11;
	v3 =	vmov s21  }
0x1a7: {  	v4 =	vld [tilespmem:s30+$0x20];
	v12 =	vand.u32 $0x7FFFFFFF, v10;
	vm1 =	vgt.s32 v3, v6  }
0x1a8: {  	s23 =	simm.s32 $0xC0;
	s22 =	simm.s32 $0x0;
	s21 =	simm.s32 $0x10040;
	v6 =	vld [tilespmem:s30+$0xFFFFFFC0];
	vm0 =	vgt.s32 v3, v12;
	v12 =	vand.u32 $0x7FFFFFFF, v9;
	v11 =	vsel vm1, $0x0, v11  }
.LBB2_16:
0x1a9: {  	v13 =	vld [tilespmem:s23+$0x30];
	s22 =	sadd.s32 $0x8, s22;
	v14 =	vsel vm0, $0x0, v10;
	vm0 =	vgt.s32 v3, v12;
	v12 =	vand.u32 $0x7FFFFFFF, v8;
	[tilespmem:s21+$0x30] =	vst v11  }
0x1aa: {  	v10 =	vld [tilespmem:s23+$0xFFFFFFD0];
	p0 =	slt.u32 s22, $0x7F8;
	[tilespmem:s21+$0xFFFFFFD0] =	vst v14;
	v11 =	vsel vm0, $0x0, v9;
	vm0 =	vgt.s32 v3, v12;
	v12 =	vand.u32 $0x7FFFFFFF, v7  }
0x1ab: {  	v9 =	vld [tilespmem:s23+$0xFFFFFFE0];
	[tilespmem:s21+$0xFFFFFFE0] =	vst v11;
	v11 =	vsel vm0, $0x0, v8;
	vm0 =	vgt.s32 v3, v12;
	v12 =	vand.u32 $0x7FFFFFFF, v5  }
.Ltmp7:
0x1ac: {  	v8 =	vld [tilespmem:s23+$0xFFFFFFF0];
	[tilespmem:s21+$0xFFFFFFF0] =	vst v11;
	v11 =	vsel vm0, $0x0, v7;
	vm0 =	vgt.s32 v3, v12;
	v12 =	vand.u32 $0x7FFFFFFF, v4;
	(pc) =	sbr.rel @p0 .LBB2_16-.Ltmp7, $4  }
0x1ad: {  	v7 =	vld [tilespmem:s23+$0x0];
	v14 =	vand.u32 $0x7FFFFFFF, v6;
	[tilespmem:s21+$0x0] =	vst v11;
	v11 =	vsel vm0, $0x0, v5;
	vm0 =	vgt.s32 v3, v12  }
0x1ae: {  	v5 =	vld [tilespmem:s23+$0x10];
	v12 =	vand.u32 $0x7FFFFFFF, v13;
	vm1 =	vgt.s32 v3, v14;
	[tilespmem:s21+$0x10] =	vst v11;
	v11 =	vsel vm0, $0x0, v4  }
0x1af: {  	v14 =	vand.u32 $0x7FFFFFFF, v10;
	v4 =	vld [tilespmem:s23+$0x20];
	vm2 =	vgt.s32 v3, v12;
	v15 =	vsel vm1, $0x0, v6;
	[tilespmem:s21+$0x20] =	vst v11  }
0x1b0: {  	v6 =	vld [tilespmem:s23+$0xFFFFFFC0];
	vm0 =	vgt.s32 v3, v14;
	v12 =	vand.u32 $0x7FFFFFFF, v9;
	v11 =	vsel vm2, $0x0, v13;
	s23 =	sadd.s32 $0x80, s23;
	[tilespmem:s21+$0xFFFFFFC0] =	vst v15;
	s21 =	sadd.s32 $0x80, s21  }
0x1b1: {  	v10 =	vsel vm0, $0x0, v10;
	vm11 =	vgt.s32 v3, v12;
	v58 =	vand.u32 $0x7FFFFFFF, v8;
	[tilespmem:s21+$0x30] =	vst v11  }
0x1b2: {  	[tilespmem:s21+$0xFFFFFFD0] =	vst v10;
	v9 =	vsel vm11, $0x0, v9;
	vm12 =	vgt.s32 v3, v58;
	v59 =	vand.u32 $0x7FFFFFFF, v7  }
0x1b3: {  	[tilespmem:s21+$0xFFFFFFE0] =	vst v9;
	v8 =	vsel vm12, $0x0, v8;
	vm13 =	vgt.s32 v3, v59;
	v60 =	vand.u32 $0x7FFFFFFF, v5  }
0x1b4: {  	[tilespmem:s21+$0xFFFFFFF0] =	vst v8;
	v7 =	vsel vm13, $0x0, v7;
	vm14 =	vgt.s32 v3, v60;
	v8 =	vand.u32 $0x7FFFFFFF, v4  }
0x1b5: {  	v61 =	vand.u32 $0x7FFFFFFF, v6;
	[tilespmem:s21+$0x0] =	vst v7;
	v5 =	vsel vm14, $0x0, v5;
	vm15 =	vgt.s32 v3, v8  }
0x1b6: {  	vm1 =	vgt.s32 v3, v61;
	[tilespmem:s21+$0x10] =	vst v5;
	v3 =	vsel vm15, $0x0, v4  }
0x1b7: {  	v4 =	vsel vm1, $0x0, v6;
	[tilespmem:s21+$0x20] =	vst v3  }
0x1b8: {  	[tilespmem:s21+$0xFFFFFFC0] =	vst v4  }
0x1b9: {  	[hbm4b:s5+s12] =	stream.strided.scatter [tilespmem:s18], [sflag:$0x2], $0x8000, s13, s12, $0x38;
	[tilespmem:$0x19080] =	vst v63  }
0x1ba: {  	_ =	swait.ge [sflag:s14], $0x8000  }
0x1bb: {  	[sflag:s14] =	ssyncset.done $0x0  }
0x1bc: {  	s0 =	simm.s32 $0x8040;
	[sflag:s14] =	ssyncadd.s32 $0xFFFF8000  }
0x1bd: {  	[tilespmem:s2], [sflag:$0x1] =	stream.strided.gather [hbm4b:s6+s12], $0x8000, s13, s12, $0x38;
	[tilespmem:$0x19080] =	vst v63  }
0x1be: {  	v3 =	vld [tilespmem:s0+$0x30]  }
0x1bf: {  	v4 =	vld [tilespmem:s0+$0xFFFFFFD0]  }
0x1c0: {  	v5 =	vld [tilespmem:s0+$0xFFFFFFE0]  }
0x1c1: {  	v6 =	vld [tilespmem:s0+$0xFFFFFFF0]  }
0x1c2: {  	v7 =	vld [tilespmem:s0+$0x0]  }
0x1c3: {  	v3 =	vshrl.u32 v3, $0x14  }
0x1c4: {  	v4 =	vshrl.u32 v4, $0x14;
	v3 =	vand.u32 $0x7FF, v3  }
0x1c5: {  	v8 =	vld [tilespmem:s0+$0x10];
	v5 =	vshrl.u32 v5, $0x14;
	v4 =	vand.u32 $0x7FF, v4  }
0x1c6: {  	v62 =	vld [tilespmem:s0+$0x20];
	v6 =	vshrl.u32 v6, $0x14;
	v5 =	vand.u32 $0x7FF, v5  }
0x1c7: {  	v63 =	vld [tilespmem:s0+$0xFFFFFFC0];
	v7 =	vshrl.u32 v7, $0x14;
	v6 =	vand.u32 $0x7FF, v6  }
0x1c8: {  	v7 =	vand.u32 $0x7FF, v7  }
0x1c9: {  	[tilespmem:v3+s16+$0x0] =	vst.idx.add.s32.msk $0xffff, v1  }
0x1ca: {  	[tilespmem:v4+s16+$0x0] =	vst.idx.add.s32.msk $0xffff, v1  }
0x1cb: {  	[tilespmem:v5+s16+$0x0] =	vst.idx.add.s32.msk $0xffff, v1  }
0x1cc: {  	v3 =	vshrl.u32 v8, $0x14;
	v5 =	vshrl.u32 v62, $0x14;
	v8 =	vshrl.u32 v63, $0x14;
	[tilespmem:v6+s16+$0x0] =	vst.idx.add.s32.msk $0xffff, v1  }
0x1cd: {  	s23 =	simm.s32 $0x0;
	s24 =	simm.s32 $0x80C0;
	[tilespmem:v7+s16+$0x0] =	vst.idx.add.s32.msk $0xffff, v1;
	v4 =	vand.u32 $0x7FF, v3;
	v5 =	vand.u32 $0x7FF, v5;
	v6 =	vand.u32 $0x7FF, v8  }
.LBB2_18:
0x1ce: {  	v3 =	vld [tilespmem:s24+$0x30];
	s23 =	sadd.s32 $0x8, s23  }
0x1cf: {  	v7 =	vld [tilespmem:s24+$0xFFFFFFD0];
	p0 =	slt.u32 s23, $0x7F8  }
0x1d0: {  	v8 =	vld [tilespmem:s24+$0xFFFFFFE0]  }
0x1d1: {  	v9 =	vld [tilespmem:s24+$0xFFFFFFF0]  }
0x1d2: {  	v10 =	vld [tilespmem:s24+$0x0]  }
0x1d3: {  	v11 =	vld [tilespmem:s24+$0x10];
	v3 =	vshrl.u32 v3, $0x14  }
0x1d4: {  	v7 =	vshrl.u32 v7, $0x14;
	v12 =	vld [tilespmem:s24+$0x20];
	v3 =	vand.u32 $0x7FF, v3  }
0x1d5: {  	v13 =	vld [tilespmem:s24+$0xFFFFFFC0];
	v7 =	vand.u32 $0x7FF, v7;
	v8 =	vshrl.u32 v8, $0x14  }
0x1d6: {  	v8 =	vand.u32 $0x7FF, v8;
	v9 =	vshrl.u32 v9, $0x14;
	[tilespmem:v6+s16+$0x0] =	vst.idx.add.s32.msk $0xffff, v1  }
0x1d7: {  	v9 =	vand.u32 $0x7FF, v9;
	v6 =	vshrl.u32 v10, $0x14;
	[tilespmem:v4+s16+$0x0] =	vst.idx.add.s32.msk $0xffff, v1  }
0x1d8: {  	s21 =	simm.s32 $0x18FF0;
	v10 =	vand.u32 $0x7FF, v6;
	v4 =	vshrl.u32 v11, $0x14;
	[tilespmem:v5+s16+$0x0] =	vst.idx.add.s32.msk $0xffff, v1  }
.Ltmp8:
0x1d9: {  	s25 =	simm.s32 $0x0;
	s22 =	simm.s32 $0x187F0;
	v4 =	vand.u32 $0x7FF, v4;
	v5 =	vshrl.u32 v12, $0x14;
	[tilespmem:v3+s16+$0x0] =	vst.idx.add.s32.msk $0xffff, v1;
	v3 =	vimm.s32 $0x0;
	(pc) =	sbr.rel @p0 .LBB2_18-.Ltmp8, $4  }
0x1da: {  	v6 =	vshrl.u32 v13, $0x14;
	[tilespmem:v7+s16+$0x0] =	vst.idx.add.s32.msk $0xffff, v1;
	v5 =	vand.u32 $0x7FF, v5  }
0x1db: {  	v6 =	vand.u32 $0x7FF, v6;
	[tilespmem:v8+s16+$0x0] =	vst.idx.add.s32.msk $0xffff, v1  }
0x1dc: {  	[tilespmem:v9+s16+$0x0] =	vst.idx.add.s32.msk $0xffff, v1  }
0x1dd: {  	s24 =	sadd.s32 $0x80, s24;
	[tilespmem:v10+s16+$0x0] =	vst.idx.add.s32.msk $0xffff, v1  }
0x1de: {  	_ =	sdelay $0x3  }
0x1df: {  	[tilespmem:v6+s16+$0x0] =	vst.idx.add.s32.msk $0xffff, v1  }
0x1e0: {  	[tilespmem:v4+s16+$0x0] =	vst.idx.add.s32.msk $0xffff, v1  }
0x1e1: {  	[tilespmem:v5+s16+$0x0] =	vst.idx.add.s32.msk $0xffff, v1  }
0x1e2: {  	v4 =	vld [tilespmem:s22+$0x0]  }
0x1e3: {  	v5 =	vld [tilespmem:s22+$0xFFFFFFF0];
	_ =	sdelay $0x1  }
0x1e4: {  	v6 =	vld [tilespmem:s22+$0xFFFFFFE0];
	_ =	sdelay $0x1  }
0x1e5: {  	v7 =	vld [tilespmem:s22+$0xFFFFFFD0];
	(xrf0) =	vadd.scan.msk.s32 $0xffff, v4  }
0x1e6: {  	(xrf0) =	vadd.scan.msk.s32 $0xffff, v5;
	_ =	sdelay $0x1  }
0x1e7: {  	(xrf0) =	vadd.scan.msk.s32 $0xffff, v6;
	_ =	sdelay $0x1  }
0x1e8: {  	(xrf0) =	vadd.scan.msk.s32 $0xffff, v7  }
0x1e9: {  	s23 =	simm.s32 $0x187B0;
	v8, _, _ =	vpop (xrf0)  }
0x1ea: {  	v6 =	vperm.xlane v6, v2;
	v9, _, _ =	vpop (xrf0);
	(v2sf) =	vpush v8, $0xF;
	v8 =	vld [tilespmem:s23+$0x0]  }
0x1eb: {  	(v2sf) =	vpush v9, $0xF;
	v9 =	vld [tilespmem:s23+$0xFFFFFFF0]  }
0x1ec: {  	v11 =	vld [tilespmem:s23+$0xFFFFFFE0];
	v4 =	vperm.xlane v4, v2;
	v10, _, _ =	vpop (xrf0)  }
0x1ed: {  	(xrf0) =	vadd.scan.msk.s32 $0xffff, v6;
	(v2sf) =	vpush v10, $0xF;
	v10 =	vld [tilespmem:s23+$0xFFFFFFD0]  }
0x1ee: {  	(xrf0) =	vadd.scan.msk.s32 $0xffff, v4;
	v6, _, _ =	vpop (xrf0)  }
0x1ef: {  	(v2sf) =	vpush v6, $0xF;
	(xrf0) =	vadd.scan.msk.s32 $0xffff, v8  }
0x1f0: {  	(xrf0) =	vadd.scan.msk.s32 $0xffff, v9  }
0x1f1: {  	(xrf0) =	vadd.scan.msk.s32 $0xffff, v11  }
0x1f2: {  	(xrf0) =	vadd.scan.msk.s32 $0xffff, v10  }
0x1f3: {  	v4 =	vperm.xlane v5, v2;
	v12, _, _ =	vpop (xrf0)  }
0x1f4: {  	s24 =	simm.s32 $0x18770;
	v5 =	vperm.xlane v11, v2;
	v6, _, _ =	vpop (xrf0)  }
0x1f5: {  	v11 =	vld [tilespmem:s24+$0x0];
	(xrf0) =	vadd.scan.msk.s32 $0xffff, v4;
	v4 =	vperm.xlane v7, v2;
	v7, _, _ =	vpop (xrf0)  }
0x1f6: {  	v13 =	vld [tilespmem:s24+$0xFFFFFFF0];
	(xrf0) =	vadd.scan.msk.s32 $0xffff, v5;
	v5 =	vperm.xlane v8, v2;
	v8, _, _ =	vpop (xrf0);
	(v2sf) =	vpush v7, $0xF  }
0x1f7: {  	v15 =	vld [tilespmem:s24+$0xFFFFFFE0];
	(xrf0) =	vadd.scan.msk.s32 $0xffff, v4;
	v4 =	vadd.s32 s25, v6;
	v6, _, _ =	vpop (xrf0);
	(v2sf) =	vpush v8, $0xF  }
0x1f8: {  	[tilespmem:s22+$0xFFFFFFE0] =	vst v0;
	v17 =	vperm.xlane v9, v2;
	v9 =	vld [tilespmem:s24+$0xFFFFFFD0];
	v8, _, _ =	vpop (xrf0);
	(v2sf) =	vpush v6, $0xF  }
0x1f9: {  	[tilespmem:s22+$0xFFFFFFF0] =	vst v0;
	(xrf0) =	vadd.scan.msk.s32 $0xffff, v5;
	s0 =	spop (v2sf);
	(v2sf) =	vpush v8, $0xF  }
0x1fa: {  	[tilespmem:s22+$0x0] =	vst v0;
	v7 =	vperm.xlane v10, v2;
	(xrf0) =	vadd.scan.msk.s32 $0xffff, v11  }
0x1fb: {  	vm0 =	vgt.s32 v4, $0x7FF;
	v18 =	vperm.xlane v4, v2;
	v6 =	vperm.xlane v11, v2;
	v5, _, _ =	vpop (xrf0);
	(xrf0) =	vadd.scan.msk.s32 $0xffff, v13;
	s0 =	sadd.s32 $0x0, s0;
	s26 =	spop (v2sf)  }
0x1fc: {  	v11 =	vperm.xlane v13, v2;
	(xrf0) =	vadd.scan.msk.s32 $0xffff, v15;
	v15 =	vperm.xlane v15, v2;
	v8 =	vadd.s32 s0, v5;
	s0 =	sadd.s32 s0, s26  }
0x1fd: {  	s30 =	spop (v2sf);
	v5, _, _ =	vpop (xrf0);
	(xrf0) =	vadd.scan.msk.s32 $0xffff, v9;
	vm1 =	vgt.s32 v8, $0x7FF;
	v8 =	vperm.xlane v8, v2;
	v10 =	vadd.s32 s0, v12  }
0x1fe: {  	[tilespmem:s21+$0x0] =	vst v18;
	s0 =	sadd.s32 s0, s30;
	v14, _, _ =	vpop (xrf0);
	s31 =	spop (v2sf);
	v12 =	vmpcnt.ones.xlane vm1;
	vm1 =	vgt.s32 v10, $0x7FF;
	v10 =	vperm.xlane v10, v2  }
0x1ff: {  	v4 =	vadd.s32 s0, v14;
	s29 =	sadd.s32 s0, s31;
	v19, _, _ =	vpop (xrf0);
	v14 =	vmpcnt.ones.xlane vm0;
	[tilespmem:s21+$0xFFFFFFF0] =	vst v8;
	v13 =	vmpcnt.ones.xlane vm1  }
0x200: {  	s28 =	simm.s32 $0x18730;
	s25 =	simm.s32 $0x18FF0;
	s26 =	simm.s32 $0x8;
	vm0 =	vgt.s32 v4, $0x7FF;
	v8 =	vperm.xlane v4, v2;
	v16, _, _ =	vpop (xrf0);
	v4 =	vadd.s32 s29, v19;
	(xrf0) =	vadd.scan.msk.s32 $0xffff, v17  }
.LBB2_20:
0x201: {  	v17 =	vld [tilespmem:s28+$0x0];
	s26 =	sadd.s32 $0x4, s26;
	v18 =	vperm.xlane v9, v2;
	v9, _, _ =	vpop (xrf0);
	v3 =	vadd.s32 v3, v14;
	[tilespmem:s21+$0xFFFFFFE0] =	vst v10;
	s25 =	sadd.s32 $0xFFFFFFC0, s25;
	v19 =	vmov v11  }
0x202: {  	v10 =	vld [tilespmem:s28+$0xFFFFFFF0];
	p0 =	slt.u32 s26, $0x7C;
	(v2sf) =	vpush v16, $0xF;
	(xrf0) =	vadd.scan.msk.s32 $0xffff, v15;
	v11, _, _ =	vpop (xrf0);
	v3 =	vadd.s32 v12, v3;
	v12 =	vmpcnt.ones.xlane vm0  }
0x203: {  	v15 =	vld [tilespmem:s28+$0xFFFFFFE0];
	(v2sf) =	vpush v9, $0xF;
	v14, _, _ =	vpop (xrf0);
	(xrf0) =	vadd.scan.msk.s32 $0xffff, v7;
	v3 =	vadd.s32 v13, v3;
	[tilespmem:s22+$0xFFFFFFD0] =	vst v0;
	s22 =	smov.u32 s23;
	s23 =	smov.u32 s24;
	s24 =	smov.u32 s28  }
0x204: {  	v7 =	vmov v18;
	v9 =	vld [tilespmem:s28+$0xFFFFFFD0];
	(v2sf) =	vpush v11, $0xF;
	v3 =	vadd.s32 v12, v3;
	[tilespmem:s21+$0xFFFFFFD0] =	vst v8;
	s21 =	smov.u32 s25  }
0x205: {  	(xrf0) =	vadd.scan.msk.s32 $0xffff, v6;
	(v2sf) =	vpush v14, $0xF;
	[tilespmem:s22+$0xFFFFFFE0] =	vst v0;
	s0 =	spop (v2sf)  }
0x206: {  	v6 =	vperm.xlane v17, v2;
	(xrf0) =	vadd.scan.msk.s32 $0xffff, v17;
	s0 =	sadd.s32 s29, s0;
	[tilespmem:s22+$0xFFFFFFF0] =	vst v0;
	v8, _, _ =	vpop (xrf0);
	s29 =	spop (v2sf)  }
0x207: {  	vm0 =	vgt.s32 v4, $0x7FF;
	v11 =	vperm.xlane v10, v2;
	(xrf0) =	vadd.scan.msk.s32 $0xffff, v10;
	v8 =	vadd.s32 s0, v8;
	s0 =	sadd.s32 s0, s29;
	s29 =	spop (v2sf)  }
.Ltmp9:
0x208: {  	(xrf0) =	vadd.scan.msk.s32 $0xffff, v15;
	vm1 =	vgt.s32 v8, $0x7FF;
	v8 =	vperm.xlane v8, v2;
	v10 =	vadd.s32 s0, v5;
	v5, _, _ =	vpop (xrf0);
	s0 =	sadd.s32 s0, s29;
	s29 =	spop (v2sf);
	(pc) =	sbr.rel @p0 .LBB2_20-.Ltmp9, $4  }
0x209: {  	(xrf0) =	vadd.scan.msk.s32 $0xffff, v9;
	v12 =	vmpcnt.ones.xlane vm1;
	vm1 =	vgt.s32 v10, $0x7FF;
	v10 =	vperm.xlane v10, v2;
	s29 =	sadd.s32 s0, s29;
	v14, _, _ =	vpop (xrf0)  }
0x20a: {  	v17 =	vperm.xlane v4, v2;
	[tilespmem:s25+$0xFFFFFFF0] =	vst v8;
	v13 =	vmpcnt.ones.xlane vm1;
	v4 =	vadd.s32 s0, v14  }
0x20b: {  	v14 =	vmpcnt.ones.xlane vm0;
	v18, _, _ =	vpop (xrf0);
	[tilespmem:s22+$0x0] =	vst v0;
	vm0 =	vgt.s32 v4, $0x7FF;
	v8 =	vperm.xlane v4, v2  }
0x20c: {  	s28 =	sadd.s32 $0xFFFFFFC0, s28;
	v15 =	vperm.xlane v15, v2;
	v16, _, _ =	vpop (xrf0);
	v4 =	vadd.s32 s29, v18;
	(xrf0) =	vadd.scan.msk.s32 $0xffff, v19;
	[tilespmem:s25+$0x0] =	vst v17  }
0x20d: {  	v17, _, _ =	vpop (xrf0);
	(v2sf) =	vpush v16, $0xF  }
0x20e: {  	(v2sf) =	vpush v17, $0xF;
	v60, _, _ =	vpop (xrf0)  }
0x20f: {  	(v2sf) =	vpush v60, $0xF;
	_ =	sdelay $0x1  }
0x210: {  	(xrf0) =	vadd.scan.msk.s32 $0xffff, v15  }
0x211: {  	(xrf0) =	vadd.scan.msk.s32 $0xffff, v7;
	_ =	sdelay $0x1  }
0x212: {  	v3 =	vadd.s32 v3, v14;
	v7, _, _ =	vpop (xrf0);
	(xrf0) =	vadd.scan.msk.s32 $0xffff, v6;
	v6 =	vperm.xlane v9, v2;
	v9 =	vmpcnt.ones.xlane vm0;
	s0 =	spop (v2sf)  }
0x213: {  	v3 =	vadd.s32 v12, v3;
	vm0 =	vgt.s32 v4, $0x7FF;
	s0 =	sadd.s32 s29, s0;
	v12, _, _ =	vpop (xrf0);
	s26 =	spop (v2sf)  }
0x214: {  	v3 =	vadd.s32 v13, v3;
	v13 =	vmpcnt.ones.xlane vm0;
	(xrf0) =	vadd.scan.msk.s32 $0xffff, v11;
	v11 =	vadd.s32 s0, v12;
	s0 =	sadd.s32 s0, s26  }
0x215: {  	s31 =	spop (v2sf);
	v12, _, _ =	vpop (xrf0);
	v5 =	vadd.s32 s0, v5  }
0x216: {  	v3 =	vadd.s32 v9, v3;
	vm1 =	vgt.s32 v11, $0x7FF;
	s0 =	sadd.s32 s0, s31;
	vm0 =	vgt.s32 v5, $0x7FF;
	v9, _, _ =	vpop (xrf0)  }
0x217: {  	(xrf0) =	vadd.scan.msk.s32 $0xffff, v6;
	s28 =	spop (v2sf);
	v6 =	vmpcnt.ones.xlane vm1;
	v14 =	vmpcnt.ones.xlane vm0;
	v9 =	vadd.s32 s0, v9  }
0x218: {  	v3 =	vadd.s32 v3, v13;
	s26 =	sadd.s32 s0, s28;
	v13, _, _ =	vpop (xrf0);
	vm0 =	vgt.s32 v9, $0x7FF  }
0x219: {  	v3 =	vadd.s32 v6, v3;
	v6 =	vadd.s32 s26, v13;
	v13 =	vmpcnt.ones.xlane vm0  }
0x21a: {  	s29 =	spop (v2sf)  }
0x21b: {  	v3 =	vadd.s32 v14, v3;
	vm0 =	vgt.s32 v6, $0x7FF;
	v14, _, _ =	vpop (xrf0);
	s0 =	sadd.s32 s26, s29;
	s28 =	spop (v2sf)  }
0x21c: {  	v15 =	vmpcnt.ones.xlane vm0;
	s30 =	sadd.s32 s0, s28;
	v14 =	vadd.s32 s0, v14;
	s31 =	spop (v2sf)  }
0x21d: {  	v3 =	vadd.s32 v13, v3;
	v13, _, _ =	vpop (xrf0);
	v12 =	vadd.s32 s30, v12;
	s0 =	sadd.s32 s30, s31;
	vm1 =	vgt.s32 v14, $0x7FF  }
0x21e: {  	v61 =	vmpcnt.ones.xlane vm1;
	vm0 =	vgt.s32 v12, $0x7FF;
	v13 =	vadd.s32 s0, v13  }
0x21f: {  	v3 =	vadd.s32 v3, v15;
	v62 =	vmpcnt.ones.xlane vm0;
	vm0 =	vgt.s32 v13, $0x7FF  }
0x220: {  	v3 =	vadd.s32 v61, v3;
	v15 =	vmpcnt.ones.xlane vm0  }
0x221: {  	v3 =	vadd.s32 v62, v3  }
0x222: {  	v3 =	vadd.s32 v15, v3  }
0x223: {  	v3 =	vxor.u32 $0x80000000, v3  }
0x224: {  	(xrf0) =	vmax.scan.msk.u32 $0xffff, v3;
	_ =	sdelay $0x2  }
0x225: {  	[tilespmem:s21+$0xFFFFFFE0] =	vst v10  }
0x226: {  	[tilespmem:s22+$0xFFFFFFD0] =	vst v0  }
0x227: {  	[tilespmem:s23+$0xFFFFFFE0] =	vst v0  }
0x228: {  	[tilespmem:s23+$0xFFFFFFF0] =	vst v0;
	(v2sf) =	vpush v7, $0xF;
	v3, _, _ =	vpop (xrf0)  }
0x229: {  	[tilespmem:s23+$0x0] =	vst v0;
	(v2sf) =	vpush v3, $0xF  }
0x22a: {  	[tilespmem:s23+$0xFFFFFFD0] =	vst v0  }
0x22b: {  	[tilespmem:s24+$0xFFFFFFE0] =	vst v0  }
0x22c: {  	[tilespmem:s24+$0xFFFFFFF0] =	vst v0  }
0x22d: {  	[tilespmem:s24+$0x0] =	vst v0  }
0x22e: {  	[tilespmem:s24+$0xFFFFFFD0] =	vst v0;
	v4 =	vperm.xlane v4, v2  }
0x22f: {  	[tilespmem:s21+$0xFFFFFFD0] =	vst v8;
	s28 =	sadd.s32 $0xFFFFFFC0, s25;
	v3 =	vperm.xlane v11, v2  }
0x230: {  	[tilespmem:s28+$0x0] =	vst v4;
	v4 =	vperm.xlane v9, v2  }
0x231: {  	[tilespmem:s28+$0xFFFFFFF0] =	vst v3;
	v3 =	vperm.xlane v5, v2  }
0x232: {  	[tilespmem:s28+$0xFFFFFFD0] =	vst v4;
	v4 =	vperm.xlane v6, v2  }
0x233: {  	s0 =	sadd.s32 $0xFFFFFFC0, s28;
	[tilespmem:s28+$0xFFFFFFE0] =	vst v3;
	v3 =	vperm.xlane v14, v2  }
0x234: {  	[tilespmem:s0+$0x0] =	vst v4;
	v5 =	vperm.xlane v13, v2  }
0x235: {  	[tilespmem:s0+$0xFFFFFFF0] =	vst v3;
	v3 =	vperm.xlane v12, v2  }
0x236: {  	[tilespmem:s0+$0xFFFFFFD0] =	vst v5  }
0x237: {  	s29 =	spop (v2sf);
	[tilespmem:s0+$0xFFFFFFE0] =	vst v3  }
0x238: {  	s31 =	simm.s32 $0x8040;
	[tilespmem:$0x19000] =	vst v0;
	s21 =	spop (v2sf)  }
0x239: {  	v6 =	vld [tilespmem:s31+$0x10];
	s30 =	sxor.u32 $0x80000000, s21  }
0x23a: {  	v8 =	vld [tilespmem:s31+$0x30];
	v4 =	vmov s30  }
0x23b: {  	v9 =	vld [tilespmem:s31+$0xFFFFFFC0]  }
0x23c: {  	v5 =	vld [tilespmem:s31+$0xFFFFFFD0];
	_ =	sdelay $0x1  }
0x23d: {  	v10 =	vld [tilespmem:s31+$0x20];
	v7 =	vshrl.u32 v6, $0x14;
	s21 =	sadd.s32 $0x7FFFFFFF, s21  }
0x23e: {  	v6 =	vshrl.u32 v6, $0xA;
	v11 =	vand.u32 $0x7FF, v7;
	v3 =	vld.idx.msk [tilespmem:v4+s17+$0x0], $0xffff;
	v4 =	vmov s21  }
0x23f: {  	v12 =	vshrl.u32 v9, $0x14;
	v13 =	vshrl.u32 v8, $0xA;
	v7 =	vld [tilespmem:s31+$0xFFFFFFE0];
	vm2 =	veq.s32 v11, v4  }
0x240: {  	v14 =	vshrl.u32 v5, $0x14;
	v15 =	vand.u32 $0x3FF, v6;
	v6 =	vshrl.u32 v8, $0x14  }
0x241: {  	v9 =	vshrl.u32 v9, $0xA;
	v8 =	vand.u32 $0x7FF, v12;
	v11 =	vand.u32 $0x7FF, v6  }
0x242: {  	v12 =	vshrl.u32 v10, $0xA;
	vm0 =	veq.s32 v8, v4;
	vm1 =	veq.s32 v11, v4;
	v11 =	vld [tilespmem:s31+$0xFFFFFFF0]  }
0x243: {  	v6 =	vand.u32 $0x3FF, v9;
	v8 =	vshrl.u32 v10, $0x14;
	v9 =	vand.u32 $0x3FF, v13  }
0x244: {  	v13 =	vshrl.u32 v7, $0x14;
	v10 =	vld [tilespmem:s31+$0x0];
	v63 =	vand.u32 $0x7FF, v8;
	v8 =	vand.u32 $0x3FF, v12  }
0x245: {  	s22 =	simm.s32 $0x0;
	s23 =	simm.s32 $0x80C0;
	v12 =	vand.u32 $0x7FF, v14;
	v13 =	vand.u32 $0x7FF, v13;
	[tilespmem:v15+s16+$0x0] =	vst.idx.add.s32.msk vm2, v1;
	vm2 =	veq.s32 v63, v4  }
.LBB2_22:
0x246: {  	v14 =	vld [tilespmem:s23+$0x10];
	s22 =	sadd.s32 $0x8, s22;
	v15 =	vshrl.u32 v5, $0xA;
	v5 =	vshrl.u32 v7, $0xA  }
0x247: {  	v16 =	vld [tilespmem:s23+$0x30];
	p0 =	slt.u32 s22, $0x7F8;
	v7 =	vshrl.u32 v11, $0x14;
	v11 =	vshrl.u32 v11, $0xA  }
0x248: {  	vm4 =	veq.s32 v13, v4;
	v7 =	vand.u32 $0x7FF, v7;
	[tilespmem:v9+s16+$0x0] =	vst.idx.add.s32.msk vm1, v1  }
0x249: {  	v13 =	vand.u32 $0x3FF, v5;
	v9 =	vld [tilespmem:s23+$0xFFFFFFC0];
	v17 =	vshrl.u32 v10, $0x14;
	v10 =	vshrl.u32 v10, $0xA  }
0x24a: {  	vm1 =	veq.s32 v7, v4;
	v5 =	vld [tilespmem:s23+$0xFFFFFFD0];
	v7 =	vand.u32 $0x7FF, v17  }
0x24b: {  	vm5 =	veq.s32 v12, v4;
	v11 =	vand.u32 $0x3FF, v11;
	vm3 =	veq.s32 v7, v4;
	[tilespmem:v8+s16+$0x0] =	vst.idx.add.s32.msk vm2, v1  }
0x24c: {  	[tilespmem:v6+s16+$0x0] =	vst.idx.add.s32.msk vm0, v1;
	v6 =	vand.u32 $0x3FF, v15  }
0x24d: {  	v10 =	vand.u32 $0x3FF, v10;
	v7 =	vshrl.u32 v14, $0x14;
	v8 =	vshrl.u32 v14, $0xA;
	v12 =	vld [tilespmem:s23+$0x20]  }
0x24e: {  	v14 =	vand.u32 $0x7FF, v7;
	[tilespmem:v13+s16+$0x0] =	vst.idx.add.s32.msk vm4, v1  }
0x24f: {  	vm2 =	veq.s32 v14, v4;
	v14 =	vshrl.u32 v16, $0xA;
	v13 =	vshrl.u32 v9, $0x14;
	v7 =	vld [tilespmem:s23+$0xFFFFFFE0]  }
0x250: {  	v17 =	vand.u32 $0x3FF, v8;
	v8 =	vshrl.u32 v16, $0x14;
	v15 =	vshrl.u32 v5, $0x14;
	[tilespmem:v11+s16+$0x0] =	vst.idx.add.s32.msk vm1, v1  }
.Ltmp10:
0x251: {  	v8 =	vand.u32 $0x7FF, v8;
	v9 =	vshrl.u32 v9, $0xA;
	v11 =	vand.u32 $0x7FF, v13;
	[tilespmem:v6+s16+$0x0] =	vst.idx.add.s32.msk vm5, v1;
	(pc) =	sbr.rel @p0 .LBB2_22-.Ltmp10, $4  }
0x252: {  	vm1 =	veq.s32 v8, v4;
	vm0 =	veq.s32 v11, v4;
	v6 =	vand.u32 $0x3FF, v9;
	v11 =	vld [tilespmem:s23+$0xFFFFFFF0]  }
0x253: {  	v9 =	vand.u32 $0x3FF, v14;
	v8 =	vshrl.u32 v12, $0x14;
	v12 =	vshrl.u32 v12, $0xA;
	[tilespmem:v10+s16+$0x0] =	vst.idx.add.s32.msk vm3, v1  }
0x254: {  	v14 =	vand.u32 $0x7FF, v8;
	v8 =	vand.u32 $0x3FF, v12;
	v13 =	vshrl.u32 v7, $0x14;
	v10 =	vld [tilespmem:s23+$0x0]  }
0x255: {  	v12 =	vand.u32 $0x7FF, v15;
	s23 =	sadd.s32 $0x80, s23;
	v13 =	vand.u32 $0x7FF, v13;
	[tilespmem:v17+s16+$0x0] =	vst.idx.add.s32.msk vm2, v1;
	vm2 =	veq.s32 v14, v4  }
0x256: {  	_ = 	snop  }
0x257: {  	v5 =	vshrl.u32 v5, $0xA;
	v7 =	vshrl.u32 v7, $0xA;
	v14 =	vshrl.u32 v11, $0x14  }
0x258: {  	vm3 =	veq.s32 v13, v4;
	v11 =	vshrl.u32 v11, $0xA;
	v13 =	vand.u32 $0x7FF, v14  }
0x259: {  	v7 =	vand.u32 $0x3FF, v7;
	v14 =	vshrl.u32 v10, $0x14;
	vm4 =	veq.s32 v13, v4  }
0x25a: {  	vm5 =	veq.s32 v12, v4;
	v11 =	vand.u32 $0x3FF, v11;
	v13 =	vand.u32 $0x7FF, v14  }
0x25b: {  	[tilespmem:v9+s16+$0x0] =	vst.idx.add.s32.msk vm1, v1;
	v9 =	vshrl.u32 v10, $0xA;
	vm1 =	veq.s32 v13, v4;
	v4 =	vand.u32 $0x3FF, v5  }
0x25c: {  	[tilespmem:v8+s16+$0x0] =	vst.idx.add.s32.msk vm2, v1;
	v5 =	vand.u32 $0x3FF, v9  }
0x25d: {  	[tilespmem:v6+s16+$0x0] =	vst.idx.add.s32.msk vm0, v1  }
0x25e: {  	[tilespmem:v7+s16+$0x0] =	vst.idx.add.s32.msk vm3, v1  }
0x25f: {  	[tilespmem:v11+s16+$0x0] =	vst.idx.add.s32.msk vm4, v1  }
0x260: {  	[tilespmem:v4+s16+$0x0] =	vst.idx.add.s32.msk vm5, v1  }
0x261: {  	s23 =	simm.s32 $0x183F0;
	[tilespmem:v5+s16+$0x0] =	vst.idx.add.s32.msk vm1, v1  }
0x262: {  	v5 =	vld [tilespmem:s23+$0x0]  }
0x263: {  	v3 =	vxor.u32 $0x80000000, v3;
	v6 =	vld [tilespmem:s23+$0xFFFFFFF0]  }
0x264: {  	(xrf0) =	vmax.scan.msk.u32 $0xffff, v3  }
0x265: {  	v7 =	vld [tilespmem:s23+$0xFFFFFFE0];
	_ =	sdelay $0x1  }
0x266: {  	v8 =	vld [tilespmem:s23+$0xFFFFFFD0];
	(xrf0) =	vadd.scan.msk.s32 $0xffff, v5  }
0x267: {  	(xrf0) =	vadd.scan.msk.s32 $0xffff, v6;
	_ =	sdelay $0x1  }
0x268: {  	v3, _, _ =	vpop (xrf0);
	(xrf0) =	vadd.scan.msk.s32 $0xffff, v7  }
0x269: {  	(v2sf) =	vpush v3, $0xF  }
0x26a: {  	(xrf0) =	vadd.scan.msk.s32 $0xffff, v8  }
0x26b: {  	s24 =	simm.s32 $0x183B0;
	v9, _, _ =	vpop (xrf0)  }
0x26c: {  	v7 =	vperm.xlane v7, v2;
	v10, _, _ =	vpop (xrf0);
	(v2sf) =	vpush v9, $0xF;
	v9 =	vld [tilespmem:s24+$0x0]  }
0x26d: {  	(v2sf) =	vpush v10, $0xF;
	v10 =	vld [tilespmem:s24+$0xFFFFFFF0]  }
0x26e: {  	v12 =	vld [tilespmem:s24+$0xFFFFFFE0];
	v5 =	vperm.xlane v5, v2;
	v11, _, _ =	vpop (xrf0)  }
0x26f: {  	(xrf0) =	vadd.scan.msk.s32 $0xffff, v7;
	(v2sf) =	vpush v11, $0xF;
	v11 =	vld [tilespmem:s24+$0xFFFFFFD0]  }
0x270: {  	(xrf0) =	vadd.scan.msk.s32 $0xffff, v5;
	v7, _, _ =	vpop (xrf0)  }
0x271: {  	(v2sf) =	vpush v7, $0xF;
	(xrf0) =	vadd.scan.msk.s32 $0xffff, v9  }
0x272: {  	(xrf0) =	vadd.scan.msk.s32 $0xffff, v10  }
0x273: {  	(xrf0) =	vadd.scan.msk.s32 $0xffff, v12  }
0x274: {  	(xrf0) =	vadd.scan.msk.s32 $0xffff, v11  }
0x275: {  	v5 =	vperm.xlane v6, v2;
	v13, _, _ =	vpop (xrf0)  }
0x276: {  	s26 =	simm.s32 $0x18370;
	v6 =	vperm.xlane v12, v2;
	v7, _, _ =	vpop (xrf0)  }
0x277: {  	v12 =	vld [tilespmem:s26+$0x0];
	(xrf0) =	vadd.scan.msk.s32 $0xffff, v5;
	v5 =	vperm.xlane v8, v2;
	v8, _, _ =	vpop (xrf0)  }
0x278: {  	s28 =	simm.s32 $0x0;
	v14 =	vld [tilespmem:s26+$0xFFFFFFF0];
	s0 =	spop (v2sf);
	(xrf0) =	vadd.scan.msk.s32 $0xffff, v6;
	v6 =	vperm.xlane v9, v2;
	v9, _, _ =	vpop (xrf0);
	(v2sf) =	vpush v8, $0xF  }
0x279: {  	v16 =	vld [tilespmem:s26+$0xFFFFFFE0];
	(xrf0) =	vadd.scan.msk.s32 $0xffff, v5;
	v5 =	vadd.s32 s28, v7;
	v7, _, _ =	vpop (xrf0);
	(v2sf) =	vpush v9, $0xF  }
0x27a: {  	[tilespmem:s23+$0xFFFFFFE0] =	vst v0;
	s0 =	sxor.u32 $0x80000000, s0;
	v18 =	vperm.xlane v10, v2;
	v10 =	vld [tilespmem:s26+$0xFFFFFFD0];
	v9, _, _ =	vpop (xrf0);
	(v2sf) =	vpush v7, $0xF  }
0x27b: {  	v4 =	vimm.s32 $0x0;
	[tilespmem:s23+$0xFFFFFFF0] =	vst v0;
	s22 =	ssub.s32 $0x800, s0;
	(xrf0) =	vadd.scan.msk.s32 $0xffff, v6;
	s0 =	spop (v2sf);
	(v2sf) =	vpush v9, $0xF  }
0x27c: {  	[tilespmem:s23+$0x0] =	vst v0;
	v3 =	vmov s22;
	v8 =	vperm.xlane v11, v2;
	(xrf0) =	vadd.scan.msk.s32 $0xffff, v12  }
0x27d: {  	vm0 =	vge.s32 v5, v3;
	v19 =	vperm.xlane v5, v2;
	v7 =	vperm.xlane v12, v2;
	v6, _, _ =	vpop (xrf0);
	(xrf0) =	vadd.scan.msk.s32 $0xffff, v14;
	s0 =	sadd.s32 $0x0, s0;
	s28 =	spop (v2sf)  }
0x27e: {  	v12 =	vperm.xlane v14, v2;
	(xrf0) =	vadd.scan.msk.s32 $0xffff, v16;
	v16 =	vperm.xlane v16, v2;
	v9 =	vadd.s32 s0, v6;
	s0 =	sadd.s32 s0, s28  }
0x27f: {  	s25 =	simm.s32 $0x18BF0;
	s28 =	spop (v2sf);
	v6, _, _ =	vpop (xrf0);
	(xrf0) =	vadd.scan.msk.s32 $0xffff, v10;
	vm1 =	vge.s32 v9, v3;
	v9 =	vperm.xlane v9, v2;
	v11 =	vadd.s32 s0, v13  }
0x280: {  	[tilespmem:s25+$0x0] =	vst v19;
	s0 =	sadd.s32 s0, s28;
	v15, _, _ =	vpop (xrf0);
	s28 =	spop (v2sf);
	v13 =	vmpcnt.ones.xlane vm1;
	vm1 =	vge.s32 v11, v3;
	v11 =	vperm.xlane v11, v2  }
0x281: {  	v5 =	vadd.s32 s0, v15;
	s31 =	sadd.s32 s0, s28;
	v20, _, _ =	vpop (xrf0);
	v15 =	vmpcnt.ones.xlane vm0;
	[tilespmem:s25+$0xFFFFFFF0] =	vst v9;
	v14 =	vmpcnt.ones.xlane vm1  }
0x282: {  	s29 =	simm.s32 $0x8;
	s30 =	simm.s32 $0x18330;
	s28 =	simm.s32 $0x18BF0;
	vm0 =	vge.s32 v5, v3;
	v9 =	vperm.xlane v5, v2;
	v17, _, _ =	vpop (xrf0);
	v5 =	vadd.s32 s31, v20;
	(xrf0) =	vadd.scan.msk.s32 $0xffff, v18  }
.LBB2_24:
0x283: {  	v18 =	vld [tilespmem:s30+$0x0];
	s29 =	sadd.s32 $0x4, s29;
	v19 =	vperm.xlane v10, v2;
	v10, _, _ =	vpop (xrf0);
	v4 =	vadd.s32 v4, v15;
	[tilespmem:s25+$0xFFFFFFE0] =	vst v11;
	s28 =	sadd.s32 $0xFFFFFFC0, s28;
	v20 =	vmov v12  }
0x284: {  	v11 =	vld [tilespmem:s30+$0xFFFFFFF0];
	p0 =	slt.u32 s29, $0x3C;
	(v2sf) =	vpush v17, $0xF;
	(xrf0) =	vadd.scan.msk.s32 $0xffff, v16;
	v12, _, _ =	vpop (xrf0);
	v4 =	vadd.s32 v13, v4;
	v13 =	vmpcnt.ones.xlane vm0  }
0x285: {  	v16 =	vld [tilespmem:s30+$0xFFFFFFE0];
	(v2sf) =	vpush v10, $0xF;
	v15, _, _ =	vpop (xrf0);
	(xrf0) =	vadd.scan.msk.s32 $0xffff, v8;
	v4 =	vadd.s32 v14, v4;
	[tilespmem:s23+$0xFFFFFFD0] =	vst v0;
	s23 =	smov.u32 s24;
	s24 =	smov.u32 s26;
	s26 =	smov.u32 s30  }
0x286: {  	v8 =	vmov v19;
	v10 =	vld [tilespmem:s30+$0xFFFFFFD0];
	(v2sf) =	vpush v12, $0xF;
	v4 =	vadd.s32 v13, v4;
	[tilespmem:s25+$0xFFFFFFD0] =	vst v9;
	s25 =	smov.u32 s28  }
0x287: {  	(xrf0) =	vadd.scan.msk.s32 $0xffff, v7;
	(v2sf) =	vpush v15, $0xF;
	[tilespmem:s23+$0xFFFFFFE0] =	vst v0;
	s0 =	spop (v2sf)  }
0x288: {  	v7 =	vperm.xlane v18, v2;
	(xrf0) =	vadd.scan.msk.s32 $0xffff, v18;
	s0 =	sadd.s32 s31, s0;
	[tilespmem:s23+$0xFFFFFFF0] =	vst v0;
	v9, _, _ =	vpop (xrf0);
	s31 =	spop (v2sf)  }
0x289: {  	vm0 =	vge.s32 v5, v3;
	v12 =	vperm.xlane v11, v2;
	(xrf0) =	vadd.scan.msk.s32 $0xffff, v11;
	v9 =	vadd.s32 s0, v9;
	s0 =	sadd.s32 s0, s31;
	s31 =	spop (v2sf)  }
.Ltmp11:
0x28a: {  	(xrf0) =	vadd.scan.msk.s32 $0xffff, v16;
	vm1 =	vge.s32 v9, v3;
	v9 =	vperm.xlane v9, v2;
	v11 =	vadd.s32 s0, v6;
	v6, _, _ =	vpop (xrf0);
	s0 =	sadd.s32 s0, s31;
	s31 =	spop (v2sf);
	(pc) =	sbr.rel @p0 .LBB2_24-.Ltmp11, $4  }
0x28b: {  	(xrf0) =	vadd.scan.msk.s32 $0xffff, v10;
	v13 =	vmpcnt.ones.xlane vm1;
	vm1 =	vge.s32 v11, v3;
	v11 =	vperm.xlane v11, v2;
	s31 =	sadd.s32 s0, s31;
	v15, _, _ =	vpop (xrf0)  }
0x28c: {  	v18 =	vperm.xlane v5, v2;
	[tilespmem:s28+$0xFFFFFFF0] =	vst v9;
	v14 =	vmpcnt.ones.xlane vm1;
	v5 =	vadd.s32 s0, v15  }
0x28d: {  	v15 =	vmpcnt.ones.xlane vm0;
	v19, _, _ =	vpop (xrf0);
	[tilespmem:s23+$0x0] =	vst v0;
	vm0 =	vge.s32 v5, v3;
	v9 =	vperm.xlane v5, v2  }
0x28e: {  	s30 =	sadd.s32 $0xFFFFFFC0, s30;
	v16 =	vperm.xlane v16, v2;
	v17, _, _ =	vpop (xrf0);
	v5 =	vadd.s32 s31, v19;
	(xrf0) =	vadd.scan.msk.s32 $0xffff, v20;
	[tilespmem:s28+$0x0] =	vst v18  }
0x28f: {  	v18, _, _ =	vpop (xrf0);
	(v2sf) =	vpush v17, $0xF  }
0x290: {  	(v2sf) =	vpush v18, $0xF;
	v41, _, _ =	vpop (xrf0)  }
0x291: {  	(v2sf) =	vpush v41, $0xF;
	_ =	sdelay $0x3  }
0x292: {  	(xrf0) =	vadd.scan.msk.s32 $0xffff, v16  }
0x293: {  	(xrf0) =	vadd.scan.msk.s32 $0xffff, v8  }
0x294: {  	v8, _, _ =	vpop (xrf0);
	(xrf0) =	vadd.scan.msk.s32 $0xffff, v7  }
0x295: {  	v4 =	vadd.s32 v4, v15;
	v7 =	vperm.xlane v10, v2;
	v10 =	vmpcnt.ones.xlane vm0;
	s0 =	spop (v2sf)  }
0x296: {  	v4 =	vadd.s32 v13, v4;
	s0 =	sadd.s32 s31, s0;
	v42, _, _ =	vpop (xrf0);
	s29 =	spop (v2sf);
	(xrf0) =	vadd.scan.msk.s32 $0xffff, v12  }
0x297: {  	v4 =	vadd.s32 v14, v4;
	vm0 =	vge.s32 v5, v3;
	v43 =	vadd.s32 s0, v42;
	s0 =	sadd.s32 s0, s29  }
0x298: {  	v45 =	vmpcnt.ones.xlane vm0;
	s31 =	spop (v2sf);
	v44, _, _ =	vpop (xrf0);
	vm1 =	vge.s32 v43, v3;
	v6 =	vadd.s32 s0, v6;
	(xrf0) =	vadd.scan.msk.s32 $0xffff, v7  }
0x299: {  	v4 =	vadd.s32 v10, v4;
	s0 =	sadd.s32 s0, s31;
	s30 =	spop (v2sf);
	v7 =	vmpcnt.ones.xlane vm1;
	vm0 =	vge.s32 v6, v3;
	v10, _, _ =	vpop (xrf0)  }
0x29a: {  	v4 =	vadd.s32 v4, v45;
	s29 =	sadd.s32 s0, s30;
	v46 =	vmpcnt.ones.xlane vm0;
	v10 =	vadd.s32 s0, v10;
	v47, _, _ =	vpop (xrf0)  }
0x29b: {  	vm0 =	vge.s32 v10, v3;
	v4 =	vadd.s32 v7, v4;
	v7 =	vadd.s32 s29, v47;
	s31 =	spop (v2sf)  }
0x29c: {  	v48 =	vmpcnt.ones.xlane vm0;
	v49, _, _ =	vpop (xrf0);
	vm0 =	vge.s32 v7, v3;
	s0 =	sadd.s32 s29, s31;
	s30 =	spop (v2sf)  }
0x29d: {  	v4 =	vadd.s32 v46, v4;
	v51 =	vmpcnt.ones.xlane vm0;
	s30 =	sadd.s32 s0, s30;
	v15 =	vadd.s32 s0, v49;
	s31 =	spop (v2sf)  }
0x29e: {  	v4 =	vadd.s32 v48, v4;
	v50, _, _ =	vpop (xrf0);
	v13 =	vadd.s32 s30, v44;
	s0 =	sadd.s32 s30, s31;
	vm1 =	vge.s32 v15, v3  }
0x29f: {  	v52 =	vmpcnt.ones.xlane vm1;
	vm0 =	vge.s32 v13, v3;
	v14 =	vadd.s32 s0, v50  }
0x2a0: {  	v53 =	vmpcnt.ones.xlane vm0;
	vm0 =	vge.s32 v14, v3;
	v3 =	vadd.s32 v4, v51  }
0x2a1: {  	v3 =	vadd.s32 v52, v3;
	v4 =	vmpcnt.ones.xlane vm0  }
0x2a2: {  	v3 =	vadd.s32 v53, v3  }
0x2a3: {  	v3 =	vadd.s32 v4, v3  }
0x2a4: {  	v3 =	vxor.u32 $0x80000000, v3  }
0x2a5: {  	[tilespmem:s25+$0xFFFFFFE0] =	vst v11;
	(xrf0) =	vmax.scan.msk.u32 $0xffff, v3  }
0x2a6: {  	[tilespmem:s23+$0xFFFFFFD0] =	vst v0  }
0x2a7: {  	[tilespmem:s24+$0xFFFFFFE0] =	vst v0  }
0x2a8: {  	[tilespmem:s24+$0xFFFFFFF0] =	vst v0  }
0x2a9: {  	[tilespmem:s24+$0x0] =	vst v0  }
0x2aa: {  	[tilespmem:s24+$0xFFFFFFD0] =	vst v0  }
0x2ab: {  	[tilespmem:s26+$0xFFFFFFE0] =	vst v0;
	(v2sf) =	vpush v8, $0xF;
	v3, _, _ =	vpop (xrf0)  }
0x2ac: {  	[tilespmem:s26+$0xFFFFFFF0] =	vst v0;
	(v2sf) =	vpush v3, $0xF  }
0x2ad: {  	[tilespmem:s26+$0x0] =	vst v0  }
0x2ae: {  	[tilespmem:s26+$0xFFFFFFD0] =	vst v0;
	v4 =	vperm.xlane v5, v2  }
0x2af: {  	[tilespmem:s25+$0xFFFFFFD0] =	vst v9;
	s25 =	sadd.s32 $0xFFFFFFC0, s28;
	v3 =	vperm.xlane v43, v2  }
0x2b0: {  	v5 =	vperm.xlane v14, v2;
	[tilespmem:s25+$0x0] =	vst v4  }
0x2b1: {  	s0 =	sadd.s32 $0xFFFFFFC0, s25;
	[tilespmem:s25+$0xFFFFFFF0] =	vst v3;
	v3 =	vperm.xlane v6, v2  }
0x2b2: {  	v4 =	vperm.xlane v10, v2;
	[tilespmem:s0+$0xFFFFFFD0] =	vst v5  }
0x2b3: {  	[tilespmem:s25+$0xFFFFFFE0] =	vst v3;
	v3 =	vperm.xlane v15, v2  }
0x2b4: {  	[tilespmem:s25+$0xFFFFFFD0] =	vst v4;
	v4 =	vperm.xlane v7, v2  }
0x2b5: {  	[tilespmem:s0+$0xFFFFFFF0] =	vst v3;
	v3 =	vperm.xlane v13, v2  }
0x2b6: {  	[tilespmem:s0+$0x0] =	vst v4  }
0x2b7: {  	[tilespmem:s0+$0xFFFFFFE0] =	vst v3  }
0x2b8: {  	s31 =	simm.s32 $0x8040;
	[tilespmem:$0x18C00] =	vst v0  }
0x2b9: {  	v6 =	vld [tilespmem:s31+$0x30]  }
0x2ba: {  	s28 =	spop (v2sf);
	v5 =	vld [tilespmem:s31+$0xFFFFFFD0]  }
0x2bb: {  	v7 =	vld [tilespmem:s31+$0xFFFFFFE0];
	s23 =	spop (v2sf)  }
0x2bc: {  	v9 =	vld [tilespmem:s31+$0xFFFFFFF0];
	s29 =	sxor.u32 $0x80000000, s23  }
0x2bd: {  	v11 =	vld [tilespmem:s31+$0x0];
	v4 =	vmov s29  }
0x2be: {  	v54 =	vld [tilespmem:s31+$0x10];
	s23 =	sshll.u32 s23, $0xA  }
0x2bf: {  	s21 =	sshll.u32 s21, $0x14;
	v56 =	vld [tilespmem:s31+$0xFFFFFFC0];
	s23 =	sadd.s32 $0xFFFFFC00, s23  }
0x2c0: {  	v10 =	vshrl.u32 v5, $0xA;
	v55 =	vand.u32 $0x3FF, v5;
	v5 =	vld [tilespmem:s31+$0x20];
	s21 =	sor.u32 s21, s23  }
0x2c1: {  	v8 =	vshrl.u32 v6, $0xA;
	v57 =	vshrl.u32 v7, $0xA;
	v58 =	vshrl.u32 v9, $0xA;
	s30 =	sshra.s32 s21, $0xA  }
0x2c2: {  	v6 =	vand.u32 $0x3FF, v6;
	v8 =	vand.u32 $0x1FFFFF, v8;
	v3 =	vld.idx.msk [tilespmem:v4+s17+$0x0], $0xffff;
	v4 =	vmov s30  }
0x2c3: {  	v59 =	vshrl.u32 v11, $0xA;
	v10 =	vand.u32 $0x1FFFFF, v10;
	vm4 =	veq.s32 v8, v4  }
0x2c4: {  	v60 =	vshrl.u32 v54, $0xA;
	v62 =	vshrl.u32 v56, $0xA;
	vm7 =	veq.s32 v10, v4  }
0x2c5: {  	v9 =	vand.u32 $0x3FF, v9;
	v63 =	vand.u32 $0x1FFFFF, v62;
	v61 =	vshrl.u32 v5, $0xA  }
0x2c6: {  	v8 =	vand.u32 $0x1FFFFF, v57;
	v10 =	vand.u32 $0x1FFFFF, v58;
	vm5 =	veq.s32 v63, v4  }
0x2c7: {  	vm0 =	veq.s32 v8, v4;
	v8 =	vand.u32 $0x1FFFFF, v59;
	vm1 =	veq.s32 v10, v4  }
0x2c8: {  	v10 =	vand.u32 $0x1FFFFF, v60;
	vm2 =	veq.s32 v8, v4;
	v8 =	vand.u32 $0x1FFFFF, v61  }
0x2c9: {  	vm3 =	veq.s32 v10, v4;
	v10 =	vand.u32 $0x3FF, v56;
	vm6 =	veq.s32 v8, v4;
	[tilespmem:v6+s16+$0x0] =	vst.idx.add.s32.msk vm4, v1  }
0x2ca: {  	s24 =	simm.s32 $0x80C0;
	s23 =	simm.s32 $0x0;
	v8 =	vand.u32 $0x3FF, v7;
	v7 =	vand.u32 $0x3FF, v11;
	[tilespmem:v55+s16+$0x0] =	vst.idx.add.s32.msk vm7, v1;
	v6 =	vand.u32 $0x3FF, v54  }
.LBB2_26:
0x2cb: {  	v11 =	vld [tilespmem:s24+$0x30];
	s23 =	sadd.s32 $0x8, s23;
	v12 =	vand.u32 $0x3FF, v5;
	vm4 =	vmmov vm6  }
0x2cc: {  	v5 =	vld [tilespmem:s24+$0xFFFFFFD0];
	p0 =	slt.u32 s23, $0x7F8  }
0x2cd: {  	v13 =	vld [tilespmem:s24+$0xFFFFFFE0]  }
0x2ce: {  	v14 =	vld [tilespmem:s24+$0xFFFFFFF0]  }
0x2cf: {  	v15 =	vld [tilespmem:s24+$0x0]  }
0x2d0: {  	v16 =	vld [tilespmem:s24+$0x10];
	v17 =	vshrl.u32 v11, $0xA  }
0x2d1: {  	v18 =	vshrl.u32 v5, $0xA;
	v19 =	vand.u32 $0x3FF, v5;
	v5 =	vld [tilespmem:s24+$0x20];
	v17 =	vand.u32 $0x1FFFFF, v17  }
0x2d2: {  	v20 =	vld [tilespmem:s24+$0xFFFFFFC0];
	v18 =	vand.u32 $0x1FFFFF, v18;
	v21 =	vshrl.u32 v13, $0xA;
	vm7 =	veq.s32 v17, v4  }
0x2d3: {  	v11 =	vand.u32 $0x3FF, v11;
	v17 =	vand.u32 $0x1FFFFF, v21;
	v21 =	vshrl.u32 v14, $0xA;
	[tilespmem:v10+s16+$0x0] =	vst.idx.add.s32.msk vm5, v1  }
0x2d4: {  	vm8 =	veq.s32 v18, v4;
	v10 =	vand.u32 $0x1FFFFF, v21;
	v18 =	vshrl.u32 v15, $0xA;
	[tilespmem:v8+s16+$0x0] =	vst.idx.add.s32.msk vm0, v1  }
0x2d5: {  	vm0 =	veq.s32 v17, v4;
	v8 =	vand.u32 $0x1FFFFF, v18;
	v17 =	vshrl.u32 v16, $0xA;
	[tilespmem:v9+s16+$0x0] =	vst.idx.add.s32.msk vm1, v1  }
.Ltmp12:
0x2d6: {  	vm1 =	veq.s32 v10, v4;
	v9 =	vand.u32 $0x1FFFFF, v17;
	v10 =	vshrl.u32 v5, $0xA;
	[tilespmem:v7+s16+$0x0] =	vst.idx.add.s32.msk vm2, v1;
	(pc) =	sbr.rel @p0 .LBB2_26-.Ltmp12, $4  }
0x2d7: {  	vm2 =	veq.s32 v8, v4;
	v7 =	vshrl.u32 v20, $0xA;
	v8 =	vand.u32 $0x1FFFFF, v10;
	[tilespmem:v6+s16+$0x0] =	vst.idx.add.s32.msk vm3, v1  }
0x2d8: {  	vm3 =	veq.s32 v9, v4;
	v6 =	vand.u32 $0x1FFFFF, v7;
	vm6 =	veq.s32 v8, v4;
	[tilespmem:v11+s16+$0x0] =	vst.idx.add.s32.msk vm7, v1  }
0x2d9: {  	v10 =	vand.u32 $0x3FF, v20;
	v8 =	vand.u32 $0x3FF, v13;
	vm5 =	veq.s32 v6, v4;
	[tilespmem:v12+s16+$0x0] =	vst.idx.add.s32.msk vm4, v1  }
0x2da: {  	s24 =	sadd.s32 $0x80, s24;
	v9 =	vand.u32 $0x3FF, v14;
	v7 =	vand.u32 $0x3FF, v15;
	v6 =	vand.u32 $0x3FF, v16;
	[tilespmem:v19+s16+$0x0] =	vst.idx.add.s32.msk vm8, v1  }
0x2db: {  	v3 =	vxor.u32 $0x80000000, v3  }
0x2dc: {  	(xrf0) =	vmax.scan.msk.u32 $0xffff, v3;
	_ =	sdelay $0x5  }
0x2dd: {  	v3, _, _ =	vpop (xrf0)  }
0x2de: {  	v4 =	vand.u32 $0x3FF, v5;
	[tilespmem:v10+s16+$0x0] =	vst.idx.add.s32.msk vm5, v1;
	(v2sf) =	vpush v3, $0xF  }
0x2df: {  	[tilespmem:v8+s16+$0x0] =	vst.idx.add.s32.msk vm0, v1  }
0x2e0: {  	[tilespmem:v9+s16+$0x0] =	vst.idx.add.s32.msk vm1, v1  }
0x2e1: {  	[tilespmem:v7+s16+$0x0] =	vst.idx.add.s32.msk vm2, v1  }
0x2e2: {  	[tilespmem:v6+s16+$0x0] =	vst.idx.add.s32.msk vm3, v1  }
0x2e3: {  	s23 =	simm.s32 $0x183F0;
	[tilespmem:v4+s16+$0x0] =	vst.idx.add.s32.msk vm6, v1  }
0x2e4: {  	v5 =	vld [tilespmem:s23+$0x0]  }
0x2e5: {  	v6 =	vld [tilespmem:s23+$0xFFFFFFF0];
	_ =	sdelay $0x1  }
0x2e6: {  	v7 =	vld [tilespmem:s23+$0xFFFFFFE0];
	_ =	sdelay $0x1  }
0x2e7: {  	v8 =	vld [tilespmem:s23+$0xFFFFFFD0];
	(xrf0) =	vadd.scan.msk.s32 $0xffff, v5  }
0x2e8: {  	(xrf0) =	vadd.scan.msk.s32 $0xffff, v6;
	_ =	sdelay $0x1  }
0x2e9: {  	(xrf0) =	vadd.scan.msk.s32 $0xffff, v7  }
0x2ea: {  	s0 =	spop (v2sf)  }
0x2eb: {  	(xrf0) =	vadd.scan.msk.s32 $0xffff, v8;
	s0 =	sxor.u32 $0x80000000, s0  }
0x2ec: {  	v9, _, _ =	vpop (xrf0);
	s0 =	ssub.s32 s22, s0;
	s22 =	simm.s32 $0x183B0  }
0x2ed: {  	v7 =	vperm.xlane v7, v2;
	v10, _, _ =	vpop (xrf0);
	(v2sf) =	vpush v9, $0xF;
	v9 =	vld [tilespmem:s22+$0x0]  }
0x2ee: {  	(v2sf) =	vpush v10, $0xF;
	v10 =	vld [tilespmem:s22+$0xFFFFFFF0]  }
0x2ef: {  	v5 =	vperm.xlane v5, v2;
	v11, _, _ =	vpop (xrf0);
	v12 =	vld [tilespmem:s22+$0xFFFFFFE0]  }
0x2f0: {  	(xrf0) =	vadd.scan.msk.s32 $0xffff, v7;
	(v2sf) =	vpush v11, $0xF;
	v11 =	vld [tilespmem:s22+$0xFFFFFFD0]  }
0x2f1: {  	(xrf0) =	vadd.scan.msk.s32 $0xffff, v5;
	v7, _, _ =	vpop (xrf0)  }
0x2f2: {  	(v2sf) =	vpush v7, $0xF;
	(xrf0) =	vadd.scan.msk.s32 $0xffff, v9  }
0x2f3: {  	(xrf0) =	vadd.scan.msk.s32 $0xffff, v10  }
0x2f4: {  	(xrf0) =	vadd.scan.msk.s32 $0xffff, v12  }
0x2f5: {  	(xrf0) =	vadd.scan.msk.s32 $0xffff, v11  }
0x2f6: {  	v5 =	vperm.xlane v6, v2;
	v13, _, _ =	vpop (xrf0)  }
0x2f7: {  	s25 =	simm.s32 $0x18370;
	v7, _, _ =	vpop (xrf0);
	v6 =	vperm.xlane v12, v2  }
0x2f8: {  	v12 =	vld [tilespmem:s25+$0x0];
	(xrf0) =	vadd.scan.msk.s32 $0xffff, v5;
	v5 =	vperm.xlane v8, v2;
	v8, _, _ =	vpop (xrf0)  }
0x2f9: {  	s26 =	simm.s32 $0x0;
	v14 =	vld [tilespmem:s25+$0xFFFFFFF0];
	(xrf0) =	vadd.scan.msk.s32 $0xffff, v6;
	v6 =	vperm.xlane v9, v2;
	v9, _, _ =	vpop (xrf0);
	(v2sf) =	vpush v8, $0xF  }
0x2fa: {  	v16 =	vld [tilespmem:s25+$0xFFFFFFE0];
	(xrf0) =	vadd.scan.msk.s32 $0xffff, v5;
	v5 =	vadd.s32 s26, v7;
	v7, _, _ =	vpop (xrf0);
	(v2sf) =	vpush v9, $0xF  }
0x2fb: {  	vm4 =	vmmov vm6;
	[tilespmem:s23+$0xFFFFFFE0] =	vst v0;
	v18 =	vperm.xlane v10, v2;
	v9 =	vld [tilespmem:s25+$0xFFFFFFD0];
	v10, _, _ =	vpop (xrf0);
	(v2sf) =	vpush v7, $0xF  }
0x2fc: {  	v4 =	vimm.s32 $0x0;
	[tilespmem:s23+$0xFFFFFFF0] =	vst v0;
	s26 =	spop (v2sf);
	(xrf0) =	vadd.scan.msk.s32 $0xffff, v6;
	(v2sf) =	vpush v10, $0xF  }
0x2fd: {  	[tilespmem:s23+$0x0] =	vst v0;
	v3 =	vmov s0;
	v8 =	vperm.xlane v11, v2;
	(xrf0) =	vadd.scan.msk.s32 $0xffff, v12  }
0x2fe: {  	s0 =	sadd.s32 $0x0, s26;
	s31 =	spop (v2sf);
	vm0 =	vge.s32 v5, v3;
	v19 =	vperm.xlane v5, v2;
	v7 =	vperm.xlane v12, v2;
	v6, _, _ =	vpop (xrf0);
	(xrf0) =	vadd.scan.msk.s32 $0xffff, v14  }
0x2ff: {  	v12 =	vperm.xlane v14, v2;
	v10 =	vadd.s32 s0, v6;
	s0 =	sadd.s32 s0, s31;
	(xrf0) =	vadd.scan.msk.s32 $0xffff, v16;
	v16 =	vperm.xlane v16, v2  }
0x300: {  	s24 =	simm.s32 $0x18BF0;
	s31 =	spop (v2sf);
	v6, _, _ =	vpop (xrf0);
	vm1 =	vge.s32 v10, v3;
	v10 =	vperm.xlane v10, v2;
	v11 =	vadd.s32 s0, v13;
	(xrf0) =	vadd.scan.msk.s32 $0xffff, v9  }
0x301: {  	[tilespmem:s24+$0x0] =	vst v19;
	s0 =	sadd.s32 s0, s31;
	s31 =	spop (v2sf);
	v13 =	vmpcnt.ones.xlane vm1;
	vm1 =	vge.s32 v11, v3;
	v11 =	vperm.xlane v11, v2;
	v15, _, _ =	vpop (xrf0)  }
0x302: {  	s30 =	sadd.s32 s0, s31;
	[tilespmem:s24+$0xFFFFFFF0] =	vst v10;
	v14 =	vmpcnt.ones.xlane vm1;
	v5 =	vadd.s32 s0, v15;
	v20, _, _ =	vpop (xrf0);
	v15 =	vmpcnt.ones.xlane vm0  }
0x303: {  	s28 =	simm.s32 $0x8;
	s29 =	simm.s32 $0x18330;
	s26 =	simm.s32 $0x18BF0;
	vm0 =	vge.s32 v5, v3;
	v10 =	vperm.xlane v5, v2;
	v17, _, _ =	vpop (xrf0);
	v5 =	vadd.s32 s30, v20;
	(xrf0) =	vadd.scan.msk.s32 $0xffff, v18  }
.LBB2_28:
0x304: {  	v18 =	vld [tilespmem:s29+$0x0];
	s28 =	sadd.s32 $0x4, s28;
	v19 =	vperm.xlane v9, v2;
	v9, _, _ =	vpop (xrf0);
	v4 =	vadd.s32 v4, v15;
	[tilespmem:s24+$0xFFFFFFE0] =	vst v11;
	s26 =	sadd.s32 $0xFFFFFFC0, s26;
	v20 =	vmov v12  }
0x305: {  	v11 =	vld [tilespmem:s29+$0xFFFFFFF0];
	p0 =	slt.u32 s28, $0x3C;
	(v2sf) =	vpush v17, $0xF;
	(xrf0) =	vadd.scan.msk.s32 $0xffff, v16;
	v12, _, _ =	vpop (xrf0);
	v4 =	vadd.s32 v13, v4;
	v13 =	vmpcnt.ones.xlane vm0  }
0x306: {  	v16 =	vld [tilespmem:s29+$0xFFFFFFE0];
	(v2sf) =	vpush v9, $0xF;
	v15, _, _ =	vpop (xrf0);
	(xrf0) =	vadd.scan.msk.s32 $0xffff, v8;
	v4 =	vadd.s32 v14, v4;
	[tilespmem:s23+$0xFFFFFFD0] =	vst v0;
	s23 =	smov.u32 s22;
	s22 =	smov.u32 s25;
	s25 =	smov.u32 s29  }
0x307: {  	v8 =	vmov v19;
	v9 =	vld [tilespmem:s29+$0xFFFFFFD0];
	(v2sf) =	vpush v12, $0xF;
	v4 =	vadd.s32 v13, v4;
	[tilespmem:s24+$0xFFFFFFD0] =	vst v10;
	s24 =	smov.u32 s26  }
0x308: {  	(xrf0) =	vadd.scan.msk.s32 $0xffff, v7;
	(v2sf) =	vpush v15, $0xF;
	[tilespmem:s23+$0xFFFFFFE0] =	vst v0;
	s0 =	spop (v2sf)  }
0x309: {  	v7 =	vperm.xlane v18, v2;
	(xrf0) =	vadd.scan.msk.s32 $0xffff, v18;
	s0 =	sadd.s32 s30, s0;
	[tilespmem:s23+$0xFFFFFFF0] =	vst v0;
	v10, _, _ =	vpop (xrf0);
	s30 =	spop (v2sf)  }
0x30a: {  	vm0 =	vge.s32 v5, v3;
	v12 =	vperm.xlane v11, v2;
	(xrf0) =	vadd.scan.msk.s32 $0xffff, v11;
	v10 =	vadd.s32 s0, v10;
	s0 =	sadd.s32 s0, s30;
	s30 =	spop (v2sf)  }
.Ltmp13:
0x30b: {  	(xrf0) =	vadd.scan.msk.s32 $0xffff, v16;
	vm1 =	vge.s32 v10, v3;
	v10 =	vperm.xlane v10, v2;
	v11 =	vadd.s32 s0, v6;
	v6, _, _ =	vpop (xrf0);
	s0 =	sadd.s32 s0, s30;
	s30 =	spop (v2sf);
	(pc) =	sbr.rel @p0 .LBB2_28-.Ltmp13, $4  }
0x30c: {  	(xrf0) =	vadd.scan.msk.s32 $0xffff, v9;
	v13 =	vmpcnt.ones.xlane vm1;
	vm1 =	vge.s32 v11, v3;
	v11 =	vperm.xlane v11, v2;
	s30 =	sadd.s32 s0, s30;
	v15, _, _ =	vpop (xrf0)  }
0x30d: {  	v18 =	vperm.xlane v5, v2;
	[tilespmem:s26+$0xFFFFFFF0] =	vst v10;
	v14 =	vmpcnt.ones.xlane vm1;
	v5 =	vadd.s32 s0, v15  }
0x30e: {  	v15 =	vmpcnt.ones.xlane vm0;
	v19, _, _ =	vpop (xrf0);
	[tilespmem:s23+$0x0] =	vst v0;
	vm0 =	vge.s32 v5, v3;
	v10 =	vperm.xlane v5, v2  }
0x30f: {  	s29 =	sadd.s32 $0xFFFFFFC0, s29;
	v16 =	vperm.xlane v16, v2;
	v17, _, _ =	vpop (xrf0);
	v5 =	vadd.s32 s30, v19;
	(xrf0) =	vadd.scan.msk.s32 $0xffff, v20;
	[tilespmem:s26+$0x0] =	vst v18  }
0x310: {  	v18, _, _ =	vpop (xrf0);
	(v2sf) =	vpush v17, $0xF  }
0x311: {  	(v2sf) =	vpush v18, $0xF;
	v60, _, _ =	vpop (xrf0)  }
0x312: {  	(v2sf) =	vpush v60, $0xF;
	_ =	sdelay $0x1  }
0x313: {  	(xrf0) =	vadd.scan.msk.s32 $0xffff, v16  }
0x314: {  	(xrf0) =	vadd.scan.msk.s32 $0xffff, v8;
	_ =	sdelay $0x1  }
0x315: {  	v4 =	vadd.s32 v4, v15;
	v8, _, _ =	vpop (xrf0);
	(xrf0) =	vadd.scan.msk.s32 $0xffff, v7;
	v7 =	vperm.xlane v9, v2;
	v9 =	vmpcnt.ones.xlane vm0;
	s0 =	spop (v2sf)  }
0x316: {  	v4 =	vadd.s32 v13, v4;
	vm0 =	vge.s32 v5, v3;
	s0 =	sadd.s32 s30, s0;
	v13, _, _ =	vpop (xrf0);
	s28 =	spop (v2sf)  }
0x317: {  	v4 =	vadd.s32 v14, v4;
	v14 =	vmpcnt.ones.xlane vm0;
	(xrf0) =	vadd.scan.msk.s32 $0xffff, v12;
	v12 =	vadd.s32 s0, v13;
	s0 =	sadd.s32 s0, s28  }
0x318: {  	s30 =	spop (v2sf);
	v13, _, _ =	vpop (xrf0);
	v6 =	vadd.s32 s0, v6  }
0x319: {  	v4 =	vadd.s32 v9, v4;
	vm1 =	vge.s32 v12, v3;
	s0 =	sadd.s32 s0, s30;
	vm0 =	vge.s32 v6, v3;
	v9, _, _ =	vpop (xrf0)  }
0x31a: {  	(xrf0) =	vadd.scan.msk.s32 $0xffff, v7;
	s31 =	spop (v2sf);
	v7 =	vmpcnt.ones.xlane vm1;
	v15 =	vmpcnt.ones.xlane vm0;
	v9 =	vadd.s32 s0, v9  }
0x31b: {  	v4 =	vadd.s32 v4, v14;
	s28 =	sadd.s32 s0, s31;
	v14, _, _ =	vpop (xrf0);
	vm0 =	vge.s32 v9, v3  }
0x31c: {  	v4 =	vadd.s32 v7, v4;
	v7 =	vadd.s32 s28, v14;
	v14 =	vmpcnt.ones.xlane vm0  }
0x31d: {  	s29 =	spop (v2sf)  }
0x31e: {  	v4 =	vadd.s32 v15, v4;
	vm0 =	vge.s32 v7, v3;
	v15, _, _ =	vpop (xrf0);
	s0 =	sadd.s32 s28, s29;
	s29 =	spop (v2sf)  }
0x31f: {  	v61 =	vmpcnt.ones.xlane vm0;
	s30 =	sadd.s32 s0, s29;
	v15 =	vadd.s32 s0, v15;
	s31 =	spop (v2sf)  }
0x320: {  	v4 =	vadd.s32 v14, v4;
	v14, _, _ =	vpop (xrf0);
	v13 =	vadd.s32 s30, v13;
	s0 =	sadd.s32 s30, s31;
	vm1 =	vge.s32 v15, v3  }
0x321: {  	v62 =	vmpcnt.ones.xlane vm1;
	vm0 =	vge.s32 v13, v3;
	v14 =	vadd.s32 s0, v14  }
0x322: {  	v63 =	vmpcnt.ones.xlane vm0;
	vm0 =	vge.s32 v14, v3;
	v3 =	vadd.s32 v4, v61  }
0x323: {  	v3 =	vadd.s32 v62, v3;
	v4 =	vmpcnt.ones.xlane vm0  }
0x324: {  	v3 =	vadd.s32 v63, v3  }
0x325: {  	v3 =	vadd.s32 v4, v3  }
0x326: {  	v3 =	vxor.u32 $0x80000000, v3  }
0x327: {  	(xrf0) =	vmax.scan.msk.u32 $0xffff, v3;
	_ =	sdelay $0x2  }
0x328: {  	[tilespmem:s24+$0xFFFFFFE0] =	vst v11  }
0x329: {  	[tilespmem:s23+$0xFFFFFFD0] =	vst v0  }
0x32a: {  	[tilespmem:s22+$0xFFFFFFE0] =	vst v0  }
0x32b: {  	[tilespmem:s22+$0xFFFFFFF0] =	vst v0;
	(v2sf) =	vpush v8, $0xF;
	v4, _, _ =	vpop (xrf0)  }
0x32c: {  	[tilespmem:s22+$0x0] =	vst v0;
	(v2sf) =	vpush v4, $0xF  }
0x32d: {  	[tilespmem:s22+$0xFFFFFFD0] =	vst v0  }
0x32e: {  	[tilespmem:s25+$0xFFFFFFE0] =	vst v0  }
0x32f: {  	[tilespmem:s25+$0xFFFFFFF0] =	vst v0  }
0x330: {  	[tilespmem:s25+$0x0] =	vst v0  }
0x331: {  	[tilespmem:s25+$0xFFFFFFD0] =	vst v0;
	v3 =	vperm.xlane v12, v2  }
0x332: {  	[tilespmem:s24+$0xFFFFFFD0] =	vst v10;
	s28 =	sadd.s32 $0xFFFFFFC0, s26;
	v4 =	vperm.xlane v5, v2  }
0x333: {  	[tilespmem:s28+$0xFFFFFFF0] =	vst v3;
	v3 =	vperm.xlane v6, v2  }
0x334: {  	[tilespmem:s28+$0x0] =	vst v4;
	v4 =	vperm.xlane v9, v2  }
0x335: {  	[tilespmem:s28+$0xFFFFFFE0] =	vst v3;
	v3 =	vperm.xlane v15, v2  }
0x336: {  	s0 =	sadd.s32 $0xFFFFFFC0, s28;
	[tilespmem:s28+$0xFFFFFFD0] =	vst v4;
	v4 =	vperm.xlane v7, v2  }
0x337: {  	[tilespmem:s0+$0xFFFFFFF0] =	vst v3;
	v3 =	vperm.xlane v13, v2  }
0x338: {  	[tilespmem:s0+$0x0] =	vst v4;
	v4 =	vperm.xlane v14, v2  }
0x339: {  	[tilespmem:s0+$0xFFFFFFE0] =	vst v3  }
0x33a: {  	s29 =	spop (v2sf);
	[tilespmem:s0+$0xFFFFFFD0] =	vst v4  }
0x33b: {  	[tilespmem:$0x18C00] =	vst v0;
	s30 =	spop (v2sf)  }
0x33c: {  	_ =	swait.ge [sflag:s19], $0x8000  }
0x33d: {  	[sflag:s19] =	ssyncset.done $0x0  }
0x33e: {  	s31 =	simm.s32 $0x8040;
	[sflag:s19] =	ssyncadd.s32 $0xFFFF8000  }
0x33f: {  	v11 =	vld [tilespmem:s31+$0x30]  }
0x340: {  	v10 =	vld [tilespmem:s31+$0xFFFFFFD0]  }
0x341: {  	v9 =	vld [tilespmem:s31+$0xFFFFFFE0]  }
0x342: {  	s0 =	sadd.s32 $0x7FFFFFFF, s30;
	v8 =	vld [tilespmem:s31+$0xFFFFFFF0]  }
0x343: {  	s0 =	sor.u32 s21, s0;
	v7 =	vld [tilespmem:s31+$0x0]  }
0x344: {  	v3 =	vmov s0;
	v5 =	vld [tilespmem:s31+$0x10];
	v6 =	vand.u32 $0x7FFFFFFF, v11  }
0x345: {  	v4 =	vld [tilespmem:s31+$0x20];
	v12 =	vand.u32 $0x7FFFFFFF, v10;
	vm1 =	vgt.s32 v3, v6  }
0x346: {  	s22 =	simm.s32 $0x0;
	s23 =	simm.s32 $0x80C0;
	s21 =	simm.s32 $0x10040;
	v6 =	vld [tilespmem:s31+$0xFFFFFFC0];
	vm0 =	vgt.s32 v3, v12;
	v12 =	vand.u32 $0x7FFFFFFF, v9;
	v11 =	vsel vm1, $0x0, v11  }
.LBB2_30:
0x347: {  	v13 =	vld [tilespmem:s23+$0x30];
	s22 =	sadd.s32 $0x8, s22;
	v14 =	vsel vm0, $0x0, v10;
	vm0 =	vgt.s32 v3, v12;
	v12 =	vand.u32 $0x7FFFFFFF, v8;
	[tilespmem:s21+$0x30] =	vst v11  }
0x348: {  	v10 =	vld [tilespmem:s23+$0xFFFFFFD0];
	p0 =	slt.u32 s22, $0x7F8;
	[tilespmem:s21+$0xFFFFFFD0] =	vst v14;
	v11 =	vsel vm0, $0x0, v9;
	vm0 =	vgt.s32 v3, v12;
	v12 =	vand.u32 $0x7FFFFFFF, v7  }
0x349: {  	v9 =	vld [tilespmem:s23+$0xFFFFFFE0];
	[tilespmem:s21+$0xFFFFFFE0] =	vst v11;
	v11 =	vsel vm0, $0x0, v8;
	vm0 =	vgt.s32 v3, v12;
	v12 =	vand.u32 $0x7FFFFFFF, v5  }
.Ltmp14:
0x34a: {  	v8 =	vld [tilespmem:s23+$0xFFFFFFF0];
	[tilespmem:s21+$0xFFFFFFF0] =	vst v11;
	v11 =	vsel vm0, $0x0, v7;
	vm0 =	vgt.s32 v3, v12;
	v12 =	vand.u32 $0x7FFFFFFF, v4;
	(pc) =	sbr.rel @p0 .LBB2_30-.Ltmp14, $4  }
0x34b: {  	v7 =	vld [tilespmem:s23+$0x0];
	v14 =	vand.u32 $0x7FFFFFFF, v6;
	[tilespmem:s21+$0x0] =	vst v11;
	v11 =	vsel vm0, $0x0, v5;
	vm0 =	vgt.s32 v3, v12  }
0x34c: {  	v5 =	vld [tilespmem:s23+$0x10];
	v12 =	vand.u32 $0x7FFFFFFF, v13;
	vm1 =	vgt.s32 v3, v14;
	[tilespmem:s21+$0x10] =	vst v11;
	v11 =	vsel vm0, $0x0, v4  }
0x34d: {  	v14 =	vand.u32 $0x7FFFFFFF, v10;
	v4 =	vld [tilespmem:s23+$0x20];
	vm2 =	vgt.s32 v3, v12;
	v15 =	vsel vm1, $0x0, v6;
	[tilespmem:s21+$0x20] =	vst v11  }
0x34e: {  	v6 =	vld [tilespmem:s23+$0xFFFFFFC0];
	vm0 =	vgt.s32 v3, v14;
	v12 =	vand.u32 $0x7FFFFFFF, v9;
	v11 =	vsel vm2, $0x0, v13;
	s23 =	sadd.s32 $0x80, s23;
	[tilespmem:s21+$0xFFFFFFC0] =	vst v15;
	s21 =	sadd.s32 $0x80, s21  }
0x34f: {  	v10 =	vsel vm0, $0x0, v10;
	vm11 =	vgt.s32 v3, v12;
	v58 =	vand.u32 $0x7FFFFFFF, v8;
	[tilespmem:s21+$0x30] =	vst v11  }
0x350: {  	[tilespmem:s21+$0xFFFFFFD0] =	vst v10;
	v9 =	vsel vm11, $0x0, v9;
	vm12 =	vgt.s32 v3, v58;
	v59 =	vand.u32 $0x7FFFFFFF, v7  }
0x351: {  	[tilespmem:s21+$0xFFFFFFE0] =	vst v9;
	v8 =	vsel vm12, $0x0, v8;
	vm13 =	vgt.s32 v3, v59;
	v60 =	vand.u32 $0x7FFFFFFF, v5  }
0x352: {  	[tilespmem:s21+$0xFFFFFFF0] =	vst v8;
	v7 =	vsel vm13, $0x0, v7;
	vm14 =	vgt.s32 v3, v60;
	v8 =	vand.u32 $0x7FFFFFFF, v4  }
0x353: {  	v61 =	vand.u32 $0x7FFFFFFF, v6;
	[tilespmem:s21+$0x0] =	vst v7;
	v5 =	vsel vm14, $0x0, v5;
	vm15 =	vgt.s32 v3, v8  }
0x354: {  	vm1 =	vgt.s32 v3, v61;
	[tilespmem:s21+$0x10] =	vst v5;
	v3 =	vsel vm15, $0x0, v4  }
0x355: {  	v4 =	vsel vm1, $0x0, v6;
	[tilespmem:s21+$0x20] =	vst v3  }
0x356: {  	[tilespmem:s21+$0xFFFFFFC0] =	vst v4  }
0x357: {  	[hbm4b:s7+s12] =	stream.strided.scatter [tilespmem:s18], [sflag:$0x2], $0x8000, s13, s12, $0x38;
	[tilespmem:$0x19080] =	vst v63  }
0x358: {  	_ =	swait.ge [sflag:s14], $0x8000  }
0x359: {  	[sflag:s14] =	ssyncset.done $0x0  }
0x35a: {  	s0 =	simm.s32 $0x40;
	[sflag:s14] =	ssyncadd.s32 $0xFFFF8000  }
0x35b: {  	[tilespmem:s15], [sflag:$0x1] =	stream.strided.gather [hbm4b:s8+s12], $0x8000, s13, s12, $0x38;
	[tilespmem:$0x19080] =	vst v63  }
0x35c: {  	v3 =	vld [tilespmem:s0+$0x30]  }
0x35d: {  	v4 =	vld [tilespmem:s0+$0xFFFFFFD0]  }
0x35e: {  	v5 =	vld [tilespmem:s0+$0xFFFFFFE0]  }
0x35f: {  	v6 =	vld [tilespmem:s0+$0xFFFFFFF0]  }
0x360: {  	v7 =	vld [tilespmem:s0+$0x0]  }
0x361: {  	v3 =	vshrl.u32 v3, $0x14  }
0x362: {  	v4 =	vshrl.u32 v4, $0x14;
	v3 =	vand.u32 $0x7FF, v3  }
0x363: {  	v8 =	vld [tilespmem:s0+$0x10];
	v5 =	vshrl.u32 v5, $0x14;
	v4 =	vand.u32 $0x7FF, v4  }
0x364: {  	v62 =	vld [tilespmem:s0+$0x20];
	v6 =	vshrl.u32 v6, $0x14;
	v5 =	vand.u32 $0x7FF, v5  }
0x365: {  	v63 =	vld [tilespmem:s0+$0xFFFFFFC0];
	v7 =	vshrl.u32 v7, $0x14;
	v6 =	vand.u32 $0x7FF, v6  }
0x366: {  	v7 =	vand.u32 $0x7FF, v7  }
0x367: {  	[tilespmem:v3+s16+$0x0] =	vst.idx.add.s32.msk $0xffff, v1  }
0x368: {  	[tilespmem:v4+s16+$0x0] =	vst.idx.add.s32.msk $0xffff, v1  }
0x369: {  	[tilespmem:v5+s16+$0x0] =	vst.idx.add.s32.msk $0xffff, v1  }
0x36a: {  	v3 =	vshrl.u32 v8, $0x14;
	v5 =	vshrl.u32 v62, $0x14;
	v8 =	vshrl.u32 v63, $0x14;
	[tilespmem:v6+s16+$0x0] =	vst.idx.add.s32.msk $0xffff, v1  }
0x36b: {  	s23 =	simm.s32 $0x0;
	s24 =	simm.s32 $0xC0;
	[tilespmem:v7+s16+$0x0] =	vst.idx.add.s32.msk $0xffff, v1;
	v4 =	vand.u32 $0x7FF, v3;
	v5 =	vand.u32 $0x7FF, v5;
	v6 =	vand.u32 $0x7FF, v8  }
.LBB2_32:
0x36c: {  	v3 =	vld [tilespmem:s24+$0x30];
	s23 =	sadd.s32 $0x8, s23  }
0x36d: {  	v7 =	vld [tilespmem:s24+$0xFFFFFFD0];
	p0 =	slt.u32 s23, $0x7F8  }
0x36e: {  	v8 =	vld [tilespmem:s24+$0xFFFFFFE0]  }
0x36f: {  	v9 =	vld [tilespmem:s24+$0xFFFFFFF0]  }
0x370: {  	v10 =	vld [tilespmem:s24+$0x0]  }
0x371: {  	v11 =	vld [tilespmem:s24+$0x10];
	v3 =	vshrl.u32 v3, $0x14  }
0x372: {  	v7 =	vshrl.u32 v7, $0x14;
	v12 =	vld [tilespmem:s24+$0x20];
	v3 =	vand.u32 $0x7FF, v3  }
0x373: {  	v13 =	vld [tilespmem:s24+$0xFFFFFFC0];
	v7 =	vand.u32 $0x7FF, v7;
	v8 =	vshrl.u32 v8, $0x14  }
0x374: {  	v8 =	vand.u32 $0x7FF, v8;
	v9 =	vshrl.u32 v9, $0x14;
	[tilespmem:v6+s16+$0x0] =	vst.idx.add.s32.msk $0xffff, v1  }
0x375: {  	v9 =	vand.u32 $0x7FF, v9;
	v6 =	vshrl.u32 v10, $0x14;
	[tilespmem:v4+s16+$0x0] =	vst.idx.add.s32.msk $0xffff, v1  }
0x376: {  	s21 =	simm.s32 $0x18FF0;
	v10 =	vand.u32 $0x7FF, v6;
	v4 =	vshrl.u32 v11, $0x14;
	[tilespmem:v5+s16+$0x0] =	vst.idx.add.s32.msk $0xffff, v1  }
.Ltmp15:
0x377: {  	s25 =	simm.s32 $0x0;
	s22 =	simm.s32 $0x187F0;
	v4 =	vand.u32 $0x7FF, v4;
	v5 =	vshrl.u32 v12, $0x14;
	[tilespmem:v3+s16+$0x0] =	vst.idx.add.s32.msk $0xffff, v1;
	v3 =	vimm.s32 $0x0;
	(pc) =	sbr.rel @p0 .LBB2_32-.Ltmp15, $4  }
0x378: {  	v6 =	vshrl.u32 v13, $0x14;
	[tilespmem:v7+s16+$0x0] =	vst.idx.add.s32.msk $0xffff, v1;
	v5 =	vand.u32 $0x7FF, v5  }
0x379: {  	v6 =	vand.u32 $0x7FF, v6;
	[tilespmem:v8+s16+$0x0] =	vst.idx.add.s32.msk $0xffff, v1  }
0x37a: {  	[tilespmem:v9+s16+$0x0] =	vst.idx.add.s32.msk $0xffff, v1  }
0x37b: {  	s24 =	sadd.s32 $0x80, s24;
	[tilespmem:v10+s16+$0x0] =	vst.idx.add.s32.msk $0xffff, v1  }
0x37c: {  	_ =	sdelay $0x3  }
0x37d: {  	[tilespmem:v6+s16+$0x0] =	vst.idx.add.s32.msk $0xffff, v1  }
0x37e: {  	[tilespmem:v4+s16+$0x0] =	vst.idx.add.s32.msk $0xffff, v1  }
0x37f: {  	[tilespmem:v5+s16+$0x0] =	vst.idx.add.s32.msk $0xffff, v1  }
0x380: {  	v4 =	vld [tilespmem:s22+$0x0]  }
0x381: {  	v5 =	vld [tilespmem:s22+$0xFFFFFFF0];
	_ =	sdelay $0x1  }
0x382: {  	v6 =	vld [tilespmem:s22+$0xFFFFFFE0];
	_ =	sdelay $0x1  }
0x383: {  	v7 =	vld [tilespmem:s22+$0xFFFFFFD0];
	(xrf0) =	vadd.scan.msk.s32 $0xffff, v4  }
0x384: {  	(xrf0) =	vadd.scan.msk.s32 $0xffff, v5;
	_ =	sdelay $0x1  }
0x385: {  	(xrf0) =	vadd.scan.msk.s32 $0xffff, v6;
	_ =	sdelay $0x1  }
0x386: {  	(xrf0) =	vadd.scan.msk.s32 $0xffff, v7  }
0x387: {  	s23 =	simm.s32 $0x187B0;
	v8, _, _ =	vpop (xrf0)  }
0x388: {  	v6 =	vperm.xlane v6, v2;
	v9, _, _ =	vpop (xrf0);
	(v2sf) =	vpush v8, $0xF;
	v8 =	vld [tilespmem:s23+$0x0]  }
0x389: {  	(v2sf) =	vpush v9, $0xF;
	v9 =	vld [tilespmem:s23+$0xFFFFFFF0]  }
0x38a: {  	v11 =	vld [tilespmem:s23+$0xFFFFFFE0];
	v4 =	vperm.xlane v4, v2;
	v10, _, _ =	vpop (xrf0)  }
0x38b: {  	(xrf0) =	vadd.scan.msk.s32 $0xffff, v6;
	(v2sf) =	vpush v10, $0xF;
	v10 =	vld [tilespmem:s23+$0xFFFFFFD0]  }
0x38c: {  	(xrf0) =	vadd.scan.msk.s32 $0xffff, v4;
	v6, _, _ =	vpop (xrf0)  }
0x38d: {  	(v2sf) =	vpush v6, $0xF;
	(xrf0) =	vadd.scan.msk.s32 $0xffff, v8  }
0x38e: {  	(xrf0) =	vadd.scan.msk.s32 $0xffff, v9  }
0x38f: {  	(xrf0) =	vadd.scan.msk.s32 $0xffff, v11  }
0x390: {  	(xrf0) =	vadd.scan.msk.s32 $0xffff, v10  }
0x391: {  	v4 =	vperm.xlane v5, v2;
	v12, _, _ =	vpop (xrf0)  }
0x392: {  	s24 =	simm.s32 $0x18770;
	v5 =	vperm.xlane v11, v2;
	v6, _, _ =	vpop (xrf0)  }
0x393: {  	v11 =	vld [tilespmem:s24+$0x0];
	(xrf0) =	vadd.scan.msk.s32 $0xffff, v4;
	v4 =	vperm.xlane v7, v2;
	v7, _, _ =	vpop (xrf0)  }
0x394: {  	v13 =	vld [tilespmem:s24+$0xFFFFFFF0];
	(xrf0) =	vadd.scan.msk.s32 $0xffff, v5;
	v5 =	vperm.xlane v8, v2;
	v8, _, _ =	vpop (xrf0);
	(v2sf) =	vpush v7, $0xF  }
0x395: {  	v15 =	vld [tilespmem:s24+$0xFFFFFFE0];
	(xrf0) =	vadd.scan.msk.s32 $0xffff, v4;
	v4 =	vadd.s32 s25, v6;
	v6, _, _ =	vpop (xrf0);
	(v2sf) =	vpush v8, $0xF  }
0x396: {  	[tilespmem:s22+$0xFFFFFFE0] =	vst v0;
	v17 =	vperm.xlane v9, v2;
	v9 =	vld [tilespmem:s24+$0xFFFFFFD0];
	v8, _, _ =	vpop (xrf0);
	(v2sf) =	vpush v6, $0xF  }
0x397: {  	[tilespmem:s22+$0xFFFFFFF0] =	vst v0;
	(xrf0) =	vadd.scan.msk.s32 $0xffff, v5;
	s0 =	spop (v2sf);
	(v2sf) =	vpush v8, $0xF  }
0x398: {  	[tilespmem:s22+$0x0] =	vst v0;
	v7 =	vperm.xlane v10, v2;
	(xrf0) =	vadd.scan.msk.s32 $0xffff, v11  }
0x399: {  	vm0 =	vgt.s32 v4, $0x7FF;
	v18 =	vperm.xlane v4, v2;
	v6 =	vperm.xlane v11, v2;
	v5, _, _ =	vpop (xrf0);
	(xrf0) =	vadd.scan.msk.s32 $0xffff, v13;
	s0 =	sadd.s32 $0x0, s0;
	s26 =	spop (v2sf)  }
0x39a: {  	v11 =	vperm.xlane v13, v2;
	(xrf0) =	vadd.scan.msk.s32 $0xffff, v15;
	v15 =	vperm.xlane v15, v2;
	v8 =	vadd.s32 s0, v5;
	s0 =	sadd.s32 s0, s26  }
0x39b: {  	s30 =	spop (v2sf);
	v5, _, _ =	vpop (xrf0);
	(xrf0) =	vadd.scan.msk.s32 $0xffff, v9;
	vm1 =	vgt.s32 v8, $0x7FF;
	v8 =	vperm.xlane v8, v2;
	v10 =	vadd.s32 s0, v12  }
0x39c: {  	[tilespmem:s21+$0x0] =	vst v18;
	s0 =	sadd.s32 s0, s30;
	v14, _, _ =	vpop (xrf0);
	s31 =	spop (v2sf);
	v12 =	vmpcnt.ones.xlane vm1;
	vm1 =	vgt.s32 v10, $0x7FF;
	v10 =	vperm.xlane v10, v2  }
0x39d: {  	v4 =	vadd.s32 s0, v14;
	s29 =	sadd.s32 s0, s31;
	v19, _, _ =	vpop (xrf0);
	v14 =	vmpcnt.ones.xlane vm0;
	[tilespmem:s21+$0xFFFFFFF0] =	vst v8;
	v13 =	vmpcnt.ones.xlane vm1  }
0x39e: {  	s28 =	simm.s32 $0x18730;
	s25 =	simm.s32 $0x18FF0;
	s26 =	simm.s32 $0x8;
	vm0 =	vgt.s32 v4, $0x7FF;
	v8 =	vperm.xlane v4, v2;
	v16, _, _ =	vpop (xrf0);
	v4 =	vadd.s32 s29, v19;
	(xrf0) =	vadd.scan.msk.s32 $0xffff, v17  }
.LBB2_34:
0x39f: {  	v17 =	vld [tilespmem:s28+$0x0];
	s26 =	sadd.s32 $0x4, s26;
	v18 =	vperm.xlane v9, v2;
	v9, _, _ =	vpop (xrf0);
	v3 =	vadd.s32 v3, v14;
	[tilespmem:s21+$0xFFFFFFE0] =	vst v10;
	s25 =	sadd.s32 $0xFFFFFFC0, s25;
	v19 =	vmov v11  }
0x3a0: {  	v10 =	vld [tilespmem:s28+$0xFFFFFFF0];
	p0 =	slt.u32 s26, $0x7C;
	(v2sf) =	vpush v16, $0xF;
	(xrf0) =	vadd.scan.msk.s32 $0xffff, v15;
	v11, _, _ =	vpop (xrf0);
	v3 =	vadd.s32 v12, v3;
	v12 =	vmpcnt.ones.xlane vm0  }
0x3a1: {  	v15 =	vld [tilespmem:s28+$0xFFFFFFE0];
	(v2sf) =	vpush v9, $0xF;
	v14, _, _ =	vpop (xrf0);
	(xrf0) =	vadd.scan.msk.s32 $0xffff, v7;
	v3 =	vadd.s32 v13, v3;
	[tilespmem:s22+$0xFFFFFFD0] =	vst v0;
	s22 =	smov.u32 s23;
	s23 =	smov.u32 s24;
	s24 =	smov.u32 s28  }
0x3a2: {  	v7 =	vmov v18;
	v9 =	vld [tilespmem:s28+$0xFFFFFFD0];
	(v2sf) =	vpush v11, $0xF;
	v3 =	vadd.s32 v12, v3;
	[tilespmem:s21+$0xFFFFFFD0] =	vst v8;
	s21 =	smov.u32 s25  }
0x3a3: {  	(xrf0) =	vadd.scan.msk.s32 $0xffff, v6;
	(v2sf) =	vpush v14, $0xF;
	[tilespmem:s22+$0xFFFFFFE0] =	vst v0;
	s0 =	spop (v2sf)  }
0x3a4: {  	v6 =	vperm.xlane v17, v2;
	(xrf0) =	vadd.scan.msk.s32 $0xffff, v17;
	s0 =	sadd.s32 s29, s0;
	[tilespmem:s22+$0xFFFFFFF0] =	vst v0;
	v8, _, _ =	vpop (xrf0);
	s29 =	spop (v2sf)  }
0x3a5: {  	vm0 =	vgt.s32 v4, $0x7FF;
	v11 =	vperm.xlane v10, v2;
	(xrf0) =	vadd.scan.msk.s32 $0xffff, v10;
	v8 =	vadd.s32 s0, v8;
	s0 =	sadd.s32 s0, s29;
	s29 =	spop (v2sf)  }
.Ltmp16:
0x3a6: {  	(xrf0) =	vadd.scan.msk.s32 $0xffff, v15;
	vm1 =	vgt.s32 v8, $0x7FF;
	v8 =	vperm.xlane v8, v2;
	v10 =	vadd.s32 s0, v5;
	v5, _, _ =	vpop (xrf0);
	s0 =	sadd.s32 s0, s29;
	s29 =	spop (v2sf);
	(pc) =	sbr.rel @p0 .LBB2_34-.Ltmp16, $4  }
0x3a7: {  	(xrf0) =	vadd.scan.msk.s32 $0xffff, v9;
	v12 =	vmpcnt.ones.xlane vm1;
	vm1 =	vgt.s32 v10, $0x7FF;
	v10 =	vperm.xlane v10, v2;
	s29 =	sadd.s32 s0, s29;
	v14, _, _ =	vpop (xrf0)  }
0x3a8: {  	v17 =	vperm.xlane v4, v2;
	[tilespmem:s25+$0xFFFFFFF0] =	vst v8;
	v13 =	vmpcnt.ones.xlane vm1;
	v4 =	vadd.s32 s0, v14  }
0x3a9: {  	v14 =	vmpcnt.ones.xlane vm0;
	v18, _, _ =	vpop (xrf0);
	[tilespmem:s22+$0x0] =	vst v0;
	vm0 =	vgt.s32 v4, $0x7FF;
	v8 =	vperm.xlane v4, v2  }
0x3aa: {  	s28 =	sadd.s32 $0xFFFFFFC0, s28;
	v15 =	vperm.xlane v15, v2;
	v16, _, _ =	vpop (xrf0);
	v4 =	vadd.s32 s29, v18;
	(xrf0) =	vadd.scan.msk.s32 $0xffff, v19;
	[tilespmem:s25+$0x0] =	vst v17  }
0x3ab: {  	v17, _, _ =	vpop (xrf0);
	(v2sf) =	vpush v16, $0xF  }
0x3ac: {  	(v2sf) =	vpush v17, $0xF;
	v60, _, _ =	vpop (xrf0)  }
0x3ad: {  	(v2sf) =	vpush v60, $0xF;
	_ =	sdelay $0x1  }
0x3ae: {  	(xrf0) =	vadd.scan.msk.s32 $0xffff, v15  }
0x3af: {  	(xrf0) =	vadd.scan.msk.s32 $0xffff, v7;
	_ =	sdelay $0x1  }
0x3b0: {  	v3 =	vadd.s32 v3, v14;
	v7, _, _ =	vpop (xrf0);
	(xrf0) =	vadd.scan.msk.s32 $0xffff, v6;
	v6 =	vperm.xlane v9, v2;
	v9 =	vmpcnt.ones.xlane vm0;
	s0 =	spop (v2sf)  }
0x3b1: {  	v3 =	vadd.s32 v12, v3;
	vm0 =	vgt.s32 v4, $0x7FF;
	s0 =	sadd.s32 s29, s0;
	v12, _, _ =	vpop (xrf0);
	s26 =	spop (v2sf)  }
0x3b2: {  	v3 =	vadd.s32 v13, v3;
	v13 =	vmpcnt.ones.xlane vm0;
	(xrf0) =	vadd.scan.msk.s32 $0xffff, v11;
	v11 =	vadd.s32 s0, v12;
	s0 =	sadd.s32 s0, s26  }
0x3b3: {  	s31 =	spop (v2sf);
	v12, _, _ =	vpop (xrf0);
	v5 =	vadd.s32 s0, v5  }
0x3b4: {  	v3 =	vadd.s32 v9, v3;
	vm1 =	vgt.s32 v11, $0x7FF;
	s0 =	sadd.s32 s0, s31;
	vm0 =	vgt.s32 v5, $0x7FF;
	v9, _, _ =	vpop (xrf0)  }
0x3b5: {  	(xrf0) =	vadd.scan.msk.s32 $0xffff, v6;
	s28 =	spop (v2sf);
	v6 =	vmpcnt.ones.xlane vm1;
	v14 =	vmpcnt.ones.xlane vm0;
	v9 =	vadd.s32 s0, v9  }
0x3b6: {  	v3 =	vadd.s32 v3, v13;
	s26 =	sadd.s32 s0, s28;
	v13, _, _ =	vpop (xrf0);
	vm0 =	vgt.s32 v9, $0x7FF  }
0x3b7: {  	v3 =	vadd.s32 v6, v3;
	v6 =	vadd.s32 s26, v13;
	v13 =	vmpcnt.ones.xlane vm0  }
0x3b8: {  	s29 =	spop (v2sf)  }
0x3b9: {  	v3 =	vadd.s32 v14, v3;
	vm0 =	vgt.s32 v6, $0x7FF;
	v14, _, _ =	vpop (xrf0);
	s0 =	sadd.s32 s26, s29;
	s28 =	spop (v2sf)  }
0x3ba: {  	v15 =	vmpcnt.ones.xlane vm0;
	s30 =	sadd.s32 s0, s28;
	v14 =	vadd.s32 s0, v14;
	s31 =	spop (v2sf)  }
0x3bb: {  	v3 =	vadd.s32 v13, v3;
	v13, _, _ =	vpop (xrf0);
	v12 =	vadd.s32 s30, v12;
	s0 =	sadd.s32 s30, s31;
	vm1 =	vgt.s32 v14, $0x7FF  }
0x3bc: {  	v61 =	vmpcnt.ones.xlane vm1;
	vm0 =	vgt.s32 v12, $0x7FF;
	v13 =	vadd.s32 s0, v13  }
0x3bd: {  	v3 =	vadd.s32 v3, v15;
	v62 =	vmpcnt.ones.xlane vm0;
	vm0 =	vgt.s32 v13, $0x7FF  }
0x3be: {  	v3 =	vadd.s32 v61, v3;
	v15 =	vmpcnt.ones.xlane vm0  }
0x3bf: {  	v3 =	vadd.s32 v62, v3  }
0x3c0: {  	v3 =	vadd.s32 v15, v3  }
0x3c1: {  	v3 =	vxor.u32 $0x80000000, v3  }
0x3c2: {  	(xrf0) =	vmax.scan.msk.u32 $0xffff, v3;
	_ =	sdelay $0x2  }
0x3c3: {  	[tilespmem:s21+$0xFFFFFFE0] =	vst v10  }
0x3c4: {  	[tilespmem:s22+$0xFFFFFFD0] =	vst v0  }
0x3c5: {  	[tilespmem:s23+$0xFFFFFFE0] =	vst v0  }
0x3c6: {  	[tilespmem:s23+$0xFFFFFFF0] =	vst v0;
	(v2sf) =	vpush v7, $0xF;
	v3, _, _ =	vpop (xrf0)  }
0x3c7: {  	[tilespmem:s23+$0x0] =	vst v0;
	(v2sf) =	vpush v3, $0xF  }
0x3c8: {  	[tilespmem:s23+$0xFFFFFFD0] =	vst v0  }
0x3c9: {  	[tilespmem:s24+$0xFFFFFFE0] =	vst v0  }
0x3ca: {  	[tilespmem:s24+$0xFFFFFFF0] =	vst v0  }
0x3cb: {  	[tilespmem:s24+$0x0] =	vst v0  }
0x3cc: {  	[tilespmem:s24+$0xFFFFFFD0] =	vst v0;
	v4 =	vperm.xlane v4, v2  }
0x3cd: {  	[tilespmem:s21+$0xFFFFFFD0] =	vst v8;
	s28 =	sadd.s32 $0xFFFFFFC0, s25;
	v3 =	vperm.xlane v11, v2  }
0x3ce: {  	[tilespmem:s28+$0x0] =	vst v4;
	v4 =	vperm.xlane v9, v2  }
0x3cf: {  	[tilespmem:s28+$0xFFFFFFF0] =	vst v3;
	v3 =	vperm.xlane v5, v2  }
0x3d0: {  	[tilespmem:s28+$0xFFFFFFD0] =	vst v4;
	v4 =	vperm.xlane v6, v2  }
0x3d1: {  	s0 =	sadd.s32 $0xFFFFFFC0, s28;
	[tilespmem:s28+$0xFFFFFFE0] =	vst v3;
	v3 =	vperm.xlane v14, v2  }
0x3d2: {  	[tilespmem:s0+$0x0] =	vst v4;
	v5 =	vperm.xlane v13, v2  }
0x3d3: {  	[tilespmem:s0+$0xFFFFFFF0] =	vst v3;
	v3 =	vperm.xlane v12, v2  }
0x3d4: {  	[tilespmem:s0+$0xFFFFFFD0] =	vst v5  }
0x3d5: {  	s29 =	spop (v2sf);
	[tilespmem:s0+$0xFFFFFFE0] =	vst v3  }
0x3d6: {  	s31 =	simm.s32 $0x40;
	[tilespmem:$0x19000] =	vst v0;
	s21 =	spop (v2sf)  }
0x3d7: {  	v6 =	vld [tilespmem:s31+$0x10];
	s30 =	sxor.u32 $0x80000000, s21  }
0x3d8: {  	v8 =	vld [tilespmem:s31+$0x30];
	v4 =	vmov s30  }
0x3d9: {  	v9 =	vld [tilespmem:s31+$0xFFFFFFC0]  }
0x3da: {  	v5 =	vld [tilespmem:s31+$0xFFFFFFD0];
	_ =	sdelay $0x1  }
0x3db: {  	v10 =	vld [tilespmem:s31+$0x20];
	v7 =	vshrl.u32 v6, $0x14;
	s21 =	sadd.s32 $0x7FFFFFFF, s21  }
0x3dc: {  	v6 =	vshrl.u32 v6, $0xA;
	v11 =	vand.u32 $0x7FF, v7;
	v3 =	vld.idx.msk [tilespmem:v4+s17+$0x0], $0xffff;
	v4 =	vmov s21  }
0x3dd: {  	v12 =	vshrl.u32 v9, $0x14;
	v13 =	vshrl.u32 v8, $0xA;
	v7 =	vld [tilespmem:s31+$0xFFFFFFE0];
	vm2 =	veq.s32 v11, v4  }
0x3de: {  	v14 =	vshrl.u32 v5, $0x14;
	v15 =	vand.u32 $0x3FF, v6;
	v6 =	vshrl.u32 v8, $0x14  }
0x3df: {  	v9 =	vshrl.u32 v9, $0xA;
	v8 =	vand.u32 $0x7FF, v12;
	v11 =	vand.u32 $0x7FF, v6  }
0x3e0: {  	v12 =	vshrl.u32 v10, $0xA;
	vm0 =	veq.s32 v8, v4;
	vm1 =	veq.s32 v11, v4;
	v11 =	vld [tilespmem:s31+$0xFFFFFFF0]  }
0x3e1: {  	v6 =	vand.u32 $0x3FF, v9;
	v8 =	vshrl.u32 v10, $0x14;
	v9 =	vand.u32 $0x3FF, v13  }
0x3e2: {  	v13 =	vshrl.u32 v7, $0x14;
	v10 =	vld [tilespmem:s31+$0x0];
	v63 =	vand.u32 $0x7FF, v8;
	v8 =	vand.u32 $0x3FF, v12  }
0x3e3: {  	s22 =	simm.s32 $0x0;
	s23 =	simm.s32 $0xC0;
	v12 =	vand.u32 $0x7FF, v14;
	v13 =	vand.u32 $0x7FF, v13;
	[tilespmem:v15+s16+$0x0] =	vst.idx.add.s32.msk vm2, v1;
	vm2 =	veq.s32 v63, v4  }
.LBB2_36:
0x3e4: {  	v14 =	vld [tilespmem:s23+$0x10];
	s22 =	sadd.s32 $0x8, s22;
	v15 =	vshrl.u32 v5, $0xA;
	v5 =	vshrl.u32 v7, $0xA  }
0x3e5: {  	v16 =	vld [tilespmem:s23+$0x30];
	p0 =	slt.u32 s22, $0x7F8;
	v7 =	vshrl.u32 v11, $0x14;
	v11 =	vshrl.u32 v11, $0xA  }
0x3e6: {  	vm4 =	veq.s32 v13, v4;
	v7 =	vand.u32 $0x7FF, v7;
	[tilespmem:v9+s16+$0x0] =	vst.idx.add.s32.msk vm1, v1  }
0x3e7: {  	v13 =	vand.u32 $0x3FF, v5;
	v9 =	vld [tilespmem:s23+$0xFFFFFFC0];
	v17 =	vshrl.u32 v10, $0x14;
	v10 =	vshrl.u32 v10, $0xA  }
0x3e8: {  	vm1 =	veq.s32 v7, v4;
	v5 =	vld [tilespmem:s23+$0xFFFFFFD0];
	v7 =	vand.u32 $0x7FF, v17  }
0x3e9: {  	vm5 =	veq.s32 v12, v4;
	v11 =	vand.u32 $0x3FF, v11;
	vm3 =	veq.s32 v7, v4;
	[tilespmem:v8+s16+$0x0] =	vst.idx.add.s32.msk vm2, v1  }
0x3ea: {  	[tilespmem:v6+s16+$0x0] =	vst.idx.add.s32.msk vm0, v1;
	v6 =	vand.u32 $0x3FF, v15  }
0x3eb: {  	v10 =	vand.u32 $0x3FF, v10;
	v7 =	vshrl.u32 v14, $0x14;
	v8 =	vshrl.u32 v14, $0xA;
	v12 =	vld [tilespmem:s23+$0x20]  }
0x3ec: {  	v14 =	vand.u32 $0x7FF, v7;
	[tilespmem:v13+s16+$0x0] =	vst.idx.add.s32.msk vm4, v1  }
0x3ed: {  	vm2 =	veq.s32 v14, v4;
	v14 =	vshrl.u32 v16, $0xA;
	v13 =	vshrl.u32 v9, $0x14;
	v7 =	vld [tilespmem:s23+$0xFFFFFFE0]  }
0x3ee: {  	v17 =	vand.u32 $0x3FF, v8;
	v8 =	vshrl.u32 v16, $0x14;
	v15 =	vshrl.u32 v5, $0x14;
	[tilespmem:v11+s16+$0x0] =	vst.idx.add.s32.msk vm1, v1  }
.Ltmp17:
0x3ef: {  	v8 =	vand.u32 $0x7FF, v8;
	v9 =	vshrl.u32 v9, $0xA;
	v11 =	vand.u32 $0x7FF, v13;
	[tilespmem:v6+s16+$0x0] =	vst.idx.add.s32.msk vm5, v1;
	(pc) =	sbr.rel @p0 .LBB2_36-.Ltmp17, $4  }
0x3f0: {  	vm1 =	veq.s32 v8, v4;
	vm0 =	veq.s32 v11, v4;
	v6 =	vand.u32 $0x3FF, v9;
	v11 =	vld [tilespmem:s23+$0xFFFFFFF0]  }
0x3f1: {  	v9 =	vand.u32 $0x3FF, v14;
	v8 =	vshrl.u32 v12, $0x14;
	v12 =	vshrl.u32 v12, $0xA;
	[tilespmem:v10+s16+$0x0] =	vst.idx.add.s32.msk vm3, v1  }
0x3f2: {  	v14 =	vand.u32 $0x7FF, v8;
	v8 =	vand.u32 $0x3FF, v12;
	v13 =	vshrl.u32 v7, $0x14;
	v10 =	vld [tilespmem:s23+$0x0]  }
0x3f3: {  	v12 =	vand.u32 $0x7FF, v15;
	s23 =	sadd.s32 $0x80, s23;
	v13 =	vand.u32 $0x7FF, v13;
	[tilespmem:v17+s16+$0x0] =	vst.idx.add.s32.msk vm2, v1;
	vm2 =	veq.s32 v14, v4  }
0x3f4: {  	_ = 	snop  }
0x3f5: {  	v5 =	vshrl.u32 v5, $0xA;
	v7 =	vshrl.u32 v7, $0xA;
	v14 =	vshrl.u32 v11, $0x14  }
0x3f6: {  	vm3 =	veq.s32 v13, v4;
	v11 =	vshrl.u32 v11, $0xA;
	v13 =	vand.u32 $0x7FF, v14  }
0x3f7: {  	v7 =	vand.u32 $0x3FF, v7;
	v14 =	vshrl.u32 v10, $0x14;
	vm4 =	veq.s32 v13, v4  }
0x3f8: {  	vm5 =	veq.s32 v12, v4;
	v11 =	vand.u32 $0x3FF, v11;
	v13 =	vand.u32 $0x7FF, v14  }
0x3f9: {  	[tilespmem:v9+s16+$0x0] =	vst.idx.add.s32.msk vm1, v1;
	v9 =	vshrl.u32 v10, $0xA;
	vm1 =	veq.s32 v13, v4;
	v4 =	vand.u32 $0x3FF, v5  }
0x3fa: {  	[tilespmem:v8+s16+$0x0] =	vst.idx.add.s32.msk vm2, v1;
	v5 =	vand.u32 $0x3FF, v9  }
0x3fb: {  	[tilespmem:v6+s16+$0x0] =	vst.idx.add.s32.msk vm0, v1  }
0x3fc: {  	[tilespmem:v7+s16+$0x0] =	vst.idx.add.s32.msk vm3, v1  }
0x3fd: {  	[tilespmem:v11+s16+$0x0] =	vst.idx.add.s32.msk vm4, v1  }
0x3fe: {  	[tilespmem:v4+s16+$0x0] =	vst.idx.add.s32.msk vm5, v1  }
0x3ff: {  	s23 =	simm.s32 $0x183F0;
	[tilespmem:v5+s16+$0x0] =	vst.idx.add.s32.msk vm1, v1  }
0x400: {  	v5 =	vld [tilespmem:s23+$0x0]  }
0x401: {  	v3 =	vxor.u32 $0x80000000, v3;
	v6 =	vld [tilespmem:s23+$0xFFFFFFF0]  }
0x402: {  	(xrf0) =	vmax.scan.msk.u32 $0xffff, v3  }
0x403: {  	v7 =	vld [tilespmem:s23+$0xFFFFFFE0];
	_ =	sdelay $0x1  }
0x404: {  	v8 =	vld [tilespmem:s23+$0xFFFFFFD0];
	(xrf0) =	vadd.scan.msk.s32 $0xffff, v5  }
0x405: {  	(xrf0) =	vadd.scan.msk.s32 $0xffff, v6;
	_ =	sdelay $0x1  }
0x406: {  	v3, _, _ =	vpop (xrf0);
	(xrf0) =	vadd.scan.msk.s32 $0xffff, v7  }
0x407: {  	(v2sf) =	vpush v3, $0xF  }
0x408: {  	(xrf0) =	vadd.scan.msk.s32 $0xffff, v8  }
0x409: {  	s24 =	simm.s32 $0x183B0;
	v9, _, _ =	vpop (xrf0)  }
0x40a: {  	v7 =	vperm.xlane v7, v2;
	v10, _, _ =	vpop (xrf0);
	(v2sf) =	vpush v9, $0xF;
	v9 =	vld [tilespmem:s24+$0x0]  }
0x40b: {  	(v2sf) =	vpush v10, $0xF;
	v10 =	vld [tilespmem:s24+$0xFFFFFFF0]  }
0x40c: {  	v12 =	vld [tilespmem:s24+$0xFFFFFFE0];
	v5 =	vperm.xlane v5, v2;
	v11, _, _ =	vpop (xrf0)  }
0x40d: {  	(xrf0) =	vadd.scan.msk.s32 $0xffff, v7;
	(v2sf) =	vpush v11, $0xF;
	v11 =	vld [tilespmem:s24+$0xFFFFFFD0]  }
0x40e: {  	(xrf0) =	vadd.scan.msk.s32 $0xffff, v5;
	v7, _, _ =	vpop (xrf0)  }
0x40f: {  	(v2sf) =	vpush v7, $0xF;
	(xrf0) =	vadd.scan.msk.s32 $0xffff, v9  }
0x410: {  	(xrf0) =	vadd.scan.msk.s32 $0xffff, v10  }
0x411: {  	(xrf0) =	vadd.scan.msk.s32 $0xffff, v12  }
0x412: {  	(xrf0) =	vadd.scan.msk.s32 $0xffff, v11  }
0x413: {  	v5 =	vperm.xlane v6, v2;
	v13, _, _ =	vpop (xrf0)  }
0x414: {  	s26 =	simm.s32 $0x18370;
	v6 =	vperm.xlane v12, v2;
	v7, _, _ =	vpop (xrf0)  }
0x415: {  	v12 =	vld [tilespmem:s26+$0x0];
	(xrf0) =	vadd.scan.msk.s32 $0xffff, v5;
	v5 =	vperm.xlane v8, v2;
	v8, _, _ =	vpop (xrf0)  }
0x416: {  	s28 =	simm.s32 $0x0;
	v14 =	vld [tilespmem:s26+$0xFFFFFFF0];
	s0 =	spop (v2sf);
	(xrf0) =	vadd.scan.msk.s32 $0xffff, v6;
	v6 =	vperm.xlane v9, v2;
	v9, _, _ =	vpop (xrf0);
	(v2sf) =	vpush v8, $0xF  }
0x417: {  	v16 =	vld [tilespmem:s26+$0xFFFFFFE0];
	(xrf0) =	vadd.scan.msk.s32 $0xffff, v5;
	v5 =	vadd.s32 s28, v7;
	v7, _, _ =	vpop (xrf0);
	(v2sf) =	vpush v9, $0xF  }
0x418: {  	[tilespmem:s23+$0xFFFFFFE0] =	vst v0;
	s0 =	sxor.u32 $0x80000000, s0;
	v18 =	vperm.xlane v10, v2;
	v10 =	vld [tilespmem:s26+$0xFFFFFFD0];
	v9, _, _ =	vpop (xrf0);
	(v2sf) =	vpush v7, $0xF  }
0x419: {  	v4 =	vimm.s32 $0x0;
	[tilespmem:s23+$0xFFFFFFF0] =	vst v0;
	s22 =	ssub.s32 $0x800, s0;
	(xrf0) =	vadd.scan.msk.s32 $0xffff, v6;
	s0 =	spop (v2sf);
	(v2sf) =	vpush v9, $0xF  }
0x41a: {  	[tilespmem:s23+$0x0] =	vst v0;
	v3 =	vmov s22;
	v8 =	vperm.xlane v11, v2;
	(xrf0) =	vadd.scan.msk.s32 $0xffff, v12  }
0x41b: {  	vm0 =	vge.s32 v5, v3;
	v19 =	vperm.xlane v5, v2;
	v7 =	vperm.xlane v12, v2;
	v6, _, _ =	vpop (xrf0);
	(xrf0) =	vadd.scan.msk.s32 $0xffff, v14;
	s0 =	sadd.s32 $0x0, s0;
	s28 =	spop (v2sf)  }
0x41c: {  	v12 =	vperm.xlane v14, v2;
	(xrf0) =	vadd.scan.msk.s32 $0xffff, v16;
	v16 =	vperm.xlane v16, v2;
	v9 =	vadd.s32 s0, v6;
	s0 =	sadd.s32 s0, s28  }
0x41d: {  	s25 =	simm.s32 $0x18BF0;
	s28 =	spop (v2sf);
	v6, _, _ =	vpop (xrf0);
	(xrf0) =	vadd.scan.msk.s32 $0xffff, v10;
	vm1 =	vge.s32 v9, v3;
	v9 =	vperm.xlane v9, v2;
	v11 =	vadd.s32 s0, v13  }
0x41e: {  	[tilespmem:s25+$0x0] =	vst v19;
	s0 =	sadd.s32 s0, s28;
	v15, _, _ =	vpop (xrf0);
	s28 =	spop (v2sf);
	v13 =	vmpcnt.ones.xlane vm1;
	vm1 =	vge.s32 v11, v3;
	v11 =	vperm.xlane v11, v2  }
0x41f: {  	v5 =	vadd.s32 s0, v15;
	s31 =	sadd.s32 s0, s28;
	v20, _, _ =	vpop (xrf0);
	v15 =	vmpcnt.ones.xlane vm0;
	[tilespmem:s25+$0xFFFFFFF0] =	vst v9;
	v14 =	vmpcnt.ones.xlane vm1  }
0x420: {  	s29 =	simm.s32 $0x8;
	s30 =	simm.s32 $0x18330;
	s28 =	simm.s32 $0x18BF0;
	vm0 =	vge.s32 v5, v3;
	v9 =	vperm.xlane v5, v2;
	v17, _, _ =	vpop (xrf0);
	v5 =	vadd.s32 s31, v20;
	(xrf0) =	vadd.scan.msk.s32 $0xffff, v18  }
.LBB2_38:
0x421: {  	v18 =	vld [tilespmem:s30+$0x0];
	s29 =	sadd.s32 $0x4, s29;
	v19 =	vperm.xlane v10, v2;
	v10, _, _ =	vpop (xrf0);
	v4 =	vadd.s32 v4, v15;
	[tilespmem:s25+$0xFFFFFFE0] =	vst v11;
	s28 =	sadd.s32 $0xFFFFFFC0, s28;
	v20 =	vmov v12  }
0x422: {  	v11 =	vld [tilespmem:s30+$0xFFFFFFF0];
	p0 =	slt.u32 s29, $0x3C;
	(v2sf) =	vpush v17, $0xF;
	(xrf0) =	vadd.scan.msk.s32 $0xffff, v16;
	v12, _, _ =	vpop (xrf0);
	v4 =	vadd.s32 v13, v4;
	v13 =	vmpcnt.ones.xlane vm0  }
0x423: {  	v16 =	vld [tilespmem:s30+$0xFFFFFFE0];
	(v2sf) =	vpush v10, $0xF;
	v15, _, _ =	vpop (xrf0);
	(xrf0) =	vadd.scan.msk.s32 $0xffff, v8;
	v4 =	vadd.s32 v14, v4;
	[tilespmem:s23+$0xFFFFFFD0] =	vst v0;
	s23 =	smov.u32 s24;
	s24 =	smov.u32 s26;
	s26 =	smov.u32 s30  }
0x424: {  	v8 =	vmov v19;
	v10 =	vld [tilespmem:s30+$0xFFFFFFD0];
	(v2sf) =	vpush v12, $0xF;
	v4 =	vadd.s32 v13, v4;
	[tilespmem:s25+$0xFFFFFFD0] =	vst v9;
	s25 =	smov.u32 s28  }
0x425: {  	(xrf0) =	vadd.scan.msk.s32 $0xffff, v7;
	(v2sf) =	vpush v15, $0xF;
	[tilespmem:s23+$0xFFFFFFE0] =	vst v0;
	s0 =	spop (v2sf)  }
0x426: {  	v7 =	vperm.xlane v18, v2;
	(xrf0) =	vadd.scan.msk.s32 $0xffff, v18;
	s0 =	sadd.s32 s31, s0;
	[tilespmem:s23+$0xFFFFFFF0] =	vst v0;
	v9, _, _ =	vpop (xrf0);
	s31 =	spop (v2sf)  }
0x427: {  	vm0 =	vge.s32 v5, v3;
	v12 =	vperm.xlane v11, v2;
	(xrf0) =	vadd.scan.msk.s32 $0xffff, v11;
	v9 =	vadd.s32 s0, v9;
	s0 =	sadd.s32 s0, s31;
	s31 =	spop (v2sf)  }
.Ltmp18:
0x428: {  	(xrf0) =	vadd.scan.msk.s32 $0xffff, v16;
	vm1 =	vge.s32 v9, v3;
	v9 =	vperm.xlane v9, v2;
	v11 =	vadd.s32 s0, v6;
	v6, _, _ =	vpop (xrf0);
	s0 =	sadd.s32 s0, s31;
	s31 =	spop (v2sf);
	(pc) =	sbr.rel @p0 .LBB2_38-.Ltmp18, $4  }
0x429: {  	(xrf0) =	vadd.scan.msk.s32 $0xffff, v10;
	v13 =	vmpcnt.ones.xlane vm1;
	vm1 =	vge.s32 v11, v3;
	v11 =	vperm.xlane v11, v2;
	s31 =	sadd.s32 s0, s31;
	v15, _, _ =	vpop (xrf0)  }
0x42a: {  	v18 =	vperm.xlane v5, v2;
	[tilespmem:s28+$0xFFFFFFF0] =	vst v9;
	v14 =	vmpcnt.ones.xlane vm1;
	v5 =	vadd.s32 s0, v15  }
0x42b: {  	v15 =	vmpcnt.ones.xlane vm0;
	v19, _, _ =	vpop (xrf0);
	[tilespmem:s23+$0x0] =	vst v0;
	vm0 =	vge.s32 v5, v3;
	v9 =	vperm.xlane v5, v2  }
0x42c: {  	s30 =	sadd.s32 $0xFFFFFFC0, s30;
	v16 =	vperm.xlane v16, v2;
	v17, _, _ =	vpop (xrf0);
	v5 =	vadd.s32 s31, v19;
	(xrf0) =	vadd.scan.msk.s32 $0xffff, v20;
	[tilespmem:s28+$0x0] =	vst v18  }
0x42d: {  	v18, _, _ =	vpop (xrf0);
	(v2sf) =	vpush v17, $0xF  }
0x42e: {  	(v2sf) =	vpush v18, $0xF;
	v41, _, _ =	vpop (xrf0)  }
0x42f: {  	(v2sf) =	vpush v41, $0xF;
	_ =	sdelay $0x3  }
0x430: {  	(xrf0) =	vadd.scan.msk.s32 $0xffff, v16  }
0x431: {  	(xrf0) =	vadd.scan.msk.s32 $0xffff, v8  }
0x432: {  	v8, _, _ =	vpop (xrf0);
	(xrf0) =	vadd.scan.msk.s32 $0xffff, v7  }
0x433: {  	v4 =	vadd.s32 v4, v15;
	v7 =	vperm.xlane v10, v2;
	v10 =	vmpcnt.ones.xlane vm0;
	s0 =	spop (v2sf)  }
0x434: {  	v4 =	vadd.s32 v13, v4;
	s0 =	sadd.s32 s31, s0;
	v42, _, _ =	vpop (xrf0);
	s29 =	spop (v2sf);
	(xrf0) =	vadd.scan.msk.s32 $0xffff, v12  }
0x435: {  	v4 =	vadd.s32 v14, v4;
	vm0 =	vge.s32 v5, v3;
	v43 =	vadd.s32 s0, v42;
	s0 =	sadd.s32 s0, s29  }
0x436: {  	v45 =	vmpcnt.ones.xlane vm0;
	s31 =	spop (v2sf);
	v44, _, _ =	vpop (xrf0);
	vm1 =	vge.s32 v43, v3;
	v6 =	vadd.s32 s0, v6;
	(xrf0) =	vadd.scan.msk.s32 $0xffff, v7  }
0x437: {  	v4 =	vadd.s32 v10, v4;
	s0 =	sadd.s32 s0, s31;
	s30 =	spop (v2sf);
	v7 =	vmpcnt.ones.xlane vm1;
	vm0 =	vge.s32 v6, v3;
	v10, _, _ =	vpop (xrf0)  }
0x438: {  	v4 =	vadd.s32 v4, v45;
	s29 =	sadd.s32 s0, s30;
	v46 =	vmpcnt.ones.xlane vm0;
	v10 =	vadd.s32 s0, v10;
	v47, _, _ =	vpop (xrf0)  }
0x439: {  	vm0 =	vge.s32 v10, v3;
	v4 =	vadd.s32 v7, v4;
	v7 =	vadd.s32 s29, v47;
	s31 =	spop (v2sf)  }
0x43a: {  	v48 =	vmpcnt.ones.xlane vm0;
	v49, _, _ =	vpop (xrf0);
	vm0 =	vge.s32 v7, v3;
	s0 =	sadd.s32 s29, s31;
	s30 =	spop (v2sf)  }
0x43b: {  	v4 =	vadd.s32 v46, v4;
	v51 =	vmpcnt.ones.xlane vm0;
	s30 =	sadd.s32 s0, s30;
	v15 =	vadd.s32 s0, v49;
	s31 =	spop (v2sf)  }
0x43c: {  	v4 =	vadd.s32 v48, v4;
	v50, _, _ =	vpop (xrf0);
	v13 =	vadd.s32 s30, v44;
	s0 =	sadd.s32 s30, s31;
	vm1 =	vge.s32 v15, v3  }
0x43d: {  	v52 =	vmpcnt.ones.xlane vm1;
	vm0 =	vge.s32 v13, v3;
	v14 =	vadd.s32 s0, v50  }
0x43e: {  	v53 =	vmpcnt.ones.xlane vm0;
	vm0 =	vge.s32 v14, v3;
	v3 =	vadd.s32 v4, v51  }
0x43f: {  	v3 =	vadd.s32 v52, v3;
	v4 =	vmpcnt.ones.xlane vm0  }
0x440: {  	v3 =	vadd.s32 v53, v3  }
0x441: {  	v3 =	vadd.s32 v4, v3  }
0x442: {  	v3 =	vxor.u32 $0x80000000, v3  }
0x443: {  	[tilespmem:s25+$0xFFFFFFE0] =	vst v11;
	(xrf0) =	vmax.scan.msk.u32 $0xffff, v3  }
0x444: {  	[tilespmem:s23+$0xFFFFFFD0] =	vst v0  }
0x445: {  	[tilespmem:s24+$0xFFFFFFE0] =	vst v0  }
0x446: {  	[tilespmem:s24+$0xFFFFFFF0] =	vst v0  }
0x447: {  	[tilespmem:s24+$0x0] =	vst v0  }
0x448: {  	[tilespmem:s24+$0xFFFFFFD0] =	vst v0  }
0x449: {  	[tilespmem:s26+$0xFFFFFFE0] =	vst v0;
	(v2sf) =	vpush v8, $0xF;
	v3, _, _ =	vpop (xrf0)  }
0x44a: {  	[tilespmem:s26+$0xFFFFFFF0] =	vst v0;
	(v2sf) =	vpush v3, $0xF  }
0x44b: {  	[tilespmem:s26+$0x0] =	vst v0  }
0x44c: {  	[tilespmem:s26+$0xFFFFFFD0] =	vst v0;
	v4 =	vperm.xlane v5, v2  }
0x44d: {  	[tilespmem:s25+$0xFFFFFFD0] =	vst v9;
	s25 =	sadd.s32 $0xFFFFFFC0, s28;
	v3 =	vperm.xlane v43, v2  }
0x44e: {  	v5 =	vperm.xlane v14, v2;
	[tilespmem:s25+$0x0] =	vst v4  }
0x44f: {  	s0 =	sadd.s32 $0xFFFFFFC0, s25;
	[tilespmem:s25+$0xFFFFFFF0] =	vst v3;
	v3 =	vperm.xlane v6, v2  }
0x450: {  	v4 =	vperm.xlane v10, v2;
	[tilespmem:s0+$0xFFFFFFD0] =	vst v5  }
0x451: {  	[tilespmem:s25+$0xFFFFFFE0] =	vst v3;
	v3 =	vperm.xlane v15, v2  }
0x452: {  	[tilespmem:s25+$0xFFFFFFD0] =	vst v4;
	v4 =	vperm.xlane v7, v2  }
0x453: {  	[tilespmem:s0+$0xFFFFFFF0] =	vst v3;
	v3 =	vperm.xlane v13, v2  }
0x454: {  	[tilespmem:s0+$0x0] =	vst v4  }
0x455: {  	[tilespmem:s0+$0xFFFFFFE0] =	vst v3  }
0x456: {  	s31 =	simm.s32 $0x40;
	[tilespmem:$0x18C00] =	vst v0  }
0x457: {  	v6 =	vld [tilespmem:s31+$0x30]  }
0x458: {  	s28 =	spop (v2sf);
	v5 =	vld [tilespmem:s31+$0xFFFFFFD0]  }
0x459: {  	v7 =	vld [tilespmem:s31+$0xFFFFFFE0];
	s23 =	spop (v2sf)  }
0x45a: {  	v9 =	vld [tilespmem:s31+$0xFFFFFFF0];
	s29 =	sxor.u32 $0x80000000, s23  }
0x45b: {  	v11 =	vld [tilespmem:s31+$0x0];
	v4 =	vmov s29  }
0x45c: {  	v54 =	vld [tilespmem:s31+$0x10];
	s23 =	sshll.u32 s23, $0xA  }
0x45d: {  	s21 =	sshll.u32 s21, $0x14;
	v56 =	vld [tilespmem:s31+$0xFFFFFFC0];
	s23 =	sadd.s32 $0xFFFFFC00, s23  }
0x45e: {  	v10 =	vshrl.u32 v5, $0xA;
	v55 =	vand.u32 $0x3FF, v5;
	v5 =	vld [tilespmem:s31+$0x20];
	s21 =	sor.u32 s21, s23  }
0x45f: {  	v8 =	vshrl.u32 v6, $0xA;
	v57 =	vshrl.u32 v7, $0xA;
	v58 =	vshrl.u32 v9, $0xA;
	s30 =	sshra.s32 s21, $0xA  }
0x460: {  	v6 =	vand.u32 $0x3FF, v6;
	v8 =	vand.u32 $0x1FFFFF, v8;
	v3 =	vld.idx.msk [tilespmem:v4+s17+$0x0], $0xffff;
	v4 =	vmov s30  }
0x461: {  	v59 =	vshrl.u32 v11, $0xA;
	v10 =	vand.u32 $0x1FFFFF, v10;
	vm4 =	veq.s32 v8, v4  }
0x462: {  	v60 =	vshrl.u32 v54, $0xA;
	v62 =	vshrl.u32 v56, $0xA;
	vm7 =	veq.s32 v10, v4  }
0x463: {  	v9 =	vand.u32 $0x3FF, v9;
	v63 =	vand.u32 $0x1FFFFF, v62;
	v61 =	vshrl.u32 v5, $0xA  }
0x464: {  	v8 =	vand.u32 $0x1FFFFF, v57;
	v10 =	vand.u32 $0x1FFFFF, v58;
	vm5 =	veq.s32 v63, v4  }
0x465: {  	vm0 =	veq.s32 v8, v4;
	v8 =	vand.u32 $0x1FFFFF, v59;
	vm1 =	veq.s32 v10, v4  }
0x466: {  	v10 =	vand.u32 $0x1FFFFF, v60;
	vm2 =	veq.s32 v8, v4;
	v8 =	vand.u32 $0x1FFFFF, v61  }
0x467: {  	vm3 =	veq.s32 v10, v4;
	v10 =	vand.u32 $0x3FF, v56;
	vm6 =	veq.s32 v8, v4;
	[tilespmem:v6+s16+$0x0] =	vst.idx.add.s32.msk vm4, v1  }
0x468: {  	s24 =	simm.s32 $0xC0;
	s23 =	simm.s32 $0x0;
	v8 =	vand.u32 $0x3FF, v7;
	v7 =	vand.u32 $0x3FF, v11;
	[tilespmem:v55+s16+$0x0] =	vst.idx.add.s32.msk vm7, v1;
	v6 =	vand.u32 $0x3FF, v54  }
.LBB2_40:
0x469: {  	v11 =	vld [tilespmem:s24+$0x30];
	s23 =	sadd.s32 $0x8, s23;
	v12 =	vand.u32 $0x3FF, v5;
	vm4 =	vmmov vm6  }
0x46a: {  	v5 =	vld [tilespmem:s24+$0xFFFFFFD0];
	p0 =	slt.u32 s23, $0x7F8  }
0x46b: {  	v13 =	vld [tilespmem:s24+$0xFFFFFFE0]  }
0x46c: {  	v14 =	vld [tilespmem:s24+$0xFFFFFFF0]  }
0x46d: {  	v15 =	vld [tilespmem:s24+$0x0]  }
0x46e: {  	v16 =	vld [tilespmem:s24+$0x10];
	v17 =	vshrl.u32 v11, $0xA  }
0x46f: {  	v18 =	vshrl.u32 v5, $0xA;
	v19 =	vand.u32 $0x3FF, v5;
	v5 =	vld [tilespmem:s24+$0x20];
	v17 =	vand.u32 $0x1FFFFF, v17  }
0x470: {  	v20 =	vld [tilespmem:s24+$0xFFFFFFC0];
	v18 =	vand.u32 $0x1FFFFF, v18;
	v21 =	vshrl.u32 v13, $0xA;
	vm7 =	veq.s32 v17, v4  }
0x471: {  	v11 =	vand.u32 $0x3FF, v11;
	v17 =	vand.u32 $0x1FFFFF, v21;
	v21 =	vshrl.u32 v14, $0xA;
	[tilespmem:v10+s16+$0x0] =	vst.idx.add.s32.msk vm5, v1  }
0x472: {  	vm8 =	veq.s32 v18, v4;
	v10 =	vand.u32 $0x1FFFFF, v21;
	v18 =	vshrl.u32 v15, $0xA;
	[tilespmem:v8+s16+$0x0] =	vst.idx.add.s32.msk vm0, v1  }
0x473: {  	vm0 =	veq.s32 v17, v4;
	v8 =	vand.u32 $0x1FFFFF, v18;
	v17 =	vshrl.u32 v16, $0xA;
	[tilespmem:v9+s16+$0x0] =	vst.idx.add.s32.msk vm1, v1  }
.Ltmp19:
0x474: {  	vm1 =	veq.s32 v10, v4;
	v9 =	vand.u32 $0x1FFFFF, v17;
	v10 =	vshrl.u32 v5, $0xA;
	[tilespmem:v7+s16+$0x0] =	vst.idx.add.s32.msk vm2, v1;
	(pc) =	sbr.rel @p0 .LBB2_40-.Ltmp19, $4  }
0x475: {  	vm2 =	veq.s32 v8, v4;
	v7 =	vshrl.u32 v20, $0xA;
	v8 =	vand.u32 $0x1FFFFF, v10;
	[tilespmem:v6+s16+$0x0] =	vst.idx.add.s32.msk vm3, v1  }
0x476: {  	vm3 =	veq.s32 v9, v4;
	v6 =	vand.u32 $0x1FFFFF, v7;
	vm6 =	veq.s32 v8, v4;
	[tilespmem:v11+s16+$0x0] =	vst.idx.add.s32.msk vm7, v1  }
0x477: {  	v10 =	vand.u32 $0x3FF, v20;
	v8 =	vand.u32 $0x3FF, v13;
	vm5 =	veq.s32 v6, v4;
	[tilespmem:v12+s16+$0x0] =	vst.idx.add.s32.msk vm4, v1  }
0x478: {  	s24 =	sadd.s32 $0x80, s24;
	v9 =	vand.u32 $0x3FF, v14;
	v7 =	vand.u32 $0x3FF, v15;
	v6 =	vand.u32 $0x3FF, v16;
	[tilespmem:v19+s16+$0x0] =	vst.idx.add.s32.msk vm8, v1  }
0x479: {  	v3 =	vxor.u32 $0x80000000, v3  }
0x47a: {  	(xrf0) =	vmax.scan.msk.u32 $0xffff, v3;
	_ =	sdelay $0x5  }
0x47b: {  	v3, _, _ =	vpop (xrf0)  }
0x47c: {  	v4 =	vand.u32 $0x3FF, v5;
	[tilespmem:v10+s16+$0x0] =	vst.idx.add.s32.msk vm5, v1;
	(v2sf) =	vpush v3, $0xF  }
0x47d: {  	[tilespmem:v8+s16+$0x0] =	vst.idx.add.s32.msk vm0, v1  }
0x47e: {  	[tilespmem:v9+s16+$0x0] =	vst.idx.add.s32.msk vm1, v1  }
0x47f: {  	[tilespmem:v7+s16+$0x0] =	vst.idx.add.s32.msk vm2, v1  }
0x480: {  	[tilespmem:v6+s16+$0x0] =	vst.idx.add.s32.msk vm3, v1  }
0x481: {  	s23 =	simm.s32 $0x183F0;
	[tilespmem:v4+s16+$0x0] =	vst.idx.add.s32.msk vm6, v1  }
0x482: {  	v5 =	vld [tilespmem:s23+$0x0]  }
0x483: {  	v6 =	vld [tilespmem:s23+$0xFFFFFFF0];
	_ =	sdelay $0x1  }
0x484: {  	v7 =	vld [tilespmem:s23+$0xFFFFFFE0];
	_ =	sdelay $0x1  }
0x485: {  	v8 =	vld [tilespmem:s23+$0xFFFFFFD0];
	(xrf0) =	vadd.scan.msk.s32 $0xffff, v5  }
0x486: {  	(xrf0) =	vadd.scan.msk.s32 $0xffff, v6;
	_ =	sdelay $0x1  }
0x487: {  	(xrf0) =	vadd.scan.msk.s32 $0xffff, v7  }
0x488: {  	s0 =	spop (v2sf)  }
0x489: {  	(xrf0) =	vadd.scan.msk.s32 $0xffff, v8;
	s0 =	sxor.u32 $0x80000000, s0  }
0x48a: {  	v9, _, _ =	vpop (xrf0);
	s0 =	ssub.s32 s22, s0;
	s22 =	simm.s32 $0x183B0  }
0x48b: {  	v7 =	vperm.xlane v7, v2;
	v10, _, _ =	vpop (xrf0);
	(v2sf) =	vpush v9, $0xF;
	v9 =	vld [tilespmem:s22+$0x0]  }
0x48c: {  	(v2sf) =	vpush v10, $0xF;
	v10 =	vld [tilespmem:s22+$0xFFFFFFF0]  }
0x48d: {  	v5 =	vperm.xlane v5, v2;
	v11, _, _ =	vpop (xrf0);
	v12 =	vld [tilespmem:s22+$0xFFFFFFE0]  }
0x48e: {  	(xrf0) =	vadd.scan.msk.s32 $0xffff, v7;
	(v2sf) =	vpush v11, $0xF;
	v11 =	vld [tilespmem:s22+$0xFFFFFFD0]  }
0x48f: {  	(xrf0) =	vadd.scan.msk.s32 $0xffff, v5;
	v7, _, _ =	vpop (xrf0)  }
0x490: {  	(v2sf) =	vpush v7, $0xF;
	(xrf0) =	vadd.scan.msk.s32 $0xffff, v9  }
0x491: {  	(xrf0) =	vadd.scan.msk.s32 $0xffff, v10  }
0x492: {  	(xrf0) =	vadd.scan.msk.s32 $0xffff, v12  }
0x493: {  	(xrf0) =	vadd.scan.msk.s32 $0xffff, v11  }
0x494: {  	v5 =	vperm.xlane v6, v2;
	v13, _, _ =	vpop (xrf0)  }
0x495: {  	s25 =	simm.s32 $0x18370;
	v7, _, _ =	vpop (xrf0);
	v6 =	vperm.xlane v12, v2  }
0x496: {  	v12 =	vld [tilespmem:s25+$0x0];
	(xrf0) =	vadd.scan.msk.s32 $0xffff, v5;
	v5 =	vperm.xlane v8, v2;
	v8, _, _ =	vpop (xrf0)  }
0x497: {  	s26 =	simm.s32 $0x0;
	v14 =	vld [tilespmem:s25+$0xFFFFFFF0];
	(xrf0) =	vadd.scan.msk.s32 $0xffff, v6;
	v6 =	vperm.xlane v9, v2;
	v9, _, _ =	vpop (xrf0);
	(v2sf) =	vpush v8, $0xF  }
0x498: {  	v16 =	vld [tilespmem:s25+$0xFFFFFFE0];
	(xrf0) =	vadd.scan.msk.s32 $0xffff, v5;
	v5 =	vadd.s32 s26, v7;
	v7, _, _ =	vpop (xrf0);
	(v2sf) =	vpush v9, $0xF  }
0x499: {  	vm4 =	vmmov vm6;
	[tilespmem:s23+$0xFFFFFFE0] =	vst v0;
	v18 =	vperm.xlane v10, v2;
	v9 =	vld [tilespmem:s25+$0xFFFFFFD0];
	v10, _, _ =	vpop (xrf0);
	(v2sf) =	vpush v7, $0xF  }
0x49a: {  	v4 =	vimm.s32 $0x0;
	[tilespmem:s23+$0xFFFFFFF0] =	vst v0;
	s26 =	spop (v2sf);
	(xrf0) =	vadd.scan.msk.s32 $0xffff, v6;
	(v2sf) =	vpush v10, $0xF  }
0x49b: {  	[tilespmem:s23+$0x0] =	vst v0;
	v3 =	vmov s0;
	v8 =	vperm.xlane v11, v2;
	(xrf0) =	vadd.scan.msk.s32 $0xffff, v12  }
0x49c: {  	s0 =	sadd.s32 $0x0, s26;
	s31 =	spop (v2sf);
	vm0 =	vge.s32 v5, v3;
	v19 =	vperm.xlane v5, v2;
	v7 =	vperm.xlane v12, v2;
	v6, _, _ =	vpop (xrf0);
	(xrf0) =	vadd.scan.msk.s32 $0xffff, v14  }
0x49d: {  	v12 =	vperm.xlane v14, v2;
	v10 =	vadd.s32 s0, v6;
	s0 =	sadd.s32 s0, s31;
	(xrf0) =	vadd.scan.msk.s32 $0xffff, v16;
	v16 =	vperm.xlane v16, v2  }
0x49e: {  	s24 =	simm.s32 $0x18BF0;
	s31 =	spop (v2sf);
	v6, _, _ =	vpop (xrf0);
	vm1 =	vge.s32 v10, v3;
	v10 =	vperm.xlane v10, v2;
	v11 =	vadd.s32 s0, v13;
	(xrf0) =	vadd.scan.msk.s32 $0xffff, v9  }
0x49f: {  	[tilespmem:s24+$0x0] =	vst v19;
	s0 =	sadd.s32 s0, s31;
	s31 =	spop (v2sf);
	v13 =	vmpcnt.ones.xlane vm1;
	vm1 =	vge.s32 v11, v3;
	v11 =	vperm.xlane v11, v2;
	v15, _, _ =	vpop (xrf0)  }
0x4a0: {  	s30 =	sadd.s32 s0, s31;
	[tilespmem:s24+$0xFFFFFFF0] =	vst v10;
	v14 =	vmpcnt.ones.xlane vm1;
	v5 =	vadd.s32 s0, v15;
	v20, _, _ =	vpop (xrf0);
	v15 =	vmpcnt.ones.xlane vm0  }
0x4a1: {  	s28 =	simm.s32 $0x8;
	s29 =	simm.s32 $0x18330;
	s26 =	simm.s32 $0x18BF0;
	vm0 =	vge.s32 v5, v3;
	v10 =	vperm.xlane v5, v2;
	v17, _, _ =	vpop (xrf0);
	v5 =	vadd.s32 s30, v20;
	(xrf0) =	vadd.scan.msk.s32 $0xffff, v18  }
.LBB2_42:
0x4a2: {  	v18 =	vld [tilespmem:s29+$0x0];
	s28 =	sadd.s32 $0x4, s28;
	v19 =	vperm.xlane v9, v2;
	v9, _, _ =	vpop (xrf0);
	v4 =	vadd.s32 v4, v15;
	[tilespmem:s24+$0xFFFFFFE0] =	vst v11;
	s26 =	sadd.s32 $0xFFFFFFC0, s26;
	v20 =	vmov v12  }
0x4a3: {  	v11 =	vld [tilespmem:s29+$0xFFFFFFF0];
	p0 =	slt.u32 s28, $0x3C;
	(v2sf) =	vpush v17, $0xF;
	(xrf0) =	vadd.scan.msk.s32 $0xffff, v16;
	v12, _, _ =	vpop (xrf0);
	v4 =	vadd.s32 v13, v4;
	v13 =	vmpcnt.ones.xlane vm0  }
0x4a4: {  	v16 =	vld [tilespmem:s29+$0xFFFFFFE0];
	(v2sf) =	vpush v9, $0xF;
	v15, _, _ =	vpop (xrf0);
	(xrf0) =	vadd.scan.msk.s32 $0xffff, v8;
	v4 =	vadd.s32 v14, v4;
	[tilespmem:s23+$0xFFFFFFD0] =	vst v0;
	s23 =	smov.u32 s22;
	s22 =	smov.u32 s25;
	s25 =	smov.u32 s29  }
0x4a5: {  	v8 =	vmov v19;
	v9 =	vld [tilespmem:s29+$0xFFFFFFD0];
	(v2sf) =	vpush v12, $0xF;
	v4 =	vadd.s32 v13, v4;
	[tilespmem:s24+$0xFFFFFFD0] =	vst v10;
	s24 =	smov.u32 s26  }
0x4a6: {  	(xrf0) =	vadd.scan.msk.s32 $0xffff, v7;
	(v2sf) =	vpush v15, $0xF;
	[tilespmem:s23+$0xFFFFFFE0] =	vst v0;
	s0 =	spop (v2sf)  }
0x4a7: {  	v7 =	vperm.xlane v18, v2;
	(xrf0) =	vadd.scan.msk.s32 $0xffff, v18;
	s0 =	sadd.s32 s30, s0;
	[tilespmem:s23+$0xFFFFFFF0] =	vst v0;
	v10, _, _ =	vpop (xrf0);
	s30 =	spop (v2sf)  }
0x4a8: {  	vm0 =	vge.s32 v5, v3;
	v12 =	vperm.xlane v11, v2;
	(xrf0) =	vadd.scan.msk.s32 $0xffff, v11;
	v10 =	vadd.s32 s0, v10;
	s0 =	sadd.s32 s0, s30;
	s30 =	spop (v2sf)  }
.Ltmp20:
0x4a9: {  	(xrf0) =	vadd.scan.msk.s32 $0xffff, v16;
	vm1 =	vge.s32 v10, v3;
	v10 =	vperm.xlane v10, v2;
	v11 =	vadd.s32 s0, v6;
	v6, _, _ =	vpop (xrf0);
	s0 =	sadd.s32 s0, s30;
	s30 =	spop (v2sf);
	(pc) =	sbr.rel @p0 .LBB2_42-.Ltmp20, $4  }
0x4aa: {  	(xrf0) =	vadd.scan.msk.s32 $0xffff, v9;
	v13 =	vmpcnt.ones.xlane vm1;
	vm1 =	vge.s32 v11, v3;
	v11 =	vperm.xlane v11, v2;
	s30 =	sadd.s32 s0, s30;
	v15, _, _ =	vpop (xrf0)  }
0x4ab: {  	v18 =	vperm.xlane v5, v2;
	[tilespmem:s26+$0xFFFFFFF0] =	vst v10;
	v14 =	vmpcnt.ones.xlane vm1;
	v5 =	vadd.s32 s0, v15  }
0x4ac: {  	v15 =	vmpcnt.ones.xlane vm0;
	v19, _, _ =	vpop (xrf0);
	[tilespmem:s23+$0x0] =	vst v0;
	vm0 =	vge.s32 v5, v3;
	v10 =	vperm.xlane v5, v2  }
0x4ad: {  	s29 =	sadd.s32 $0xFFFFFFC0, s29;
	v16 =	vperm.xlane v16, v2;
	v17, _, _ =	vpop (xrf0);
	v5 =	vadd.s32 s30, v19;
	(xrf0) =	vadd.scan.msk.s32 $0xffff, v20;
	[tilespmem:s26+$0x0] =	vst v18  }
0x4ae: {  	v18, _, _ =	vpop (xrf0);
	(v2sf) =	vpush v17, $0xF  }
0x4af: {  	(v2sf) =	vpush v18, $0xF;
	v60, _, _ =	vpop (xrf0)  }
0x4b0: {  	(v2sf) =	vpush v60, $0xF;
	_ =	sdelay $0x1  }
0x4b1: {  	(xrf0) =	vadd.scan.msk.s32 $0xffff, v16  }
0x4b2: {  	(xrf0) =	vadd.scan.msk.s32 $0xffff, v8;
	_ =	sdelay $0x1  }
0x4b3: {  	v4 =	vadd.s32 v4, v15;
	v8, _, _ =	vpop (xrf0);
	(xrf0) =	vadd.scan.msk.s32 $0xffff, v7;
	v7 =	vperm.xlane v9, v2;
	v9 =	vmpcnt.ones.xlane vm0;
	s0 =	spop (v2sf)  }
0x4b4: {  	v4 =	vadd.s32 v13, v4;
	vm0 =	vge.s32 v5, v3;
	s0 =	sadd.s32 s30, s0;
	v13, _, _ =	vpop (xrf0);
	s28 =	spop (v2sf)  }
0x4b5: {  	v4 =	vadd.s32 v14, v4;
	v14 =	vmpcnt.ones.xlane vm0;
	(xrf0) =	vadd.scan.msk.s32 $0xffff, v12;
	v12 =	vadd.s32 s0, v13;
	s0 =	sadd.s32 s0, s28  }
0x4b6: {  	s30 =	spop (v2sf);
	v13, _, _ =	vpop (xrf0);
	v6 =	vadd.s32 s0, v6  }
0x4b7: {  	v4 =	vadd.s32 v9, v4;
	vm1 =	vge.s32 v12, v3;
	s0 =	sadd.s32 s0, s30;
	vm0 =	vge.s32 v6, v3;
	v9, _, _ =	vpop (xrf0)  }
0x4b8: {  	(xrf0) =	vadd.scan.msk.s32 $0xffff, v7;
	s31 =	spop (v2sf);
	v7 =	vmpcnt.ones.xlane vm1;
	v15 =	vmpcnt.ones.xlane vm0;
	v9 =	vadd.s32 s0, v9  }
0x4b9: {  	v4 =	vadd.s32 v4, v14;
	s28 =	sadd.s32 s0, s31;
	v14, _, _ =	vpop (xrf0);
	vm0 =	vge.s32 v9, v3  }
0x4ba: {  	v4 =	vadd.s32 v7, v4;
	v7 =	vadd.s32 s28, v14;
	v14 =	vmpcnt.ones.xlane vm0  }
0x4bb: {  	s29 =	spop (v2sf)  }
0x4bc: {  	v4 =	vadd.s32 v15, v4;
	vm0 =	vge.s32 v7, v3;
	v15, _, _ =	vpop (xrf0);
	s0 =	sadd.s32 s28, s29;
	s29 =	spop (v2sf)  }
0x4bd: {  	v61 =	vmpcnt.ones.xlane vm0;
	s30 =	sadd.s32 s0, s29;
	v15 =	vadd.s32 s0, v15;
	s31 =	spop (v2sf)  }
0x4be: {  	v4 =	vadd.s32 v14, v4;
	v14, _, _ =	vpop (xrf0);
	v13 =	vadd.s32 s30, v13;
	s0 =	sadd.s32 s30, s31;
	vm1 =	vge.s32 v15, v3  }
0x4bf: {  	v62 =	vmpcnt.ones.xlane vm1;
	vm0 =	vge.s32 v13, v3;
	v14 =	vadd.s32 s0, v14  }
0x4c0: {  	v63 =	vmpcnt.ones.xlane vm0;
	vm0 =	vge.s32 v14, v3;
	v3 =	vadd.s32 v4, v61  }
0x4c1: {  	v3 =	vadd.s32 v62, v3;
	v4 =	vmpcnt.ones.xlane vm0  }
0x4c2: {  	v3 =	vadd.s32 v63, v3  }
0x4c3: {  	v3 =	vadd.s32 v4, v3  }
0x4c4: {  	v3 =	vxor.u32 $0x80000000, v3  }
0x4c5: {  	(xrf0) =	vmax.scan.msk.u32 $0xffff, v3;
	_ =	sdelay $0x2  }
0x4c6: {  	[tilespmem:s24+$0xFFFFFFE0] =	vst v11  }
0x4c7: {  	[tilespmem:s23+$0xFFFFFFD0] =	vst v0  }
0x4c8: {  	[tilespmem:s22+$0xFFFFFFE0] =	vst v0  }
0x4c9: {  	[tilespmem:s22+$0xFFFFFFF0] =	vst v0;
	(v2sf) =	vpush v8, $0xF;
	v4, _, _ =	vpop (xrf0)  }
0x4ca: {  	[tilespmem:s22+$0x0] =	vst v0;
	(v2sf) =	vpush v4, $0xF  }
0x4cb: {  	[tilespmem:s22+$0xFFFFFFD0] =	vst v0  }
0x4cc: {  	[tilespmem:s25+$0xFFFFFFE0] =	vst v0  }
0x4cd: {  	[tilespmem:s25+$0xFFFFFFF0] =	vst v0  }
0x4ce: {  	[tilespmem:s25+$0x0] =	vst v0  }
0x4cf: {  	[tilespmem:s25+$0xFFFFFFD0] =	vst v0;
	v3 =	vperm.xlane v12, v2  }
0x4d0: {  	[tilespmem:s24+$0xFFFFFFD0] =	vst v10;
	s28 =	sadd.s32 $0xFFFFFFC0, s26;
	v4 =	vperm.xlane v5, v2  }
0x4d1: {  	[tilespmem:s28+$0xFFFFFFF0] =	vst v3;
	v3 =	vperm.xlane v6, v2  }
0x4d2: {  	[tilespmem:s28+$0x0] =	vst v4;
	v4 =	vperm.xlane v9, v2  }
0x4d3: {  	[tilespmem:s28+$0xFFFFFFE0] =	vst v3;
	v3 =	vperm.xlane v15, v2  }
0x4d4: {  	s0 =	sadd.s32 $0xFFFFFFC0, s28;
	[tilespmem:s28+$0xFFFFFFD0] =	vst v4;
	v4 =	vperm.xlane v7, v2  }
0x4d5: {  	[tilespmem:s0+$0xFFFFFFF0] =	vst v3;
	v3 =	vperm.xlane v13, v2  }
0x4d6: {  	[tilespmem:s0+$0x0] =	vst v4;
	v4 =	vperm.xlane v14, v2  }
0x4d7: {  	[tilespmem:s0+$0xFFFFFFE0] =	vst v3  }
0x4d8: {  	s29 =	spop (v2sf);
	[tilespmem:s0+$0xFFFFFFD0] =	vst v4  }
0x4d9: {  	[tilespmem:$0x18C00] =	vst v0;
	s30 =	spop (v2sf)  }
0x4da: {  	_ =	swait.ge [sflag:s19], $0x8000  }
0x4db: {  	[sflag:s19] =	ssyncset.done $0x0  }
0x4dc: {  	s31 =	simm.s32 $0x40;
	[sflag:s19] =	ssyncadd.s32 $0xFFFF8000  }
0x4dd: {  	v11 =	vld [tilespmem:s31+$0x30]  }
0x4de: {  	v10 =	vld [tilespmem:s31+$0xFFFFFFD0]  }
0x4df: {  	v9 =	vld [tilespmem:s31+$0xFFFFFFE0]  }
0x4e0: {  	s0 =	sadd.s32 $0x7FFFFFFF, s30;
	v8 =	vld [tilespmem:s31+$0xFFFFFFF0]  }
0x4e1: {  	s0 =	sor.u32 s21, s0;
	v7 =	vld [tilespmem:s31+$0x0]  }
0x4e2: {  	v3 =	vmov s0;
	v5 =	vld [tilespmem:s31+$0x10];
	v6 =	vand.u32 $0x7FFFFFFF, v11  }
0x4e3: {  	v4 =	vld [tilespmem:s31+$0x20];
	v12 =	vand.u32 $0x7FFFFFFF, v10;
	vm1 =	vgt.s32 v3, v6  }
0x4e4: {  	s22 =	simm.s32 $0x0;
	s23 =	simm.s32 $0xC0;
	s21 =	simm.s32 $0x10040;
	v6 =	vld [tilespmem:s31+$0xFFFFFFC0];
	vm0 =	vgt.s32 v3, v12;
	v12 =	vand.u32 $0x7FFFFFFF, v9;
	v11 =	vsel vm1, $0x0, v11  }
.LBB2_44:
0x4e5: {  	v13 =	vld [tilespmem:s23+$0x30];
	s22 =	sadd.s32 $0x8, s22;
	v14 =	vsel vm0, $0x0, v10;
	vm0 =	vgt.s32 v3, v12;
	v12 =	vand.u32 $0x7FFFFFFF, v8;
	[tilespmem:s21+$0x30] =	vst v11  }
0x4e6: {  	v10 =	vld [tilespmem:s23+$0xFFFFFFD0];
	p0 =	slt.u32 s22, $0x7F8;
	[tilespmem:s21+$0xFFFFFFD0] =	vst v14;
	v11 =	vsel vm0, $0x0, v9;
	vm0 =	vgt.s32 v3, v12;
	v12 =	vand.u32 $0x7FFFFFFF, v7  }
0x4e7: {  	v9 =	vld [tilespmem:s23+$0xFFFFFFE0];
	[tilespmem:s21+$0xFFFFFFE0] =	vst v11;
	v11 =	vsel vm0, $0x0, v8;
	vm0 =	vgt.s32 v3, v12;
	v12 =	vand.u32 $0x7FFFFFFF, v5  }
.Ltmp21:
0x4e8: {  	v8 =	vld [tilespmem:s23+$0xFFFFFFF0];
	[tilespmem:s21+$0xFFFFFFF0] =	vst v11;
	v11 =	vsel vm0, $0x0, v7;
	vm0 =	vgt.s32 v3, v12;
	v12 =	vand.u32 $0x7FFFFFFF, v4;
	(pc) =	sbr.rel @p0 .LBB2_44-.Ltmp21, $4  }
0x4e9: {  	v7 =	vld [tilespmem:s23+$0x0];
	v14 =	vand.u32 $0x7FFFFFFF, v6;
	[tilespmem:s21+$0x0] =	vst v11;
	v11 =	vsel vm0, $0x0, v5;
	vm0 =	vgt.s32 v3, v12  }
0x4ea: {  	v5 =	vld [tilespmem:s23+$0x10];
	v12 =	vand.u32 $0x7FFFFFFF, v13;
	vm1 =	vgt.s32 v3, v14;
	[tilespmem:s21+$0x10] =	vst v11;
	v11 =	vsel vm0, $0x0, v4  }
0x4eb: {  	v14 =	vand.u32 $0x7FFFFFFF, v10;
	v4 =	vld [tilespmem:s23+$0x20];
	vm2 =	vgt.s32 v3, v12;
	v15 =	vsel vm1, $0x0, v6;
	[tilespmem:s21+$0x20] =	vst v11  }
0x4ec: {  	v6 =	vld [tilespmem:s23+$0xFFFFFFC0];
	vm0 =	vgt.s32 v3, v14;
	v12 =	vand.u32 $0x7FFFFFFF, v9;
	v11 =	vsel vm2, $0x0, v13;
	s23 =	sadd.s32 $0x80, s23;
	[tilespmem:s21+$0xFFFFFFC0] =	vst v15;
	s21 =	sadd.s32 $0x80, s21  }
0x4ed: {  	v10 =	vsel vm0, $0x0, v10;
	vm11 =	vgt.s32 v3, v12;
	v58 =	vand.u32 $0x7FFFFFFF, v8;
	[tilespmem:s21+$0x30] =	vst v11  }
0x4ee: {  	[tilespmem:s21+$0xFFFFFFD0] =	vst v10;
	v9 =	vsel vm11, $0x0, v9;
	vm12 =	vgt.s32 v3, v58;
	v59 =	vand.u32 $0x7FFFFFFF, v7  }
0x4ef: {  	[tilespmem:s21+$0xFFFFFFE0] =	vst v9;
	v8 =	vsel vm12, $0x0, v8;
	vm13 =	vgt.s32 v3, v59;
	v60 =	vand.u32 $0x7FFFFFFF, v5  }
0x4f0: {  	[tilespmem:s21+$0xFFFFFFF0] =	vst v8;
	v7 =	vsel vm13, $0x0, v7;
	vm14 =	vgt.s32 v3, v60;
	v8 =	vand.u32 $0x7FFFFFFF, v4  }
0x4f1: {  	v61 =	vand.u32 $0x7FFFFFFF, v6;
	[tilespmem:s21+$0x0] =	vst v7;
	v5 =	vsel vm14, $0x0, v5;
	vm15 =	vgt.s32 v3, v8  }
0x4f2: {  	vm1 =	vgt.s32 v3, v61;
	[tilespmem:s21+$0x10] =	vst v5;
	v3 =	vsel vm15, $0x0, v4  }
0x4f3: {  	v4 =	vsel vm1, $0x0, v6;
	[tilespmem:s21+$0x20] =	vst v3  }
0x4f4: {  	[tilespmem:s21+$0xFFFFFFC0] =	vst v4  }
0x4f5: {  	[hbm4b:s9+s12] =	stream.strided.scatter [tilespmem:s18], [sflag:$0x2], $0x8000, s13, s12, $0x38;
	[tilespmem:$0x19080] =	vst v63  }
0x4f6: {  	_ =	swait.ge [sflag:s14], $0x8000  }
0x4f7: {  	[sflag:s14] =	ssyncset.done $0x0  }
0x4f8: {  	s0 =	simm.s32 $0x8040;
	[sflag:s14] =	ssyncadd.s32 $0xFFFF8000  }
0x4f9: {  	v3 =	vld [tilespmem:s0+$0x30]  }
0x4fa: {  	v4 =	vld [tilespmem:s0+$0xFFFFFFD0]  }
0x4fb: {  	v5 =	vld [tilespmem:s0+$0xFFFFFFE0]  }
0x4fc: {  	v6 =	vld [tilespmem:s0+$0xFFFFFFF0]  }
0x4fd: {  	v7 =	vld [tilespmem:s0+$0x0]  }
0x4fe: {  	v3 =	vshrl.u32 v3, $0x14  }
0x4ff: {  	v4 =	vshrl.u32 v4, $0x14;
	v3 =	vand.u32 $0x7FF, v3  }
0x500: {  	v8 =	vld [tilespmem:s0+$0x10];
	v5 =	vshrl.u32 v5, $0x14;
	v4 =	vand.u32 $0x7FF, v4  }
0x501: {  	v62 =	vld [tilespmem:s0+$0x20];
	v6 =	vshrl.u32 v6, $0x14;
	v5 =	vand.u32 $0x7FF, v5  }
0x502: {  	v63 =	vld [tilespmem:s0+$0xFFFFFFC0];
	v7 =	vshrl.u32 v7, $0x14;
	v6 =	vand.u32 $0x7FF, v6  }
0x503: {  	v7 =	vand.u32 $0x7FF, v7  }
0x504: {  	[tilespmem:v3+s16+$0x0] =	vst.idx.add.s32.msk $0xffff, v1  }
0x505: {  	[tilespmem:v4+s16+$0x0] =	vst.idx.add.s32.msk $0xffff, v1  }
0x506: {  	[tilespmem:v5+s16+$0x0] =	vst.idx.add.s32.msk $0xffff, v1  }
0x507: {  	v3 =	vshrl.u32 v8, $0x14;
	v5 =	vshrl.u32 v62, $0x14;
	v8 =	vshrl.u32 v63, $0x14;
	[tilespmem:v6+s16+$0x0] =	vst.idx.add.s32.msk $0xffff, v1  }
0x508: {  	s23 =	simm.s32 $0x0;
	s24 =	simm.s32 $0x80C0;
	[tilespmem:v7+s16+$0x0] =	vst.idx.add.s32.msk $0xffff, v1;
	v4 =	vand.u32 $0x7FF, v3;
	v5 =	vand.u32 $0x7FF, v5;
	v6 =	vand.u32 $0x7FF, v8  }
.LBB2_46:
0x509: {  	v3 =	vld [tilespmem:s24+$0x30];
	s23 =	sadd.s32 $0x8, s23  }
0x50a: {  	v7 =	vld [tilespmem:s24+$0xFFFFFFD0];
	p0 =	slt.u32 s23, $0x7F8  }
0x50b: {  	v8 =	vld [tilespmem:s24+$0xFFFFFFE0]  }
0x50c: {  	v9 =	vld [tilespmem:s24+$0xFFFFFFF0]  }
0x50d: {  	v10 =	vld [tilespmem:s24+$0x0]  }
0x50e: {  	v11 =	vld [tilespmem:s24+$0x10];
	v3 =	vshrl.u32 v3, $0x14  }
0x50f: {  	v7 =	vshrl.u32 v7, $0x14;
	v12 =	vld [tilespmem:s24+$0x20];
	v3 =	vand.u32 $0x7FF, v3  }
0x510: {  	v13 =	vld [tilespmem:s24+$0xFFFFFFC0];
	v7 =	vand.u32 $0x7FF, v7;
	v8 =	vshrl.u32 v8, $0x14  }
0x511: {  	v8 =	vand.u32 $0x7FF, v8;
	v9 =	vshrl.u32 v9, $0x14;
	[tilespmem:v6+s16+$0x0] =	vst.idx.add.s32.msk $0xffff, v1  }
0x512: {  	v9 =	vand.u32 $0x7FF, v9;
	v6 =	vshrl.u32 v10, $0x14;
	[tilespmem:v4+s16+$0x0] =	vst.idx.add.s32.msk $0xffff, v1  }
0x513: {  	s21 =	simm.s32 $0x18FF0;
	v10 =	vand.u32 $0x7FF, v6;
	v4 =	vshrl.u32 v11, $0x14;
	[tilespmem:v5+s16+$0x0] =	vst.idx.add.s32.msk $0xffff, v1  }
.Ltmp22:
0x514: {  	s25 =	simm.s32 $0x0;
	s22 =	simm.s32 $0x187F0;
	v4 =	vand.u32 $0x7FF, v4;
	v5 =	vshrl.u32 v12, $0x14;
	[tilespmem:v3+s16+$0x0] =	vst.idx.add.s32.msk $0xffff, v1;
	v3 =	vimm.s32 $0x0;
	(pc) =	sbr.rel @p0 .LBB2_46-.Ltmp22, $4  }
0x515: {  	v6 =	vshrl.u32 v13, $0x14;
	[tilespmem:v7+s16+$0x0] =	vst.idx.add.s32.msk $0xffff, v1;
	v5 =	vand.u32 $0x7FF, v5  }
0x516: {  	v6 =	vand.u32 $0x7FF, v6;
	[tilespmem:v8+s16+$0x0] =	vst.idx.add.s32.msk $0xffff, v1  }
0x517: {  	[tilespmem:v9+s16+$0x0] =	vst.idx.add.s32.msk $0xffff, v1  }
0x518: {  	s24 =	sadd.s32 $0x80, s24;
	[tilespmem:v10+s16+$0x0] =	vst.idx.add.s32.msk $0xffff, v1  }
0x519: {  	_ =	sdelay $0x3  }
0x51a: {  	[tilespmem:v6+s16+$0x0] =	vst.idx.add.s32.msk $0xffff, v1  }
0x51b: {  	[tilespmem:v4+s16+$0x0] =	vst.idx.add.s32.msk $0xffff, v1  }
0x51c: {  	[tilespmem:v5+s16+$0x0] =	vst.idx.add.s32.msk $0xffff, v1  }
0x51d: {  	v4 =	vld [tilespmem:s22+$0x0]  }
0x51e: {  	v5 =	vld [tilespmem:s22+$0xFFFFFFF0];
	_ =	sdelay $0x1  }
0x51f: {  	v6 =	vld [tilespmem:s22+$0xFFFFFFE0];
	_ =	sdelay $0x1  }
0x520: {  	v7 =	vld [tilespmem:s22+$0xFFFFFFD0];
	(xrf0) =	vadd.scan.msk.s32 $0xffff, v4  }
0x521: {  	(xrf0) =	vadd.scan.msk.s32 $0xffff, v5;
	_ =	sdelay $0x1  }
0x522: {  	(xrf0) =	vadd.scan.msk.s32 $0xffff, v6;
	_ =	sdelay $0x1  }
0x523: {  	(xrf0) =	vadd.scan.msk.s32 $0xffff, v7  }
0x524: {  	s23 =	simm.s32 $0x187B0;
	v8, _, _ =	vpop (xrf0)  }
0x525: {  	v6 =	vperm.xlane v6, v2;
	v9, _, _ =	vpop (xrf0);
	(v2sf) =	vpush v8, $0xF;
	v8 =	vld [tilespmem:s23+$0x0]  }
0x526: {  	(v2sf) =	vpush v9, $0xF;
	v9 =	vld [tilespmem:s23+$0xFFFFFFF0]  }
0x527: {  	v11 =	vld [tilespmem:s23+$0xFFFFFFE0];
	v4 =	vperm.xlane v4, v2;
	v10, _, _ =	vpop (xrf0)  }
0x528: {  	(xrf0) =	vadd.scan.msk.s32 $0xffff, v6;
	(v2sf) =	vpush v10, $0xF;
	v10 =	vld [tilespmem:s23+$0xFFFFFFD0]  }
0x529: {  	(xrf0) =	vadd.scan.msk.s32 $0xffff, v4;
	v6, _, _ =	vpop (xrf0)  }
0x52a: {  	(v2sf) =	vpush v6, $0xF;
	(xrf0) =	vadd.scan.msk.s32 $0xffff, v8  }
0x52b: {  	(xrf0) =	vadd.scan.msk.s32 $0xffff, v9  }
0x52c: {  	(xrf0) =	vadd.scan.msk.s32 $0xffff, v11  }
0x52d: {  	(xrf0) =	vadd.scan.msk.s32 $0xffff, v10  }
0x52e: {  	v4 =	vperm.xlane v5, v2;
	v12, _, _ =	vpop (xrf0)  }
0x52f: {  	s24 =	simm.s32 $0x18770;
	v5 =	vperm.xlane v11, v2;
	v6, _, _ =	vpop (xrf0)  }
0x530: {  	v11 =	vld [tilespmem:s24+$0x0];
	(xrf0) =	vadd.scan.msk.s32 $0xffff, v4;
	v4 =	vperm.xlane v7, v2;
	v7, _, _ =	vpop (xrf0)  }
0x531: {  	v13 =	vld [tilespmem:s24+$0xFFFFFFF0];
	(xrf0) =	vadd.scan.msk.s32 $0xffff, v5;
	v5 =	vperm.xlane v8, v2;
	v8, _, _ =	vpop (xrf0);
	(v2sf) =	vpush v7, $0xF  }
0x532: {  	v15 =	vld [tilespmem:s24+$0xFFFFFFE0];
	(xrf0) =	vadd.scan.msk.s32 $0xffff, v4;
	v4 =	vadd.s32 s25, v6;
	v6, _, _ =	vpop (xrf0);
	(v2sf) =	vpush v8, $0xF  }
0x533: {  	[tilespmem:s22+$0xFFFFFFE0] =	vst v0;
	v17 =	vperm.xlane v9, v2;
	v9 =	vld [tilespmem:s24+$0xFFFFFFD0];
	v8, _, _ =	vpop (xrf0);
	(v2sf) =	vpush v6, $0xF  }
0x534: {  	[tilespmem:s22+$0xFFFFFFF0] =	vst v0;
	(xrf0) =	vadd.scan.msk.s32 $0xffff, v5;
	s0 =	spop (v2sf);
	(v2sf) =	vpush v8, $0xF  }
0x535: {  	[tilespmem:s22+$0x0] =	vst v0;
	v7 =	vperm.xlane v10, v2;
	(xrf0) =	vadd.scan.msk.s32 $0xffff, v11  }
0x536: {  	vm0 =	vgt.s32 v4, $0x7FF;
	v18 =	vperm.xlane v4, v2;
	v6 =	vperm.xlane v11, v2;
	v5, _, _ =	vpop (xrf0);
	(xrf0) =	vadd.scan.msk.s32 $0xffff, v13;
	s0 =	sadd.s32 $0x0, s0;
	s26 =	spop (v2sf)  }
0x537: {  	v11 =	vperm.xlane v13, v2;
	(xrf0) =	vadd.scan.msk.s32 $0xffff, v15;
	v15 =	vperm.xlane v15, v2;
	v8 =	vadd.s32 s0, v5;
	s0 =	sadd.s32 s0, s26  }
0x538: {  	s30 =	spop (v2sf);
	v5, _, _ =	vpop (xrf0);
	(xrf0) =	vadd.scan.msk.s32 $0xffff, v9;
	vm1 =	vgt.s32 v8, $0x7FF;
	v8 =	vperm.xlane v8, v2;
	v10 =	vadd.s32 s0, v12  }
0x539: {  	[tilespmem:s21+$0x0] =	vst v18;
	s0 =	sadd.s32 s0, s30;
	v14, _, _ =	vpop (xrf0);
	s31 =	spop (v2sf);
	v12 =	vmpcnt.ones.xlane vm1;
	vm1 =	vgt.s32 v10, $0x7FF;
	v10 =	vperm.xlane v10, v2  }
0x53a: {  	v4 =	vadd.s32 s0, v14;
	s29 =	sadd.s32 s0, s31;
	v19, _, _ =	vpop (xrf0);
	v14 =	vmpcnt.ones.xlane vm0;
	[tilespmem:s21+$0xFFFFFFF0] =	vst v8;
	v13 =	vmpcnt.ones.xlane vm1  }
0x53b: {  	s28 =	simm.s32 $0x18730;
	s25 =	simm.s32 $0x18FF0;
	s26 =	simm.s32 $0x8;
	vm0 =	vgt.s32 v4, $0x7FF;
	v8 =	vperm.xlane v4, v2;
	v16, _, _ =	vpop (xrf0);
	v4 =	vadd.s32 s29, v19;
	(xrf0) =	vadd.scan.msk.s32 $0xffff, v17  }
.LBB2_48:
0x53c: {  	v17 =	vld [tilespmem:s28+$0x0];
	s26 =	sadd.s32 $0x4, s26;
	v18 =	vperm.xlane v9, v2;
	v9, _, _ =	vpop (xrf0);
	v3 =	vadd.s32 v3, v14;
	[tilespmem:s21+$0xFFFFFFE0] =	vst v10;
	s25 =	sadd.s32 $0xFFFFFFC0, s25;
	v19 =	vmov v11  }
0x53d: {  	v10 =	vld [tilespmem:s28+$0xFFFFFFF0];
	p0 =	slt.u32 s26, $0x7C;
	(v2sf) =	vpush v16, $0xF;
	(xrf0) =	vadd.scan.msk.s32 $0xffff, v15;
	v11, _, _ =	vpop (xrf0);
	v3 =	vadd.s32 v12, v3;
	v12 =	vmpcnt.ones.xlane vm0  }
0x53e: {  	v15 =	vld [tilespmem:s28+$0xFFFFFFE0];
	(v2sf) =	vpush v9, $0xF;
	v14, _, _ =	vpop (xrf0);
	(xrf0) =	vadd.scan.msk.s32 $0xffff, v7;
	v3 =	vadd.s32 v13, v3;
	[tilespmem:s22+$0xFFFFFFD0] =	vst v0;
	s22 =	smov.u32 s23;
	s23 =	smov.u32 s24;
	s24 =	smov.u32 s28  }
0x53f: {  	v7 =	vmov v18;
	v9 =	vld [tilespmem:s28+$0xFFFFFFD0];
	(v2sf) =	vpush v11, $0xF;
	v3 =	vadd.s32 v12, v3;
	[tilespmem:s21+$0xFFFFFFD0] =	vst v8;
	s21 =	smov.u32 s25  }
0x540: {  	(xrf0) =	vadd.scan.msk.s32 $0xffff, v6;
	(v2sf) =	vpush v14, $0xF;
	[tilespmem:s22+$0xFFFFFFE0] =	vst v0;
	s0 =	spop (v2sf)  }
0x541: {  	v6 =	vperm.xlane v17, v2;
	(xrf0) =	vadd.scan.msk.s32 $0xffff, v17;
	s0 =	sadd.s32 s29, s0;
	[tilespmem:s22+$0xFFFFFFF0] =	vst v0;
	v8, _, _ =	vpop (xrf0);
	s29 =	spop (v2sf)  }
0x542: {  	vm0 =	vgt.s32 v4, $0x7FF;
	v11 =	vperm.xlane v10, v2;
	(xrf0) =	vadd.scan.msk.s32 $0xffff, v10;
	v8 =	vadd.s32 s0, v8;
	s0 =	sadd.s32 s0, s29;
	s29 =	spop (v2sf)  }
.Ltmp23:
0x543: {  	(xrf0) =	vadd.scan.msk.s32 $0xffff, v15;
	vm1 =	vgt.s32 v8, $0x7FF;
	v8 =	vperm.xlane v8, v2;
	v10 =	vadd.s32 s0, v5;
	v5, _, _ =	vpop (xrf0);
	s0 =	sadd.s32 s0, s29;
	s29 =	spop (v2sf);
	(pc) =	sbr.rel @p0 .LBB2_48-.Ltmp23, $4  }
0x544: {  	(xrf0) =	vadd.scan.msk.s32 $0xffff, v9;
	v12 =	vmpcnt.ones.xlane vm1;
	vm1 =	vgt.s32 v10, $0x7FF;
	v10 =	vperm.xlane v10, v2;
	s29 =	sadd.s32 s0, s29;
	v14, _, _ =	vpop (xrf0)  }
0x545: {  	v17 =	vperm.xlane v4, v2;
	[tilespmem:s25+$0xFFFFFFF0] =	vst v8;
	v13 =	vmpcnt.ones.xlane vm1;
	v4 =	vadd.s32 s0, v14  }
0x546: {  	v14 =	vmpcnt.ones.xlane vm0;
	v18, _, _ =	vpop (xrf0);
	[tilespmem:s22+$0x0] =	vst v0;
	vm0 =	vgt.s32 v4, $0x7FF;
	v8 =	vperm.xlane v4, v2  }
0x547: {  	s28 =	sadd.s32 $0xFFFFFFC0, s28;
	v15 =	vperm.xlane v15, v2;
	v16, _, _ =	vpop (xrf0);
	v4 =	vadd.s32 s29, v18;
	(xrf0) =	vadd.scan.msk.s32 $0xffff, v19;
	[tilespmem:s25+$0x0] =	vst v17  }
0x548: {  	v17, _, _ =	vpop (xrf0);
	(v2sf) =	vpush v16, $0xF  }
0x549: {  	(v2sf) =	vpush v17, $0xF;
	v60, _, _ =	vpop (xrf0)  }
0x54a: {  	(v2sf) =	vpush v60, $0xF;
	_ =	sdelay $0x1  }
0x54b: {  	(xrf0) =	vadd.scan.msk.s32 $0xffff, v15  }
0x54c: {  	(xrf0) =	vadd.scan.msk.s32 $0xffff, v7;
	_ =	sdelay $0x1  }
0x54d: {  	v3 =	vadd.s32 v3, v14;
	v7, _, _ =	vpop (xrf0);
	(xrf0) =	vadd.scan.msk.s32 $0xffff, v6;
	v6 =	vperm.xlane v9, v2;
	v9 =	vmpcnt.ones.xlane vm0;
	s0 =	spop (v2sf)  }
0x54e: {  	v3 =	vadd.s32 v12, v3;
	vm0 =	vgt.s32 v4, $0x7FF;
	s0 =	sadd.s32 s29, s0;
	v12, _, _ =	vpop (xrf0);
	s26 =	spop (v2sf)  }
0x54f: {  	v3 =	vadd.s32 v13, v3;
	v13 =	vmpcnt.ones.xlane vm0;
	(xrf0) =	vadd.scan.msk.s32 $0xffff, v11;
	v11 =	vadd.s32 s0, v12;
	s0 =	sadd.s32 s0, s26  }
0x550: {  	s31 =	spop (v2sf);
	v12, _, _ =	vpop (xrf0);
	v5 =	vadd.s32 s0, v5  }
0x551: {  	v3 =	vadd.s32 v9, v3;
	vm1 =	vgt.s32 v11, $0x7FF;
	s0 =	sadd.s32 s0, s31;
	vm0 =	vgt.s32 v5, $0x7FF;
	v9, _, _ =	vpop (xrf0)  }
0x552: {  	(xrf0) =	vadd.scan.msk.s32 $0xffff, v6;
	s28 =	spop (v2sf);
	v6 =	vmpcnt.ones.xlane vm1;
	v14 =	vmpcnt.ones.xlane vm0;
	v9 =	vadd.s32 s0, v9  }
0x553: {  	v3 =	vadd.s32 v3, v13;
	s26 =	sadd.s32 s0, s28;
	v13, _, _ =	vpop (xrf0);
	vm0 =	vgt.s32 v9, $0x7FF  }
0x554: {  	v3 =	vadd.s32 v6, v3;
	v6 =	vadd.s32 s26, v13;
	v13 =	vmpcnt.ones.xlane vm0  }
0x555: {  	s29 =	spop (v2sf)  }
0x556: {  	v3 =	vadd.s32 v14, v3;
	vm0 =	vgt.s32 v6, $0x7FF;
	v14, _, _ =	vpop (xrf0);
	s0 =	sadd.s32 s26, s29;
	s28 =	spop (v2sf)  }
0x557: {  	v15 =	vmpcnt.ones.xlane vm0;
	s30 =	sadd.s32 s0, s28;
	v14 =	vadd.s32 s0, v14;
	s31 =	spop (v2sf)  }
0x558: {  	v3 =	vadd.s32 v13, v3;
	v13, _, _ =	vpop (xrf0);
	v12 =	vadd.s32 s30, v12;
	s0 =	sadd.s32 s30, s31;
	vm1 =	vgt.s32 v14, $0x7FF  }
0x559: {  	v61 =	vmpcnt.ones.xlane vm1;
	vm0 =	vgt.s32 v12, $0x7FF;
	v13 =	vadd.s32 s0, v13  }
0x55a: {  	v3 =	vadd.s32 v3, v15;
	v62 =	vmpcnt.ones.xlane vm0;
	vm0 =	vgt.s32 v13, $0x7FF  }
0x55b: {  	v3 =	vadd.s32 v61, v3;
	v15 =	vmpcnt.ones.xlane vm0  }
0x55c: {  	v3 =	vadd.s32 v62, v3  }
0x55d: {  	v3 =	vadd.s32 v15, v3  }
0x55e: {  	v3 =	vxor.u32 $0x80000000, v3  }
0x55f: {  	(xrf0) =	vmax.scan.msk.u32 $0xffff, v3;
	_ =	sdelay $0x2  }
0x560: {  	[tilespmem:s21+$0xFFFFFFE0] =	vst v10  }
0x561: {  	[tilespmem:s22+$0xFFFFFFD0] =	vst v0  }
0x562: {  	[tilespmem:s23+$0xFFFFFFE0] =	vst v0  }
0x563: {  	[tilespmem:s23+$0xFFFFFFF0] =	vst v0;
	(v2sf) =	vpush v7, $0xF;
	v3, _, _ =	vpop (xrf0)  }
0x564: {  	[tilespmem:s23+$0x0] =	vst v0;
	(v2sf) =	vpush v3, $0xF  }
0x565: {  	[tilespmem:s23+$0xFFFFFFD0] =	vst v0  }
0x566: {  	[tilespmem:s24+$0xFFFFFFE0] =	vst v0  }
0x567: {  	[tilespmem:s24+$0xFFFFFFF0] =	vst v0  }
0x568: {  	[tilespmem:s24+$0x0] =	vst v0  }
0x569: {  	[tilespmem:s24+$0xFFFFFFD0] =	vst v0;
	v4 =	vperm.xlane v4, v2  }
0x56a: {  	[tilespmem:s21+$0xFFFFFFD0] =	vst v8;
	s28 =	sadd.s32 $0xFFFFFFC0, s25;
	v3 =	vperm.xlane v11, v2  }
0x56b: {  	[tilespmem:s28+$0x0] =	vst v4;
	v4 =	vperm.xlane v9, v2  }
0x56c: {  	[tilespmem:s28+$0xFFFFFFF0] =	vst v3;
	v3 =	vperm.xlane v5, v2  }
0x56d: {  	[tilespmem:s28+$0xFFFFFFD0] =	vst v4;
	v4 =	vperm.xlane v6, v2  }
0x56e: {  	s0 =	sadd.s32 $0xFFFFFFC0, s28;
	[tilespmem:s28+$0xFFFFFFE0] =	vst v3;
	v3 =	vperm.xlane v14, v2  }
0x56f: {  	[tilespmem:s0+$0x0] =	vst v4;
	v5 =	vperm.xlane v13, v2  }
0x570: {  	[tilespmem:s0+$0xFFFFFFF0] =	vst v3;
	v3 =	vperm.xlane v12, v2  }
0x571: {  	[tilespmem:s0+$0xFFFFFFD0] =	vst v5  }
0x572: {  	s29 =	spop (v2sf);
	[tilespmem:s0+$0xFFFFFFE0] =	vst v3  }
0x573: {  	s31 =	simm.s32 $0x8040;
	[tilespmem:$0x19000] =	vst v0;
	s21 =	spop (v2sf)  }
0x574: {  	v6 =	vld [tilespmem:s31+$0x10];
	s30 =	sxor.u32 $0x80000000, s21  }
0x575: {  	v8 =	vld [tilespmem:s31+$0x30];
	v4 =	vmov s30  }
0x576: {  	v9 =	vld [tilespmem:s31+$0xFFFFFFC0]  }
0x577: {  	v5 =	vld [tilespmem:s31+$0xFFFFFFD0];
	_ =	sdelay $0x1  }
0x578: {  	v10 =	vld [tilespmem:s31+$0x20];
	v7 =	vshrl.u32 v6, $0x14;
	s21 =	sadd.s32 $0x7FFFFFFF, s21  }
0x579: {  	v6 =	vshrl.u32 v6, $0xA;
	v11 =	vand.u32 $0x7FF, v7;
	v3 =	vld.idx.msk [tilespmem:v4+s17+$0x0], $0xffff;
	v4 =	vmov s21  }
0x57a: {  	v12 =	vshrl.u32 v9, $0x14;
	v13 =	vshrl.u32 v8, $0xA;
	v7 =	vld [tilespmem:s31+$0xFFFFFFE0];
	vm2 =	veq.s32 v11, v4  }
0x57b: {  	v14 =	vshrl.u32 v5, $0x14;
	v15 =	vand.u32 $0x3FF, v6;
	v6 =	vshrl.u32 v8, $0x14  }
0x57c: {  	v9 =	vshrl.u32 v9, $0xA;
	v8 =	vand.u32 $0x7FF, v12;
	v11 =	vand.u32 $0x7FF, v6  }
0x57d: {  	v12 =	vshrl.u32 v10, $0xA;
	vm0 =	veq.s32 v8, v4;
	vm1 =	veq.s32 v11, v4;
	v11 =	vld [tilespmem:s31+$0xFFFFFFF0]  }
0x57e: {  	v6 =	vand.u32 $0x3FF, v9;
	v8 =	vshrl.u32 v10, $0x14;
	v9 =	vand.u32 $0x3FF, v13  }
0x57f: {  	v13 =	vshrl.u32 v7, $0x14;
	v10 =	vld [tilespmem:s31+$0x0];
	v63 =	vand.u32 $0x7FF, v8;
	v8 =	vand.u32 $0x3FF, v12  }
0x580: {  	s22 =	simm.s32 $0x0;
	s23 =	simm.s32 $0x80C0;
	v12 =	vand.u32 $0x7FF, v14;
	v13 =	vand.u32 $0x7FF, v13;
	[tilespmem:v15+s16+$0x0] =	vst.idx.add.s32.msk vm2, v1;
	vm2 =	veq.s32 v63, v4  }
.LBB2_50:
0x581: {  	v14 =	vld [tilespmem:s23+$0x10];
	s22 =	sadd.s32 $0x8, s22;
	v15 =	vshrl.u32 v5, $0xA;
	v5 =	vshrl.u32 v7, $0xA  }
0x582: {  	v16 =	vld [tilespmem:s23+$0x30];
	p0 =	slt.u32 s22, $0x7F8;
	v7 =	vshrl.u32 v11, $0x14;
	v11 =	vshrl.u32 v11, $0xA  }
0x583: {  	vm4 =	veq.s32 v13, v4;
	v7 =	vand.u32 $0x7FF, v7;
	[tilespmem:v9+s16+$0x0] =	vst.idx.add.s32.msk vm1, v1  }
0x584: {  	v13 =	vand.u32 $0x3FF, v5;
	v9 =	vld [tilespmem:s23+$0xFFFFFFC0];
	v17 =	vshrl.u32 v10, $0x14;
	v10 =	vshrl.u32 v10, $0xA  }
0x585: {  	vm1 =	veq.s32 v7, v4;
	v5 =	vld [tilespmem:s23+$0xFFFFFFD0];
	v7 =	vand.u32 $0x7FF, v17  }
0x586: {  	vm5 =	veq.s32 v12, v4;
	v11 =	vand.u32 $0x3FF, v11;
	vm3 =	veq.s32 v7, v4;
	[tilespmem:v8+s16+$0x0] =	vst.idx.add.s32.msk vm2, v1  }
0x587: {  	[tilespmem:v6+s16+$0x0] =	vst.idx.add.s32.msk vm0, v1;
	v6 =	vand.u32 $0x3FF, v15  }
0x588: {  	v10 =	vand.u32 $0x3FF, v10;
	v7 =	vshrl.u32 v14, $0x14;
	v8 =	vshrl.u32 v14, $0xA;
	v12 =	vld [tilespmem:s23+$0x20]  }
0x589: {  	v14 =	vand.u32 $0x7FF, v7;
	[tilespmem:v13+s16+$0x0] =	vst.idx.add.s32.msk vm4, v1  }
0x58a: {  	vm2 =	veq.s32 v14, v4;
	v14 =	vshrl.u32 v16, $0xA;
	v13 =	vshrl.u32 v9, $0x14;
	v7 =	vld [tilespmem:s23+$0xFFFFFFE0]  }
0x58b: {  	v17 =	vand.u32 $0x3FF, v8;
	v8 =	vshrl.u32 v16, $0x14;
	v15 =	vshrl.u32 v5, $0x14;
	[tilespmem:v11+s16+$0x0] =	vst.idx.add.s32.msk vm1, v1  }
.Ltmp24:
0x58c: {  	v8 =	vand.u32 $0x7FF, v8;
	v9 =	vshrl.u32 v9, $0xA;
	v11 =	vand.u32 $0x7FF, v13;
	[tilespmem:v6+s16+$0x0] =	vst.idx.add.s32.msk vm5, v1;
	(pc) =	sbr.rel @p0 .LBB2_50-.Ltmp24, $4  }
0x58d: {  	vm1 =	veq.s32 v8, v4;
	vm0 =	veq.s32 v11, v4;
	v6 =	vand.u32 $0x3FF, v9;
	v11 =	vld [tilespmem:s23+$0xFFFFFFF0]  }
0x58e: {  	v9 =	vand.u32 $0x3FF, v14;
	v8 =	vshrl.u32 v12, $0x14;
	v12 =	vshrl.u32 v12, $0xA;
	[tilespmem:v10+s16+$0x0] =	vst.idx.add.s32.msk vm3, v1  }
0x58f: {  	v14 =	vand.u32 $0x7FF, v8;
	v8 =	vand.u32 $0x3FF, v12;
	v13 =	vshrl.u32 v7, $0x14;
	v10 =	vld [tilespmem:s23+$0x0]  }
0x590: {  	v12 =	vand.u32 $0x7FF, v15;
	s23 =	sadd.s32 $0x80, s23;
	v13 =	vand.u32 $0x7FF, v13;
	[tilespmem:v17+s16+$0x0] =	vst.idx.add.s32.msk vm2, v1;
	vm2 =	veq.s32 v14, v4  }
0x591: {  	_ = 	snop  }
0x592: {  	v5 =	vshrl.u32 v5, $0xA;
	v7 =	vshrl.u32 v7, $0xA;
	v14 =	vshrl.u32 v11, $0x14  }
0x593: {  	vm3 =	veq.s32 v13, v4;
	v11 =	vshrl.u32 v11, $0xA;
	v13 =	vand.u32 $0x7FF, v14  }
0x594: {  	v7 =	vand.u32 $0x3FF, v7;
	v14 =	vshrl.u32 v10, $0x14;
	vm4 =	veq.s32 v13, v4  }
0x595: {  	vm5 =	veq.s32 v12, v4;
	v11 =	vand.u32 $0x3FF, v11;
	v13 =	vand.u32 $0x7FF, v14  }
0x596: {  	[tilespmem:v9+s16+$0x0] =	vst.idx.add.s32.msk vm1, v1;
	v9 =	vshrl.u32 v10, $0xA;
	vm1 =	veq.s32 v13, v4;
	v4 =	vand.u32 $0x3FF, v5  }
0x597: {  	[tilespmem:v8+s16+$0x0] =	vst.idx.add.s32.msk vm2, v1;
	v5 =	vand.u32 $0x3FF, v9  }
0x598: {  	[tilespmem:v6+s16+$0x0] =	vst.idx.add.s32.msk vm0, v1  }
0x599: {  	[tilespmem:v7+s16+$0x0] =	vst.idx.add.s32.msk vm3, v1  }
0x59a: {  	[tilespmem:v11+s16+$0x0] =	vst.idx.add.s32.msk vm4, v1  }
0x59b: {  	[tilespmem:v4+s16+$0x0] =	vst.idx.add.s32.msk vm5, v1  }
0x59c: {  	s23 =	simm.s32 $0x183F0;
	[tilespmem:v5+s16+$0x0] =	vst.idx.add.s32.msk vm1, v1  }
0x59d: {  	v5 =	vld [tilespmem:s23+$0x0]  }
0x59e: {  	v3 =	vxor.u32 $0x80000000, v3;
	v6 =	vld [tilespmem:s23+$0xFFFFFFF0]  }
0x59f: {  	(xrf0) =	vmax.scan.msk.u32 $0xffff, v3  }
0x5a0: {  	v7 =	vld [tilespmem:s23+$0xFFFFFFE0];
	_ =	sdelay $0x1  }
0x5a1: {  	v8 =	vld [tilespmem:s23+$0xFFFFFFD0];
	(xrf0) =	vadd.scan.msk.s32 $0xffff, v5  }
0x5a2: {  	(xrf0) =	vadd.scan.msk.s32 $0xffff, v6;
	_ =	sdelay $0x1  }
0x5a3: {  	v3, _, _ =	vpop (xrf0);
	(xrf0) =	vadd.scan.msk.s32 $0xffff, v7  }
0x5a4: {  	(v2sf) =	vpush v3, $0xF  }
0x5a5: {  	(xrf0) =	vadd.scan.msk.s32 $0xffff, v8  }
0x5a6: {  	s24 =	simm.s32 $0x183B0;
	v9, _, _ =	vpop (xrf0)  }
0x5a7: {  	v7 =	vperm.xlane v7, v2;
	v10, _, _ =	vpop (xrf0);
	(v2sf) =	vpush v9, $0xF;
	v9 =	vld [tilespmem:s24+$0x0]  }
0x5a8: {  	(v2sf) =	vpush v10, $0xF;
	v10 =	vld [tilespmem:s24+$0xFFFFFFF0]  }
0x5a9: {  	v12 =	vld [tilespmem:s24+$0xFFFFFFE0];
	v5 =	vperm.xlane v5, v2;
	v11, _, _ =	vpop (xrf0)  }
0x5aa: {  	(xrf0) =	vadd.scan.msk.s32 $0xffff, v7;
	(v2sf) =	vpush v11, $0xF;
	v11 =	vld [tilespmem:s24+$0xFFFFFFD0]  }
0x5ab: {  	(xrf0) =	vadd.scan.msk.s32 $0xffff, v5;
	v7, _, _ =	vpop (xrf0)  }
0x5ac: {  	(v2sf) =	vpush v7, $0xF;
	(xrf0) =	vadd.scan.msk.s32 $0xffff, v9  }
0x5ad: {  	(xrf0) =	vadd.scan.msk.s32 $0xffff, v10  }
0x5ae: {  	(xrf0) =	vadd.scan.msk.s32 $0xffff, v12  }
0x5af: {  	(xrf0) =	vadd.scan.msk.s32 $0xffff, v11  }
0x5b0: {  	v5 =	vperm.xlane v6, v2;
	v13, _, _ =	vpop (xrf0)  }
0x5b1: {  	s26 =	simm.s32 $0x18370;
	v6 =	vperm.xlane v12, v2;
	v7, _, _ =	vpop (xrf0)  }
0x5b2: {  	v12 =	vld [tilespmem:s26+$0x0];
	(xrf0) =	vadd.scan.msk.s32 $0xffff, v5;
	v5 =	vperm.xlane v8, v2;
	v8, _, _ =	vpop (xrf0)  }
0x5b3: {  	s28 =	simm.s32 $0x0;
	v14 =	vld [tilespmem:s26+$0xFFFFFFF0];
	s0 =	spop (v2sf);
	(xrf0) =	vadd.scan.msk.s32 $0xffff, v6;
	v6 =	vperm.xlane v9, v2;
	v9, _, _ =	vpop (xrf0);
	(v2sf) =	vpush v8, $0xF  }
0x5b4: {  	v16 =	vld [tilespmem:s26+$0xFFFFFFE0];
	(xrf0) =	vadd.scan.msk.s32 $0xffff, v5;
	v5 =	vadd.s32 s28, v7;
	v7, _, _ =	vpop (xrf0);
	(v2sf) =	vpush v9, $0xF  }
0x5b5: {  	[tilespmem:s23+$0xFFFFFFE0] =	vst v0;
	s0 =	sxor.u32 $0x80000000, s0;
	v18 =	vperm.xlane v10, v2;
	v10 =	vld [tilespmem:s26+$0xFFFFFFD0];
	v9, _, _ =	vpop (xrf0);
	(v2sf) =	vpush v7, $0xF  }
0x5b6: {  	v4 =	vimm.s32 $0x0;
	[tilespmem:s23+$0xFFFFFFF0] =	vst v0;
	s22 =	ssub.s32 $0x800, s0;
	(xrf0) =	vadd.scan.msk.s32 $0xffff, v6;
	s0 =	spop (v2sf);
	(v2sf) =	vpush v9, $0xF  }
0x5b7: {  	[tilespmem:s23+$0x0] =	vst v0;
	v3 =	vmov s22;
	v8 =	vperm.xlane v11, v2;
	(xrf0) =	vadd.scan.msk.s32 $0xffff, v12  }
0x5b8: {  	vm0 =	vge.s32 v5, v3;
	v19 =	vperm.xlane v5, v2;
	v7 =	vperm.xlane v12, v2;
	v6, _, _ =	vpop (xrf0);
	(xrf0) =	vadd.scan.msk.s32 $0xffff, v14;
	s0 =	sadd.s32 $0x0, s0;
	s28 =	spop (v2sf)  }
0x5b9: {  	v12 =	vperm.xlane v14, v2;
	(xrf0) =	vadd.scan.msk.s32 $0xffff, v16;
	v16 =	vperm.xlane v16, v2;
	v9 =	vadd.s32 s0, v6;
	s0 =	sadd.s32 s0, s28  }
0x5ba: {  	s25 =	simm.s32 $0x18BF0;
	s28 =	spop (v2sf);
	v6, _, _ =	vpop (xrf0);
	(xrf0) =	vadd.scan.msk.s32 $0xffff, v10;
	vm1 =	vge.s32 v9, v3;
	v9 =	vperm.xlane v9, v2;
	v11 =	vadd.s32 s0, v13  }
0x5bb: {  	[tilespmem:s25+$0x0] =	vst v19;
	s0 =	sadd.s32 s0, s28;
	v15, _, _ =	vpop (xrf0);
	s28 =	spop (v2sf);
	v13 =	vmpcnt.ones.xlane vm1;
	vm1 =	vge.s32 v11, v3;
	v11 =	vperm.xlane v11, v2  }
0x5bc: {  	v5 =	vadd.s32 s0, v15;
	s31 =	sadd.s32 s0, s28;
	v20, _, _ =	vpop (xrf0);
	v15 =	vmpcnt.ones.xlane vm0;
	[tilespmem:s25+$0xFFFFFFF0] =	vst v9;
	v14 =	vmpcnt.ones.xlane vm1  }
0x5bd: {  	s29 =	simm.s32 $0x8;
	s30 =	simm.s32 $0x18330;
	s28 =	simm.s32 $0x18BF0;
	vm0 =	vge.s32 v5, v3;
	v9 =	vperm.xlane v5, v2;
	v17, _, _ =	vpop (xrf0);
	v5 =	vadd.s32 s31, v20;
	(xrf0) =	vadd.scan.msk.s32 $0xffff, v18  }
.LBB2_52:
0x5be: {  	v18 =	vld [tilespmem:s30+$0x0];
	s29 =	sadd.s32 $0x4, s29;
	v19 =	vperm.xlane v10, v2;
	v10, _, _ =	vpop (xrf0);
	v4 =	vadd.s32 v4, v15;
	[tilespmem:s25+$0xFFFFFFE0] =	vst v11;
	s28 =	sadd.s32 $0xFFFFFFC0, s28;
	v20 =	vmov v12  }
0x5bf: {  	v11 =	vld [tilespmem:s30+$0xFFFFFFF0];
	p0 =	slt.u32 s29, $0x3C;
	(v2sf) =	vpush v17, $0xF;
	(xrf0) =	vadd.scan.msk.s32 $0xffff, v16;
	v12, _, _ =	vpop (xrf0);
	v4 =	vadd.s32 v13, v4;
	v13 =	vmpcnt.ones.xlane vm0  }
0x5c0: {  	v16 =	vld [tilespmem:s30+$0xFFFFFFE0];
	(v2sf) =	vpush v10, $0xF;
	v15, _, _ =	vpop (xrf0);
	(xrf0) =	vadd.scan.msk.s32 $0xffff, v8;
	v4 =	vadd.s32 v14, v4;
	[tilespmem:s23+$0xFFFFFFD0] =	vst v0;
	s23 =	smov.u32 s24;
	s24 =	smov.u32 s26;
	s26 =	smov.u32 s30  }
0x5c1: {  	v8 =	vmov v19;
	v10 =	vld [tilespmem:s30+$0xFFFFFFD0];
	(v2sf) =	vpush v12, $0xF;
	v4 =	vadd.s32 v13, v4;
	[tilespmem:s25+$0xFFFFFFD0] =	vst v9;
	s25 =	smov.u32 s28  }
0x5c2: {  	(xrf0) =	vadd.scan.msk.s32 $0xffff, v7;
	(v2sf) =	vpush v15, $0xF;
	[tilespmem:s23+$0xFFFFFFE0] =	vst v0;
	s0 =	spop (v2sf)  }
0x5c3: {  	v7 =	vperm.xlane v18, v2;
	(xrf0) =	vadd.scan.msk.s32 $0xffff, v18;
	s0 =	sadd.s32 s31, s0;
	[tilespmem:s23+$0xFFFFFFF0] =	vst v0;
	v9, _, _ =	vpop (xrf0);
	s31 =	spop (v2sf)  }
0x5c4: {  	vm0 =	vge.s32 v5, v3;
	v12 =	vperm.xlane v11, v2;
	(xrf0) =	vadd.scan.msk.s32 $0xffff, v11;
	v9 =	vadd.s32 s0, v9;
	s0 =	sadd.s32 s0, s31;
	s31 =	spop (v2sf)  }
.Ltmp25:
0x5c5: {  	(xrf0) =	vadd.scan.msk.s32 $0xffff, v16;
	vm1 =	vge.s32 v9, v3;
	v9 =	vperm.xlane v9, v2;
	v11 =	vadd.s32 s0, v6;
	v6, _, _ =	vpop (xrf0);
	s0 =	sadd.s32 s0, s31;
	s31 =	spop (v2sf);
	(pc) =	sbr.rel @p0 .LBB2_52-.Ltmp25, $4  }
0x5c6: {  	(xrf0) =	vadd.scan.msk.s32 $0xffff, v10;
	v13 =	vmpcnt.ones.xlane vm1;
	vm1 =	vge.s32 v11, v3;
	v11 =	vperm.xlane v11, v2;
	s31 =	sadd.s32 s0, s31;
	v15, _, _ =	vpop (xrf0)  }
0x5c7: {  	v18 =	vperm.xlane v5, v2;
	[tilespmem:s28+$0xFFFFFFF0] =	vst v9;
	v14 =	vmpcnt.ones.xlane vm1;
	v5 =	vadd.s32 s0, v15  }
0x5c8: {  	v15 =	vmpcnt.ones.xlane vm0;
	v19, _, _ =	vpop (xrf0);
	[tilespmem:s23+$0x0] =	vst v0;
	vm0 =	vge.s32 v5, v3;
	v9 =	vperm.xlane v5, v2  }
0x5c9: {  	s30 =	sadd.s32 $0xFFFFFFC0, s30;
	v16 =	vperm.xlane v16, v2;
	v17, _, _ =	vpop (xrf0);
	v5 =	vadd.s32 s31, v19;
	(xrf0) =	vadd.scan.msk.s32 $0xffff, v20;
	[tilespmem:s28+$0x0] =	vst v18  }
0x5ca: {  	v18, _, _ =	vpop (xrf0);
	(v2sf) =	vpush v17, $0xF  }
0x5cb: {  	(v2sf) =	vpush v18, $0xF;
	v41, _, _ =	vpop (xrf0)  }
0x5cc: {  	(v2sf) =	vpush v41, $0xF;
	_ =	sdelay $0x3  }
0x5cd: {  	(xrf0) =	vadd.scan.msk.s32 $0xffff, v16  }
0x5ce: {  	(xrf0) =	vadd.scan.msk.s32 $0xffff, v8  }
0x5cf: {  	v8, _, _ =	vpop (xrf0);
	(xrf0) =	vadd.scan.msk.s32 $0xffff, v7  }
0x5d0: {  	v4 =	vadd.s32 v4, v15;
	v7 =	vperm.xlane v10, v2;
	v10 =	vmpcnt.ones.xlane vm0;
	s0 =	spop (v2sf)  }
0x5d1: {  	v4 =	vadd.s32 v13, v4;
	s0 =	sadd.s32 s31, s0;
	v42, _, _ =	vpop (xrf0);
	s29 =	spop (v2sf);
	(xrf0) =	vadd.scan.msk.s32 $0xffff, v12  }
0x5d2: {  	v4 =	vadd.s32 v14, v4;
	vm0 =	vge.s32 v5, v3;
	v43 =	vadd.s32 s0, v42;
	s0 =	sadd.s32 s0, s29  }
0x5d3: {  	v45 =	vmpcnt.ones.xlane vm0;
	s31 =	spop (v2sf);
	v44, _, _ =	vpop (xrf0);
	vm1 =	vge.s32 v43, v3;
	v6 =	vadd.s32 s0, v6;
	(xrf0) =	vadd.scan.msk.s32 $0xffff, v7  }
0x5d4: {  	v4 =	vadd.s32 v10, v4;
	s0 =	sadd.s32 s0, s31;
	s30 =	spop (v2sf);
	v7 =	vmpcnt.ones.xlane vm1;
	vm0 =	vge.s32 v6, v3;
	v10, _, _ =	vpop (xrf0)  }
0x5d5: {  	v4 =	vadd.s32 v4, v45;
	s29 =	sadd.s32 s0, s30;
	v46 =	vmpcnt.ones.xlane vm0;
	v10 =	vadd.s32 s0, v10;
	v47, _, _ =	vpop (xrf0)  }
0x5d6: {  	vm0 =	vge.s32 v10, v3;
	v4 =	vadd.s32 v7, v4;
	v7 =	vadd.s32 s29, v47;
	s31 =	spop (v2sf)  }
0x5d7: {  	v48 =	vmpcnt.ones.xlane vm0;
	v49, _, _ =	vpop (xrf0);
	vm0 =	vge.s32 v7, v3;
	s0 =	sadd.s32 s29, s31;
	s30 =	spop (v2sf)  }
0x5d8: {  	v4 =	vadd.s32 v46, v4;
	v51 =	vmpcnt.ones.xlane vm0;
	s30 =	sadd.s32 s0, s30;
	v15 =	vadd.s32 s0, v49;
	s31 =	spop (v2sf)  }
0x5d9: {  	v4 =	vadd.s32 v48, v4;
	v50, _, _ =	vpop (xrf0);
	v13 =	vadd.s32 s30, v44;
	s0 =	sadd.s32 s30, s31;
	vm1 =	vge.s32 v15, v3  }
0x5da: {  	v52 =	vmpcnt.ones.xlane vm1;
	vm0 =	vge.s32 v13, v3;
	v14 =	vadd.s32 s0, v50  }
0x5db: {  	v53 =	vmpcnt.ones.xlane vm0;
	vm0 =	vge.s32 v14, v3;
	v3 =	vadd.s32 v4, v51  }
0x5dc: {  	v3 =	vadd.s32 v52, v3;
	v4 =	vmpcnt.ones.xlane vm0  }
0x5dd: {  	v3 =	vadd.s32 v53, v3  }
0x5de: {  	v3 =	vadd.s32 v4, v3  }
0x5df: {  	v3 =	vxor.u32 $0x80000000, v3  }
0x5e0: {  	[tilespmem:s25+$0xFFFFFFE0] =	vst v11;
	(xrf0) =	vmax.scan.msk.u32 $0xffff, v3  }
0x5e1: {  	[tilespmem:s23+$0xFFFFFFD0] =	vst v0  }
0x5e2: {  	[tilespmem:s24+$0xFFFFFFE0] =	vst v0  }
0x5e3: {  	[tilespmem:s24+$0xFFFFFFF0] =	vst v0  }
0x5e4: {  	[tilespmem:s24+$0x0] =	vst v0  }
0x5e5: {  	[tilespmem:s24+$0xFFFFFFD0] =	vst v0  }
0x5e6: {  	[tilespmem:s26+$0xFFFFFFE0] =	vst v0;
	(v2sf) =	vpush v8, $0xF;
	v3, _, _ =	vpop (xrf0)  }
0x5e7: {  	[tilespmem:s26+$0xFFFFFFF0] =	vst v0;
	(v2sf) =	vpush v3, $0xF  }
0x5e8: {  	[tilespmem:s26+$0x0] =	vst v0  }
0x5e9: {  	[tilespmem:s26+$0xFFFFFFD0] =	vst v0;
	v4 =	vperm.xlane v5, v2  }
0x5ea: {  	[tilespmem:s25+$0xFFFFFFD0] =	vst v9;
	s25 =	sadd.s32 $0xFFFFFFC0, s28;
	v3 =	vperm.xlane v43, v2  }
0x5eb: {  	v5 =	vperm.xlane v14, v2;
	[tilespmem:s25+$0x0] =	vst v4  }
0x5ec: {  	s0 =	sadd.s32 $0xFFFFFFC0, s25;
	[tilespmem:s25+$0xFFFFFFF0] =	vst v3;
	v3 =	vperm.xlane v6, v2  }
0x5ed: {  	v4 =	vperm.xlane v10, v2;
	[tilespmem:s0+$0xFFFFFFD0] =	vst v5  }
0x5ee: {  	[tilespmem:s25+$0xFFFFFFE0] =	vst v3;
	v3 =	vperm.xlane v15, v2  }
0x5ef: {  	[tilespmem:s25+$0xFFFFFFD0] =	vst v4;
	v4 =	vperm.xlane v7, v2  }
0x5f0: {  	[tilespmem:s0+$0xFFFFFFF0] =	vst v3;
	v3 =	vperm.xlane v13, v2  }
0x5f1: {  	[tilespmem:s0+$0x0] =	vst v4  }
0x5f2: {  	[tilespmem:s0+$0xFFFFFFE0] =	vst v3  }
0x5f3: {  	s31 =	simm.s32 $0x8040;
	[tilespmem:$0x18C00] =	vst v0  }
0x5f4: {  	v6 =	vld [tilespmem:s31+$0x30]  }
0x5f5: {  	s28 =	spop (v2sf);
	v5 =	vld [tilespmem:s31+$0xFFFFFFD0]  }
0x5f6: {  	v7 =	vld [tilespmem:s31+$0xFFFFFFE0];
	s23 =	spop (v2sf)  }
0x5f7: {  	v9 =	vld [tilespmem:s31+$0xFFFFFFF0];
	s29 =	sxor.u32 $0x80000000, s23  }
0x5f8: {  	v11 =	vld [tilespmem:s31+$0x0];
	v4 =	vmov s29  }
0x5f9: {  	v54 =	vld [tilespmem:s31+$0x10];
	s23 =	sshll.u32 s23, $0xA  }
0x5fa: {  	s21 =	sshll.u32 s21, $0x14;
	v56 =	vld [tilespmem:s31+$0xFFFFFFC0];
	s23 =	sadd.s32 $0xFFFFFC00, s23  }
0x5fb: {  	v10 =	vshrl.u32 v5, $0xA;
	v55 =	vand.u32 $0x3FF, v5;
	v5 =	vld [tilespmem:s31+$0x20];
	s21 =	sor.u32 s21, s23  }
0x5fc: {  	v8 =	vshrl.u32 v6, $0xA;
	v57 =	vshrl.u32 v7, $0xA;
	v58 =	vshrl.u32 v9, $0xA;
	s30 =	sshra.s32 s21, $0xA  }
0x5fd: {  	v6 =	vand.u32 $0x3FF, v6;
	v8 =	vand.u32 $0x1FFFFF, v8;
	v3 =	vld.idx.msk [tilespmem:v4+s17+$0x0], $0xffff;
	v4 =	vmov s30  }
0x5fe: {  	v59 =	vshrl.u32 v11, $0xA;
	v10 =	vand.u32 $0x1FFFFF, v10;
	vm4 =	veq.s32 v8, v4  }
0x5ff: {  	v60 =	vshrl.u32 v54, $0xA;
	v62 =	vshrl.u32 v56, $0xA;
	vm7 =	veq.s32 v10, v4  }
0x600: {  	v9 =	vand.u32 $0x3FF, v9;
	v63 =	vand.u32 $0x1FFFFF, v62;
	v61 =	vshrl.u32 v5, $0xA  }
0x601: {  	v8 =	vand.u32 $0x1FFFFF, v57;
	v10 =	vand.u32 $0x1FFFFF, v58;
	vm5 =	veq.s32 v63, v4  }
0x602: {  	vm0 =	veq.s32 v8, v4;
	v8 =	vand.u32 $0x1FFFFF, v59;
	vm1 =	veq.s32 v10, v4  }
0x603: {  	v10 =	vand.u32 $0x1FFFFF, v60;
	vm2 =	veq.s32 v8, v4;
	v8 =	vand.u32 $0x1FFFFF, v61  }
0x604: {  	vm3 =	veq.s32 v10, v4;
	v10 =	vand.u32 $0x3FF, v56;
	vm6 =	veq.s32 v8, v4;
	[tilespmem:v6+s16+$0x0] =	vst.idx.add.s32.msk vm4, v1  }
0x605: {  	s24 =	simm.s32 $0x80C0;
	s23 =	simm.s32 $0x0;
	v8 =	vand.u32 $0x3FF, v7;
	v7 =	vand.u32 $0x3FF, v11;
	[tilespmem:v55+s16+$0x0] =	vst.idx.add.s32.msk vm7, v1;
	v6 =	vand.u32 $0x3FF, v54  }
.LBB2_54:
0x606: {  	v11 =	vld [tilespmem:s24+$0x30];
	s23 =	sadd.s32 $0x8, s23;
	v12 =	vand.u32 $0x3FF, v5;
	vm4 =	vmmov vm6  }
0x607: {  	v5 =	vld [tilespmem:s24+$0xFFFFFFD0];
	p0 =	slt.u32 s23, $0x7F8  }
0x608: {  	v13 =	vld [tilespmem:s24+$0xFFFFFFE0]  }
0x609: {  	v14 =	vld [tilespmem:s24+$0xFFFFFFF0]  }
0x60a: {  	v15 =	vld [tilespmem:s24+$0x0]  }
0x60b: {  	v16 =	vld [tilespmem:s24+$0x10];
	v17 =	vshrl.u32 v11, $0xA  }
0x60c: {  	v18 =	vshrl.u32 v5, $0xA;
	v19 =	vand.u32 $0x3FF, v5;
	v5 =	vld [tilespmem:s24+$0x20];
	v17 =	vand.u32 $0x1FFFFF, v17  }
0x60d: {  	v20 =	vld [tilespmem:s24+$0xFFFFFFC0];
	v18 =	vand.u32 $0x1FFFFF, v18;
	v21 =	vshrl.u32 v13, $0xA;
	vm7 =	veq.s32 v17, v4  }
0x60e: {  	v11 =	vand.u32 $0x3FF, v11;
	v17 =	vand.u32 $0x1FFFFF, v21;
	v21 =	vshrl.u32 v14, $0xA;
	[tilespmem:v10+s16+$0x0] =	vst.idx.add.s32.msk vm5, v1  }
0x60f: {  	vm8 =	veq.s32 v18, v4;
	v10 =	vand.u32 $0x1FFFFF, v21;
	v18 =	vshrl.u32 v15, $0xA;
	[tilespmem:v8+s16+$0x0] =	vst.idx.add.s32.msk vm0, v1  }
0x610: {  	vm0 =	veq.s32 v17, v4;
	v8 =	vand.u32 $0x1FFFFF, v18;
	v17 =	vshrl.u32 v16, $0xA;
	[tilespmem:v9+s16+$0x0] =	vst.idx.add.s32.msk vm1, v1  }
.Ltmp26:
0x611: {  	vm1 =	veq.s32 v10, v4;
	v9 =	vand.u32 $0x1FFFFF, v17;
	v10 =	vshrl.u32 v5, $0xA;
	[tilespmem:v7+s16+$0x0] =	vst.idx.add.s32.msk vm2, v1;
	(pc) =	sbr.rel @p0 .LBB2_54-.Ltmp26, $4  }
0x612: {  	vm2 =	veq.s32 v8, v4;
	v7 =	vshrl.u32 v20, $0xA;
	v8 =	vand.u32 $0x1FFFFF, v10;
	[tilespmem:v6+s16+$0x0] =	vst.idx.add.s32.msk vm3, v1  }
0x613: {  	vm3 =	veq.s32 v9, v4;
	v6 =	vand.u32 $0x1FFFFF, v7;
	vm6 =	veq.s32 v8, v4;
	[tilespmem:v11+s16+$0x0] =	vst.idx.add.s32.msk vm7, v1  }
0x614: {  	v10 =	vand.u32 $0x3FF, v20;
	v8 =	vand.u32 $0x3FF, v13;
	vm5 =	veq.s32 v6, v4;
	[tilespmem:v12+s16+$0x0] =	vst.idx.add.s32.msk vm4, v1  }
0x615: {  	s24 =	sadd.s32 $0x80, s24;
	v9 =	vand.u32 $0x3FF, v14;
	v7 =	vand.u32 $0x3FF, v15;
	v6 =	vand.u32 $0x3FF, v16;
	[tilespmem:v19+s16+$0x0] =	vst.idx.add.s32.msk vm8, v1  }
0x616: {  	v3 =	vxor.u32 $0x80000000, v3  }
0x617: {  	(xrf0) =	vmax.scan.msk.u32 $0xffff, v3;
	_ =	sdelay $0x5  }
0x618: {  	v3, _, _ =	vpop (xrf0)  }
0x619: {  	v4 =	vand.u32 $0x3FF, v5;
	[tilespmem:v10+s16+$0x0] =	vst.idx.add.s32.msk vm5, v1;
	(v2sf) =	vpush v3, $0xF  }
0x61a: {  	[tilespmem:v8+s16+$0x0] =	vst.idx.add.s32.msk vm0, v1  }
0x61b: {  	[tilespmem:v9+s16+$0x0] =	vst.idx.add.s32.msk vm1, v1  }
0x61c: {  	[tilespmem:v7+s16+$0x0] =	vst.idx.add.s32.msk vm2, v1  }
0x61d: {  	[tilespmem:v6+s16+$0x0] =	vst.idx.add.s32.msk vm3, v1  }
0x61e: {  	s23 =	simm.s32 $0x183F0;
	[tilespmem:v4+s16+$0x0] =	vst.idx.add.s32.msk vm6, v1  }
0x61f: {  	v5 =	vld [tilespmem:s23+$0x0]  }
0x620: {  	v6 =	vld [tilespmem:s23+$0xFFFFFFF0];
	_ =	sdelay $0x1  }
0x621: {  	v7 =	vld [tilespmem:s23+$0xFFFFFFE0];
	_ =	sdelay $0x1  }
0x622: {  	v8 =	vld [tilespmem:s23+$0xFFFFFFD0];
	(xrf0) =	vadd.scan.msk.s32 $0xffff, v5  }
0x623: {  	(xrf0) =	vadd.scan.msk.s32 $0xffff, v6;
	_ =	sdelay $0x1  }
0x624: {  	(xrf0) =	vadd.scan.msk.s32 $0xffff, v7  }
0x625: {  	s0 =	spop (v2sf)  }
0x626: {  	(xrf0) =	vadd.scan.msk.s32 $0xffff, v8;
	s0 =	sxor.u32 $0x80000000, s0  }
0x627: {  	v9, _, _ =	vpop (xrf0);
	s0 =	ssub.s32 s22, s0;
	s22 =	simm.s32 $0x183B0  }
0x628: {  	v7 =	vperm.xlane v7, v2;
	v10, _, _ =	vpop (xrf0);
	(v2sf) =	vpush v9, $0xF;
	v9 =	vld [tilespmem:s22+$0x0]  }
0x629: {  	(v2sf) =	vpush v10, $0xF;
	v10 =	vld [tilespmem:s22+$0xFFFFFFF0]  }
0x62a: {  	v5 =	vperm.xlane v5, v2;
	v11, _, _ =	vpop (xrf0);
	v12 =	vld [tilespmem:s22+$0xFFFFFFE0]  }
0x62b: {  	(xrf0) =	vadd.scan.msk.s32 $0xffff, v7;
	(v2sf) =	vpush v11, $0xF;
	v11 =	vld [tilespmem:s22+$0xFFFFFFD0]  }
0x62c: {  	(xrf0) =	vadd.scan.msk.s32 $0xffff, v5;
	v7, _, _ =	vpop (xrf0)  }
0x62d: {  	(v2sf) =	vpush v7, $0xF;
	(xrf0) =	vadd.scan.msk.s32 $0xffff, v9  }
0x62e: {  	(xrf0) =	vadd.scan.msk.s32 $0xffff, v10  }
0x62f: {  	(xrf0) =	vadd.scan.msk.s32 $0xffff, v12  }
0x630: {  	(xrf0) =	vadd.scan.msk.s32 $0xffff, v11  }
0x631: {  	v5 =	vperm.xlane v6, v2;
	v13, _, _ =	vpop (xrf0)  }
0x632: {  	s25 =	simm.s32 $0x18370;
	v7, _, _ =	vpop (xrf0);
	v6 =	vperm.xlane v12, v2  }
0x633: {  	v12 =	vld [tilespmem:s25+$0x0];
	(xrf0) =	vadd.scan.msk.s32 $0xffff, v5;
	v5 =	vperm.xlane v8, v2;
	v8, _, _ =	vpop (xrf0)  }
0x634: {  	s26 =	simm.s32 $0x0;
	v14 =	vld [tilespmem:s25+$0xFFFFFFF0];
	(xrf0) =	vadd.scan.msk.s32 $0xffff, v6;
	v6 =	vperm.xlane v9, v2;
	v9, _, _ =	vpop (xrf0);
	(v2sf) =	vpush v8, $0xF  }
0x635: {  	v16 =	vld [tilespmem:s25+$0xFFFFFFE0];
	(xrf0) =	vadd.scan.msk.s32 $0xffff, v5;
	v5 =	vadd.s32 s26, v7;
	v7, _, _ =	vpop (xrf0);
	(v2sf) =	vpush v9, $0xF  }
0x636: {  	vm4 =	vmmov vm6;
	[tilespmem:s23+$0xFFFFFFE0] =	vst v0;
	v18 =	vperm.xlane v10, v2;
	v9 =	vld [tilespmem:s25+$0xFFFFFFD0];
	v10, _, _ =	vpop (xrf0);
	(v2sf) =	vpush v7, $0xF  }
0x637: {  	v4 =	vimm.s32 $0x0;
	[tilespmem:s23+$0xFFFFFFF0] =	vst v0;
	s26 =	spop (v2sf);
	(xrf0) =	vadd.scan.msk.s32 $0xffff, v6;
	(v2sf) =	vpush v10, $0xF  }
0x638: {  	[tilespmem:s23+$0x0] =	vst v0;
	v3 =	vmov s0;
	v8 =	vperm.xlane v11, v2;
	(xrf0) =	vadd.scan.msk.s32 $0xffff, v12  }
0x639: {  	s0 =	sadd.s32 $0x0, s26;
	s31 =	spop (v2sf);
	vm0 =	vge.s32 v5, v3;
	v19 =	vperm.xlane v5, v2;
	v7 =	vperm.xlane v12, v2;
	v6, _, _ =	vpop (xrf0);
	(xrf0) =	vadd.scan.msk.s32 $0xffff, v14  }
0x63a: {  	v12 =	vperm.xlane v14, v2;
	v10 =	vadd.s32 s0, v6;
	s0 =	sadd.s32 s0, s31;
	(xrf0) =	vadd.scan.msk.s32 $0xffff, v16;
	v16 =	vperm.xlane v16, v2  }
0x63b: {  	s24 =	simm.s32 $0x18BF0;
	s31 =	spop (v2sf);
	v6, _, _ =	vpop (xrf0);
	vm1 =	vge.s32 v10, v3;
	v10 =	vperm.xlane v10, v2;
	v11 =	vadd.s32 s0, v13;
	(xrf0) =	vadd.scan.msk.s32 $0xffff, v9  }
0x63c: {  	[tilespmem:s24+$0x0] =	vst v19;
	s0 =	sadd.s32 s0, s31;
	s31 =	spop (v2sf);
	v13 =	vmpcnt.ones.xlane vm1;
	vm1 =	vge.s32 v11, v3;
	v11 =	vperm.xlane v11, v2;
	v15, _, _ =	vpop (xrf0)  }
0x63d: {  	s30 =	sadd.s32 s0, s31;
	[tilespmem:s24+$0xFFFFFFF0] =	vst v10;
	v14 =	vmpcnt.ones.xlane vm1;
	v5 =	vadd.s32 s0, v15;
	v20, _, _ =	vpop (xrf0);
	v15 =	vmpcnt.ones.xlane vm0  }
0x63e: {  	s28 =	simm.s32 $0x8;
	s29 =	simm.s32 $0x18330;
	s26 =	simm.s32 $0x18BF0;
	vm0 =	vge.s32 v5, v3;
	v10 =	vperm.xlane v5, v2;
	v17, _, _ =	vpop (xrf0);
	v5 =	vadd.s32 s30, v20;
	(xrf0) =	vadd.scan.msk.s32 $0xffff, v18  }
.LBB2_56:
0x63f: {  	v18 =	vld [tilespmem:s29+$0x0];
	s28 =	sadd.s32 $0x4, s28;
	v19 =	vperm.xlane v9, v2;
	v9, _, _ =	vpop (xrf0);
	v4 =	vadd.s32 v4, v15;
	[tilespmem:s24+$0xFFFFFFE0] =	vst v11;
	s26 =	sadd.s32 $0xFFFFFFC0, s26;
	v20 =	vmov v12  }
0x640: {  	v11 =	vld [tilespmem:s29+$0xFFFFFFF0];
	p0 =	slt.u32 s28, $0x3C;
	(v2sf) =	vpush v17, $0xF;
	(xrf0) =	vadd.scan.msk.s32 $0xffff, v16;
	v12, _, _ =	vpop (xrf0);
	v4 =	vadd.s32 v13, v4;
	v13 =	vmpcnt.ones.xlane vm0  }
0x641: {  	v16 =	vld [tilespmem:s29+$0xFFFFFFE0];
	(v2sf) =	vpush v9, $0xF;
	v15, _, _ =	vpop (xrf0);
	(xrf0) =	vadd.scan.msk.s32 $0xffff, v8;
	v4 =	vadd.s32 v14, v4;
	[tilespmem:s23+$0xFFFFFFD0] =	vst v0;
	s23 =	smov.u32 s22;
	s22 =	smov.u32 s25;
	s25 =	smov.u32 s29  }
0x642: {  	v8 =	vmov v19;
	v9 =	vld [tilespmem:s29+$0xFFFFFFD0];
	(v2sf) =	vpush v12, $0xF;
	v4 =	vadd.s32 v13, v4;
	[tilespmem:s24+$0xFFFFFFD0] =	vst v10;
	s24 =	smov.u32 s26  }
0x643: {  	(xrf0) =	vadd.scan.msk.s32 $0xffff, v7;
	(v2sf) =	vpush v15, $0xF;
	[tilespmem:s23+$0xFFFFFFE0] =	vst v0;
	s0 =	spop (v2sf)  }
0x644: {  	v7 =	vperm.xlane v18, v2;
	(xrf0) =	vadd.scan.msk.s32 $0xffff, v18;
	s0 =	sadd.s32 s30, s0;
	[tilespmem:s23+$0xFFFFFFF0] =	vst v0;
	v10, _, _ =	vpop (xrf0);
	s30 =	spop (v2sf)  }
0x645: {  	vm0 =	vge.s32 v5, v3;
	v12 =	vperm.xlane v11, v2;
	(xrf0) =	vadd.scan.msk.s32 $0xffff, v11;
	v10 =	vadd.s32 s0, v10;
	s0 =	sadd.s32 s0, s30;
	s30 =	spop (v2sf)  }
.Ltmp27:
0x646: {  	(xrf0) =	vadd.scan.msk.s32 $0xffff, v16;
	vm1 =	vge.s32 v10, v3;
	v10 =	vperm.xlane v10, v2;
	v11 =	vadd.s32 s0, v6;
	v6, _, _ =	vpop (xrf0);
	s0 =	sadd.s32 s0, s30;
	s30 =	spop (v2sf);
	(pc) =	sbr.rel @p0 .LBB2_56-.Ltmp27, $4  }
0x647: {  	(xrf0) =	vadd.scan.msk.s32 $0xffff, v9;
	v13 =	vmpcnt.ones.xlane vm1;
	vm1 =	vge.s32 v11, v3;
	v11 =	vperm.xlane v11, v2;
	s30 =	sadd.s32 s0, s30;
	v15, _, _ =	vpop (xrf0)  }
0x648: {  	v18 =	vperm.xlane v5, v2;
	[tilespmem:s26+$0xFFFFFFF0] =	vst v10;
	v14 =	vmpcnt.ones.xlane vm1;
	v5 =	vadd.s32 s0, v15  }
0x649: {  	v15 =	vmpcnt.ones.xlane vm0;
	v19, _, _ =	vpop (xrf0);
	[tilespmem:s23+$0x0] =	vst v0;
	vm0 =	vge.s32 v5, v3;
	v10 =	vperm.xlane v5, v2  }
0x64a: {  	s29 =	sadd.s32 $0xFFFFFFC0, s29;
	v16 =	vperm.xlane v16, v2;
	v17, _, _ =	vpop (xrf0);
	v5 =	vadd.s32 s30, v19;
	(xrf0) =	vadd.scan.msk.s32 $0xffff, v20;
	[tilespmem:s26+$0x0] =	vst v18  }
0x64b: {  	v18, _, _ =	vpop (xrf0);
	(v2sf) =	vpush v17, $0xF  }
0x64c: {  	(v2sf) =	vpush v18, $0xF;
	v60, _, _ =	vpop (xrf0)  }
0x64d: {  	(v2sf) =	vpush v60, $0xF;
	_ =	sdelay $0x1  }
0x64e: {  	(xrf0) =	vadd.scan.msk.s32 $0xffff, v16  }
0x64f: {  	(xrf0) =	vadd.scan.msk.s32 $0xffff, v8;
	_ =	sdelay $0x1  }
0x650: {  	v4 =	vadd.s32 v4, v15;
	v8, _, _ =	vpop (xrf0);
	(xrf0) =	vadd.scan.msk.s32 $0xffff, v7;
	v7 =	vperm.xlane v9, v2;
	v9 =	vmpcnt.ones.xlane vm0;
	s0 =	spop (v2sf)  }
0x651: {  	v4 =	vadd.s32 v13, v4;
	vm0 =	vge.s32 v5, v3;
	s0 =	sadd.s32 s30, s0;
	v13, _, _ =	vpop (xrf0);
	s28 =	spop (v2sf)  }
0x652: {  	v4 =	vadd.s32 v14, v4;
	v14 =	vmpcnt.ones.xlane vm0;
	(xrf0) =	vadd.scan.msk.s32 $0xffff, v12;
	v12 =	vadd.s32 s0, v13;
	s0 =	sadd.s32 s0, s28  }
0x653: {  	s30 =	spop (v2sf);
	v13, _, _ =	vpop (xrf0);
	v6 =	vadd.s32 s0, v6  }
0x654: {  	v4 =	vadd.s32 v9, v4;
	vm1 =	vge.s32 v12, v3;
	s0 =	sadd.s32 s0, s30;
	vm0 =	vge.s32 v6, v3;
	v9, _, _ =	vpop (xrf0)  }
0x655: {  	(xrf0) =	vadd.scan.msk.s32 $0xffff, v7;
	s31 =	spop (v2sf);
	v7 =	vmpcnt.ones.xlane vm1;
	v15 =	vmpcnt.ones.xlane vm0;
	v9 =	vadd.s32 s0, v9  }
0x656: {  	v4 =	vadd.s32 v4, v14;
	s28 =	sadd.s32 s0, s31;
	v14, _, _ =	vpop (xrf0);
	vm0 =	vge.s32 v9, v3  }
0x657: {  	v4 =	vadd.s32 v7, v4;
	v7 =	vadd.s32 s28, v14;
	v14 =	vmpcnt.ones.xlane vm0  }
0x658: {  	s29 =	spop (v2sf)  }
0x659: {  	v4 =	vadd.s32 v15, v4;
	vm0 =	vge.s32 v7, v3;
	v15, _, _ =	vpop (xrf0);
	s0 =	sadd.s32 s28, s29;
	s29 =	spop (v2sf)  }
0x65a: {  	v61 =	vmpcnt.ones.xlane vm0;
	s30 =	sadd.s32 s0, s29;
	v15 =	vadd.s32 s0, v15;
	s31 =	spop (v2sf)  }
0x65b: {  	v4 =	vadd.s32 v14, v4;
	v14, _, _ =	vpop (xrf0);
	v13 =	vadd.s32 s30, v13;
	s0 =	sadd.s32 s30, s31;
	vm1 =	vge.s32 v15, v3  }
0x65c: {  	v62 =	vmpcnt.ones.xlane vm1;
	vm0 =	vge.s32 v13, v3;
	v14 =	vadd.s32 s0, v14  }
0x65d: {  	v63 =	vmpcnt.ones.xlane vm0;
	vm0 =	vge.s32 v14, v3;
	v3 =	vadd.s32 v4, v61  }
0x65e: {  	v3 =	vadd.s32 v62, v3;
	v4 =	vmpcnt.ones.xlane vm0  }
0x65f: {  	v3 =	vadd.s32 v63, v3  }
0x660: {  	v3 =	vadd.s32 v4, v3  }
0x661: {  	v3 =	vxor.u32 $0x80000000, v3  }
0x662: {  	(xrf0) =	vmax.scan.msk.u32 $0xffff, v3;
	_ =	sdelay $0x2  }
0x663: {  	[tilespmem:s24+$0xFFFFFFE0] =	vst v11  }
0x664: {  	[tilespmem:s23+$0xFFFFFFD0] =	vst v0  }
0x665: {  	[tilespmem:s22+$0xFFFFFFE0] =	vst v0  }
0x666: {  	[tilespmem:s22+$0xFFFFFFF0] =	vst v0;
	(v2sf) =	vpush v8, $0xF;
	v4, _, _ =	vpop (xrf0)  }
0x667: {  	[tilespmem:s22+$0x0] =	vst v0;
	(v2sf) =	vpush v4, $0xF  }
0x668: {  	[tilespmem:s22+$0xFFFFFFD0] =	vst v0  }
0x669: {  	[tilespmem:s25+$0xFFFFFFE0] =	vst v0  }
0x66a: {  	[tilespmem:s25+$0xFFFFFFF0] =	vst v0  }
0x66b: {  	[tilespmem:s25+$0x0] =	vst v0  }
0x66c: {  	[tilespmem:s25+$0xFFFFFFD0] =	vst v0;
	v3 =	vperm.xlane v12, v2  }
0x66d: {  	[tilespmem:s24+$0xFFFFFFD0] =	vst v10;
	s28 =	sadd.s32 $0xFFFFFFC0, s26;
	v4 =	vperm.xlane v5, v2  }
0x66e: {  	[tilespmem:s28+$0xFFFFFFF0] =	vst v3;
	v3 =	vperm.xlane v6, v2  }
0x66f: {  	[tilespmem:s28+$0x0] =	vst v4;
	v4 =	vperm.xlane v9, v2  }
0x670: {  	[tilespmem:s28+$0xFFFFFFE0] =	vst v3;
	v3 =	vperm.xlane v15, v2  }
0x671: {  	s0 =	sadd.s32 $0xFFFFFFC0, s28;
	[tilespmem:s28+$0xFFFFFFD0] =	vst v4;
	v4 =	vperm.xlane v7, v2  }
0x672: {  	[tilespmem:s0+$0xFFFFFFF0] =	vst v3;
	v3 =	vperm.xlane v13, v2  }
0x673: {  	[tilespmem:s0+$0x0] =	vst v4;
	v4 =	vperm.xlane v14, v2  }
0x674: {  	[tilespmem:s0+$0xFFFFFFE0] =	vst v3  }
0x675: {  	s29 =	spop (v2sf);
	[tilespmem:s0+$0xFFFFFFD0] =	vst v4  }
0x676: {  	[tilespmem:$0x18C00] =	vst v0;
	s30 =	spop (v2sf)  }
0x677: {  	_ =	swait.ge [sflag:s19], $0x8000  }
0x678: {  	[sflag:s19] =	ssyncset.done $0x0  }
0x679: {  	s31 =	simm.s32 $0x8040;
	[sflag:s19] =	ssyncadd.s32 $0xFFFF8000  }
0x67a: {  	v11 =	vld [tilespmem:s31+$0x30]  }
0x67b: {  	v10 =	vld [tilespmem:s31+$0xFFFFFFD0]  }
0x67c: {  	v9 =	vld [tilespmem:s31+$0xFFFFFFE0]  }
0x67d: {  	s0 =	sadd.s32 $0x7FFFFFFF, s30;
	v8 =	vld [tilespmem:s31+$0xFFFFFFF0]  }
0x67e: {  	s0 =	sor.u32 s21, s0;
	v7 =	vld [tilespmem:s31+$0x0]  }
0x67f: {  	v3 =	vmov s0;
	v5 =	vld [tilespmem:s31+$0x10];
	v6 =	vand.u32 $0x7FFFFFFF, v11  }
0x680: {  	v4 =	vld [tilespmem:s31+$0x20];
	v12 =	vand.u32 $0x7FFFFFFF, v10;
	vm1 =	vgt.s32 v3, v6  }
0x681: {  	s22 =	simm.s32 $0x0;
	s23 =	simm.s32 $0x80C0;
	s21 =	simm.s32 $0x10040;
	v6 =	vld [tilespmem:s31+$0xFFFFFFC0];
	vm0 =	vgt.s32 v3, v12;
	v12 =	vand.u32 $0x7FFFFFFF, v9;
	v11 =	vsel vm1, $0x0, v11  }
.LBB2_58:
0x682: {  	v13 =	vld [tilespmem:s23+$0x30];
	s22 =	sadd.s32 $0x8, s22;
	v14 =	vsel vm0, $0x0, v10;
	vm0 =	vgt.s32 v3, v12;
	v12 =	vand.u32 $0x7FFFFFFF, v8;
	[tilespmem:s21+$0x30] =	vst v11  }
0x683: {  	v10 =	vld [tilespmem:s23+$0xFFFFFFD0];
	p0 =	slt.u32 s22, $0x7F8;
	[tilespmem:s21+$0xFFFFFFD0] =	vst v14;
	v11 =	vsel vm0, $0x0, v9;
	vm0 =	vgt.s32 v3, v12;
	v12 =	vand.u32 $0x7FFFFFFF, v7  }
0x684: {  	v9 =	vld [tilespmem:s23+$0xFFFFFFE0];
	[tilespmem:s21+$0xFFFFFFE0] =	vst v11;
	v11 =	vsel vm0, $0x0, v8;
	vm0 =	vgt.s32 v3, v12;
	v12 =	vand.u32 $0x7FFFFFFF, v5  }
.Ltmp28:
0x685: {  	v8 =	vld [tilespmem:s23+$0xFFFFFFF0];
	[tilespmem:s21+$0xFFFFFFF0] =	vst v11;
	v11 =	vsel vm0, $0x0, v7;
	vm0 =	vgt.s32 v3, v12;
	v12 =	vand.u32 $0x7FFFFFFF, v4;
	(pc) =	sbr.rel @p0 .LBB2_58-.Ltmp28, $4  }
0x686: {  	v7 =	vld [tilespmem:s23+$0x0];
	v14 =	vand.u32 $0x7FFFFFFF, v6;
	[tilespmem:s21+$0x0] =	vst v11;
	v11 =	vsel vm0, $0x0, v5;
	vm0 =	vgt.s32 v3, v12  }
0x687: {  	v5 =	vld [tilespmem:s23+$0x10];
	v12 =	vand.u32 $0x7FFFFFFF, v13;
	vm1 =	vgt.s32 v3, v14;
	[tilespmem:s21+$0x10] =	vst v11;
	v11 =	vsel vm0, $0x0, v4  }
0x688: {  	v14 =	vand.u32 $0x7FFFFFFF, v10;
	v4 =	vld [tilespmem:s23+$0x20];
	vm2 =	vgt.s32 v3, v12;
	v15 =	vsel vm1, $0x0, v6;
	[tilespmem:s21+$0x20] =	vst v11  }
0x689: {  	v6 =	vld [tilespmem:s23+$0xFFFFFFC0];
	vm0 =	vgt.s32 v3, v14;
	v12 =	vand.u32 $0x7FFFFFFF, v9;
	v11 =	vsel vm2, $0x0, v13;
	s23 =	sadd.s32 $0x80, s23;
	[tilespmem:s21+$0xFFFFFFC0] =	vst v15;
	s21 =	sadd.s32 $0x80, s21  }
0x68a: {  	v10 =	vsel vm0, $0x0, v10;
	vm11 =	vgt.s32 v3, v12;
	v55 =	vand.u32 $0x7FFFFFFF, v8;
	[tilespmem:s21+$0x30] =	vst v11  }
0x68b: {  	[tilespmem:s21+$0xFFFFFFD0] =	vst v10;
	v9 =	vsel vm11, $0x0, v9;
	vm12 =	vgt.s32 v3, v55;
	v56 =	vand.u32 $0x7FFFFFFF, v7  }
0x68c: {  	[tilespmem:s21+$0xFFFFFFE0] =	vst v9;
	v57 =	vsel vm12, $0x0, v8;
	vm13 =	vgt.s32 v3, v56;
	v58 =	vand.u32 $0x7FFFFFFF, v5  }
0x68d: {  	[tilespmem:s21+$0xFFFFFFF0] =	vst v57;
	v59 =	vsel vm13, $0x0, v7;
	vm14 =	vgt.s32 v3, v58;
	v60 =	vand.u32 $0x7FFFFFFF, v4  }
0x68e: {  	v61 =	vand.u32 $0x7FFFFFFF, v6;
	[tilespmem:s21+$0x0] =	vst v59;
	v62 =	vsel vm14, $0x0, v5;
	vm15 =	vgt.s32 v3, v60  }
0x68f: {  	s20 =	sadd.s32 $0x1, s20;
	vm1 =	vgt.s32 v3, v61;
	[tilespmem:s21+$0x10] =	vst v62;
	v3 =	vsel vm15, $0x0, v4  }
0x690: {  	p0 =	sne.s32 s20, s11;
	v63 =	vsel vm1, $0x0, v6;
	[tilespmem:s21+$0x20] =	vst v3  }
.Ltmp29:
0x691: {  	[tilespmem:s21+$0xFFFFFFC0] =	vst v63;
	(pc) =	sbr.rel @p0 .LBB2_1-.Ltmp29, $4  }
0x692: {  	[hbm4b:s10+s12] =	stream.strided.scatter [tilespmem:s18], [sflag:$0x2], $0x8000, s13, s12, $0x38;
	[tilespmem:$0x19080] =	vst v63  }
0x693: {  	_ =	swait.ge [sflag:s19], $0x8000  }
0x694: {  	[sflag:s19] =	ssyncset.done $0x0  }
0x695: {  	[sflag:s19] =	ssyncadd.s32 $0xFFFF8000  }
0x696: {  	_ =	sfence.sel $0x180000  }
0x697: {  	[bflag:$0x0] =	sbarrier.arrive $0xFFFF  }
0x698: {  	_ =	strace $0x90000047  }
0x699: {  	[bflag:$0x2] =	sbarrier.arrive $0xFFFF  }
0x69a: {  	p0 =	sne.s32 s1, $0x0;
	s0 =	rddreg [dreg:$0x2]  }
0x69b: {  	s0 =	sadd.s32 @!p0 $0x100000, s0  }
0x69c: {  	[sflag:s0] =	ssyncadd.tile.s32 @!p0 $0x1;
	_ =	shalt  }
.Lfunc_end2:
_tile_overlayer_lowered:
.L_overlay_start_2:
0x69d: {  	(tag) =	ssettag $0x2  }
0x69e: {  	s0 =	rddreg [dreg:$0x0];
	s2 =	stileid.u32  }
0x69f: {  	s1 =	rddreg [dreg:$0x1];
	p0 =	sne.s32 s2, $0x0  }
0x6a0: {  	s3 =	rddreg [dreg:$0x2];
	[bflag:$0x3] =	sbarrier.arrive $0xFFFF;
	s2 =	simm.s32 @!p0 $0x1C03  }
0x6a1: {  	[timem:s3], [sflag:s2] =	dma.local @!p0 [hbm:s0], s1  }
0x6a2: {  	s0 =	simm.s32 @!p0 $0x3  }
0x6a3: {  	_ =	swait.ge @!p0 [sflag:s0], s1  }
0x6a4: {  	s1 =	ssub.s32 @!p0 $0x0, s1;
	[sflag:s0] =	ssyncset.done @!p0 $0x0  }
0x6a5: {  	[sflag:s0] =	ssyncadd.s32 @!p0 s1  }
0x6a6: {  	[bflag:$0x3] =	sbarrier.arrive $0xFFFF  }
0x6a7: {  	_ =	shalt  }

</sc_bundles>
